<compile_context>
chip_gen: v7x
topology: tpu7x:2x2x1
jax: 0.10.2.dev20260603
libtpu: 0.0.44.dev20260713+nightly
codegen_flags: <defaults>
</compile_context>

<pallas_src>
import functools

import jax
import jax.numpy as jnp
import numpy as np
from jax import lax
from jax.experimental import pallas as pl
from jax.experimental.pallas import tpu as pltpu
from jax.experimental.pallas import tpu_sc as plsc

_EPS = float(np.finfo(np.float32).eps)

NW = 32
TB = 512


def _router_body(x_ref, lnw_ref, wg_ref, bg_ref, xn_ref, dst_ref, gw_ref,
                 meta_ref, *, n_experts, nb):
    E = n_experts
    S = x_ref.shape[0]
    x = x_ref[...]
    ms = jnp.mean(x * x, axis=-1, keepdims=True)
    xn = x * jax.lax.rsqrt(ms + _EPS) * lnw_ref[...]
    xn_ref[...] = xn
    logits = jax.lax.dot_general(
        xn, wg_ref[...], (((1,), (1,)), ((), ())),
        preferred_element_type=jnp.float32) + bg_ref[...]
    iota = jax.lax.broadcasted_iota(jnp.int32, logits.shape, 1)
    m1 = jnp.max(logits, axis=-1, keepdims=True)
    i1 = jnp.min(jnp.where(logits == m1, iota, E), axis=-1, keepdims=True)
    l2 = jnp.where(iota == i1, -jnp.inf, logits)
    m2 = jnp.max(l2, axis=-1, keepdims=True)
    i2 = jnp.min(jnp.where(l2 == m2, iota, E), axis=-1, keepdims=True)
    p = jnp.exp(m2 - m1)
    g1 = 1.0 / (1.0 + p)
    gw_ref[...] = jnp.concatenate([g1, p * g1], axis=1)

    oh1 = (iota == i1).astype(jnp.float32)
    oh2 = (iota == i2).astype(jnp.float32)
    ohs = oh1 + oh2
    ri = jax.lax.broadcasted_iota(jnp.int32, (S, S), 0)
    ci = jax.lax.broadcasted_iota(jnp.int32, (S, S), 1)
    tri = jnp.where(ri > ci, 1.0, 0.0)
    cum_ex = jax.lax.dot_general(tri, ohs, (((1,), (0,)), ((), ())),
                                 preferred_element_type=jnp.float32)

    offs = []
    ends_blk = []
    starts_blk = []
    present = []
    run = jnp.int32(0)
    for e in range(E):
        g_e = jnp.sum(jnp.where(iota == e, ohs, 0.0)).astype(jnp.int32)
        offs.append(run)
        present.append(g_e > 0)
        starts_blk.append(run // TB)
        nblk_e = (g_e + (TB - 1)) // TB
        run = run + nblk_e * TB
        ends_blk.append(run // TB)
    used = run // TB

    off_vec = jnp.zeros((1, E), jnp.float32)
    for e in range(E):
        off_vec = jnp.where(iota[:1] == e, offs[e].astype(jnp.float32),
                            off_vec)
    base = off_vec + cum_ex
    d1 = jnp.sum(oh1 * base, axis=1, keepdims=True)
    d2 = jnp.sum(oh2 * (base + oh1), axis=1, keepdims=True)
    dst_ref[...] = jnp.concatenate([d1, d2], axis=1).astype(jnp.int32)

    iota32 = jax.lax.broadcasted_iota(jnp.int32, (1, 32), 1)
    bid = jnp.zeros((1, 32), jnp.int32)
    rank = jnp.zeros((1, 32), jnp.int32)
    bid_last = jnp.int32(0)
    for e in range(E):
        bid = bid + jnp.where(iota32 >= ends_blk[e], 1, 0)
        bid_last = bid_last + jnp.where(ends_blk[e] <= used - 1, 1, 0)
        rank = rank + jnp.where((iota32 >= starts_blk[e]) & present[e], 1, 0)
    bid = jnp.where(iota32 < used, bid, bid_last)
    slot = jax.lax.rem(rank - 1, 2)
    meta_ref[...] = jnp.where(iota32 == nb, used, bid + 8 * slot)


def _make_dispatch(P, S, D, PMAX):
    PPW = P // NW
    NCH = PPW // 32
    mesh = plsc.VectorSubcoreMesh(core_axis_name="c", subcore_axis_name="s")

    @functools.partial(
        pl.kernel, mesh=mesh,
        out_type=jax.ShapeDtypeStruct((PMAX, D), jnp.float32),
        scratch_types=[
            pltpu.VMEM((NCH, 32), jnp.int32),
            pltpu.VMEM((NCH, 32), jnp.int32),
            pltpu.VMEM((2, 32, D), jnp.float32),
            pltpu.SemaphoreType.DMA,
            pltpu.SemaphoreType.DMA,
            pltpu.SemaphoreType.DMA,
            pltpu.SemaphoreType.DMA,
        ],
    )
    def dispatch_kernel(tok_hbm, dst_hbm, xn_hbm, xs_hbm, dstb, tokb, rows,
                        sg0, sg1, ss0, ss1):
        w = lax.axis_index("s") * 2 + lax.axis_index("c")
        sg = [sg0, sg1]
        ss = [ss0, ss1]
        for c in range(NCH):
            pltpu.sync_copy(dst_hbm.at[pl.ds(w * PPW + c * 32, 32)],
                            dstb.at[c])
            pltpu.sync_copy(tok_hbm.at[pl.ds(w * PPW + c * 32, 32)],
                            tokb.at[c])
        gh = [None] * NCH
        sh = [None] * NCH
        gh[0] = pltpu.async_copy(xn_hbm.at[tokb.at[0]], rows.at[0], sg[0])
        for c in range(NCH):
            gh[c].wait()
            sh[c] = pltpu.async_copy(rows.at[c % 2], xs_hbm.at[dstb.at[c]],
                                     ss[c % 2])
            if c + 1 < NCH:
                if c - 1 >= 0:
                    sh[c - 1].wait()
                gh[c + 1] = pltpu.async_copy(
                    xn_hbm.at[tokb.at[c + 1]], rows.at[(c + 1) % 2],
                    sg[(c + 1) % 2])
        if NCH >= 2:
            sh[NCH - 2].wait()
        sh[NCH - 1].wait()

    return dispatch_kernel


def _ffn_body(m_ref, xs_ref, w1a_ref, w1ab_ref, w1b_ref, w1bb_ref, w2_ref,
              w2b_ref, ys_ref, *, nb):
    j = pl.program_id(0)
    used = m_ref[nb]

    @pl.when(j < used)
    def _():
        xs = xs_ref[...]
        a = jax.lax.dot_general(
            xs, w1a_ref[0], (((1,), (1,)), ((), ())),
            preferred_element_type=jnp.float32) + w1ab_ref[0]
        b = jax.lax.dot_general(
            xs, w1b_ref[0], (((1,), (1,)), ((), ())),
            preferred_element_type=jnp.float32) + w1bb_ref[0]
        h = (a / (1.0 + jnp.exp(-a))) * b
        y = jax.lax.dot_general(
            h, w2_ref[0], (((1,), (1,)), ((), ())),
            preferred_element_type=jnp.float32)
        ys_ref[...] = y + w2b_ref[0]


def _make_combine(P, S, D, PMAX, TPW):
    mesh = plsc.VectorSubcoreMesh(core_axis_name="c", subcore_axis_name="s")
    NCH = TPW // 16

    @functools.partial(
        pl.kernel, mesh=mesh,
        out_type=jax.ShapeDtypeStruct((S, D), jnp.float32),
        scratch_types=[
            pltpu.VMEM((NCH, 32), jnp.int32),
            pltpu.VMEM((2 * TPW,), jnp.float32),
            pltpu.VMEM((2, 32, D), jnp.float32),
            pltpu.VMEM((16, D), jnp.float32),
            pltpu.SemaphoreType.DMA,
            pltpu.SemaphoreType.DMA,
        ],
    )
    def combine_kernel(ys_hbm, dst_hbm, gw_hbm, out_hbm, dbuf, gbuf, rows,
                       obuf, sem0, sem1):
        w = lax.axis_index("s") * 2 + lax.axis_index("c")
        sg = [sem0, sem1]
        for c in range(NCH):
            pltpu.sync_copy(dst_hbm.at[pl.ds(w * 2 * TPW + c * 32, 32)],
                            dbuf.at[c])
        pltpu.sync_copy(gw_hbm.at[pl.ds(w * 2 * TPW, 2 * TPW)], gbuf)
        gh = [None] * NCH
        gh[0] = pltpu.async_copy(ys_hbm.at[dbuf.at[0]], rows.at[0], sg[0])
        for c in range(NCH):
            gh[c].wait()
            if c + 1 < NCH:
                gh[c + 1] = pltpu.async_copy(
                    ys_hbm.at[dbuf.at[c + 1]], rows.at[(c + 1) % 2],
                    sg[(c + 1) % 2])
            gv0 = gbuf[pl.ds(c * 32, 16)]
            gv1 = gbuf[pl.ds(c * 32 + 16, 16)]
            ws = []
            for t in range(16):
                gv = gv0 if t < 8 else gv1
                ws.append((gv[(2 * t) % 16], gv[(2 * t + 1) % 16]))
            rb = rows.at[c % 2]

            def body(d, _):
                off = pl.multiple_of(d * 16, 16)
                for t in range(16):
                    w0, w1 = ws[t]
                    obuf[t, pl.ds(off, 16)] = (
                        w0 * rb[2 * t, pl.ds(off, 16)]
                        + w1 * rb[2 * t + 1, pl.ds(off, 16)])
                return 0

            lax.fori_loop(0, D // 16, body, 0)
            pltpu.sync_copy(obuf, out_hbm.at[pl.ds(w * TPW + c * 16, 16)])

    return combine_kernel


def kernel(x, ln_w, Wg, bg, w1a_W, w1a_b, w1b_W, w1b_b, w2_W, w2_b):
    B, S, D = x.shape
    E, F = w1a_W.shape[0], w1a_W.shape[1]
    K = 2
    P = S * K
    NB = P // TB + E + 1
    PMAX = NB * TB
    TPW = S // NW
    xf = x.reshape(S, D)

    xn, dst2, gw2, meta2 = pl.pallas_call(
        functools.partial(_router_body, n_experts=E, nb=NB),
        grid=(1,),
        in_specs=[
            pl.BlockSpec((S, D), lambda i: (0, 0)),
            pl.BlockSpec((1, D), lambda i: (0, 0)),
            pl.BlockSpec((E, D), lambda i: (0, 0)),
            pl.BlockSpec((1, E), lambda i: (0, 0)),
        ],
        out_specs=[
            pl.BlockSpec((S, D), lambda i: (0, 0)),
            pl.BlockSpec((S, K), lambda i: (0, 0)),
            pl.BlockSpec((S, K), lambda i: (0, 0)),
            pl.BlockSpec((1, 32), lambda i: (0, 0)),
        ],
        out_shape=[
            jax.ShapeDtypeStruct((S, D), jnp.float32),
            jax.ShapeDtypeStruct((S, K), jnp.int32),
            jax.ShapeDtypeStruct((S, K), jnp.float32),
            jax.ShapeDtypeStruct((1, 32), jnp.int32),
        ],
        compiler_params=pltpu.CompilerParams(
            vmem_limit_bytes=128 * 1024 * 1024,
        ),
    )(xf, ln_w.reshape(1, D), Wg, bg.reshape(1, E))

    dst = dst2.reshape(P)
    gws = gw2.reshape(P)
    meta = meta2.reshape(32)

    tok = jnp.arange(P, dtype=jnp.int32) // 2
    xs = _make_dispatch(P, S, D, PMAX)(tok, dst, xn)

    ys = pl.pallas_call(
        functools.partial(_ffn_body, nb=NB),
        grid_spec=pltpu.PrefetchScalarGridSpec(
            num_scalar_prefetch=1,
            grid=(NB,),
            in_specs=[
                pl.BlockSpec((TB, D), lambda j, m: (j, 0)),
                pl.BlockSpec((1, F, D), lambda j, m: (jax.lax.rem(m[j], 8), 0, 0)),
                pl.BlockSpec((1, 1, F), lambda j, m: (jax.lax.rem(m[j], 8), 0, 0)),
                pl.BlockSpec((1, F, D), lambda j, m: (jax.lax.rem(m[j], 8), 0, 0)),
                pl.BlockSpec((1, 1, F), lambda j, m: (jax.lax.rem(m[j], 8), 0, 0)),
                pl.BlockSpec((1, D, F), lambda j, m: (jax.lax.rem(m[j], 8), 0, 0)),
                pl.BlockSpec((1, 1, D), lambda j, m: (jax.lax.rem(m[j], 8), 0, 0)),
            ],
            out_specs=pl.BlockSpec((TB, D), lambda j, m: (j, 0)),
        ),
        out_shape=jax.ShapeDtypeStruct((PMAX, D), jnp.float32),
        compiler_params=pltpu.CompilerParams(
            dimension_semantics=("arbitrary",),
            vmem_limit_bytes=128 * 1024 * 1024,
        ),
    )(meta, xs, w1a_W, w1a_b.reshape(E, 1, F), w1b_W,
      w1b_b.reshape(E, 1, F), w2_W, w2_b.reshape(E, 1, D))

    out = _make_combine(P, S, D, PMAX, TPW)(ys, dst, gws)
    return out.reshape(B, S, D)

# --- scband reference (transcript-rebuilt; emitter-appended) ---
"""Pipeline reference for scband-smo-e-49941879718237 (READ-ONLY COPY).

The authoritative reference and input builder live on the scoring server;
editing this copy changes nothing except your own understanding.
"""

import jax, jax.numpy as jnp
import numpy as np

B, S, D = 1, 2048, 1024
E, K, F = 8, 2, 2048


def setup_inputs(seed: int = 0) -> dict:
    key = jax.random.key(seed)
    ks = jax.random.split(key, 8)
    x = jax.random.normal(ks[0], (B, S, D), dtype=jnp.float32)
    ln_w = jnp.ones((D,), dtype=jnp.float32)
    Wg = jax.random.normal(ks[1], (E, D), dtype=jnp.float32) * 0.02
    bg = jnp.zeros((E,), dtype=jnp.float32)
    w1a_W = jax.random.normal(ks[2], (E, F, D), dtype=jnp.float32) * 0.02
    w1a_b = jnp.zeros((E, F), dtype=jnp.float32)
    w1b_W = jax.random.normal(ks[3], (E, F, D), dtype=jnp.float32) * 0.02
    w1b_b = jnp.zeros((E, F), dtype=jnp.float32)
    w2_W = jax.random.normal(ks[4], (E, D, F), dtype=jnp.float32) * 0.02
    w2_b = jnp.zeros((E, D), dtype=jnp.float32)
    return {"x": x, "ln_w": ln_w, "Wg": Wg, "bg": bg,
            "w1a_W": w1a_W, "w1a_b": w1a_b, "w1b_W": w1b_W, "w1b_b": w1b_b,
            "w2_W": w2_W, "w2_b": w2_b}


def reference(x, ln_w, Wg, bg, w1a_W, w1a_b, w1b_W, w1b_b, w2_W, w2_b):
    eps = float(np.finfo(np.float32).eps)
    # RMSNorm
    xn = x * jax.lax.rsqrt(jnp.mean(x * x, axis=-1, keepdims=True) + eps) * ln_w
    # gating
    logits = xn @ Wg.T + bg  # [B,S,E]
    topk_vals, topk_idx = jax.lax.top_k(logits, K)  # [B,S,K]
    topk_w = jax.nn.softmax(topk_vals, axis=-1)  # [B,S,K]
    # combine weights per expert: sum_k one_hot(idx_k) * w_k  -> [B,S,E]
    one_hot = jax.nn.one_hot(topk_idx, E, dtype=x.dtype)  # [B,S,K,E]
    combine = (one_hot * topk_w[..., None]).sum(axis=2)  # [B,S,E]
    xf = xn.reshape(-1, D)  # [T,D]
    cf = combine.reshape(-1, E)  # [T,E]
    out = jnp.zeros_like(xf)
    # equivalent to the torch per-expert dispatch loop: tokens with zero gate
    # weight for expert e contribute nothing (gate weight is exactly 0).
    for e in range(E):
        a = xf @ w1a_W[e].T + w1a_b[e]
        b = xf @ w1b_W[e].T + w1b_b[e]
        h = jax.nn.silu(a) * b
        y = h @ w2_W[e].T + w2_b[e]  # expert output incl. bias, then gated
        out = out + cf[:, e:e + 1] * y
    return out.reshape(B, S, D)

if __name__ == "__main__":
    import jax
    _d = setup_inputs()
    print(jax.jit(kernel)(*tuple(_d.values())))

</pallas_src>

<mosaic_0001>
#map = affine_map<(d0, d1) -> (0, 0)>
#map1 = affine_map<(d0, d1) -> (0)>
module attributes {stable_mosaic.version = 14 : i64} {
  func.func @combine_kernel(%arg0: i32, %arg1: i32, %arg2: memref<8704x1024xf32, #tpu.memory_space<hbm>>, %arg3: memref<4096xi32, #tpu.memory_space<hbm>>, %arg4: memref<4096xf32, #tpu.memory_space<hbm>>, %arg5: memref<2048x1024xf32, #tpu.memory_space<hbm>>, %arg6: memref<4x32xi32, #tpu.memory_space<vmem>>, %arg7: memref<128xf32, #tpu.memory_space<vmem>>, %arg8: memref<2x32x1024xf32, #tpu.memory_space<vmem>>, %arg9: memref<16x1024xf32, #tpu.memory_space<vmem>>, %arg10: memref<!tpu.dma_semaphore, #tpu.memory_space<semaphore_mem>>, %arg11: memref<!tpu.dma_semaphore, #tpu.memory_space<semaphore_mem>>) attributes {dimension_semantics = [#tpu.dimension_semantics<core_parallel>, #tpu.dimension_semantics<subcore_parallel>], iteration_bounds = array<i64: 2, 16>, scalar_prefetch = 0 : i64, scratch_operands = 6 : i64, tpu.core_type = #tpu.core_type<sc_vector_subcore>, window_params = [{transform_indices = #map}, {transform_indices = #map1}, {transform_indices = #map1}, {transform_indices = #map}]} {
    %mul3A = arith.constant 2 : i32
    %mul3A_0 = arith.muli %arg1, %mul3A : i32
    %add3A = arith.addi %mul3A_0, %arg0 : i32
    %mul3A_1 = arith.constant 2 : i32
    %mul3A_2 = arith.muli %add3A, %mul3A_1 : i32
    %mul3A_3 = arith.constant 64 : i32
    %mul3A_4 = arith.muli %mul3A_2, %mul3A_3 : i32
    %add3A_5 = arith.constant 0 : i32
    %add3A_6 = arith.addi %mul3A_4, %add3A_5 : i32
    %run_scoped3A = arith.constant 0 : i32
    "tpu.region"() ({
      %run_scoped3A_450 = tpu.sem_alloc : memref<!tpu.dma_semaphore, #tpu.memory_space<semaphore_mem>>
      %dma_start3A_451 = arith.constant 0 : i32
      %dma_start3A_452 = tpu.memref_slice %arg6[%run_scoped3A, %dma_start3A_451] : memref<4x32xi32, #tpu.memory_space<vmem>> -> memref<1x32xi32, #tpu.memory_space<vmem>>
      %dma_start3A_453 = tpu.memref_squeeze %dma_start3A_452 : memref<1x32xi32, #tpu.memory_space<vmem>> -> memref<32xi32, #tpu.memory_space<vmem>>
      %dma_start3A_454 = tpu.memref_slice %arg3[%add3A_6] : memref<4096xi32, #tpu.memory_space<hbm>> -> memref<32xi32, #tpu.memory_space<hbm>>
      %dma_start3A_455 = arith.constant 0 : i32
      %dma_start3A_456 = tpu.memref_slice %arg6[%run_scoped3A, %dma_start3A_455] : memref<4x32xi32, #tpu.memory_space<vmem>> -> memref<1x32xi32, #tpu.memory_space<vmem>>
      %dma_start3A_457 = tpu.memref_squeeze %dma_start3A_456 : memref<1x32xi32, #tpu.memory_space<vmem>> -> memref<32xi32, #tpu.memory_space<vmem>>
      %dma_start3A_458 = tpu.memref_slice %arg3[%add3A_6] : memref<4096xi32, #tpu.memory_space<hbm>> -> memref<32xi32, #tpu.memory_space<hbm>>
      tpu.enqueue_dma source(%dma_start3A_458 : memref<32xi32, #tpu.memory_space<hbm>>) target(%dma_start3A_457 : memref<32xi32, #tpu.memory_space<vmem>>) target_semaphore(%run_scoped3A_450 : memref<!tpu.dma_semaphore, #tpu.memory_space<semaphore_mem>>)
      %dma_wait3A_459 = arith.constant 0 : i32
      %dma_wait3A_460 = tpu.memref_slice %arg6[%run_scoped3A, %dma_wait3A_459] : memref<4x32xi32, #tpu.memory_space<vmem>> -> memref<1x32xi32, #tpu.memory_space<vmem>>
      %dma_wait3A_461 = tpu.memref_squeeze %dma_wait3A_460 : memref<1x32xi32, #tpu.memory_space<vmem>> -> memref<32xi32, #tpu.memory_space<vmem>>
      %dma_wait3A_462 = tpu.memref_slice %arg3[%add3A_6] : memref<4096xi32, #tpu.memory_space<hbm>> -> memref<32xi32, #tpu.memory_space<hbm>>
      %dma_wait3A_463 = arith.constant 0 : i32
      %dma_wait3A_464 = tpu.memref_slice %arg6[%run_scoped3A, %dma_wait3A_463] : memref<4x32xi32, #tpu.memory_space<vmem>> -> memref<1x32xi32, #tpu.memory_space<vmem>>
      %dma_wait3A_465 = tpu.memref_squeeze %dma_wait3A_464 : memref<1x32xi32, #tpu.memory_space<vmem>> -> memref<32xi32, #tpu.memory_space<vmem>>
      %dma_wait3A_466 = tpu.memref_slice %arg3[%add3A_6] : memref<4096xi32, #tpu.memory_space<hbm>> -> memref<32xi32, #tpu.memory_space<hbm>>
      tpu.wait_dma2 semaphore(%run_scoped3A_450 : memref<!tpu.dma_semaphore, #tpu.memory_space<semaphore_mem>>) src(%dma_wait3A_466 : memref<32xi32, #tpu.memory_space<hbm>>) dst(%dma_wait3A_465 : memref<32xi32, #tpu.memory_space<vmem>>)
      tpu.yield
    }) : () -> ()
    %mul3A_7 = arith.constant 2 : i32
    %mul3A_8 = arith.muli %add3A, %mul3A_7 : i32
    %mul3A_9 = arith.constant 64 : i32
    %mul3A_10 = arith.muli %mul3A_8, %mul3A_9 : i32
    %add3A_11 = arith.constant 32 : i32
    %add3A_12 = arith.addi %mul3A_10, %add3A_11 : i32
    %run_scoped3A_13 = arith.constant 1 : i32
    "tpu.region"() ({
      %run_scoped3A_450 = tpu.sem_alloc : memref<!tpu.dma_semaphore, #tpu.memory_space<semaphore_mem>>
      %dma_start3A_451 = arith.constant 0 : i32
      %dma_start3A_452 = tpu.memref_slice %arg6[%run_scoped3A_13, %dma_start3A_451] : memref<4x32xi32, #tpu.memory_space<vmem>> -> memref<1x32xi32, #tpu.memory_space<vmem>>
      %dma_start3A_453 = tpu.memref_squeeze %dma_start3A_452 : memref<1x32xi32, #tpu.memory_space<vmem>> -> memref<32xi32, #tpu.memory_space<vmem>>
      %dma_start3A_454 = tpu.memref_slice %arg3[%add3A_12] : memref<4096xi32, #tpu.memory_space<hbm>> -> memref<32xi32, #tpu.memory_space<hbm>>
      %dma_start3A_455 = arith.constant 0 : i32
      %dma_start3A_456 = tpu.memref_slice %arg6[%run_scoped3A_13, %dma_start3A_455] : memref<4x32xi32, #tpu.memory_space<vmem>> -> memref<1x32xi32, #tpu.memory_space<vmem>>
      %dma_start3A_457 = tpu.memref_squeeze %dma_start3A_456 : memref<1x32xi32, #tpu.memory_space<vmem>> -> memref<32xi32, #tpu.memory_space<vmem>>
      %dma_start3A_458 = tpu.memref_slice %arg3[%add3A_12] : memref<4096xi32, #tpu.memory_space<hbm>> -> memref<32xi32, #tpu.memory_space<hbm>>
      tpu.enqueue_dma source(%dma_start3A_458 : memref<32xi32, #tpu.memory_space<hbm>>) target(%dma_start3A_457 : memref<32xi32, #tpu.memory_space<vmem>>) target_semaphore(%run_scoped3A_450 : memref<!tpu.dma_semaphore, #tpu.memory_space<semaphore_mem>>)
      %dma_wait3A_459 = arith.constant 0 : i32
      %dma_wait3A_460 = tpu.memref_slice %arg6[%run_scoped3A_13, %dma_wait3A_459] : memref<4x32xi32, #tpu.memory_space<vmem>> -> memref<1x32xi32, #tpu.memory_space<vmem>>
      %dma_wait3A_461 = tpu.memref_squeeze %dma_wait3A_460 : memref<1x32xi32, #tpu.memory_space<vmem>> -> memref<32xi32, #tpu.memory_space<vmem>>
      %dma_wait3A_462 = tpu.memref_slice %arg3[%add3A_12] : memref<4096xi32, #tpu.memory_space<hbm>> -> memref<32xi32, #tpu.memory_space<hbm>>
      %dma_wait3A_463 = arith.constant 0 : i32
      %dma_wait3A_464 = tpu.memref_slice %arg6[%run_scoped3A_13, %dma_wait3A_463] : memref<4x32xi32, #tpu.memory_space<vmem>> -> memref<1x32xi32, #tpu.memory_space<vmem>>
      %dma_wait3A_465 = tpu.memref_squeeze %dma_wait3A_464 : memref<1x32xi32, #tpu.memory_space<vmem>> -> memref<32xi32, #tpu.memory_space<vmem>>
      %dma_wait3A_466 = tpu.memref_slice %arg3[%add3A_12] : memref<4096xi32, #tpu.memory_space<hbm>> -> memref<32xi32, #tpu.memory_space<hbm>>
      tpu.wait_dma2 semaphore(%run_scoped3A_450 : memref<!tpu.dma_semaphore, #tpu.memory_space<semaphore_mem>>) src(%dma_wait3A_466 : memref<32xi32, #tpu.memory_space<hbm>>) dst(%dma_wait3A_465 : memref<32xi32, #tpu.memory_space<vmem>>)
      tpu.yield
    }) : () -> ()
    %mul3A_14 = arith.constant 2 : i32
    %mul3A_15 = arith.muli %add3A, %mul3A_14 : i32
    %mul3A_16 = arith.constant 64 : i32
    %mul3A_17 = arith.muli %mul3A_15, %mul3A_16 : i32
    %add3A_18 = arith.constant 64 : i32
    %add3A_19 = arith.addi %mul3A_17, %add3A_18 : i32
    %run_scoped3A_20 = arith.constant 2 : i32
    "tpu.region"() ({
      %run_scoped3A_450 = tpu.sem_alloc : memref<!tpu.dma_semaphore, #tpu.memory_space<semaphore_mem>>
      %dma_start3A_451 = arith.constant 0 : i32
      %dma_start3A_452 = tpu.memref_slice %arg6[%run_scoped3A_20, %dma_start3A_451] : memref<4x32xi32, #tpu.memory_space<vmem>> -> memref<1x32xi32, #tpu.memory_space<vmem>>
      %dma_start3A_453 = tpu.memref_squeeze %dma_start3A_452 : memref<1x32xi32, #tpu.memory_space<vmem>> -> memref<32xi32, #tpu.memory_space<vmem>>
      %dma_start3A_454 = tpu.memref_slice %arg3[%add3A_19] : memref<4096xi32, #tpu.memory_space<hbm>> -> memref<32xi32, #tpu.memory_space<hbm>>
      %dma_start3A_455 = arith.constant 0 : i32
      %dma_start3A_456 = tpu.memref_slice %arg6[%run_scoped3A_20, %dma_start3A_455] : memref<4x32xi32, #tpu.memory_space<vmem>> -> memref<1x32xi32, #tpu.memory_space<vmem>>
      %dma_start3A_457 = tpu.memref_squeeze %dma_start3A_456 : memref<1x32xi32, #tpu.memory_space<vmem>> -> memref<32xi32, #tpu.memory_space<vmem>>
      %dma_start3A_458 = tpu.memref_slice %arg3[%add3A_19] : memref<4096xi32, #tpu.memory_space<hbm>> -> memref<32xi32, #tpu.memory_space<hbm>>
      tpu.enqueue_dma source(%dma_start3A_458 : memref<32xi32, #tpu.memory_space<hbm>>) target(%dma_start3A_457 : memref<32xi32, #tpu.memory_space<vmem>>) target_semaphore(%run_scoped3A_450 : memref<!tpu.dma_semaphore, #tpu.memory_space<semaphore_mem>>)
      %dma_wait3A_459 = arith.constant 0 : i32
      %dma_wait3A_460 = tpu.memref_slice %arg6[%run_scoped3A_20, %dma_wait3A_459] : memref<4x32xi32, #tpu.memory_space<vmem>> -> memref<1x32xi32, #tpu.memory_space<vmem>>
      %dma_wait3A_461 = tpu.memref_squeeze %dma_wait3A_460 : memref<1x32xi32, #tpu.memory_space<vmem>> -> memref<32xi32, #tpu.memory_space<vmem>>
      %dma_wait3A_462 = tpu.memref_slice %arg3[%add3A_19] : memref<4096xi32, #tpu.memory_space<hbm>> -> memref<32xi32, #tpu.memory_space<hbm>>
      %dma_wait3A_463 = arith.constant 0 : i32
      %dma_wait3A_464 = tpu.memref_slice %arg6[%run_scoped3A_20, %dma_wait3A_463] : memref<4x32xi32, #tpu.memory_space<vmem>> -> memref<1x32xi32, #tpu.memory_space<vmem>>
      %dma_wait3A_465 = tpu.memref_squeeze %dma_wait3A_464 : memref<1x32xi32, #tpu.memory_space<vmem>> -> memref<32xi32, #tpu.memory_space<vmem>>
      %dma_wait3A_466 = tpu.memref_slice %arg3[%add3A_19] : memref<4096xi32, #tpu.memory_space<hbm>> -> memref<32xi32, #tpu.memory_space<hbm>>
      tpu.wait_dma2 semaphore(%run_scoped3A_450 : memref<!tpu.dma_semaphore, #tpu.memory_space<semaphore_mem>>) src(%dma_wait3A_466 : memref<32xi32, #tpu.memory_space<hbm>>) dst(%dma_wait3A_465 : memref<32xi32, #tpu.memory_space<vmem>>)
      tpu.yield
    }) : () -> ()
    %mul3A_21 = arith.constant 2 : i32
    %mul3A_22 = arith.muli %add3A, %mul3A_21 : i32
    %mul3A_23 = arith.constant 64 : i32
    %mul3A_24 = arith.muli %mul3A_22, %mul3A_23 : i32
    %add3A_25 = arith.constant 96 : i32
    %add3A_26 = arith.addi %mul3A_24, %add3A_25 : i32
    %run_scoped3A_27 = arith.constant 3 : i32
    "tpu.region"() ({
      %run_scoped3A_450 = tpu.sem_alloc : memref<!tpu.dma_semaphore, #tpu.memory_space<semaphore_mem>>
      %dma_start3A_451 = arith.constant 0 : i32
      %dma_start3A_452 = tpu.memref_slice %arg6[%run_scoped3A_27, %dma_start3A_451] : memref<4x32xi32, #tpu.memory_space<vmem>> -> memref<1x32xi32, #tpu.memory_space<vmem>>
      %dma_start3A_453 = tpu.memref_squeeze %dma_start3A_452 : memref<1x32xi32, #tpu.memory_space<vmem>> -> memref<32xi32, #tpu.memory_space<vmem>>
      %dma_start3A_454 = tpu.memref_slice %arg3[%add3A_26] : memref<4096xi32, #tpu.memory_space<hbm>> -> memref<32xi32, #tpu.memory_space<hbm>>
      %dma_start3A_455 = arith.constant 0 : i32
      %dma_start3A_456 = tpu.memref_slice %arg6[%run_scoped3A_27, %dma_start3A_455] : memref<4x32xi32, #tpu.memory_space<vmem>> -> memref<1x32xi32, #tpu.memory_space<vmem>>
      %dma_start3A_457 = tpu.memref_squeeze %dma_start3A_456 : memref<1x32xi32, #tpu.memory_space<vmem>> -> memref<32xi32, #tpu.memory_space<vmem>>
      %dma_start3A_458 = tpu.memref_slice %arg3[%add3A_26] : memref<4096xi32, #tpu.memory_space<hbm>> -> memref<32xi32, #tpu.memory_space<hbm>>
      tpu.enqueue_dma source(%dma_start3A_458 : memref<32xi32, #tpu.memory_space<hbm>>) target(%dma_start3A_457 : memref<32xi32, #tpu.memory_space<vmem>>) target_semaphore(%run_scoped3A_450 : memref<!tpu.dma_semaphore, #tpu.memory_space<semaphore_mem>>)
      %dma_wait3A_459 = arith.constant 0 : i32
      %dma_wait3A_460 = tpu.memref_slice %arg6[%run_scoped3A_27, %dma_wait3A_459] : memref<4x32xi32, #tpu.memory_space<vmem>> -> memref<1x32xi32, #tpu.memory_space<vmem>>
      %dma_wait3A_461 = tpu.memref_squeeze %dma_wait3A_460 : memref<1x32xi32, #tpu.memory_space<vmem>> -> memref<32xi32, #tpu.memory_space<vmem>>
      %dma_wait3A_462 = tpu.memref_slice %arg3[%add3A_26] : memref<4096xi32, #tpu.memory_space<hbm>> -> memref<32xi32, #tpu.memory_space<hbm>>
      %dma_wait3A_463 = arith.constant 0 : i32
      %dma_wait3A_464 = tpu.memref_slice %arg6[%run_scoped3A_27, %dma_wait3A_463] : memref<4x32xi32, #tpu.memory_space<vmem>> -> memref<1x32xi32, #tpu.memory_space<vmem>>
      %dma_wait3A_465 = tpu.memref_squeeze %dma_wait3A_464 : memref<1x32xi32, #tpu.memory_space<vmem>> -> memref<32xi32, #tpu.memory_space<vmem>>
      %dma_wait3A_466 = tpu.memref_slice %arg3[%add3A_26] : memref<4096xi32, #tpu.memory_space<hbm>> -> memref<32xi32, #tpu.memory_space<hbm>>
      tpu.wait_dma2 semaphore(%run_scoped3A_450 : memref<!tpu.dma_semaphore, #tpu.memory_space<semaphore_mem>>) src(%dma_wait3A_466 : memref<32xi32, #tpu.memory_space<hbm>>) dst(%dma_wait3A_465 : memref<32xi32, #tpu.memory_space<vmem>>)
      tpu.yield
    }) : () -> ()
    %mul3A_28 = arith.constant 2 : i32
    %mul3A_29 = arith.muli %add3A, %mul3A_28 : i32
    %mul3A_30 = arith.constant 64 : i32
    %mul3A_31 = arith.muli %mul3A_29, %mul3A_30 : i32
    "tpu.region"() ({
      %run_scoped3A_450 = tpu.sem_alloc : memref<!tpu.dma_semaphore, #tpu.memory_space<semaphore_mem>>
      %dma_start3A_451 = tpu.memref_slice %arg4[%mul3A_31] : memref<4096xf32, #tpu.memory_space<hbm>> -> memref<128xf32, #tpu.memory_space<hbm>>
      %dma_start3A_452 = tpu.memref_slice %arg4[%mul3A_31] : memref<4096xf32, #tpu.memory_space<hbm>> -> memref<128xf32, #tpu.memory_space<hbm>>
      tpu.enqueue_dma source(%dma_start3A_452 : memref<128xf32, #tpu.memory_space<hbm>>) target(%arg7 : memref<128xf32, #tpu.memory_space<vmem>>) target_semaphore(%run_scoped3A_450 : memref<!tpu.dma_semaphore, #tpu.memory_space<semaphore_mem>>)
      %dma_wait3A_453 = tpu.memref_slice %arg4[%mul3A_31] : memref<4096xf32, #tpu.memory_space<hbm>> -> memref<128xf32, #tpu.memory_space<hbm>>
      %dma_wait3A_454 = tpu.memref_slice %arg4[%mul3A_31] : memref<4096xf32, #tpu.memory_space<hbm>> -> memref<128xf32, #tpu.memory_space<hbm>>
      tpu.wait_dma2 semaphore(%run_scoped3A_450 : memref<!tpu.dma_semaphore, #tpu.memory_space<semaphore_mem>>) src(%dma_wait3A_454 : memref<128xf32, #tpu.memory_space<hbm>>) dst(%arg7 : memref<128xf32, #tpu.memory_space<vmem>>)
      tpu.yield
    }) : () -> ()
    %dma_start3A = arith.constant 0 : i32
    %dma_start3A_32 = arith.constant 0 : i32
    %dma_start3A_33 = arith.constant 0 : i32
    %dma_start3A_34 = arith.constant 0 : i32
    %dma_start3A_35 = tpu.memref_slice %arg8[%dma_start3A_32, %dma_start3A_33, %dma_start3A_34] : memref<2x32x1024xf32, #tpu.memory_space<vmem>> -> memref<1x32x1024xf32, #tpu.memory_space<vmem>>
    %dma_start3A_36 = tpu.memref_squeeze %dma_start3A_35 : memref<1x32x1024xf32, #tpu.memory_space<vmem>> -> memref<32x1024xf32, #tpu.memory_space<vmem>>
    %dma_start3A_37 = arith.constant 0 : i32
    %dma_start3A_38 = tpu.memref_slice %arg6[%dma_start3A, %dma_start3A_37] : memref<4x32xi32, #tpu.memory_space<vmem>> -> memref<1x32xi32, #tpu.memory_space<vmem>>
    %dma_start3A_39 = tpu.memref_squeeze %dma_start3A_38 : memref<1x32xi32, #tpu.memory_space<vmem>> -> memref<32xi32, #tpu.memory_space<vmem>>
    %dma_start3A_40 = arith.constant 0 : i32
    %dma_start3A_41 = arith.constant 0 : i32
    %dma_start3A_42 = tpu.memref_slice %arg2[%dma_start3A_40, %dma_start3A_41] : memref<8704x1024xf32, #tpu.memory_space<hbm>> -> memref<8704x1024xf32, #tpu.memory_space<hbm>>
    tpu.enqueue_indirect_dma source(%dma_start3A_42 : memref<8704x1024xf32, #tpu.memory_space<hbm>>) target(%dma_start3A_36 : memref<32x1024xf32, #tpu.memory_space<vmem>>) offsets(%dma_start3A_39 : memref<32xi32, #tpu.memory_space<vmem>>) semaphore(%arg10 : memref<!tpu.dma_semaphore, #tpu.memory_space<semaphore_mem>>)
    %dma_wait3A = arith.constant 0 : i32
    %dma_wait3A_43 = arith.constant 0 : i32
    %dma_wait3A_44 = arith.constant 0 : i32
    %dma_wait3A_45 = arith.constant 0 : i32
    %dma_wait3A_46 = tpu.memref_slice %arg8[%dma_wait3A_43, %dma_wait3A_44, %dma_wait3A_45] : memref<2x32x1024xf32, #tpu.memory_space<vmem>> -> memref<1x32x1024xf32, #tpu.memory_space<vmem>>
    %dma_wait3A_47 = tpu.memref_squeeze %dma_wait3A_46 : memref<1x32x1024xf32, #tpu.memory_space<vmem>> -> memref<32x1024xf32, #tpu.memory_space<vmem>>
    %dma_wait3A_48 = arith.constant 0 : i32
    %dma_wait3A_49 = tpu.memref_slice %arg6[%dma_wait3A, %dma_wait3A_48] : memref<4x32xi32, #tpu.memory_space<vmem>> -> memref<1x32xi32, #tpu.memory_space<vmem>>
    %dma_wait3A_50 = tpu.memref_squeeze %dma_wait3A_49 : memref<1x32xi32, #tpu.memory_space<vmem>> -> memref<32xi32, #tpu.memory_space<vmem>>
    %dma_wait3A_51 = arith.constant 0 : i32
    %dma_wait3A_52 = arith.constant 0 : i32
    %dma_wait3A_53 = tpu.memref_slice %arg2[%dma_wait3A_51, %dma_wait3A_52] : memref<8704x1024xf32, #tpu.memory_space<hbm>> -> memref<8704x1024xf32, #tpu.memory_space<hbm>>
    tpu.wait_indirect_dma semaphore(%arg10 : memref<!tpu.dma_semaphore, #tpu.memory_space<semaphore_mem>>) src(%dma_wait3A_53 : memref<8704x1024xf32, #tpu.memory_space<hbm>>) dst(%dma_wait3A_47 : memref<32x1024xf32, #tpu.memory_space<vmem>>)
    %dma_start3A_54 = arith.constant 1 : i32
    %dma_start3A_55 = arith.constant 1 : i32
    %dma_start3A_56 = arith.constant 0 : i32
    %dma_start3A_57 = arith.constant 0 : i32
    %dma_start3A_58 = tpu.memref_slice %arg8[%dma_start3A_55, %dma_start3A_56, %dma_start3A_57] : memref<2x32x1024xf32, #tpu.memory_space<vmem>> -> memref<1x32x1024xf32, #tpu.memory_space<vmem>>
    %dma_start3A_59 = tpu.memref_squeeze %dma_start3A_58 : memref<1x32x1024xf32, #tpu.memory_space<vmem>> -> memref<32x1024xf32, #tpu.memory_space<vmem>>
    %dma_start3A_60 = arith.constant 0 : i32
    %dma_start3A_61 = tpu.memref_slice %arg6[%dma_start3A_54, %dma_start3A_60] : memref<4x32xi32, #tpu.memory_space<vmem>> -> memref<1x32xi32, #tpu.memory_space<vmem>>
    %dma_start3A_62 = tpu.memref_squeeze %dma_start3A_61 : memref<1x32xi32, #tpu.memory_space<vmem>> -> memref<32xi32, #tpu.memory_space<vmem>>
    %dma_start3A_63 = arith.constant 0 : i32
    %dma_start3A_64 = arith.constant 0 : i32
    %dma_start3A_65 = tpu.memref_slice %arg2[%dma_start3A_63, %dma_start3A_64] : memref<8704x1024xf32, #tpu.memory_space<hbm>> -> memref<8704x1024xf32, #tpu.memory_space<hbm>>
    tpu.enqueue_indirect_dma source(%dma_start3A_65 : memref<8704x1024xf32, #tpu.memory_space<hbm>>) target(%dma_start3A_59 : memref<32x1024xf32, #tpu.memory_space<vmem>>) offsets(%dma_start3A_62 : memref<32xi32, #tpu.memory_space<vmem>>) semaphore(%arg11 : memref<!tpu.dma_semaphore, #tpu.memory_space<semaphore_mem>>)
    %get3A = arith.constant 0 : index
    %get3A_66 = tpu.vector_load %arg7[%get3A] {strides = array<i32>} : memref<128xf32, #tpu.memory_space<vmem>>, vector<16xf32>,
    %get3A_67 = vector.shape_cast %get3A_66 : vector<16xf32> to vector<16xf32>
    %get3A_68 = arith.constant 16 : index
    %get3A_69 = tpu.vector_load %arg7[%get3A_68] {strides = array<i32>} : memref<128xf32, #tpu.memory_space<vmem>>, vector<16xf32>,
    %get3A_70 = vector.shape_cast %get3A_69 : vector<16xf32> to vector<16xf32>
    %slice3A = vector.extract_strided_slice %get3A_67 {offsets = [0], sizes = [1], strides = [1]} : vector<16xf32> to vector<1xf32>
    %squeeze3A = vector.extract %slice3A[0] : f32 from vector<1xf32>
    %slice3A_71 = vector.extract_strided_slice %get3A_67 {offsets = [1], sizes = [1], strides = [1]} : vector<16xf32> to vector<1xf32>
    %squeeze3A_72 = vector.extract %slice3A_71[0] : f32 from vector<1xf32>
    %slice3A_73 = vector.extract_strided_slice %get3A_67 {offsets = [2], sizes = [1], strides = [1]} : vector<16xf32> to vector<1xf32>
    %squeeze3A_74 = vector.extract %slice3A_73[0] : f32 from vector<1xf32>
    %slice3A_75 = vector.extract_strided_slice %get3A_67 {offsets = [3], sizes = [1], strides = [1]} : vector<16xf32> to vector<1xf32>
    %squeeze3A_76 = vector.extract %slice3A_75[0] : f32 from vector<1xf32>
    %slice3A_77 = vector.extract_strided_slice %get3A_67 {offsets = [4], sizes = [1], strides = [1]} : vector<16xf32> to vector<1xf32>
    %squeeze3A_78 = vector.extract %slice3A_77[0] : f32 from vector<1xf32>
    %slice3A_79 = vector.extract_strided_slice %get3A_67 {offsets = [5], sizes = [1], strides = [1]} : vector<16xf32> to vector<1xf32>
    %squeeze3A_80 = vector.extract %slice3A_79[0] : f32 from vector<1xf32>
    %slice3A_81 = vector.extract_strided_slice %get3A_67 {offsets = [6], sizes = [1], strides = [1]} : vector<16xf32> to vector<1xf32>
    %squeeze3A_82 = vector.extract %slice3A_81[0] : f32 from vector<1xf32>
    %slice3A_83 = vector.extract_strided_slice %get3A_67 {offsets = [7], sizes = [1], strides = [1]} : vector<16xf32> to vector<1xf32>
    %squeeze3A_84 = vector.extract %slice3A_83[0] : f32 from vector<1xf32>
    %slice3A_85 = vector.extract_strided_slice %get3A_67 {offsets = [8], sizes = [1], strides = [1]} : vector<16xf32> to vector<1xf32>
    %squeeze3A_86 = vector.extract %slice3A_85[0] : f32 from vector<1xf32>
    %slice3A_87 = vector.extract_strided_slice %get3A_67 {offsets = [9], sizes = [1], strides = [1]} : vector<16xf32> to vector<1xf32>
    %squeeze3A_88 = vector.extract %slice3A_87[0] : f32 from vector<1xf32>
    %slice3A_89 = vector.extract_strided_slice %get3A_67 {offsets = [10], sizes = [1], strides = [1]} : vector<16xf32> to vector<1xf32>
    %squeeze3A_90 = vector.extract %slice3A_89[0] : f32 from vector<1xf32>
    %slice3A_91 = vector.extract_strided_slice %get3A_67 {offsets = [11], sizes = [1], strides = [1]} : vector<16xf32> to vector<1xf32>
    %squeeze3A_92 = vector.extract %slice3A_91[0] : f32 from vector<1xf32>
    %slice3A_93 = vector.extract_strided_slice %get3A_67 {offsets = [12], sizes = [1], strides = [1]} : vector<16xf32> to vector<1xf32>
    %squeeze3A_94 = vector.extract %slice3A_93[0] : f32 from vector<1xf32>
    %slice3A_95 = vector.extract_strided_slice %get3A_67 {offsets = [13], sizes = [1], strides = [1]} : vector<16xf32> to vector<1xf32>
    %squeeze3A_96 = vector.extract %slice3A_95[0] : f32 from vector<1xf32>
    %slice3A_97 = vector.extract_strided_slice %get3A_67 {offsets = [14], sizes = [1], strides = [1]} : vector<16xf32> to vector<1xf32>
    %squeeze3A_98 = vector.extract %slice3A_97[0] : f32 from vector<1xf32>
    %slice3A_99 = vector.extract_strided_slice %get3A_67 {offsets = [15], sizes = [1], strides = [1]} : vector<16xf32> to vector<1xf32>
    %squeeze3A_100 = vector.extract %slice3A_99[0] : f32 from vector<1xf32>
    %slice3A_101 = vector.extract_strided_slice %get3A_70 {offsets = [0], sizes = [1], strides = [1]} : vector<16xf32> to vector<1xf32>
    %squeeze3A_102 = vector.extract %slice3A_101[0] : f32 from vector<1xf32>
    %slice3A_103 = vector.extract_strided_slice %get3A_70 {offsets = [1], sizes = [1], strides = [1]} : vector<16xf32> to vector<1xf32>
    %squeeze3A_104 = vector.extract %slice3A_103[0] : f32 from vector<1xf32>
    %slice3A_105 = vector.extract_strided_slice %get3A_70 {offsets = [2], sizes = [1], strides = [1]} : vector<16xf32> to vector<1xf32>
    %squeeze3A_106 = vector.extract %slice3A_105[0] : f32 from vector<1xf32>
    %slice3A_107 = vector.extract_strided_slice %get3A_70 {offsets = [3], sizes = [1], strides = [1]} : vector<16xf32> to vector<1xf32>
    %squeeze3A_108 = vector.extract %slice3A_107[0] : f32 from vector<1xf32>
    %slice3A_109 = vector.extract_strided_slice %get3A_70 {offsets = [4], sizes = [1], strides = [1]} : vector<16xf32> to vector<1xf32>
    %squeeze3A_110 = vector.extract %slice3A_109[0] : f32 from vector<1xf32>
    %slice3A_111 = vector.extract_strided_slice %get3A_70 {offsets = [5], sizes = [1], strides = [1]} : vector<16xf32> to vector<1xf32>
    %squeeze3A_112 = vector.extract %slice3A_111[0] : f32 from vector<1xf32>
    %slice3A_113 = vector.extract_strided_slice %get3A_70 {offsets = [6], sizes = [1], strides = [1]} : vector<16xf32> to vector<1xf32>
    %squeeze3A_114 = vector.extract %slice3A_113[0] : f32 from vector<1xf32>
    %slice3A_115 = vector.extract_strided_slice %get3A_70 {offsets = [7], sizes = [1], strides = [1]} : vector<16xf32> to vector<1xf32>
    %squeeze3A_116 = vector.extract %slice3A_115[0] : f32 from vector<1xf32>
    %slice3A_117 = vector.extract_strided_slice %get3A_70 {offsets = [8], sizes = [1], strides = [1]} : vector<16xf32> to vector<1xf32>
    %squeeze3A_118 = vector.extract %slice3A_117[0] : f32 from vector<1xf32>
    %slice3A_119 = vector.extract_strided_slice %get3A_70 {offsets = [9], sizes = [1], strides = [1]} : vector<16xf32> to vector<1xf32>
    %squeeze3A_120 = vector.extract %slice3A_119[0] : f32 from vector<1xf32>
    %slice3A_121 = vector.extract_strided_slice %get3A_70 {offsets = [10], sizes = [1], strides = [1]} : vector<16xf32> to vector<1xf32>
    %squeeze3A_122 = vector.extract %slice3A_121[0] : f32 from vector<1xf32>
    %slice3A_123 = vector.extract_strided_slice %get3A_70 {offsets = [11], sizes = [1], strides = [1]} : vector<16xf32> to vector<1xf32>
    %squeeze3A_124 = vector.extract %slice3A_123[0] : f32 from vector<1xf32>
    %slice3A_125 = vector.extract_strided_slice %get3A_70 {offsets = [12], sizes = [1], strides = [1]} : vector<16xf32> to vector<1xf32>
    %squeeze3A_126 = vector.extract %slice3A_125[0] : f32 from vector<1xf32>
    %slice3A_127 = vector.extract_strided_slice %get3A_70 {offsets = [13], sizes = [1], strides = [1]} : vector<16xf32> to vector<1xf32>
    %squeeze3A_128 = vector.extract %slice3A_127[0] : f32 from vector<1xf32>
    %slice3A_129 = vector.extract_strided_slice %get3A_70 {offsets = [14], sizes = [1], strides = [1]} : vector<16xf32> to vector<1xf32>
    %squeeze3A_130 = vector.extract %slice3A_129[0] : f32 from vector<1xf32>
    %slice3A_131 = vector.extract_strided_slice %get3A_70 {offsets = [15], sizes = [1], strides = [1]} : vector<16xf32> to vector<1xf32>
    %squeeze3A_132 = vector.extract %slice3A_131[0] : f32 from vector<1xf32>
    %scan3A = arith.constant 0 : i32
    %scan3A_133 = arith.constant 0 : i32
    %scan3A_134 = arith.constant 0 : i32
    %scan3A_135 = arith.constant 64 : i32
    %scan3A_136 = arith.addi %scan3A_134, %scan3A_135 : i32
    %scan3A_137 = arith.constant 1 : i32
    %scan3A_138 = scf.for %scan3A_450 = %scan3A_134 to %scan3A_136 step %scan3A_137 iter_args(%scan3A_451 = %scan3A_133) -> (i32)  : i32 {
      %mul3A_452 = arith.constant 16 : i32
      %mul3A_453 = arith.muli %scan3A_450, %mul3A_452 : i32
      %multiple_of3A = tpu.assume_multiple %mul3A_453, 16 : i32
      %get3A_454 = arith.constant 0 : i32
      %get3A_455 = arith.constant 0 : i32
      %get3A_456 = arith.constant 0 : i32
      %get3A_457 = tpu.memref_slice %arg8[%scan3A, %get3A_455, %get3A_456] : memref<2x32x1024xf32, #tpu.memory_space<vmem>> -> memref<1x32x1024xf32, #tpu.memory_space<vmem>>
      %get3A_458 = tpu.memref_squeeze %get3A_457 : memref<1x32x1024xf32, #tpu.memory_space<vmem>> -> memref<32x1024xf32, #tpu.memory_space<vmem>>
      %get3A_459 = arith.index_cast %get3A_454 : i32 to index
      %get3A_460 = arith.index_cast %multiple_of3A : i32 to index
      %get3A_461 = tpu.vector_load %get3A_458[%get3A_459, %get3A_460] {strides = array<i32>} : memref<32x1024xf32, #tpu.memory_space<vmem>>, vector<1x16xf32>,
      %get3A_462 = vector.shape_cast %get3A_461 : vector<1x16xf32> to vector<16xf32>
      %mul3A_463 = vector.broadcast %squeeze3A : f32 to vector<16xf32>
      %mul3A_464 = arith.mulf %mul3A_463, %get3A_462 : vector<16xf32>
      %get3A_465 = arith.constant 1 : i32
      %get3A_466 = arith.constant 0 : i32
      %get3A_467 = arith.constant 0 : i32
      %get3A_468 = tpu.memref_slice %arg8[%scan3A, %get3A_466, %get3A_467] : memref<2x32x1024xf32, #tpu.memory_space<vmem>> -> memref<1x32x1024xf32, #tpu.memory_space<vmem>>
      %get3A_469 = tpu.memref_squeeze %get3A_468 : memref<1x32x1024xf32, #tpu.memory_space<vmem>> -> memref<32x1024xf32, #tpu.memory_space<vmem>>
      %get3A_470 = arith.index_cast %get3A_465 : i32 to index
      %get3A_471 = arith.index_cast %multiple_of3A : i32 to index
      %get3A_472 = tpu.vector_load %get3A_469[%get3A_470, %get3A_471] {strides = array<i32>} : memref<32x1024xf32, #tpu.memory_space<vmem>>, vector<1x16xf32>,
      %get3A_473 = vector.shape_cast %get3A_472 : vector<1x16xf32> to vector<16xf32>
      %mul3A_474 = vector.broadcast %squeeze3A_72 : f32 to vector<16xf32>
      %mul3A_475 = arith.mulf %mul3A_474, %get3A_473 : vector<16xf32>
      %add3A_476 = arith.addf %mul3A_464, %mul3A_475 : vector<16xf32>
      %swap3A = arith.constant 0 : i32
      %swap3A_477 = arith.index_cast %swap3A : i32 to index
      %swap3A_478 = arith.index_cast %multiple_of3A : i32 to index
      %swap3A_479 = tpu.vector_load %arg9[%swap3A_477, %swap3A_478] {strides = array<i32>} : memref<16x1024xf32, #tpu.memory_space<vmem>>, vector<1x16xf32>,
      %swap3A_480 = vector.shape_cast %swap3A_479 : vector<1x16xf32> to vector<16xf32>
      %swap3A_481 = vector.shape_cast %add3A_476 : vector<16xf32> to vector<1x16xf32>
      tpu.vector_store %arg9[%swap3A_477, %swap3A_478], %swap3A_481 {strides = array<i32>} : memref<16x1024xf32, #tpu.memory_space<vmem>>, vector<1x16xf32>,
      %get3A_482 = arith.constant 2 : i32
      %get3A_483 = arith.constant 0 : i32
      %get3A_484 = arith.constant 0 : i32
      %get3A_485 = tpu.memref_slice %arg8[%scan3A, %get3A_483, %get3A_484] : memref<2x32x1024xf32, #tpu.memory_space<vmem>> -> memref<1x32x1024xf32, #tpu.memory_space<vmem>>
      %get3A_486 = tpu.memref_squeeze %get3A_485 : memref<1x32x1024xf32, #tpu.memory_space<vmem>> -> memref<32x1024xf32, #tpu.memory_space<vmem>>
      %get3A_487 = arith.index_cast %get3A_482 : i32 to index
      %get3A_488 = arith.index_cast %multiple_of3A : i32 to index
      %get3A_489 = tpu.vector_load %get3A_486[%get3A_487, %get3A_488] {strides = array<i32>} : memref<32x1024xf32, #tpu.memory_space<vmem>>, vector<1x16xf32>,
      %get3A_490 = vector.shape_cast %get3A_489 : vector<1x16xf32> to vector<16xf32>
      %mul3A_491 = vector.broadcast %squeeze3A_74 : f32 to vector<16xf32>
      %mul3A_492 = arith.mulf %mul3A_491, %get3A_490 : vector<16xf32>
      %get3A_493 = arith.constant 3 : i32
      %get3A_494 = arith.constant 0 : i32
      %get3A_495 = arith.constant 0 : i32
      %get3A_496 = tpu.memref_slice %arg8[%scan3A, %get3A_494, %get3A_495] : memref<2x32x1024xf32, #tpu.memory_space<vmem>> -> memref<1x32x1024xf32, #tpu.memory_space<vmem>>
      %get3A_497 = tpu.memref_squeeze %get3A_496 : memref<1x32x1024xf32, #tpu.memory_space<vmem>> -> memref<32x1024xf32, #tpu.memory_space<vmem>>
      %get3A_498 = arith.index_cast %get3A_493 : i32 to index
      %get3A_499 = arith.index_cast %multiple_of3A : i32 to index
      %get3A_500 = tpu.vector_load %get3A_497[%get3A_498, %get3A_499] {strides = array<i32>} : memref<32x1024xf32, #tpu.memory_space<vmem>>, vector<1x16xf32>,
      %get3A_501 = vector.shape_cast %get3A_500 : vector<1x16xf32> to vector<16xf32>
      %mul3A_502 = vector.broadcast %squeeze3A_76 : f32 to vector<16xf32>
      %mul3A_503 = arith.mulf %mul3A_502, %get3A_501 : vector<16xf32>
      %add3A_504 = arith.addf %mul3A_492, %mul3A_503 : vector<16xf32>
      %swap3A_505 = arith.constant 1 : i32
      %swap3A_506 = arith.index_cast %swap3A_505 : i32 to index
      %swap3A_507 = arith.index_cast %multiple_of3A : i32 to index
      %swap3A_508 = tpu.vector_load %arg9[%swap3A_506, %swap3A_507] {strides = array<i32>} : memref<16x1024xf32, #tpu.memory_space<vmem>>, vector<1x16xf32>,
      %swap3A_509 = vector.shape_cast %swap3A_508 : vector<1x16xf32> to vector<16xf32>
      %swap3A_510 = vector.shape_cast %add3A_504 : vector<16xf32> to vector<1x16xf32>
      tpu.vector_store %arg9[%swap3A_506, %swap3A_507], %swap3A_510 {strides = array<i32>} : memref<16x1024xf32, #tpu.memory_space<vmem>>, vector<1x16xf32>,
      %get3A_511 = arith.constant 4 : i32
      %get3A_512 = arith.constant 0 : i32
      %get3A_513 = arith.constant 0 : i32
      %get3A_514 = tpu.memref_slice %arg8[%scan3A, %get3A_512, %get3A_513] : memref<2x32x1024xf32, #tpu.memory_space<vmem>> -> memref<1x32x1024xf32, #tpu.memory_space<vmem>>
      %get3A_515 = tpu.memref_squeeze %get3A_514 : memref<1x32x1024xf32, #tpu.memory_space<vmem>> -> memref<32x1024xf32, #tpu.memory_space<vmem>>
      %get3A_516 = arith.index_cast %get3A_511 : i32 to index
      %get3A_517 = arith.index_cast %multiple_of3A : i32 to index
      %get3A_518 = tpu.vector_load %get3A_515[%get3A_516, %get3A_517] {strides = array<i32>} : memref<32x1024xf32, #tpu.memory_space<vmem>>, vector<1x16xf32>,
      %get3A_519 = vector.shape_cast %get3A_518 : vector<1x16xf32> to vector<16xf32>
      %mul3A_520 = vector.broadcast %squeeze3A_78 : f32 to vector<16xf32>
      %mul3A_521 = arith.mulf %mul3A_520, %get3A_519 : vector<16xf32>
      %get3A_522 = arith.constant 5 : i32
      %get3A_523 = arith.constant 0 : i32
      %get3A_524 = arith.constant 0 : i32
      %get3A_525 = tpu.memref_slice %arg8[%scan3A, %get3A_523, %get3A_524] : memref<2x32x1024xf32, #tpu.memory_space<vmem>> -> memref<1x32x1024xf32, #tpu.memory_space<vmem>>
      %get3A_526 = tpu.memref_squeeze %get3A_525 : memref<1x32x1024xf32, #tpu.memory_space<vmem>> -> memref<32x1024xf32, #tpu.memory_space<vmem>>
      %get3A_527 = arith.index_cast %get3A_522 : i32 to index
      %get3A_528 = arith.index_cast %multiple_of3A : i32 to index
      %get3A_529 = tpu.vector_load %get3A_526[%get3A_527, %get3A_528] {strides = array<i32>} : memref<32x1024xf32, #tpu.memory_space<vmem>>, vector<1x16xf32>,
      %get3A_530 = vector.shape_cast %get3A_529 : vector<1x16xf32> to vector<16xf32>
      %mul3A_531 = vector.broadcast %squeeze3A_80 : f32 to vector<16xf32>
      %mul3A_532 = arith.mulf %mul3A_531, %get3A_530 : vector<16xf32>
      %add3A_533 = arith.addf %mul3A_521, %mul3A_532 : vector<16xf32>
      %swap3A_534 = arith.constant 2 : i32
      %swap3A_535 = arith.index_cast %swap3A_534 : i32 to index
      %swap3A_536 = arith.index_cast %multiple_of3A : i32 to index
      %swap3A_537 = tpu.vector_load %arg9[%swap3A_535, %swap3A_536] {strides = array<i32>} : memref<16x1024xf32, #tpu.memory_space<vmem>>, vector<1x16xf32>,
      %swap3A_538 = vector.shape_cast %swap3A_537 : vector<1x16xf32> to vector<16xf32>
      %swap3A_539 = vector.shape_cast %add3A_533 : vector<16xf32> to vector<1x16xf32>
      tpu.vector_store %arg9[%swap3A_535, %swap3A_536], %swap3A_539 {strides = array<i32>} : memref<16x1024xf32, #tpu.memory_space<vmem>>, vector<1x16xf32>,
      %get3A_540 = arith.constant 6 : i32
      %get3A_541 = arith.constant 0 : i32
      %get3A_542 = arith.constant 0 : i32
      %get3A_543 = tpu.memref_slice %arg8[%scan3A, %get3A_541, %get3A_542] : memref<2x32x1024xf32, #tpu.memory_space<vmem>> -> memref<1x32x1024xf32, #tpu.memory_space<vmem>>
      %get3A_544 = tpu.memref_squeeze %get3A_543 : memref<1x32x1024xf32, #tpu.memory_space<vmem>> -> memref<32x1024xf32, #tpu.memory_space<vmem>>
      %get3A_545 = arith.index_cast %get3A_540 : i32 to index
      %get3A_546 = arith.index_cast %multiple_of3A : i32 to index
      %get3A_547 = tpu.vector_load %get3A_544[%get3A_545, %get3A_546] {strides = array<i32>} : memref<32x1024xf32, #tpu.memory_space<vmem>>, vector<1x16xf32>,
      %get3A_548 = vector.shape_cast %get3A_547 : vector<1x16xf32> to vector<16xf32>
      %mul3A_549 = vector.broadcast %squeeze3A_82 : f32 to vector<16xf32>
      %mul3A_550 = arith.mulf %mul3A_549, %get3A_548 : vector<16xf32>
      %get3A_551 = arith.constant 7 : i32
      %get3A_552 = arith.constant 0 : i32
      %get3A_553 = arith.constant 0 : i32
      %get3A_554 = tpu.memref_slice %arg8[%scan3A, %get3A_552, %get3A_553] : memref<2x32x1024xf32, #tpu.memory_space<vmem>> -> memref<1x32x1024xf32, #tpu.memory_space<vmem>>
      %get3A_555 = tpu.memref_squeeze %get3A_554 : memref<1x32x1024xf32, #tpu.memory_space<vmem>> -> memref<32x1024xf32, #tpu.memory_space<vmem>>
      %get3A_556 = arith.index_cast %get3A_551 : i32 to index
      %get3A_557 = arith.index_cast %multiple_of3A : i32 to index
      %get3A_558 = tpu.vector_load %get3A_555[%get3A_556, %get3A_557] {strides = array<i32>} : memref<32x1024xf32, #tpu.memory_space<vmem>>, vector<1x16xf32>,
      %get3A_559 = vector.shape_cast %get3A_558 : vector<1x16xf32> to vector<16xf32>
      %mul3A_560 = vector.broadcast %squeeze3A_84 : f32 to vector<16xf32>
      %mul3A_561 = arith.mulf %mul3A_560, %get3A_559 : vector<16xf32>
      %add3A_562 = arith.addf %mul3A_550, %mul3A_561 : vector<16xf32>
      %swap3A_563 = arith.constant 3 : i32
      %swap3A_564 = arith.index_cast %swap3A_563 : i32 to index
      %swap3A_565 = arith.index_cast %multiple_of3A : i32 to index
      %swap3A_566 = tpu.vector_load %arg9[%swap3A_564, %swap3A_565] {strides = array<i32>} : memref<16x1024xf32, #tpu.memory_space<vmem>>, vector<1x16xf32>,
      %swap3A_567 = vector.shape_cast %swap3A_566 : vector<1x16xf32> to vector<16xf32>
      %swap3A_568 = vector.shape_cast %add3A_562 : vector<16xf32> to vector<1x16xf32>
      tpu.vector_store %arg9[%swap3A_564, %swap3A_565], %swap3A_568 {strides = array<i32>} : memref<16x1024xf32, #tpu.memory_space<vmem>>, vector<1x16xf32>,
      %get3A_569 = arith.constant 8 : i32
      %get3A_570 = arith.constant 0 : i32
      %get3A_571 = arith.constant 0 : i32
      %get3A_572 = tpu.memref_slice %arg8[%scan3A, %get3A_570, %get3A_571] : memref<2x32x1024xf32, #tpu.memory_space<vmem>> -> memref<1x32x1024xf32, #tpu.memory_space<vmem>>
      %get3A_573 = tpu.memref_squeeze %get3A_572 : memref<1x32x1024xf32, #tpu.memory_space<vmem>> -> memref<32x1024xf32, #tpu.memory_space<vmem>>
      %get3A_574 = arith.index_cast %get3A_569 : i32 to index
      %get3A_575 = arith.index_cast %multiple_of3A : i32 to index
      %get3A_576 = tpu.vector_load %get3A_573[%get3A_574, %get3A_575] {strides = array<i32>} : memref<32x1024xf32, #tpu.memory_space<vmem>>, vector<1x16xf32>,
      %get3A_577 = vector.shape_cast %get3A_576 : vector<1x16xf32> to vector<16xf32>
      %mul3A_578 = vector.broadcast %squeeze3A_86 : f32 to vector<16xf32>
      %mul3A_579 = arith.mulf %mul3A_578, %get3A_577 : vector<16xf32>
      %get3A_580 = arith.constant 9 : i32
      %get3A_581 = arith.constant 0 : i32
      %get3A_582 = arith.constant 0 : i32
      %get3A_583 = tpu.memref_slice %arg8[%scan3A, %get3A_581, %get3A_582] : memref<2x32x1024xf32, #tpu.memory_space<vmem>> -> memref<1x32x1024xf32, #tpu.memory_space<vmem>>
      %get3A_584 = tpu.memref_squeeze %get3A_583 : memref<1x32x1024xf32, #tpu.memory_space<vmem>> -> memref<32x1024xf32, #tpu.memory_space<vmem>>
      %get3A_585 = arith.index_cast %get3A_580 : i32 to index
      %get3A_586 = arith.index_cast %multiple_of3A : i32 to index
      %get3A_587 = tpu.vector_load %get3A_584[%get3A_585, %get3A_586] {strides = array<i32>} : memref<32x1024xf32, #tpu.memory_space<vmem>>, vector<1x16xf32>,
      %get3A_588 = vector.shape_cast %get3A_587 : vector<1x16xf32> to vector<16xf32>
      %mul3A_589 = vector.broadcast %squeeze3A_88 : f32 to vector<16xf32>
      %mul3A_590 = arith.mulf %mul3A_589, %get3A_588 : vector<16xf32>
      %add3A_591 = arith.addf %mul3A_579, %mul3A_590 : vector<16xf32>
      %swap3A_592 = arith.constant 4 : i32
      %swap3A_593 = arith.index_cast %swap3A_592 : i32 to index
      %swap3A_594 = arith.index_cast %multiple_of3A : i32 to index
      %swap3A_595 = tpu.vector_load %arg9[%swap3A_593, %swap3A_594] {strides = array<i32>} : memref<16x1024xf32, #tpu.memory_space<vmem>>, vector<1x16xf32>,
      %swap3A_596 = vector.shape_cast %swap3A_595 : vector<1x16xf32> to vector<16xf32>
      %swap3A_597 = vector.shape_cast %add3A_591 : vector<16xf32> to vector<1x16xf32>
      tpu.vector_store %arg9[%swap3A_593, %swap3A_594], %swap3A_597 {strides = array<i32>} : memref<16x1024xf32, #tpu.memory_space<vmem>>, vector<1x16xf32>,
      %get3A_598 = arith.constant 10 : i32
      %get3A_599 = arith.constant 0 : i32
      %get3A_600 = arith.constant 0 : i32
      %get3A_601 = tpu.memref_slice %arg8[%scan3A, %get3A_599, %get3A_600] : memref<2x32x1024xf32, #tpu.memory_space<vmem>> -> memref<1x32x1024xf32, #tpu.memory_space<vmem>>
      %get3A_602 = tpu.memref_squeeze %get3A_601 : memref<1x32x1024xf32, #tpu.memory_space<vmem>> -> memref<32x1024xf32, #tpu.memory_space<vmem>>
      %get3A_603 = arith.index_cast %get3A_598 : i32 to index
      %get3A_604 = arith.index_cast %multiple_of3A : i32 to index
      %get3A_605 = tpu.vector_load %get3A_602[%get3A_603, %get3A_604] {strides = array<i32>} : memref<32x1024xf32, #tpu.memory_space<vmem>>, vector<1x16xf32>,
      %get3A_606 = vector.shape_cast %get3A_605 : vector<1x16xf32> to vector<16xf32>
      %mul3A_607 = vector.broadcast %squeeze3A_90 : f32 to vector<16xf32>
      %mul3A_608 = arith.mulf %mul3A_607, %get3A_606 : vector<16xf32>
      %get3A_609 = arith.constant 11 : i32
      %get3A_610 = arith.constant 0 : i32
      %get3A_611 = arith.constant 0 : i32
      %get3A_612 = tpu.memref_slice %arg8[%scan3A, %get3A_610, %get3A_611] : memref<2x32x1024xf32, #tpu.memory_space<vmem>> -> memref<1x32x1024xf32, #tpu.memory_space<vmem>>
      %get3A_613 = tpu.memref_squeeze %get3A_612 : memref<1x32x1024xf32, #tpu.memory_space<vmem>> -> memref<32x1024xf32, #tpu.memory_space<vmem>>
      %get3A_614 = arith.index_cast %get3A_609 : i32 to index
      %get3A_615 = arith.index_cast %multiple_of3A : i32 to index
      %get3A_616 = tpu.vector_load %get3A_613[%get3A_614, %get3A_615] {strides = array<i32>} : memref<32x1024xf32, #tpu.memory_space<vmem>>, vector<1x16xf32>,
      %get3A_617 = vector.shape_cast %get3A_616 : vector<1x16xf32> to vector<16xf32>
      %mul3A_618 = vector.broadcast %squeeze3A_92 : f32 to vector<16xf32>
      %mul3A_619 = arith.mulf %mul3A_618, %get3A_617 : vector<16xf32>
      %add3A_620 = arith.addf %mul3A_608, %mul3A_619 : vector<16xf32>
      %swap3A_621 = arith.constant 5 : i32
      %swap3A_622 = arith.index_cast %swap3A_621 : i32 to index
      %swap3A_623 = arith.index_cast %multiple_of3A : i32 to index
      %swap3A_624 = tpu.vector_load %arg9[%swap3A_622, %swap3A_623] {strides = array<i32>} : memref<16x1024xf32, #tpu.memory_space<vmem>>, vector<1x16xf32>,
      %swap3A_625 = vector.shape_cast %swap3A_624 : vector<1x16xf32> to vector<16xf32>
      %swap3A_626 = vector.shape_cast %add3A_620 : vector<16xf32> to vector<1x16xf32>
      tpu.vector_store %arg9[%swap3A_622, %swap3A_623], %swap3A_626 {strides = array<i32>} : memref<16x1024xf32, #tpu.memory_space<vmem>>, vector<1x16xf32>,
      %get3A_627 = arith.constant 12 : i32
      %get3A_628 = arith.constant 0 : i32
      %get3A_629 = arith.constant 0 : i32
      %get3A_630 = tpu.memref_slice %arg8[%scan3A, %get3A_628, %get3A_629] : memref<2x32x1024xf32, #tpu.memory_space<vmem>> -> memref<1x32x1024xf32, #tpu.memory_space<vmem>>
      %get3A_631 = tpu.memref_squeeze %get3A_630 : memref<1x32x1024xf32, #tpu.memory_space<vmem>> -> memref<32x1024xf32, #tpu.memory_space<vmem>>
      %get3A_632 = arith.index_cast %get3A_627 : i32 to index
      %get3A_633 = arith.index_cast %multiple_of3A : i32 to index
      %get3A_634 = tpu.vector_load %get3A_631[%get3A_632, %get3A_633] {strides = array<i32>} : memref<32x1024xf32, #tpu.memory_space<vmem>>, vector<1x16xf32>,
      %get3A_635 = vector.shape_cast %get3A_634 : vector<1x16xf32> to vector<16xf32>
      %mul3A_636 = vector.broadcast %squeeze3A_94 : f32 to vector<16xf32>
      %mul3A_637 = arith.mulf %mul3A_636, %get3A_635 : vector<16xf32>
      %get3A_638 = arith.constant 13 : i32
      %get3A_639 = arith.constant 0 : i32
      %get3A_640 = arith.constant 0 : i32
      %get3A_641 = tpu.memref_slice %arg8[%scan3A, %get3A_639, %get3A_640] : memref<2x32x1024xf32, #tpu.memory_space<vmem>> -> memref<1x32x1024xf32, #tpu.memory_space<vmem>>
      %get3A_642 = tpu.memref_squeeze %get3A_641 : memref<1x32x1024xf32, #tpu.memory_space<vmem>> -> memref<32x1024xf32, #tpu.memory_space<vmem>>
      %get3A_643 = arith.index_cast %get3A_638 : i32 to index
      %get3A_644 = arith.index_cast %multiple_of3A : i32 to index
      %get3A_645 = tpu.vector_load %get3A_642[%get3A_643, %get3A_644] {strides = array<i32>} : memref<32x1024xf32, #tpu.memory_space<vmem>>, vector<1x16xf32>,
      %get3A_646 = vector.shape_cast %get3A_645 : vector<1x16xf32> to vector<16xf32>
      %mul3A_647 = vector.broadcast %squeeze3A_96 : f32 to vector<16xf32>
      %mul3A_648 = arith.mulf %mul3A_647, %get3A_646 : vector<16xf32>
      %add3A_649 = arith.addf %mul3A_637, %mul3A_648 : vector<16xf32>
      %swap3A_650 = arith.constant 6 : i32
      %swap3A_651 = arith.index_cast %swap3A_650 : i32 to index
      %swap3A_652 = arith.index_cast %multiple_of3A : i32 to index
      %swap3A_653 = tpu.vector_load %arg9[%swap3A_651, %swap3A_652] {strides = array<i32>} : memref<16x1024xf32, #tpu.memory_space<vmem>>, vector<1x16xf32>,
      %swap3A_654 = vector.shape_cast %swap3A_653 : vector<1x16xf32> to vector<16xf32>
      %swap3A_655 = vector.shape_cast %add3A_649 : vector<16xf32> to vector<1x16xf32>
      tpu.vector_store %arg9[%swap3A_651, %swap3A_652], %swap3A_655 {strides = array<i32>} : memref<16x1024xf32, #tpu.memory_space<vmem>>, vector<1x16xf32>,
      %get3A_656 = arith.constant 14 : i32
      %get3A_657 = arith.constant 0 : i32
      %get3A_658 = arith.constant 0 : i32
      %get3A_659 = tpu.memref_slice %arg8[%scan3A, %get3A_657, %get3A_658] : memref<2x32x1024xf32, #tpu.memory_space<vmem>> -> memref<1x32x1024xf32, #tpu.memory_space<vmem>>
      %get3A_660 = tpu.memref_squeeze %get3A_659 : memref<1x32x1024xf32, #tpu.memory_space<vmem>> -> memref<32x1024xf32, #tpu.memory_space<vmem>>
      %get3A_661 = arith.index_cast %get3A_656 : i32 to index
      %get3A_662 = arith.index_cast %multiple_of3A : i32 to index
      %get3A_663 = tpu.vector_load %get3A_660[%get3A_661, %get3A_662] {strides = array<i32>} : memref<32x1024xf32, #tpu.memory_space<vmem>>, vector<1x16xf32>,
      %get3A_664 = vector.shape_cast %get3A_663 : vector<1x16xf32> to vector<16xf32>
      %mul3A_665 = vector.broadcast %squeeze3A_98 : f32 to vector<16xf32>
      %mul3A_666 = arith.mulf %mul3A_665, %get3A_664 : vector<16xf32>
      %get3A_667 = arith.constant 15 : i32
      %get3A_668 = arith.constant 0 : i32
      %get3A_669 = arith.constant 0 : i32
      %get3A_670 = tpu.memref_slice %arg8[%scan3A, %get3A_668, %get3A_669] : memref<2x32x1024xf32, #tpu.memory_space<vmem>> -> memref<1x32x1024xf32, #tpu.memory_space<vmem>>
      %get3A_671 = tpu.memref_squeeze %get3A_670 : memref<1x32x1024xf32, #tpu.memory_space<vmem>> -> memref<32x1024xf32, #tpu.memory_space<vmem>>
      %get3A_672 = arith.index_cast %get3A_667 : i32 to index
      %get3A_673 = arith.index_cast %multiple_of3A : i32 to index
      %get3A_674 = tpu.vector_load %get3A_671[%get3A_672, %get3A_673] {strides = array<i32>} : memref<32x1024xf32, #tpu.memory_space<vmem>>, vector<1x16xf32>,
      %get3A_675 = vector.shape_cast %get3A_674 : vector<1x16xf32> to vector<16xf32>
      %mul3A_676 = vector.broadcast %squeeze3A_100 : f32 to vector<16xf32>
      %mul3A_677 = arith.mulf %mul3A_676, %get3A_675 : vector<16xf32>
      %add3A_678 = arith.addf %mul3A_666, %mul3A_677 : vector<16xf32>
      %swap3A_679 = arith.constant 7 : i32
      %swap3A_680 = arith.index_cast %swap3A_679 : i32 to index
      %swap3A_681 = arith.index_cast %multiple_of3A : i32 to index
      %swap3A_682 = tpu.vector_load %arg9[%swap3A_680, %swap3A_681] {strides = array<i32>} : memref<16x1024xf32, #tpu.memory_space<vmem>>, vector<1x16xf32>,
      %swap3A_683 = vector.shape_cast %swap3A_682 : vector<1x16xf32> to vector<16xf32>
      %swap3A_684 = vector.shape_cast %add3A_678 : vector<16xf32> to vector<1x16xf32>
      tpu.vector_store %arg9[%swap3A_680, %swap3A_681], %swap3A_684 {strides = array<i32>} : memref<16x1024xf32, #tpu.memory_space<vmem>>, vector<1x16xf32>,
      %get3A_685 = arith.constant 16 : i32
      %get3A_686 = arith.constant 0 : i32
      %get3A_687 = arith.constant 0 : i32
      %get3A_688 = tpu.memref_slice %arg8[%scan3A, %get3A_686, %get3A_687] : memref<2x32x1024xf32, #tpu.memory_space<vmem>> -> memref<1x32x1024xf32, #tpu.memory_space<vmem>>
      %get3A_689 = tpu.memref_squeeze %get3A_688 : memref<1x32x1024xf32, #tpu.memory_space<vmem>> -> memref<32x1024xf32, #tpu.memory_space<vmem>>
      %get3A_690 = arith.index_cast %get3A_685 : i32 to index
      %get3A_691 = arith.index_cast %multiple_of3A : i32 to index
      %get3A_692 = tpu.vector_load %get3A_689[%get3A_690, %get3A_691] {strides = array<i32>} : memref<32x1024xf32, #tpu.memory_space<vmem>>, vector<1x16xf32>,
      %get3A_693 = vector.shape_cast %get3A_692 : vector<1x16xf32> to vector<16xf32>
      %mul3A_694 = vector.broadcast %squeeze3A_102 : f32 to vector<16xf32>
      %mul3A_695 = arith.mulf %mul3A_694, %get3A_693 : vector<16xf32>
      %get3A_696 = arith.constant 17 : i32
      %get3A_697 = arith.constant 0 : i32
      %get3A_698 = arith.constant 0 : i32
      %get3A_699 = tpu.memref_slice %arg8[%scan3A, %get3A_697, %get3A_698] : memref<2x32x1024xf32, #tpu.memory_space<vmem>> -> memref<1x32x1024xf32, #tpu.memory_space<vmem>>
      %get3A_700 = tpu.memref_squeeze %get3A_699 : memref<1x32x1024xf32, #tpu.memory_space<vmem>> -> memref<32x1024xf32, #tpu.memory_space<vmem>>
      %get3A_701 = arith.index_cast %get3A_696 : i32 to index
      %get3A_702 = arith.index_cast %multiple_of3A : i32 to index
      %get3A_703 = tpu.vector_load %get3A_700[%get3A_701, %get3A_702] {strides = array<i32>} : memref<32x1024xf32, #tpu.memory_space<vmem>>, vector<1x16xf32>,
      %get3A_704 = vector.shape_cast %get3A_703 : vector<1x16xf32> to vector<16xf32>
      %mul3A_705 = vector.broadcast %squeeze3A_104 : f32 to vector<16xf32>
      %mul3A_706 = arith.mulf %mul3A_705, %get3A_704 : vector<16xf32>
      %add3A_707 = arith.addf %mul3A_695, %mul3A_706 : vector<16xf32>
      %swap3A_708 = arith.constant 8 : i32
      %swap3A_709 = arith.index_cast %swap3A_708 : i32 to index
      %swap3A_710 = arith.index_cast %multiple_of3A : i32 to index
      %swap3A_711 = tpu.vector_load %arg9[%swap3A_709, %swap3A_710] {strides = array<i32>} : memref<16x1024xf32, #tpu.memory_space<vmem>>, vector<1x16xf32>,
      %swap3A_712 = vector.shape_cast %swap3A_711 : vector<1x16xf32> to vector<16xf32>
      %swap3A_713 = vector.shape_cast %add3A_707 : vector<16xf32> to vector<1x16xf32>
      tpu.vector_store %arg9[%swap3A_709, %swap3A_710], %swap3A_713 {strides = array<i32>} : memref<16x1024xf32, #tpu.memory_space<vmem>>, vector<1x16xf32>,
      %get3A_714 = arith.constant 18 : i32
      %get3A_715 = arith.constant 0 : i32
      %get3A_716 = arith.constant 0 : i32
      %get3A_717 = tpu.memref_slice %arg8[%scan3A, %get3A_715, %get3A_716] : memref<2x32x1024xf32, #tpu.memory_space<vmem>> -> memref<1x32x1024xf32, #tpu.memory_space<vmem>>
      %get3A_718 = tpu.memref_squeeze %get3A_717 : memref<1x32x1024xf32, #tpu.memory_space<vmem>> -> memref<32x1024xf32, #tpu.memory_space<vmem>>
      %get3A_719 = arith.index_cast %get3A_714 : i32 to index
      %get3A_720 = arith.index_cast %multiple_of3A : i32 to index
      %get3A_721 = tpu.vector_load %get3A_718[%get3A_719, %get3A_720] {strides = array<i32>} : memref<32x1024xf32, #tpu.memory_space<vmem>>, vector<1x16xf32>,
      %get3A_722 = vector.shape_cast %get3A_721 : vector<1x16xf32> to vector<16xf32>
      %mul3A_723 = vector.broadcast %squeeze3A_106 : f32 to vector<16xf32>
      %mul3A_724 = arith.mulf %mul3A_723, %get3A_722 : vector<16xf32>
      %get3A_725 = arith.constant 19 : i32
      %get3A_726 = arith.constant 0 : i32
      %get3A_727 = arith.constant 0 : i32
      %get3A_728 = tpu.memref_slice %arg8[%scan3A, %get3A_726, %get3A_727] : memref<2x32x1024xf32, #tpu.memory_space<vmem>> -> memref<1x32x1024xf32, #tpu.memory_space<vmem>>
      %get3A_729 = tpu.memref_squeeze %get3A_728 : memref<1x32x1024xf32, #tpu.memory_space<vmem>> -> memref<32x1024xf32, #tpu.memory_space<vmem>>
      %get3A_730 = arith.index_cast %get3A_725 : i32 to index
      %get3A_731 = arith.index_cast %multiple_of3A : i32 to index
      %get3A_732 = tpu.vector_load %get3A_729[%get3A_730, %get3A_731] {strides = array<i32>} : memref<32x1024xf32, #tpu.memory_space<vmem>>, vector<1x16xf32>,
      %get3A_733 = vector.shape_cast %get3A_732 : vector<1x16xf32> to vector<16xf32>
      %mul3A_734 = vector.broadcast %squeeze3A_108 : f32 to vector<16xf32>
      %mul3A_735 = arith.mulf %mul3A_734, %get3A_733 : vector<16xf32>
      %add3A_736 = arith.addf %mul3A_724, %mul3A_735 : vector<16xf32>
      %swap3A_737 = arith.constant 9 : i32
      %swap3A_738 = arith.index_cast %swap3A_737 : i32 to index
      %swap3A_739 = arith.index_cast %multiple_of3A : i32 to index
      %swap3A_740 = tpu.vector_load %arg9[%swap3A_738, %swap3A_739] {strides = array<i32>} : memref<16x1024xf32, #tpu.memory_space<vmem>>, vector<1x16xf32>,
      %swap3A_741 = vector.shape_cast %swap3A_740 : vector<1x16xf32> to vector<16xf32>
      %swap3A_742 = vector.shape_cast %add3A_736 : vector<16xf32> to vector<1x16xf32>
      tpu.vector_store %arg9[%swap3A_738, %swap3A_739], %swap3A_742 {strides = array<i32>} : memref<16x1024xf32, #tpu.memory_space<vmem>>, vector<1x16xf32>,
      %get3A_743 = arith.constant 20 : i32
      %get3A_744 = arith.constant 0 : i32
      %get3A_745 = arith.constant 0 : i32
      %get3A_746 = tpu.memref_slice %arg8[%scan3A, %get3A_744, %get3A_745] : memref<2x32x1024xf32, #tpu.memory_space<vmem>> -> memref<1x32x1024xf32, #tpu.memory_space<vmem>>
      %get3A_747 = tpu.memref_squeeze %get3A_746 : memref<1x32x1024xf32, #tpu.memory_space<vmem>> -> memref<32x1024xf32, #tpu.memory_space<vmem>>
      %get3A_748 = arith.index_cast %get3A_743 : i32 to index
      %get3A_749 = arith.index_cast %multiple_of3A : i32 to index
      %get3A_750 = tpu.vector_load %get3A_747[%get3A_748, %get3A_749] {strides = array<i32>} : memref<32x1024xf32, #tpu.memory_space<vmem>>, vector<1x16xf32>,
      %get3A_751 = vector.shape_cast %get3A_750 : vector<1x16xf32> to vector<16xf32>
      %mul3A_752 = vector.broadcast %squeeze3A_110 : f32 to vector<16xf32>
      %mul3A_753 = arith.mulf %mul3A_752, %get3A_751 : vector<16xf32>
      %get3A_754 = arith.constant 21 : i32
      %get3A_755 = arith.constant 0 : i32
      %get3A_756 = arith.constant 0 : i32
      %get3A_757 = tpu.memref_slice %arg8[%scan3A, %get3A_755, %get3A_756] : memref<2x32x1024xf32, #tpu.memory_space<vmem>> -> memref<1x32x1024xf32, #tpu.memory_space<vmem>>
      %get3A_758 = tpu.memref_squeeze %get3A_757 : memref<1x32x1024xf32, #tpu.memory_space<vmem>> -> memref<32x1024xf32, #tpu.memory_space<vmem>>
      %get3A_759 = arith.index_cast %get3A_754 : i32 to index
      %get3A_760 = arith.index_cast %multiple_of3A : i32 to index
      %get3A_761 = tpu.vector_load %get3A_758[%get3A_759, %get3A_760] {strides = array<i32>} : memref<32x1024xf32, #tpu.memory_space<vmem>>, vector<1x16xf32>,
      %get3A_762 = vector.shape_cast %get3A_761 : vector<1x16xf32> to vector<16xf32>
      %mul3A_763 = vector.broadcast %squeeze3A_112 : f32 to vector<16xf32>
      %mul3A_764 = arith.mulf %mul3A_763, %get3A_762 : vector<16xf32>
      %add3A_765 = arith.addf %mul3A_753, %mul3A_764 : vector<16xf32>
      %swap3A_766 = arith.constant 10 : i32
      %swap3A_767 = arith.index_cast %swap3A_766 : i32 to index
      %swap3A_768 = arith.index_cast %multiple_of3A : i32 to index
      %swap3A_769 = tpu.vector_load %arg9[%swap3A_767, %swap3A_768] {strides = array<i32>} : memref<16x1024xf32, #tpu.memory_space<vmem>>, vector<1x16xf32>,
      %swap3A_770 = vector.shape_cast %swap3A_769 : vector<1x16xf32> to vector<16xf32>
      %swap3A_771 = vector.shape_cast %add3A_765 : vector<16xf32> to vector<1x16xf32>
      tpu.vector_store %arg9[%swap3A_767, %swap3A_768], %swap3A_771 {strides = array<i32>} : memref<16x1024xf32, #tpu.memory_space<vmem>>, vector<1x16xf32>,
      %get3A_772 = arith.constant 22 : i32
      %get3A_773 = arith.constant 0 : i32
      %get3A_774 = arith.constant 0 : i32
      %get3A_775 = tpu.memref_slice %arg8[%scan3A, %get3A_773, %get3A_774] : memref<2x32x1024xf32, #tpu.memory_space<vmem>> -> memref<1x32x1024xf32, #tpu.memory_space<vmem>>
      %get3A_776 = tpu.memref_squeeze %get3A_775 : memref<1x32x1024xf32, #tpu.memory_space<vmem>> -> memref<32x1024xf32, #tpu.memory_space<vmem>>
      %get3A_777 = arith.index_cast %get3A_772 : i32 to index
      %get3A_778 = arith.index_cast %multiple_of3A : i32 to index
      %get3A_779 = tpu.vector_load %get3A_776[%get3A_777, %get3A_778] {strides = array<i32>} : memref<32x1024xf32, #tpu.memory_space<vmem>>, vector<1x16xf32>,
      %get3A_780 = vector.shape_cast %get3A_779 : vector<1x16xf32> to vector<16xf32>
      %mul3A_781 = vector.broadcast %squeeze3A_114 : f32 to vector<16xf32>
      %mul3A_782 = arith.mulf %mul3A_781, %get3A_780 : vector<16xf32>
      %get3A_783 = arith.constant 23 : i32
      %get3A_784 = arith.constant 0 : i32
      %get3A_785 = arith.constant 0 : i32
      %get3A_786 = tpu.memref_slice %arg8[%scan3A, %get3A_784, %get3A_785] : memref<2x32x1024xf32, #tpu.memory_space<vmem>> -> memref<1x32x1024xf32, #tpu.memory_space<vmem>>
      %get3A_787 = tpu.memref_squeeze %get3A_786 : memref<1x32x1024xf32, #tpu.memory_space<vmem>> -> memref<32x1024xf32, #tpu.memory_space<vmem>>
      %get3A_788 = arith.index_cast %get3A_783 : i32 to index
      %get3A_789 = arith.index_cast %multiple_of3A : i32 to index
      %get3A_790 = tpu.vector_load %get3A_787[%get3A_788, %get3A_789] {strides = array<i32>} : memref<32x1024xf32, #tpu.memory_space<vmem>>, vector<1x16xf32>,
      %get3A_791 = vector.shape_cast %get3A_790 : vector<1x16xf32> to vector<16xf32>
      %mul3A_792 = vector.broadcast %squeeze3A_116 : f32 to vector<16xf32>
      %mul3A_793 = arith.mulf %mul3A_792, %get3A_791 : vector<16xf32>
      %add3A_794 = arith.addf %mul3A_782, %mul3A_793 : vector<16xf32>
      %swap3A_795 = arith.constant 11 : i32
      %swap3A_796 = arith.index_cast %swap3A_795 : i32 to index
      %swap3A_797 = arith.index_cast %multiple_of3A : i32 to index
      %swap3A_798 = tpu.vector_load %arg9[%swap3A_796, %swap3A_797] {strides = array<i32>} : memref<16x1024xf32, #tpu.memory_space<vmem>>, vector<1x16xf32>,
      %swap3A_799 = vector.shape_cast %swap3A_798 : vector<1x16xf32> to vector<16xf32>
      %swap3A_800 = vector.shape_cast %add3A_794 : vector<16xf32> to vector<1x16xf32>
      tpu.vector_store %arg9[%swap3A_796, %swap3A_797], %swap3A_800 {strides = array<i32>} : memref<16x1024xf32, #tpu.memory_space<vmem>>, vector<1x16xf32>,
      %get3A_801 = arith.constant 24 : i32
      %get3A_802 = arith.constant 0 : i32
      %get3A_803 = arith.constant 0 : i32
      %get3A_804 = tpu.memref_slice %arg8[%scan3A, %get3A_802, %get3A_803] : memref<2x32x1024xf32, #tpu.memory_space<vmem>> -> memref<1x32x1024xf32, #tpu.memory_space<vmem>>
      %get3A_805 = tpu.memref_squeeze %get3A_804 : memref<1x32x1024xf32, #tpu.memory_space<vmem>> -> memref<32x1024xf32, #tpu.memory_space<vmem>>
      %get3A_806 = arith.index_cast %get3A_801 : i32 to index
      %get3A_807 = arith.index_cast %multiple_of3A : i32 to index
      %get3A_808 = tpu.vector_load %get3A_805[%get3A_806, %get3A_807] {strides = array<i32>} : memref<32x1024xf32, #tpu.memory_space<vmem>>, vector<1x16xf32>,
      %get3A_809 = vector.shape_cast %get3A_808 : vector<1x16xf32> to vector<16xf32>
      %mul3A_810 = vector.broadcast %squeeze3A_118 : f32 to vector<16xf32>
      %mul3A_811 = arith.mulf %mul3A_810, %get3A_809 : vector<16xf32>
      %get3A_812 = arith.constant 25 : i32
      %get3A_813 = arith.constant 0 : i32
      %get3A_814 = arith.constant 0 : i32
      %get3A_815 = tpu.memref_slice %arg8[%scan3A, %get3A_813, %get3A_814] : memref<2x32x1024xf32, #tpu.memory_space<vmem>> -> memref<1x32x1024xf32, #tpu.memory_space<vmem>>
      %get3A_816 = tpu.memref_squeeze %get3A_815 : memref<1x32x1024xf32, #tpu.memory_space<vmem>> -> memref<32x1024xf32, #tpu.memory_space<vmem>>
      %get3A_817 = arith.index_cast %get3A_812 : i32 to index
      %get3A_818 = arith.index_cast %multiple_of3A : i32 to index
      %get3A_819 = tpu.vector_load %get3A_816[%get3A_817, %get3A_818] {strides = array<i32>} : memref<32x1024xf32, #tpu.memory_space<vmem>>, vector<1x16xf32>,
      %get3A_820 = vector.shape_cast %get3A_819 : vector<1x16xf32> to vector<16xf32>
      %mul3A_821 = vector.broadcast %squeeze3A_120 : f32 to vector<16xf32>
      %mul3A_822 = arith.mulf %mul3A_821, %get3A_820 : vector<16xf32>
      %add3A_823 = arith.addf %mul3A_811, %mul3A_822 : vector<16xf32>
      %swap3A_824 = arith.constant 12 : i32
      %swap3A_825 = arith.index_cast %swap3A_824 : i32 to index
      %swap3A_826 = arith.index_cast %multiple_of3A : i32 to index
      %swap3A_827 = tpu.vector_load %arg9[%swap3A_825, %swap3A_826] {strides = array<i32>} : memref<16x1024xf32, #tpu.memory_space<vmem>>, vector<1x16xf32>,
      %swap3A_828 = vector.shape_cast %swap3A_827 : vector<1x16xf32> to vector<16xf32>
      %swap3A_829 = vector.shape_cast %add3A_823 : vector<16xf32> to vector<1x16xf32>
      tpu.vector_store %arg9[%swap3A_825, %swap3A_826], %swap3A_829 {strides = array<i32>} : memref<16x1024xf32, #tpu.memory_space<vmem>>, vector<1x16xf32>,
      %get3A_830 = arith.constant 26 : i32
      %get3A_831 = arith.constant 0 : i32
      %get3A_832 = arith.constant 0 : i32
      %get3A_833 = tpu.memref_slice %arg8[%scan3A, %get3A_831, %get3A_832] : memref<2x32x1024xf32, #tpu.memory_space<vmem>> -> memref<1x32x1024xf32, #tpu.memory_space<vmem>>
      %get3A_834 = tpu.memref_squeeze %get3A_833 : memref<1x32x1024xf32, #tpu.memory_space<vmem>> -> memref<32x1024xf32, #tpu.memory_space<vmem>>
      %get3A_835 = arith.index_cast %get3A_830 : i32 to index
      %get3A_836 = arith.index_cast %multiple_of3A : i32 to index
      %get3A_837 = tpu.vector_load %get3A_834[%get3A_835, %get3A_836] {strides = array<i32>} : memref<32x1024xf32, #tpu.memory_space<vmem>>, vector<1x16xf32>,
      %get3A_838 = vector.shape_cast %get3A_837 : vector<1x16xf32> to vector<16xf32>
      %mul3A_839 = vector.broadcast %squeeze3A_122 : f32 to vector<16xf32>
      %mul3A_840 = arith.mulf %mul3A_839, %get3A_838 : vector<16xf32>
      %get3A_841 = arith.constant 27 : i32
      %get3A_842 = arith.constant 0 : i32
      %get3A_843 = arith.constant 0 : i32
      %get3A_844 = tpu.memref_slice %arg8[%scan3A, %get3A_842, %get3A_843] : memref<2x32x1024xf32, #tpu.memory_space<vmem>> -> memref<1x32x1024xf32, #tpu.memory_space<vmem>>
      %get3A_845 = tpu.memref_squeeze %get3A_844 : memref<1x32x1024xf32, #tpu.memory_space<vmem>> -> memref<32x1024xf32, #tpu.memory_space<vmem>>
      %get3A_846 = arith.index_cast %get3A_841 : i32 to index
      %get3A_847 = arith.index_cast %multiple_of3A : i32 to index
      %get3A_848 = tpu.vector_load %get3A_845[%get3A_846, %get3A_847] {strides = array<i32>} : memref<32x1024xf32, #tpu.memory_space<vmem>>, vector<1x16xf32>,
      %get3A_849 = vector.shape_cast %get3A_848 : vector<1x16xf32> to vector<16xf32>
      %mul3A_850 = vector.broadcast %squeeze3A_124 : f32 to vector<16xf32>
      %mul3A_851 = arith.mulf %mul3A_850, %get3A_849 : vector<16xf32>
      %add3A_852 = arith.addf %mul3A_840, %mul3A_851 : vector<16xf32>
      %swap3A_853 = arith.constant 13 : i32
      %swap3A_854 = arith.index_cast %swap3A_853 : i32 to index
      %swap3A_855 = arith.index_cast %multiple_of3A : i32 to index
      %swap3A_856 = tpu.vector_load %arg9[%swap3A_854, %swap3A_855] {strides = array<i32>} : memref<16x1024xf32, #tpu.memory_space<vmem>>, vector<1x16xf32>,
      %swap3A_857 = vector.shape_cast %swap3A_856 : vector<1x16xf32> to vector<16xf32>
      %swap3A_858 = vector.shape_cast %add3A_852 : vector<16xf32> to vector<1x16xf32>
      tpu.vector_store %arg9[%swap3A_854, %swap3A_855], %swap3A_858 {strides = array<i32>} : memref<16x1024xf32, #tpu.memory_space<vmem>>, vector<1x16xf32>,
      %get3A_859 = arith.constant 28 : i32
      %get3A_860 = arith.constant 0 : i32
      %get3A_861 = arith.constant 0 : i32
      %get3A_862 = tpu.memref_slice %arg8[%scan3A, %get3A_860, %get3A_861] : memref<2x32x1024xf32, #tpu.memory_space<vmem>> -> memref<1x32x1024xf32, #tpu.memory_space<vmem>>
      %get3A_863 = tpu.memref_squeeze %get3A_862 : memref<1x32x1024xf32, #tpu.memory_space<vmem>> -> memref<32x1024xf32, #tpu.memory_space<vmem>>
      %get3A_864 = arith.index_cast %get3A_859 : i32 to index
      %get3A_865 = arith.index_cast %multiple_of3A : i32 to index
      %get3A_866 = tpu.vector_load %get3A_863[%get3A_864, %get3A_865] {strides = array<i32>} : memref<32x1024xf32, #tpu.memory_space<vmem>>, vector<1x16xf32>,
      %get3A_867 = vector.shape_cast %get3A_866 : vector<1x16xf32> to vector<16xf32>
      %mul3A_868 = vector.broadcast %squeeze3A_126 : f32 to vector<16xf32>
      %mul3A_869 = arith.mulf %mul3A_868, %get3A_867 : vector<16xf32>
      %get3A_870 = arith.constant 29 : i32
      %get3A_871 = arith.constant 0 : i32
      %get3A_872 = arith.constant 0 : i32
      %get3A_873 = tpu.memref_slice %arg8[%scan3A, %get3A_871, %get3A_872] : memref<2x32x1024xf32, #tpu.memory_space<vmem>> -> memref<1x32x1024xf32, #tpu.memory_space<vmem>>
      %get3A_874 = tpu.memref_squeeze %get3A_873 : memref<1x32x1024xf32, #tpu.memory_space<vmem>> -> memref<32x1024xf32, #tpu.memory_space<vmem>>
      %get3A_875 = arith.index_cast %get3A_870 : i32 to index
      %get3A_876 = arith.index_cast %multiple_of3A : i32 to index
      %get3A_877 = tpu.vector_load %get3A_874[%get3A_875, %get3A_876] {strides = array<i32>} : memref<32x1024xf32, #tpu.memory_space<vmem>>, vector<1x16xf32>,
      %get3A_878 = vector.shape_cast %get3A_877 : vector<1x16xf32> to vector<16xf32>
      %mul3A_879 = vector.broadcast %squeeze3A_128 : f32 to vector<16xf32>
      %mul3A_880 = arith.mulf %mul3A_879, %get3A_878 : vector<16xf32>
      %add3A_881 = arith.addf %mul3A_869, %mul3A_880 : vector<16xf32>
      %swap3A_882 = arith.constant 14 : i32
      %swap3A_883 = arith.index_cast %swap3A_882 : i32 to index
      %swap3A_884 = arith.index_cast %multiple_of3A : i32 to index
      %swap3A_885 = tpu.vector_load %arg9[%swap3A_883, %swap3A_884] {strides = array<i32>} : memref<16x1024xf32, #tpu.memory_space<vmem>>, vector<1x16xf32>,
      %swap3A_886 = vector.shape_cast %swap3A_885 : vector<1x16xf32> to vector<16xf32>
      %swap3A_887 = vector.shape_cast %add3A_881 : vector<16xf32> to vector<1x16xf32>
      tpu.vector_store %arg9[%swap3A_883, %swap3A_884], %swap3A_887 {strides = array<i32>} : memref<16x1024xf32, #tpu.memory_space<vmem>>, vector<1x16xf32>,
      %get3A_888 = arith.constant 30 : i32
      %get3A_889 = arith.constant 0 : i32
      %get3A_890 = arith.constant 0 : i32
      %get3A_891 = tpu.memref_slice %arg8[%scan3A, %get3A_889, %get3A_890] : memref<2x32x1024xf32, #tpu.memory_space<vmem>> -> memref<1x32x1024xf32, #tpu.memory_space<vmem>>
      %get3A_892 = tpu.memref_squeeze %get3A_891 : memref<1x32x1024xf32, #tpu.memory_space<vmem>> -> memref<32x1024xf32, #tpu.memory_space<vmem>>
      %get3A_893 = arith.index_cast %get3A_888 : i32 to index
      %get3A_894 = arith.index_cast %multiple_of3A : i32 to index
      %get3A_895 = tpu.vector_load %get3A_892[%get3A_893, %get3A_894] {strides = array<i32>} : memref<32x1024xf32, #tpu.memory_space<vmem>>, vector<1x16xf32>,
      %get3A_896 = vector.shape_cast %get3A_895 : vector<1x16xf32> to vector<16xf32>
      %mul3A_897 = vector.broadcast %squeeze3A_130 : f32 to vector<16xf32>
      %mul3A_898 = arith.mulf %mul3A_897, %get3A_896 : vector<16xf32>
      %get3A_899 = arith.constant 31 : i32
      %get3A_900 = arith.constant 0 : i32
      %get3A_901 = arith.constant 0 : i32
      %get3A_902 = tpu.memref_slice %arg8[%scan3A, %get3A_900, %get3A_901] : memref<2x32x1024xf32, #tpu.memory_space<vmem>> -> memref<1x32x1024xf32, #tpu.memory_space<vmem>>
      %get3A_903 = tpu.memref_squeeze %get3A_902 : memref<1x32x1024xf32, #tpu.memory_space<vmem>> -> memref<32x1024xf32, #tpu.memory_space<vmem>>
      %get3A_904 = arith.index_cast %get3A_899 : i32 to index
      %get3A_905 = arith.index_cast %multiple_of3A : i32 to index
      %get3A_906 = tpu.vector_load %get3A_903[%get3A_904, %get3A_905] {strides = array<i32>} : memref<32x1024xf32, #tpu.memory_space<vmem>>, vector<1x16xf32>,
      %get3A_907 = vector.shape_cast %get3A_906 : vector<1x16xf32> to vector<16xf32>
      %mul3A_908 = vector.broadcast %squeeze3A_132 : f32 to vector<16xf32>
      %mul3A_909 = arith.mulf %mul3A_908, %get3A_907 : vector<16xf32>
      %add3A_910 = arith.addf %mul3A_898, %mul3A_909 : vector<16xf32>
      %swap3A_911 = arith.constant 15 : i32
      %swap3A_912 = arith.index_cast %swap3A_911 : i32 to index
      %swap3A_913 = arith.index_cast %multiple_of3A : i32 to index
      %swap3A_914 = tpu.vector_load %arg9[%swap3A_912, %swap3A_913] {strides = array<i32>} : memref<16x1024xf32, #tpu.memory_space<vmem>>, vector<1x16xf32>,
      %swap3A_915 = vector.shape_cast %swap3A_914 : vector<1x16xf32> to vector<16xf32>
      %swap3A_916 = vector.shape_cast %add3A_910 : vector<16xf32> to vector<1x16xf32>
      tpu.vector_store %arg9[%swap3A_912, %swap3A_913], %swap3A_916 {strides = array<i32>} : memref<16x1024xf32, #tpu.memory_space<vmem>>, vector<1x16xf32>,
      %scan3A_917 = arith.constant 0 : i32
      scf.yield %scan3A_917 : i32
    }
    %scan3A_139 = arith.constant 64 : i32
    %mul3A_140 = arith.constant 64 : i32
    %mul3A_141 = arith.muli %add3A, %mul3A_140 : i32
    %add3A_142 = arith.constant 0 : i32
    %add3A_143 = arith.addi %mul3A_141, %add3A_142 : i32
    "tpu.region"() ({
      %run_scoped3A_450 = tpu.sem_alloc : memref<!tpu.dma_semaphore, #tpu.memory_space<semaphore_mem>>
      %dma_start3A_451 = arith.constant 0 : i32
      %dma_start3A_452 = tpu.memref_slice %arg5[%add3A_143, %dma_start3A_451] : memref<2048x1024xf32, #tpu.memory_space<hbm>> -> memref<16x1024xf32, #tpu.memory_space<hbm>>
      %dma_start3A_453 = arith.constant 0 : i32
      %dma_start3A_454 = tpu.memref_slice %arg5[%add3A_143, %dma_start3A_453] : memref<2048x1024xf32, #tpu.memory_space<hbm>> -> memref<16x1024xf32, #tpu.memory_space<hbm>>
      tpu.enqueue_dma source(%arg9 : memref<16x1024xf32, #tpu.memory_space<vmem>>) target(%dma_start3A_454 : memref<16x1024xf32, #tpu.memory_space<hbm>>) target_semaphore(%run_scoped3A_450 : memref<!tpu.dma_semaphore, #tpu.memory_space<semaphore_mem>>)
      %dma_wait3A_455 = arith.constant 0 : i32
      %dma_wait3A_456 = tpu.memref_slice %arg5[%add3A_143, %dma_wait3A_455] : memref<2048x1024xf32, #tpu.memory_space<hbm>> -> memref<16x1024xf32, #tpu.memory_space<hbm>>
      %dma_wait3A_457 = arith.constant 0 : i32
      %dma_wait3A_458 = tpu.memref_slice %arg5[%add3A_143, %dma_wait3A_457] : memref<2048x1024xf32, #tpu.memory_space<hbm>> -> memref<16x1024xf32, #tpu.memory_space<hbm>>
      tpu.wait_dma2 semaphore(%run_scoped3A_450 : memref<!tpu.dma_semaphore, #tpu.memory_space<semaphore_mem>>) src(%arg9 : memref<16x1024xf32, #tpu.memory_space<vmem>>) dst(%dma_wait3A_458 : memref<16x1024xf32, #tpu.memory_space<hbm>>)
      tpu.yield
    }) : () -> ()
    %dma_wait3A_144 = arith.constant 1 : i32
    %dma_wait3A_145 = arith.constant 1 : i32
    %dma_wait3A_146 = arith.constant 0 : i32
    %dma_wait3A_147 = arith.constant 0 : i32
    %dma_wait3A_148 = tpu.memref_slice %arg8[%dma_wait3A_145, %dma_wait3A_146, %dma_wait3A_147] : memref<2x32x1024xf32, #tpu.memory_space<vmem>> -> memref<1x32x1024xf32, #tpu.memory_space<vmem>>
    %dma_wait3A_149 = tpu.memref_squeeze %dma_wait3A_148 : memref<1x32x1024xf32, #tpu.memory_space<vmem>> -> memref<32x1024xf32, #tpu.memory_space<vmem>>
    %dma_wait3A_150 = arith.constant 0 : i32
    %dma_wait3A_151 = tpu.memref_slice %arg6[%dma_wait3A_144, %dma_wait3A_150] : memref<4x32xi32, #tpu.memory_space<vmem>> -> memref<1x32xi32, #tpu.memory_space<vmem>>
    %dma_wait3A_152 = tpu.memref_squeeze %dma_wait3A_151 : memref<1x32xi32, #tpu.memory_space<vmem>> -> memref<32xi32, #tpu.memory_space<vmem>>
    %dma_wait3A_153 = arith.constant 0 : i32
    %dma_wait3A_154 = arith.constant 0 : i32
    %dma_wait3A_155 = tpu.memref_slice %arg2[%dma_wait3A_153, %dma_wait3A_154] : memref<8704x1024xf32, #tpu.memory_space<hbm>> -> memref<8704x1024xf32, #tpu.memory_space<hbm>>
    tpu.wait_indirect_dma semaphore(%arg11 : memref<!tpu.dma_semaphore, #tpu.memory_space<semaphore_mem>>) src(%dma_wait3A_155 : memref<8704x1024xf32, #tpu.memory_space<hbm>>) dst(%dma_wait3A_149 : memref<32x1024xf32, #tpu.memory_space<vmem>>)
    %dma_start3A_156 = arith.constant 2 : i32
    %dma_start3A_157 = arith.constant 0 : i32
    %dma_start3A_158 = arith.constant 0 : i32
    %dma_start3A_159 = arith.constant 0 : i32
    %dma_start3A_160 = tpu.memref_slice %arg8[%dma_start3A_157, %dma_start3A_158, %dma_start3A_159] : memref<2x32x1024xf32, #tpu.memory_space<vmem>> -> memref<1x32x1024xf32, #tpu.memory_space<vmem>>
    %dma_start3A_161 = tpu.memref_squeeze %dma_start3A_160 : memref<1x32x1024xf32, #tpu.memory_space<vmem>> -> memref<32x1024xf32, #tpu.memory_space<vmem>>
    %dma_start3A_162 = arith.constant 0 : i32
    %dma_start3A_163 = tpu.memref_slice %arg6[%dma_start3A_156, %dma_start3A_162] : memref<4x32xi32, #tpu.memory_space<vmem>> -> memref<1x32xi32, #tpu.memory_space<vmem>>
    %dma_start3A_164 = tpu.memref_squeeze %dma_start3A_163 : memref<1x32xi32, #tpu.memory_space<vmem>> -> memref<32xi32, #tpu.memory_space<vmem>>
    %dma_start3A_165 = arith.constant 0 : i32
    %dma_start3A_166 = arith.constant 0 : i32
    %dma_start3A_167 = tpu.memref_slice %arg2[%dma_start3A_165, %dma_start3A_166] : memref<8704x1024xf32, #tpu.memory_space<hbm>> -> memref<8704x1024xf32, #tpu.memory_space<hbm>>
    tpu.enqueue_indirect_dma source(%dma_start3A_167 : memref<8704x1024xf32, #tpu.memory_space<hbm>>) target(%dma_start3A_161 : memref<32x1024xf32, #tpu.memory_space<vmem>>) offsets(%dma_start3A_164 : memref<32xi32, #tpu.memory_space<vmem>>) semaphore(%arg10 : memref<!tpu.dma_semaphore, #tpu.memory_space<semaphore_mem>>)
    %get3A_168 = arith.constant 32 : index
    %get3A_169 = tpu.vector_load %arg7[%get3A_168] {strides = array<i32>} : memref<128xf32, #tpu.memory_space<vmem>>, vector<16xf32>,
    %get3A_170 = vector.shape_cast %get3A_169 : vector<16xf32> to vector<16xf32>
    %get3A_171 = arith.constant 48 : index
    %get3A_172 = tpu.vector_load %arg7[%get3A_171] {strides = array<i32>} : memref<128xf32, #tpu.memory_space<vmem>>, vector<16xf32>,
    %get3A_173 = vector.shape_cast %get3A_172 : vector<16xf32> to vector<16xf32>
    %slice3A_174 = vector.extract_strided_slice %get3A_170 {offsets = [0], sizes = [1], strides = [1]} : vector<16xf32> to vector<1xf32>
    %squeeze3A_175 = vector.extract %slice3A_174[0] : f32 from vector<1xf32>
    %slice3A_176 = vector.extract_strided_slice %get3A_170 {offsets = [1], sizes = [1], strides = [1]} : vector<16xf32> to vector<1xf32>
    %squeeze3A_177 = vector.extract %slice3A_176[0] : f32 from vector<1xf32>
    %slice3A_178 = vector.extract_strided_slice %get3A_170 {offsets = [2], sizes = [1], strides = [1]} : vector<16xf32> to vector<1xf32>
    %squeeze3A_179 = vector.extract %slice3A_178[0] : f32 from vector<1xf32>
    %slice3A_180 = vector.extract_strided_slice %get3A_170 {offsets = [3], sizes = [1], strides = [1]} : vector<16xf32> to vector<1xf32>
    %squeeze3A_181 = vector.extract %slice3A_180[0] : f32 from vector<1xf32>
    %slice3A_182 = vector.extract_strided_slice %get3A_170 {offsets = [4], sizes = [1], strides = [1]} : vector<16xf32> to vector<1xf32>
    %squeeze3A_183 = vector.extract %slice3A_182[0] : f32 from vector<1xf32>
    %slice3A_184 = vector.extract_strided_slice %get3A_170 {offsets = [5], sizes = [1], strides = [1]} : vector<16xf32> to vector<1xf32>
    %squeeze3A_185 = vector.extract %slice3A_184[0] : f32 from vector<1xf32>
    %slice3A_186 = vector.extract_strided_slice %get3A_170 {offsets = [6], sizes = [1], strides = [1]} : vector<16xf32> to vector<1xf32>
    %squeeze3A_187 = vector.extract %slice3A_186[0] : f32 from vector<1xf32>
    %slice3A_188 = vector.extract_strided_slice %get3A_170 {offsets = [7], sizes = [1], strides = [1]} : vector<16xf32> to vector<1xf32>
    %squeeze3A_189 = vector.extract %slice3A_188[0] : f32 from vector<1xf32>
    %slice3A_190 = vector.extract_strided_slice %get3A_170 {offsets = [8], sizes = [1], strides = [1]} : vector<16xf32> to vector<1xf32>
    %squeeze3A_191 = vector.extract %slice3A_190[0] : f32 from vector<1xf32>
    %slice3A_192 = vector.extract_strided_slice %get3A_170 {offsets = [9], sizes = [1], strides = [1]} : vector<16xf32> to vector<1xf32>
    %squeeze3A_193 = vector.extract %slice3A_192[0] : f32 from vector<1xf32>
    %slice3A_194 = vector.extract_strided_slice %get3A_170 {offsets = [10], sizes = [1], strides = [1]} : vector<16xf32> to vector<1xf32>
    %squeeze3A_195 = vector.extract %slice3A_194[0] : f32 from vector<1xf32>
    %slice3A_196 = vector.extract_strided_slice %get3A_170 {offsets = [11], sizes = [1], strides = [1]} : vector<16xf32> to vector<1xf32>
    %squeeze3A_197 = vector.extract %slice3A_196[0] : f32 from vector<1xf32>
    %slice3A_198 = vector.extract_strided_slice %get3A_170 {offsets = [12], sizes = [1], strides = [1]} : vector<16xf32> to vector<1xf32>
    %squeeze3A_199 = vector.extract %slice3A_198[0] : f32 from vector<1xf32>
    %slice3A_200 = vector.extract_strided_slice %get3A_170 {offsets = [13], sizes = [1], strides = [1]} : vector<16xf32> to vector<1xf32>
    %squeeze3A_201 = vector.extract %slice3A_200[0] : f32 from vector<1xf32>
    %slice3A_202 = vector.extract_strided_slice %get3A_170 {offsets = [14], sizes = [1], strides = [1]} : vector<16xf32> to vector<1xf32>
    %squeeze3A_203 = vector.extract %slice3A_202[0] : f32 from vector<1xf32>
    %slice3A_204 = vector.extract_strided_slice %get3A_170 {offsets = [15], sizes = [1], strides = [1]} : vector<16xf32> to vector<1xf32>
    %squeeze3A_205 = vector.extract %slice3A_204[0] : f32 from vector<1xf32>
    %slice3A_206 = vector.extract_strided_slice %get3A_173 {offsets = [0], sizes = [1], strides = [1]} : vector<16xf32> to vector<1xf32>
    %squeeze3A_207 = vector.extract %slice3A_206[0] : f32 from vector<1xf32>
    %slice3A_208 = vector.extract_strided_slice %get3A_173 {offsets = [1], sizes = [1], strides = [1]} : vector<16xf32> to vector<1xf32>
    %squeeze3A_209 = vector.extract %slice3A_208[0] : f32 from vector<1xf32>
    %slice3A_210 = vector.extract_strided_slice %get3A_173 {offsets = [2], sizes = [1], strides = [1]} : vector<16xf32> to vector<1xf32>
    %squeeze3A_211 = vector.extract %slice3A_210[0] : f32 from vector<1xf32>
    %slice3A_212 = vector.extract_strided_slice %get3A_173 {offsets = [3], sizes = [1], strides = [1]} : vector<16xf32> to vector<1xf32>
    %squeeze3A_213 = vector.extract %slice3A_212[0] : f32 from vector<1xf32>
    %slice3A_214 = vector.extract_strided_slice %get3A_173 {offsets = [4], sizes = [1], strides = [1]} : vector<16xf32> to vector<1xf32>
    %squeeze3A_215 = vector.extract %slice3A_214[0] : f32 from vector<1xf32>
    %slice3A_216 = vector.extract_strided_slice %get3A_173 {offsets = [5], sizes = [1], strides = [1]} : vector<16xf32> to vector<1xf32>
    %squeeze3A_217 = vector.extract %slice3A_216[0] : f32 from vector<1xf32>
    %slice3A_218 = vector.extract_strided_slice %get3A_173 {offsets = [6], sizes = [1], strides = [1]} : vector<16xf32> to vector<1xf32>
    %squeeze3A_219 = vector.extract %slice3A_218[0] : f32 from vector<1xf32>
    %slice3A_220 = vector.extract_strided_slice %get3A_173 {offsets = [7], sizes = [1], strides = [1]} : vector<16xf32> to vector<1xf32>
    %squeeze3A_221 = vector.extract %slice3A_220[0] : f32 from vector<1xf32>
    %slice3A_222 = vector.extract_strided_slice %get3A_173 {offsets = [8], sizes = [1], strides = [1]} : vector<16xf32> to vector<1xf32>
    %squeeze3A_223 = vector.extract %slice3A_222[0] : f32 from vector<1xf32>
    %slice3A_224 = vector.extract_strided_slice %get3A_173 {offsets = [9], sizes = [1], strides = [1]} : vector<16xf32> to vector<1xf32>
    %squeeze3A_225 = vector.extract %slice3A_224[0] : f32 from vector<1xf32>
    %slice3A_226 = vector.extract_strided_slice %get3A_173 {offsets = [10], sizes = [1], strides = [1]} : vector<16xf32> to vector<1xf32>
    %squeeze3A_227 = vector.extract %slice3A_226[0] : f32 from vector<1xf32>
    %slice3A_228 = vector.extract_strided_slice %get3A_173 {offsets = [11], sizes = [1], strides = [1]} : vector<16xf32> to vector<1xf32>
    %squeeze3A_229 = vector.extract %slice3A_228[0] : f32 from vector<1xf32>
    %slice3A_230 = vector.extract_strided_slice %get3A_173 {offsets = [12], sizes = [1], strides = [1]} : vector<16xf32> to vector<1xf32>
    %squeeze3A_231 = vector.extract %slice3A_230[0] : f32 from vector<1xf32>
    %slice3A_232 = vector.extract_strided_slice %get3A_173 {offsets = [13], sizes = [1], strides = [1]} : vector<16xf32> to vector<1xf32>
    %squeeze3A_233 = vector.extract %slice3A_232[0] : f32 from vector<1xf32>
    %slice3A_234 = vector.extract_strided_slice %get3A_173 {offsets = [14], sizes = [1], strides = [1]} : vector<16xf32> to vector<1xf32>
    %squeeze3A_235 = vector.extract %slice3A_234[0] : f32 from vector<1xf32>
    %slice3A_236 = vector.extract_strided_slice %get3A_173 {offsets = [15], sizes = [1], strides = [1]} : vector<16xf32> to vector<1xf32>
    %squeeze3A_237 = vector.extract %slice3A_236[0] : f32 from vector<1xf32>
    %scan3A_238 = arith.constant 1 : i32
    %scan3A_239 = arith.constant 0 : i32
    %scan3A_240 = arith.constant 0 : i32
    %scan3A_241 = arith.constant 64 : i32
    %scan3A_242 = arith.addi %scan3A_240, %scan3A_241 : i32
    %scan3A_243 = arith.constant 1 : i32
    %scan3A_244 = scf.for %scan3A_450 = %scan3A_240 to %scan3A_242 step %scan3A_243 iter_args(%scan3A_451 = %scan3A_239) -> (i32)  : i32 {
      %mul3A_452 = arith.constant 16 : i32
      %mul3A_453 = arith.muli %scan3A_450, %mul3A_452 : i32
      %multiple_of3A = tpu.assume_multiple %mul3A_453, 16 : i32
      %get3A_454 = arith.constant 0 : i32
      %get3A_455 = arith.constant 0 : i32
      %get3A_456 = arith.constant 0 : i32
      %get3A_457 = tpu.memref_slice %arg8[%scan3A_238, %get3A_455, %get3A_456] : memref<2x32x1024xf32, #tpu.memory_space<vmem>> -> memref<1x32x1024xf32, #tpu.memory_space<vmem>>
      %get3A_458 = tpu.memref_squeeze %get3A_457 : memref<1x32x1024xf32, #tpu.memory_space<vmem>> -> memref<32x1024xf32, #tpu.memory_space<vmem>>
      %get3A_459 = arith.index_cast %get3A_454 : i32 to index
      %get3A_460 = arith.index_cast %multiple_of3A : i32 to index
      %get3A_461 = tpu.vector_load %get3A_458[%get3A_459, %get3A_460] {strides = array<i32>} : memref<32x1024xf32, #tpu.memory_space<vmem>>, vector<1x16xf32>,
      %get3A_462 = vector.shape_cast %get3A_461 : vector<1x16xf32> to vector<16xf32>
      %mul3A_463 = vector.broadcast %squeeze3A_175 : f32 to vector<16xf32>
      %mul3A_464 = arith.mulf %mul3A_463, %get3A_462 : vector<16xf32>
      %get3A_465 = arith.constant 1 : i32
      %get3A_466 = arith.constant 0 : i32
      %get3A_467 = arith.constant 0 : i32
      %get3A_468 = tpu.memref_slice %arg8[%scan3A_238, %get3A_466, %get3A_467] : memref<2x32x1024xf32, #tpu.memory_space<vmem>> -> memref<1x32x1024xf32, #tpu.memory_space<vmem>>
      %get3A_469 = tpu.memref_squeeze %get3A_468 : memref<1x32x1024xf32, #tpu.memory_space<vmem>> -> memref<32x1024xf32, #tpu.memory_space<vmem>>
      %get3A_470 = arith.index_cast %get3A_465 : i32 to index
      %get3A_471 = arith.index_cast %multiple_of3A : i32 to index
      %get3A_472 = tpu.vector_load %get3A_469[%get3A_470, %get3A_471] {strides = array<i32>} : memref<32x1024xf32, #tpu.memory_space<vmem>>, vector<1x16xf32>,
      %get3A_473 = vector.shape_cast %get3A_472 : vector<1x16xf32> to vector<16xf32>
      %mul3A_474 = vector.broadcast %squeeze3A_177 : f32 to vector<16xf32>
      %mul3A_475 = arith.mulf %mul3A_474, %get3A_473 : vector<16xf32>
      %add3A_476 = arith.addf %mul3A_464, %mul3A_475 : vector<16xf32>
      %swap3A = arith.constant 0 : i32
      %swap3A_477 = arith.index_cast %swap3A : i32 to index
      %swap3A_478 = arith.index_cast %multiple_of3A : i32 to index
      %swap3A_479 = tpu.vector_load %arg9[%swap3A_477, %swap3A_478] {strides = array<i32>} : memref<16x1024xf32, #tpu.memory_space<vmem>>, vector<1x16xf32>,
      %swap3A_480 = vector.shape_cast %swap3A_479 : vector<1x16xf32> to vector<16xf32>
      %swap3A_481 = vector.shape_cast %add3A_476 : vector<16xf32> to vector<1x16xf32>
      tpu.vector_store %arg9[%swap3A_477, %swap3A_478], %swap3A_481 {strides = array<i32>} : memref<16x1024xf32, #tpu.memory_space<vmem>>, vector<1x16xf32>,
      %get3A_482 = arith.constant 2 : i32
      %get3A_483 = arith.constant 0 : i32
      %get3A_484 = arith.constant 0 : i32
      %get3A_485 = tpu.memref_slice %arg8[%scan3A_238, %get3A_483, %get3A_484] : memref<2x32x1024xf32, #tpu.memory_space<vmem>> -> memref<1x32x1024xf32, #tpu.memory_space<vmem>>
      %get3A_486 = tpu.memref_squeeze %get3A_485 : memref<1x32x1024xf32, #tpu.memory_space<vmem>> -> memref<32x1024xf32, #tpu.memory_space<vmem>>
      %get3A_487 = arith.index_cast %get3A_482 : i32 to index
      %get3A_488 = arith.index_cast %multiple_of3A : i32 to index
      %get3A_489 = tpu.vector_load %get3A_486[%get3A_487, %get3A_488] {strides = array<i32>} : memref<32x1024xf32, #tpu.memory_space<vmem>>, vector<1x16xf32>,
      %get3A_490 = vector.shape_cast %get3A_489 : vector<1x16xf32> to vector<16xf32>
      %mul3A_491 = vector.broadcast %squeeze3A_179 : f32 to vector<16xf32>
      %mul3A_492 = arith.mulf %mul3A_491, %get3A_490 : vector<16xf32>
      %get3A_493 = arith.constant 3 : i32
      %get3A_494 = arith.constant 0 : i32
      %get3A_495 = arith.constant 0 : i32
      %get3A_496 = tpu.memref_slice %arg8[%scan3A_238, %get3A_494, %get3A_495] : memref<2x32x1024xf32, #tpu.memory_space<vmem>> -> memref<1x32x1024xf32, #tpu.memory_space<vmem>>
      %get3A_497 = tpu.memref_squeeze %get3A_496 : memref<1x32x1024xf32, #tpu.memory_space<vmem>> -> memref<32x1024xf32, #tpu.memory_space<vmem>>
      %get3A_498 = arith.index_cast %get3A_493 : i32 to index
      %get3A_499 = arith.index_cast %multiple_of3A : i32 to index
      %get3A_500 = tpu.vector_load %get3A_497[%get3A_498, %get3A_499] {strides = array<i32>} : memref<32x1024xf32, #tpu.memory_space<vmem>>, vector<1x16xf32>,
      %get3A_501 = vector.shape_cast %get3A_500 : vector<1x16xf32> to vector<16xf32>
      %mul3A_502 = vector.broadcast %squeeze3A_181 : f32 to vector<16xf32>
      %mul3A_503 = arith.mulf %mul3A_502, %get3A_501 : vector<16xf32>
      %add3A_504 = arith.addf %mul3A_492, %mul3A_503 : vector<16xf32>
      %swap3A_505 = arith.constant 1 : i32
      %swap3A_506 = arith.index_cast %swap3A_505 : i32 to index
      %swap3A_507 = arith.index_cast %multiple_of3A : i32 to index
      %swap3A_508 = tpu.vector_load %arg9[%swap3A_506, %swap3A_507] {strides = array<i32>} : memref<16x1024xf32, #tpu.memory_space<vmem>>, vector<1x16xf32>,
      %swap3A_509 = vector.shape_cast %swap3A_508 : vector<1x16xf32> to vector<16xf32>
      %swap3A_510 = vector.shape_cast %add3A_504 : vector<16xf32> to vector<1x16xf32>
      tpu.vector_store %arg9[%swap3A_506, %swap3A_507], %swap3A_510 {strides = array<i32>} : memref<16x1024xf32, #tpu.memory_space<vmem>>, vector<1x16xf32>,
      %get3A_511 = arith.constant 4 : i32
      %get3A_512 = arith.constant 0 : i32
      %get3A_513 = arith.constant 0 : i32
      %get3A_514 = tpu.memref_slice %arg8[%scan3A_238, %get3A_512, %get3A_513] : memref<2x32x1024xf32, #tpu.memory_space<vmem>> -> memref<1x32x1024xf32, #tpu.memory_space<vmem>>
      %get3A_515 = tpu.memref_squeeze %get3A_514 : memref<1x32x1024xf32, #tpu.memory_space<vmem>> -> memref<32x1024xf32, #tpu.memory_space<vmem>>
      %get3A_516 = arith.index_cast %get3A_511 : i32 to index
      %get3A_517 = arith.index_cast %multiple_of3A : i32 to index
      %get3A_518 = tpu.vector_load %get3A_515[%get3A_516, %get3A_517] {strides = array<i32>} : memref<32x1024xf32, #tpu.memory_space<vmem>>, vector<1x16xf32>,
      %get3A_519 = vector.shape_cast %get3A_518 : vector<1x16xf32> to vector<16xf32>
      %mul3A_520 = vector.broadcast %squeeze3A_183 : f32 to vector<16xf32>
      %mul3A_521 = arith.mulf %mul3A_520, %get3A_519 : vector<16xf32>
      %get3A_522 = arith.constant 5 : i32
      %get3A_523 = arith.constant 0 : i32
      %get3A_524 = arith.constant 0 : i32
      %get3A_525 = tpu.memref_slice %arg8[%scan3A_238, %get3A_523, %get3A_524] : memref<2x32x1024xf32, #tpu.memory_space<vmem>> -> memref<1x32x1024xf32, #tpu.memory_space<vmem>>
      %get3A_526 = tpu.memref_squeeze %get3A_525 : memref<1x32x1024xf32, #tpu.memory_space<vmem>> -> memref<32x1024xf32, #tpu.memory_space<vmem>>
      %get3A_527 = arith.index_cast %get3A_522 : i32 to index
      %get3A_528 = arith.index_cast %multiple_of3A : i32 to index
      %get3A_529 = tpu.vector_load %get3A_526[%get3A_527, %get3A_528] {strides = array<i32>} : memref<32x1024xf32, #tpu.memory_space<vmem>>, vector<1x16xf32>,
      %get3A_530 = vector.shape_cast %get3A_529 : vector<1x16xf32> to vector<16xf32>
      %mul3A_531 = vector.broadcast %squeeze3A_185 : f32 to vector<16xf32>
      %mul3A_532 = arith.mulf %mul3A_531, %get3A_530 : vector<16xf32>
      %add3A_533 = arith.addf %mul3A_521, %mul3A_532 : vector<16xf32>
      %swap3A_534 = arith.constant 2 : i32
      %swap3A_535 = arith.index_cast %swap3A_534 : i32 to index
      %swap3A_536 = arith.index_cast %multiple_of3A : i32 to index
      %swap3A_537 = tpu.vector_load %arg9[%swap3A_535, %swap3A_536] {strides = array<i32>} : memref<16x1024xf32, #tpu.memory_space<vmem>>, vector<1x16xf32>,
      %swap3A_538 = vector.shape_cast %swap3A_537 : vector<1x16xf32> to vector<16xf32>
      %swap3A_539 = vector.shape_cast %add3A_533 : vector<16xf32> to vector<1x16xf32>
      tpu.vector_store %arg9[%swap3A_535, %swap3A_536], %swap3A_539 {strides = array<i32>} : memref<16x1024xf32, #tpu.memory_space<vmem>>, vector<1x16xf32>,
      %get3A_540 = arith.constant 6 : i32
      %get3A_541 = arith.constant 0 : i32
      %get3A_542 = arith.constant 0 : i32
      %get3A_543 = tpu.memref_slice %arg8[%scan3A_238, %get3A_541, %get3A_542] : memref<2x32x1024xf32, #tpu.memory_space<vmem>> -> memref<1x32x1024xf32, #tpu.memory_space<vmem>>
      %get3A_544 = tpu.memref_squeeze %get3A_543 : memref<1x32x1024xf32, #tpu.memory_space<vmem>> -> memref<32x1024xf32, #tpu.memory_space<vmem>>
      %get3A_545 = arith.index_cast %get3A_540 : i32 to index
      %get3A_546 = arith.index_cast %multiple_of3A : i32 to index
      %get3A_547 = tpu.vector_load %get3A_544[%get3A_545, %get3A_546] {strides = array<i32>} : memref<32x1024xf32, #tpu.memory_space<vmem>>, vector<1x16xf32>,
      %get3A_548 = vector.shape_cast %get3A_547 : vector<1x16xf32> to vector<16xf32>
      %mul3A_549 = vector.broadcast %squeeze3A_187 : f32 to vector<16xf32>
      %mul3A_550 = arith.mulf %mul3A_549, %get3A_548 : vector<16xf32>
      %get3A_551 = arith.constant 7 : i32
      %get3A_552 = arith.constant 0 : i32
      %get3A_553 = arith.constant 0 : i32
      %get3A_554 = tpu.memref_slice %arg8[%scan3A_238, %get3A_552, %get3A_553] : memref<2x32x1024xf32, #tpu.memory_space<vmem>> -> memref<1x32x1024xf32, #tpu.memory_space<vmem>>
      %get3A_555 = tpu.memref_squeeze %get3A_554 : memref<1x32x1024xf32, #tpu.memory_space<vmem>> -> memref<32x1024xf32, #tpu.memory_space<vmem>>
      %get3A_556 = arith.index_cast %get3A_551 : i32 to index
      %get3A_557 = arith.index_cast %multiple_of3A : i32 to index
      %get3A_558 = tpu.vector_load %get3A_555[%get3A_556, %get3A_557] {strides = array<i32>} : memref<32x1024xf32, #tpu.memory_space<vmem>>, vector<1x16xf32>,
      %get3A_559 = vector.shape_cast %get3A_558 : vector<1x16xf32> to vector<16xf32>
      %mul3A_560 = vector.broadcast %squeeze3A_189 : f32 to vector<16xf32>
      %mul3A_561 = arith.mulf %mul3A_560, %get3A_559 : vector<16xf32>
      %add3A_562 = arith.addf %mul3A_550, %mul3A_561 : vector<16xf32>
      %swap3A_563 = arith.constant 3 : i32
      %swap3A_564 = arith.index_cast %swap3A_563 : i32 to index
      %swap3A_565 = arith.index_cast %multiple_of3A : i32 to index
      %swap3A_566 = tpu.vector_load %arg9[%swap3A_564, %swap3A_565] {strides = array<i32>} : memref<16x1024xf32, #tpu.memory_space<vmem>>, vector<1x16xf32>,
      %swap3A_567 = vector.shape_cast %swap3A_566 : vector<1x16xf32> to vector<16xf32>
      %swap3A_568 = vector.shape_cast %add3A_562 : vector<16xf32> to vector<1x16xf32>
      tpu.vector_store %arg9[%swap3A_564, %swap3A_565], %swap3A_568 {strides = array<i32>} : memref<16x1024xf32, #tpu.memory_space<vmem>>, vector<1x16xf32>,
      %get3A_569 = arith.constant 8 : i32
      %get3A_570 = arith.constant 0 : i32
      %get3A_571 = arith.constant 0 : i32
      %get3A_572 = tpu.memref_slice %arg8[%scan3A_238, %get3A_570, %get3A_571] : memref<2x32x1024xf32, #tpu.memory_space<vmem>> -> memref<1x32x1024xf32, #tpu.memory_space<vmem>>
      %get3A_573 = tpu.memref_squeeze %get3A_572 : memref<1x32x1024xf32, #tpu.memory_space<vmem>> -> memref<32x1024xf32, #tpu.memory_space<vmem>>
      %get3A_574 = arith.index_cast %get3A_569 : i32 to index
      %get3A_575 = arith.index_cast %multiple_of3A : i32 to index
      %get3A_576 = tpu.vector_load %get3A_573[%get3A_574, %get3A_575] {strides = array<i32>} : memref<32x1024xf32, #tpu.memory_space<vmem>>, vector<1x16xf32>,
      %get3A_577 = vector.shape_cast %get3A_576 : vector<1x16xf32> to vector<16xf32>
      %mul3A_578 = vector.broadcast %squeeze3A_191 : f32 to vector<16xf32>
      %mul3A_579 = arith.mulf %mul3A_578, %get3A_577 : vector<16xf32>
      %get3A_580 = arith.constant 9 : i32
      %get3A_581 = arith.constant 0 : i32
      %get3A_582 = arith.constant 0 : i32
      %get3A_583 = tpu.memref_slice %arg8[%scan3A_238, %get3A_581, %get3A_582] : memref<2x32x1024xf32, #tpu.memory_space<vmem>> -> memref<1x32x1024xf32, #tpu.memory_space<vmem>>
      %get3A_584 = tpu.memref_squeeze %get3A_583 : memref<1x32x1024xf32, #tpu.memory_space<vmem>> -> memref<32x1024xf32, #tpu.memory_space<vmem>>
      %get3A_585 = arith.index_cast %get3A_580 : i32 to index
      %get3A_586 = arith.index_cast %multiple_of3A : i32 to index
      %get3A_587 = tpu.vector_load %get3A_584[%get3A_585, %get3A_586] {strides = array<i32>} : memref<32x1024xf32, #tpu.memory_space<vmem>>, vector<1x16xf32>,
      %get3A_588 = vector.shape_cast %get3A_587 : vector<1x16xf32> to vector<16xf32>
      %mul3A_589 = vector.broadcast %squeeze3A_193 : f32 to vector<16xf32>
      %mul3A_590 = arith.mulf %mul3A_589, %get3A_588 : vector<16xf32>
      %add3A_591 = arith.addf %mul3A_579, %mul3A_590 : vector<16xf32>
      %swap3A_592 = arith.constant 4 : i32
      %swap3A_593 = arith.index_cast %swap3A_592 : i32 to index
      %swap3A_594 = arith.index_cast %multiple_of3A : i32 to index
      %swap3A_595 = tpu.vector_load %arg9[%swap3A_593, %swap3A_594] {strides = array<i32>} : memref<16x1024xf32, #tpu.memory_space<vmem>>, vector<1x16xf32>,
      %swap3A_596 = vector.shape_cast %swap3A_595 : vector<1x16xf32> to vector<16xf32>
      %swap3A_597 = vector.shape_cast %add3A_591 : vector<16xf32> to vector<1x16xf32>
      tpu.vector_store %arg9[%swap3A_593, %swap3A_594], %swap3A_597 {strides = array<i32>} : memref<16x1024xf32, #tpu.memory_space<vmem>>, vector<1x16xf32>,
      %get3A_598 = arith.constant 10 : i32
      %get3A_599 = arith.constant 0 : i32
      %get3A_600 = arith.constant 0 : i32
      %get3A_601 = tpu.memref_slice %arg8[%scan3A_238, %get3A_599, %get3A_600] : memref<2x32x1024xf32, #tpu.memory_space<vmem>> -> memref<1x32x1024xf32, #tpu.memory_space<vmem>>
      %get3A_602 = tpu.memref_squeeze %get3A_601 : memref<1x32x1024xf32, #tpu.memory_space<vmem>> -> memref<32x1024xf32, #tpu.memory_space<vmem>>
      %get3A_603 = arith.index_cast %get3A_598 : i32 to index
      %get3A_604 = arith.index_cast %multiple_of3A : i32 to index
      %get3A_605 = tpu.vector_load %get3A_602[%get3A_603, %get3A_604] {strides = array<i32>} : memref<32x1024xf32, #tpu.memory_space<vmem>>, vector<1x16xf32>,
      %get3A_606 = vector.shape_cast %get3A_605 : vector<1x16xf32> to vector<16xf32>
      %mul3A_607 = vector.broadcast %squeeze3A_195 : f32 to vector<16xf32>
      %mul3A_608 = arith.mulf %mul3A_607, %get3A_606 : vector<16xf32>
      %get3A_609 = arith.constant 11 : i32
      %get3A_610 = arith.constant 0 : i32
      %get3A_611 = arith.constant 0 : i32
      %get3A_612 = tpu.memref_slice %arg8[%scan3A_238, %get3A_610, %get3A_611] : memref<2x32x1024xf32, #tpu.memory_space<vmem>> -> memref<1x32x1024xf32, #tpu.memory_space<vmem>>
      %get3A_613 = tpu.memref_squeeze %get3A_612 : memref<1x32x1024xf32, #tpu.memory_space<vmem>> -> memref<32x1024xf32, #tpu.memory_space<vmem>>
      %get3A_614 = arith.index_cast %get3A_609 : i32 to index
      %get3A_615 = arith.index_cast %multiple_of3A : i32 to index
      %get3A_616 = tpu.vector_load %get3A_613[%get3A_614, %get3A_615] {strides = array<i32>} : memref<32x1024xf32, #tpu.memory_space<vmem>>, vector<1x16xf32>,
      %get3A_617 = vector.shape_cast %get3A_616 : vector<1x16xf32> to vector<16xf32>
      %mul3A_618 = vector.broadcast %squeeze3A_197 : f32 to vector<16xf32>
      %mul3A_619 = arith.mulf %mul3A_618, %get3A_617 : vector<16xf32>
      %add3A_620 = arith.addf %mul3A_608, %mul3A_619 : vector<16xf32>
      %swap3A_621 = arith.constant 5 : i32
      %swap3A_622 = arith.index_cast %swap3A_621 : i32 to index
      %swap3A_623 = arith.index_cast %multiple_of3A : i32 to index
      %swap3A_624 = tpu.vector_load %arg9[%swap3A_622, %swap3A_623] {strides = array<i32>} : memref<16x1024xf32, #tpu.memory_space<vmem>>, vector<1x16xf32>,
      %swap3A_625 = vector.shape_cast %swap3A_624 : vector<1x16xf32> to vector<16xf32>
      %swap3A_626 = vector.shape_cast %add3A_620 : vector<16xf32> to vector<1x16xf32>
      tpu.vector_store %arg9[%swap3A_622, %swap3A_623], %swap3A_626 {strides = array<i32>} : memref<16x1024xf32, #tpu.memory_space<vmem>>, vector<1x16xf32>,
      %get3A_627 = arith.constant 12 : i32
      %get3A_628 = arith.constant 0 : i32
      %get3A_629 = arith.constant 0 : i32
      %get3A_630 = tpu.memref_slice %arg8[%scan3A_238, %get3A_628, %get3A_629] : memref<2x32x1024xf32, #tpu.memory_space<vmem>> -> memref<1x32x1024xf32, #tpu.memory_space<vmem>>
      %get3A_631 = tpu.memref_squeeze %get3A_630 : memref<1x32x1024xf32, #tpu.memory_space<vmem>> -> memref<32x1024xf32, #tpu.memory_space<vmem>>
      %get3A_632 = arith.index_cast %get3A_627 : i32 to index
      %get3A_633 = arith.index_cast %multiple_of3A : i32 to index
      %get3A_634 = tpu.vector_load %get3A_631[%get3A_632, %get3A_633] {strides = array<i32>} : memref<32x1024xf32, #tpu.memory_space<vmem>>, vector<1x16xf32>,
      %get3A_635 = vector.shape_cast %get3A_634 : vector<1x16xf32> to vector<16xf32>
      %mul3A_636 = vector.broadcast %squeeze3A_199 : f32 to vector<16xf32>
      %mul3A_637 = arith.mulf %mul3A_636, %get3A_635 : vector<16xf32>
      %get3A_638 = arith.constant 13 : i32
      %get3A_639 = arith.constant 0 : i32
      %get3A_640 = arith.constant 0 : i32
      %get3A_641 = tpu.memref_slice %arg8[%scan3A_238, %get3A_639, %get3A_640] : memref<2x32x1024xf32, #tpu.memory_space<vmem>> -> memref<1x32x1024xf32, #tpu.memory_space<vmem>>
      %get3A_642 = tpu.memref_squeeze %get3A_641 : memref<1x32x1024xf32, #tpu.memory_space<vmem>> -> memref<32x1024xf32, #tpu.memory_space<vmem>>
      %get3A_643 = arith.index_cast %get3A_638 : i32 to index
      %get3A_644 = arith.index_cast %multiple_of3A : i32 to index
      %get3A_645 = tpu.vector_load %get3A_642[%get3A_643, %get3A_644] {strides = array<i32>} : memref<32x1024xf32, #tpu.memory_space<vmem>>, vector<1x16xf32>,
      %get3A_646 = vector.shape_cast %get3A_645 : vector<1x16xf32> to vector<16xf32>
      %mul3A_647 = vector.broadcast %squeeze3A_201 : f32 to vector<16xf32>
      %mul3A_648 = arith.mulf %mul3A_647, %get3A_646 : vector<16xf32>
      %add3A_649 = arith.addf %mul3A_637, %mul3A_648 : vector<16xf32>
      %swap3A_650 = arith.constant 6 : i32
      %swap3A_651 = arith.index_cast %swap3A_650 : i32 to index
      %swap3A_652 = arith.index_cast %multiple_of3A : i32 to index
      %swap3A_653 = tpu.vector_load %arg9[%swap3A_651, %swap3A_652] {strides = array<i32>} : memref<16x1024xf32, #tpu.memory_space<vmem>>, vector<1x16xf32>,
      %swap3A_654 = vector.shape_cast %swap3A_653 : vector<1x16xf32> to vector<16xf32>
      %swap3A_655 = vector.shape_cast %add3A_649 : vector<16xf32> to vector<1x16xf32>
      tpu.vector_store %arg9[%swap3A_651, %swap3A_652], %swap3A_655 {strides = array<i32>} : memref<16x1024xf32, #tpu.memory_space<vmem>>, vector<1x16xf32>,
      %get3A_656 = arith.constant 14 : i32
      %get3A_657 = arith.constant 0 : i32
      %get3A_658 = arith.constant 0 : i32
      %get3A_659 = tpu.memref_slice %arg8[%scan3A_238, %get3A_657, %get3A_658] : memref<2x32x1024xf32, #tpu.memory_space<vmem>> -> memref<1x32x1024xf32, #tpu.memory_space<vmem>>
      %get3A_660 = tpu.memref_squeeze %get3A_659 : memref<1x32x1024xf32, #tpu.memory_space<vmem>> -> memref<32x1024xf32, #tpu.memory_space<vmem>>
      %get3A_661 = arith.index_cast %get3A_656 : i32 to index
      %get3A_662 = arith.index_cast %multiple_of3A : i32 to index
      %get3A_663 = tpu.vector_load %get3A_660[%get3A_661, %get3A_662] {strides = array<i32>} : memref<32x1024xf32, #tpu.memory_space<vmem>>, vector<1x16xf32>,
      %get3A_664 = vector.shape_cast %get3A_663 : vector<1x16xf32> to vector<16xf32>
      %mul3A_665 = vector.broadcast %squeeze3A_203 : f32 to vector<16xf32>
      %mul3A_666 = arith.mulf %mul3A_665, %get3A_664 : vector<16xf32>
      %get3A_667 = arith.constant 15 : i32
      %get3A_668 = arith.constant 0 : i32
      %get3A_669 = arith.constant 0 : i32
      %get3A_670 = tpu.memref_slice %arg8[%scan3A_238, %get3A_668, %get3A_669] : memref<2x32x1024xf32, #tpu.memory_space<vmem>> -> memref<1x32x1024xf32, #tpu.memory_space<vmem>>
      %get3A_671 = tpu.memref_squeeze %get3A_670 : memref<1x32x1024xf32, #tpu.memory_space<vmem>> -> memref<32x1024xf32, #tpu.memory_space<vmem>>
      %get3A_672 = arith.index_cast %get3A_667 : i32 to index
      %get3A_673 = arith.index_cast %multiple_of3A : i32 to index
      %get3A_674 = tpu.vector_load %get3A_671[%get3A_672, %get3A_673] {strides = array<i32>} : memref<32x1024xf32, #tpu.memory_space<vmem>>, vector<1x16xf32>,
      %get3A_675 = vector.shape_cast %get3A_674 : vector<1x16xf32> to vector<16xf32>
      %mul3A_676 = vector.broadcast %squeeze3A_205 : f32 to vector<16xf32>
      %mul3A_677 = arith.mulf %mul3A_676, %get3A_675 : vector<16xf32>
      %add3A_678 = arith.addf %mul3A_666, %mul3A_677 : vector<16xf32>
      %swap3A_679 = arith.constant 7 : i32
      %swap3A_680 = arith.index_cast %swap3A_679 : i32 to index
      %swap3A_681 = arith.index_cast %multiple_of3A : i32 to index
      %swap3A_682 = tpu.vector_load %arg9[%swap3A_680, %swap3A_681] {strides = array<i32>} : memref<16x1024xf32, #tpu.memory_space<vmem>>, vector<1x16xf32>,
      %swap3A_683 = vector.shape_cast %swap3A_682 : vector<1x16xf32> to vector<16xf32>
      %swap3A_684 = vector.shape_cast %add3A_678 : vector<16xf32> to vector<1x16xf32>
      tpu.vector_store %arg9[%swap3A_680, %swap3A_681], %swap3A_684 {strides = array<i32>} : memref<16x1024xf32, #tpu.memory_space<vmem>>, vector<1x16xf32>,
      %get3A_685 = arith.constant 16 : i32
      %get3A_686 = arith.constant 0 : i32
      %get3A_687 = arith.constant 0 : i32
      %get3A_688 = tpu.memref_slice %arg8[%scan3A_238, %get3A_686, %get3A_687] : memref<2x32x1024xf32, #tpu.memory_space<vmem>> -> memref<1x32x1024xf32, #tpu.memory_space<vmem>>
      %get3A_689 = tpu.memref_squeeze %get3A_688 : memref<1x32x1024xf32, #tpu.memory_space<vmem>> -> memref<32x1024xf32, #tpu.memory_space<vmem>>
      %get3A_690 = arith.index_cast %get3A_685 : i32 to index
      %get3A_691 = arith.index_cast %multiple_of3A : i32 to index
      %get3A_692 = tpu.vector_load %get3A_689[%get3A_690, %get3A_691] {strides = array<i32>} : memref<32x1024xf32, #tpu.memory_space<vmem>>, vector<1x16xf32>,
      %get3A_693 = vector.shape_cast %get3A_692 : vector<1x16xf32> to vector<16xf32>
      %mul3A_694 = vector.broadcast %squeeze3A_207 : f32 to vector<16xf32>
      %mul3A_695 = arith.mulf %mul3A_694, %get3A_693 : vector<16xf32>
      %get3A_696 = arith.constant 17 : i32
      %get3A_697 = arith.constant 0 : i32
      %get3A_698 = arith.constant 0 : i32
      %get3A_699 = tpu.memref_slice %arg8[%scan3A_238, %get3A_697, %get3A_698] : memref<2x32x1024xf32, #tpu.memory_space<vmem>> -> memref<1x32x1024xf32, #tpu.memory_space<vmem>>
      %get3A_700 = tpu.memref_squeeze %get3A_699 : memref<1x32x1024xf32, #tpu.memory_space<vmem>> -> memref<32x1024xf32, #tpu.memory_space<vmem>>
      %get3A_701 = arith.index_cast %get3A_696 : i32 to index
      %get3A_702 = arith.index_cast %multiple_of3A : i32 to index
      %get3A_703 = tpu.vector_load %get3A_700[%get3A_701, %get3A_702] {strides = array<i32>} : memref<32x1024xf32, #tpu.memory_space<vmem>>, vector<1x16xf32>,
      %get3A_704 = vector.shape_cast %get3A_703 : vector<1x16xf32> to vector<16xf32>
      %mul3A_705 = vector.broadcast %squeeze3A_209 : f32 to vector<16xf32>
      %mul3A_706 = arith.mulf %mul3A_705, %get3A_704 : vector<16xf32>
      %add3A_707 = arith.addf %mul3A_695, %mul3A_706 : vector<16xf32>
      %swap3A_708 = arith.constant 8 : i32
      %swap3A_709 = arith.index_cast %swap3A_708 : i32 to index
      %swap3A_710 = arith.index_cast %multiple_of3A : i32 to index
      %swap3A_711 = tpu.vector_load %arg9[%swap3A_709, %swap3A_710] {strides = array<i32>} : memref<16x1024xf32, #tpu.memory_space<vmem>>, vector<1x16xf32>,
      %swap3A_712 = vector.shape_cast %swap3A_711 : vector<1x16xf32> to vector<16xf32>
      %swap3A_713 = vector.shape_cast %add3A_707 : vector<16xf32> to vector<1x16xf32>
      tpu.vector_store %arg9[%swap3A_709, %swap3A_710], %swap3A_713 {strides = array<i32>} : memref<16x1024xf32, #tpu.memory_space<vmem>>, vector<1x16xf32>,
      %get3A_714 = arith.constant 18 : i32
      %get3A_715 = arith.constant 0 : i32
      %get3A_716 = arith.constant 0 : i32
      %get3A_717 = tpu.memref_slice %arg8[%scan3A_238, %get3A_715, %get3A_716] : memref<2x32x1024xf32, #tpu.memory_space<vmem>> -> memref<1x32x1024xf32, #tpu.memory_space<vmem>>
      %get3A_718 = tpu.memref_squeeze %get3A_717 : memref<1x32x1024xf32, #tpu.memory_space<vmem>> -> memref<32x1024xf32, #tpu.memory_space<vmem>>
      %get3A_719 = arith.index_cast %get3A_714 : i32 to index
      %get3A_720 = arith.index_cast %multiple_of3A : i32 to index
      %get3A_721 = tpu.vector_load %get3A_718[%get3A_719, %get3A_720] {strides = array<i32>} : memref<32x1024xf32, #tpu.memory_space<vmem>>, vector<1x16xf32>,
      %get3A_722 = vector.shape_cast %get3A_721 : vector<1x16xf32> to vector<16xf32>
      %mul3A_723 = vector.broadcast %squeeze3A_211 : f32 to vector<16xf32>
      %mul3A_724 = arith.mulf %mul3A_723, %get3A_722 : vector<16xf32>
      %get3A_725 = arith.constant 19 : i32
      %get3A_726 = arith.constant 0 : i32
      %get3A_727 = arith.constant 0 : i32
      %get3A_728 = tpu.memref_slice %arg8[%scan3A_238, %get3A_726, %get3A_727] : memref<2x32x1024xf32, #tpu.memory_space<vmem>> -> memref<1x32x1024xf32, #tpu.memory_space<vmem>>
      %get3A_729 = tpu.memref_squeeze %get3A_728 : memref<1x32x1024xf32, #tpu.memory_space<vmem>> -> memref<32x1024xf32, #tpu.memory_space<vmem>>
      %get3A_730 = arith.index_cast %get3A_725 : i32 to index
      %get3A_731 = arith.index_cast %multiple_of3A : i32 to index
      %get3A_732 = tpu.vector_load %get3A_729[%get3A_730, %get3A_731] {strides = array<i32>} : memref<32x1024xf32, #tpu.memory_space<vmem>>, vector<1x16xf32>,
      %get3A_733 = vector.shape_cast %get3A_732 : vector<1x16xf32> to vector<16xf32>
      %mul3A_734 = vector.broadcast %squeeze3A_213 : f32 to vector<16xf32>
      %mul3A_735 = arith.mulf %mul3A_734, %get3A_733 : vector<16xf32>
      %add3A_736 = arith.addf %mul3A_724, %mul3A_735 : vector<16xf32>
      %swap3A_737 = arith.constant 9 : i32
      %swap3A_738 = arith.index_cast %swap3A_737 : i32 to index
      %swap3A_739 = arith.index_cast %multiple_of3A : i32 to index
      %swap3A_740 = tpu.vector_load %arg9[%swap3A_738, %swap3A_739] {strides = array<i32>} : memref<16x1024xf32, #tpu.memory_space<vmem>>, vector<1x16xf32>,
      %swap3A_741 = vector.shape_cast %swap3A_740 : vector<1x16xf32> to vector<16xf32>
      %swap3A_742 = vector.shape_cast %add3A_736 : vector<16xf32> to vector<1x16xf32>
      tpu.vector_store %arg9[%swap3A_738, %swap3A_739], %swap3A_742 {strides = array<i32>} : memref<16x1024xf32, #tpu.memory_space<vmem>>, vector<1x16xf32>,
      %get3A_743 = arith.constant 20 : i32
      %get3A_744 = arith.constant 0 : i32
      %get3A_745 = arith.constant 0 : i32
      %get3A_746 = tpu.memref_slice %arg8[%scan3A_238, %get3A_744, %get3A_745] : memref<2x32x1024xf32, #tpu.memory_space<vmem>> -> memref<1x32x1024xf32, #tpu.memory_space<vmem>>
      %get3A_747 = tpu.memref_squeeze %get3A_746 : memref<1x32x1024xf32, #tpu.memory_space<vmem>> -> memref<32x1024xf32, #tpu.memory_space<vmem>>
      %get3A_748 = arith.index_cast %get3A_743 : i32 to index
      %get3A_749 = arith.index_cast %multiple_of3A : i32 to index
      %get3A_750 = tpu.vector_load %get3A_747[%get3A_748, %get3A_749] {strides = array<i32>} : memref<32x1024xf32, #tpu.memory_space<vmem>>, vector<1x16xf32>,
      %get3A_751 = vector.shape_cast %get3A_750 : vector<1x16xf32> to vector<16xf32>
      %mul3A_752 = vector.broadcast %squeeze3A_215 : f32 to vector<16xf32>
      %mul3A_753 = arith.mulf %mul3A_752, %get3A_751 : vector<16xf32>
      %get3A_754 = arith.constant 21 : i32
      %get3A_755 = arith.constant 0 : i32
      %get3A_756 = arith.constant 0 : i32
      %get3A_757 = tpu.memref_slice %arg8[%scan3A_238, %get3A_755, %get3A_756] : memref<2x32x1024xf32, #tpu.memory_space<vmem>> -> memref<1x32x1024xf32, #tpu.memory_space<vmem>>
      %get3A_758 = tpu.memref_squeeze %get3A_757 : memref<1x32x1024xf32, #tpu.memory_space<vmem>> -> memref<32x1024xf32, #tpu.memory_space<vmem>>
      %get3A_759 = arith.index_cast %get3A_754 : i32 to index
      %get3A_760 = arith.index_cast %multiple_of3A : i32 to index
      %get3A_761 = tpu.vector_load %get3A_758[%get3A_759, %get3A_760] {strides = array<i32>} : memref<32x1024xf32, #tpu.memory_space<vmem>>, vector<1x16xf32>,
      %get3A_762 = vector.shape_cast %get3A_761 : vector<1x16xf32> to vector<16xf32>
      %mul3A_763 = vector.broadcast %squeeze3A_217 : f32 to vector<16xf32>
      %mul3A_764 = arith.mulf %mul3A_763, %get3A_762 : vector<16xf32>
      %add3A_765 = arith.addf %mul3A_753, %mul3A_764 : vector<16xf32>
      %swap3A_766 = arith.constant 10 : i32
      %swap3A_767 = arith.index_cast %swap3A_766 : i32 to index
      %swap3A_768 = arith.index_cast %multiple_of3A : i32 to index
      %swap3A_769 = tpu.vector_load %arg9[%swap3A_767, %swap3A_768] {strides = array<i32>} : memref<16x1024xf32, #tpu.memory_space<vmem>>, vector<1x16xf32>,
      %swap3A_770 = vector.shape_cast %swap3A_769 : vector<1x16xf32> to vector<16xf32>
      %swap3A_771 = vector.shape_cast %add3A_765 : vector<16xf32> to vector<1x16xf32>
      tpu.vector_store %arg9[%swap3A_767, %swap3A_768], %swap3A_771 {strides = array<i32>} : memref<16x1024xf32, #tpu.memory_space<vmem>>, vector<1x16xf32>,
      %get3A_772 = arith.constant 22 : i32
      %get3A_773 = arith.constant 0 : i32
      %get3A_774 = arith.constant 0 : i32
      %get3A_775 = tpu.memref_slice %arg8[%scan3A_238, %get3A_773, %get3A_774] : memref<2x32x1024xf32, #tpu.memory_space<vmem>> -> memref<1x32x1024xf32, #tpu.memory_space<vmem>>
      %get3A_776 = tpu.memref_squeeze %get3A_775 : memref<1x32x1024xf32, #tpu.memory_space<vmem>> -> memref<32x1024xf32, #tpu.memory_space<vmem>>
      %get3A_777 = arith.index_cast %get3A_772 : i32 to index
      %get3A_778 = arith.index_cast %multiple_of3A : i32 to index
      %get3A_779 = tpu.vector_load %get3A_776[%get3A_777, %get3A_778] {strides = array<i32>} : memref<32x1024xf32, #tpu.memory_space<vmem>>, vector<1x16xf32>,
      %get3A_780 = vector.shape_cast %get3A_779 : vector<1x16xf32> to vector<16xf32>
      %mul3A_781 = vector.broadcast %squeeze3A_219 : f32 to vector<16xf32>
      %mul3A_782 = arith.mulf %mul3A_781, %get3A_780 : vector<16xf32>
      %get3A_783 = arith.constant 23 : i32
      %get3A_784 = arith.constant 0 : i32
      %get3A_785 = arith.constant 0 : i32
      %get3A_786 = tpu.memref_slice %arg8[%scan3A_238, %get3A_784, %get3A_785] : memref<2x32x1024xf32, #tpu.memory_space<vmem>> -> memref<1x32x1024xf32, #tpu.memory_space<vmem>>
      %get3A_787 = tpu.memref_squeeze %get3A_786 : memref<1x32x1024xf32, #tpu.memory_space<vmem>> -> memref<32x1024xf32, #tpu.memory_space<vmem>>
      %get3A_788 = arith.index_cast %get3A_783 : i32 to index
      %get3A_789 = arith.index_cast %multiple_of3A : i32 to index
      %get3A_790 = tpu.vector_load %get3A_787[%get3A_788, %get3A_789] {strides = array<i32>} : memref<32x1024xf32, #tpu.memory_space<vmem>>, vector<1x16xf32>,
      %get3A_791 = vector.shape_cast %get3A_790 : vector<1x16xf32> to vector<16xf32>
      %mul3A_792 = vector.broadcast %squeeze3A_221 : f32 to vector<16xf32>
      %mul3A_793 = arith.mulf %mul3A_792, %get3A_791 : vector<16xf32>
      %add3A_794 = arith.addf %mul3A_782, %mul3A_793 : vector<16xf32>
      %swap3A_795 = arith.constant 11 : i32
      %swap3A_796 = arith.index_cast %swap3A_795 : i32 to index
      %swap3A_797 = arith.index_cast %multiple_of3A : i32 to index
      %swap3A_798 = tpu.vector_load %arg9[%swap3A_796, %swap3A_797] {strides = array<i32>} : memref<16x1024xf32, #tpu.memory_space<vmem>>, vector<1x16xf32>,
      %swap3A_799 = vector.shape_cast %swap3A_798 : vector<1x16xf32> to vector<16xf32>
      %swap3A_800 = vector.shape_cast %add3A_794 : vector<16xf32> to vector<1x16xf32>
      tpu.vector_store %arg9[%swap3A_796, %swap3A_797], %swap3A_800 {strides = array<i32>} : memref<16x1024xf32, #tpu.memory_space<vmem>>, vector<1x16xf32>,
      %get3A_801 = arith.constant 24 : i32
      %get3A_802 = arith.constant 0 : i32
      %get3A_803 = arith.constant 0 : i32
      %get3A_804 = tpu.memref_slice %arg8[%scan3A_238, %get3A_802, %get3A_803] : memref<2x32x1024xf32, #tpu.memory_space<vmem>> -> memref<1x32x1024xf32, #tpu.memory_space<vmem>>
      %get3A_805 = tpu.memref_squeeze %get3A_804 : memref<1x32x1024xf32, #tpu.memory_space<vmem>> -> memref<32x1024xf32, #tpu.memory_space<vmem>>
      %get3A_806 = arith.index_cast %get3A_801 : i32 to index
      %get3A_807 = arith.index_cast %multiple_of3A : i32 to index
      %get3A_808 = tpu.vector_load %get3A_805[%get3A_806, %get3A_807] {strides = array<i32>} : memref<32x1024xf32, #tpu.memory_space<vmem>>, vector<1x16xf32>,
      %get3A_809 = vector.shape_cast %get3A_808 : vector<1x16xf32> to vector<16xf32>
      %mul3A_810 = vector.broadcast %squeeze3A_223 : f32 to vector<16xf32>
      %mul3A_811 = arith.mulf %mul3A_810, %get3A_809 : vector<16xf32>
      %get3A_812 = arith.constant 25 : i32
      %get3A_813 = arith.constant 0 : i32
      %get3A_814 = arith.constant 0 : i32
      %get3A_815 = tpu.memref_slice %arg8[%scan3A_238, %get3A_813, %get3A_814] : memref<2x32x1024xf32, #tpu.memory_space<vmem>> -> memref<1x32x1024xf32, #tpu.memory_space<vmem>>
      %get3A_816 = tpu.memref_squeeze %get3A_815 : memref<1x32x1024xf32, #tpu.memory_space<vmem>> -> memref<32x1024xf32, #tpu.memory_space<vmem>>
      %get3A_817 = arith.index_cast %get3A_812 : i32 to index
      %get3A_818 = arith.index_cast %multiple_of3A : i32 to index
      %get3A_819 = tpu.vector_load %get3A_816[%get3A_817, %get3A_818] {strides = array<i32>} : memref<32x1024xf32, #tpu.memory_space<vmem>>, vector<1x16xf32>,
      %get3A_820 = vector.shape_cast %get3A_819 : vector<1x16xf32> to vector<16xf32>
      %mul3A_821 = vector.broadcast %squeeze3A_225 : f32 to vector<16xf32>
      %mul3A_822 = arith.mulf %mul3A_821, %get3A_820 : vector<16xf32>
      %add3A_823 = arith.addf %mul3A_811, %mul3A_822 : vector<16xf32>
      %swap3A_824 = arith.constant 12 : i32
      %swap3A_825 = arith.index_cast %swap3A_824 : i32 to index
      %swap3A_826 = arith.index_cast %multiple_of3A : i32 to index
      %swap3A_827 = tpu.vector_load %arg9[%swap3A_825, %swap3A_826] {strides = array<i32>} : memref<16x1024xf32, #tpu.memory_space<vmem>>, vector<1x16xf32>,
      %swap3A_828 = vector.shape_cast %swap3A_827 : vector<1x16xf32> to vector<16xf32>
      %swap3A_829 = vector.shape_cast %add3A_823 : vector<16xf32> to vector<1x16xf32>
      tpu.vector_store %arg9[%swap3A_825, %swap3A_826], %swap3A_829 {strides = array<i32>} : memref<16x1024xf32, #tpu.memory_space<vmem>>, vector<1x16xf32>,
      %get3A_830 = arith.constant 26 : i32
      %get3A_831 = arith.constant 0 : i32
      %get3A_832 = arith.constant 0 : i32
      %get3A_833 = tpu.memref_slice %arg8[%scan3A_238, %get3A_831, %get3A_832] : memref<2x32x1024xf32, #tpu.memory_space<vmem>> -> memref<1x32x1024xf32, #tpu.memory_space<vmem>>
      %get3A_834 = tpu.memref_squeeze %get3A_833 : memref<1x32x1024xf32, #tpu.memory_space<vmem>> -> memref<32x1024xf32, #tpu.memory_space<vmem>>
      %get3A_835 = arith.index_cast %get3A_830 : i32 to index
      %get3A_836 = arith.index_cast %multiple_of3A : i32 to index
      %get3A_837 = tpu.vector_load %get3A_834[%get3A_835, %get3A_836] {strides = array<i32>} : memref<32x1024xf32, #tpu.memory_space<vmem>>, vector<1x16xf32>,
      %get3A_838 = vector.shape_cast %get3A_837 : vector<1x16xf32> to vector<16xf32>
      %mul3A_839 = vector.broadcast %squeeze3A_227 : f32 to vector<16xf32>
      %mul3A_840 = arith.mulf %mul3A_839, %get3A_838 : vector<16xf32>
      %get3A_841 = arith.constant 27 : i32
      %get3A_842 = arith.constant 0 : i32
      %get3A_843 = arith.constant 0 : i32
      %get3A_844 = tpu.memref_slice %arg8[%scan3A_238, %get3A_842, %get3A_843] : memref<2x32x1024xf32, #tpu.memory_space<vmem>> -> memref<1x32x1024xf32, #tpu.memory_space<vmem>>
      %get3A_845 = tpu.memref_squeeze %get3A_844 : memref<1x32x1024xf32, #tpu.memory_space<vmem>> -> memref<32x1024xf32, #tpu.memory_space<vmem>>
      %get3A_846 = arith.index_cast %get3A_841 : i32 to index
      %get3A_847 = arith.index_cast %multiple_of3A : i32 to index
      %get3A_848 = tpu.vector_load %get3A_845[%get3A_846, %get3A_847] {strides = array<i32>} : memref<32x1024xf32, #tpu.memory_space<vmem>>, vector<1x16xf32>,
      %get3A_849 = vector.shape_cast %get3A_848 : vector<1x16xf32> to vector<16xf32>
      %mul3A_850 = vector.broadcast %squeeze3A_229 : f32 to vector<16xf32>
      %mul3A_851 = arith.mulf %mul3A_850, %get3A_849 : vector<16xf32>
      %add3A_852 = arith.addf %mul3A_840, %mul3A_851 : vector<16xf32>
      %swap3A_853 = arith.constant 13 : i32
      %swap3A_854 = arith.index_cast %swap3A_853 : i32 to index
      %swap3A_855 = arith.index_cast %multiple_of3A : i32 to index
      %swap3A_856 = tpu.vector_load %arg9[%swap3A_854, %swap3A_855] {strides = array<i32>} : memref<16x1024xf32, #tpu.memory_space<vmem>>, vector<1x16xf32>,
      %swap3A_857 = vector.shape_cast %swap3A_856 : vector<1x16xf32> to vector<16xf32>
      %swap3A_858 = vector.shape_cast %add3A_852 : vector<16xf32> to vector<1x16xf32>
      tpu.vector_store %arg9[%swap3A_854, %swap3A_855], %swap3A_858 {strides = array<i32>} : memref<16x1024xf32, #tpu.memory_space<vmem>>, vector<1x16xf32>,
      %get3A_859 = arith.constant 28 : i32
      %get3A_860 = arith.constant 0 : i32
      %get3A_861 = arith.constant 0 : i32
      %get3A_862 = tpu.memref_slice %arg8[%scan3A_238, %get3A_860, %get3A_861] : memref<2x32x1024xf32, #tpu.memory_space<vmem>> -> memref<1x32x1024xf32, #tpu.memory_space<vmem>>
      %get3A_863 = tpu.memref_squeeze %get3A_862 : memref<1x32x1024xf32, #tpu.memory_space<vmem>> -> memref<32x1024xf32, #tpu.memory_space<vmem>>
      %get3A_864 = arith.index_cast %get3A_859 : i32 to index
      %get3A_865 = arith.index_cast %multiple_of3A : i32 to index
      %get3A_866 = tpu.vector_load %get3A_863[%get3A_864, %get3A_865] {strides = array<i32>} : memref<32x1024xf32, #tpu.memory_space<vmem>>, vector<1x16xf32>,
      %get3A_867 = vector.shape_cast %get3A_866 : vector<1x16xf32> to vector<16xf32>
      %mul3A_868 = vector.broadcast %squeeze3A_231 : f32 to vector<16xf32>
      %mul3A_869 = arith.mulf %mul3A_868, %get3A_867 : vector<16xf32>
      %get3A_870 = arith.constant 29 : i32
      %get3A_871 = arith.constant 0 : i32
      %get3A_872 = arith.constant 0 : i32
      %get3A_873 = tpu.memref_slice %arg8[%scan3A_238, %get3A_871, %get3A_872] : memref<2x32x1024xf32, #tpu.memory_space<vmem>> -> memref<1x32x1024xf32, #tpu.memory_space<vmem>>
      %get3A_874 = tpu.memref_squeeze %get3A_873 : memref<1x32x1024xf32, #tpu.memory_space<vmem>> -> memref<32x1024xf32, #tpu.memory_space<vmem>>
      %get3A_875 = arith.index_cast %get3A_870 : i32 to index
      %get3A_876 = arith.index_cast %multiple_of3A : i32 to index
      %get3A_877 = tpu.vector_load %get3A_874[%get3A_875, %get3A_876] {strides = array<i32>} : memref<32x1024xf32, #tpu.memory_space<vmem>>, vector<1x16xf32>,
      %get3A_878 = vector.shape_cast %get3A_877 : vector<1x16xf32> to vector<16xf32>
      %mul3A_879 = vector.broadcast %squeeze3A_233 : f32 to vector<16xf32>
      %mul3A_880 = arith.mulf %mul3A_879, %get3A_878 : vector<16xf32>
      %add3A_881 = arith.addf %mul3A_869, %mul3A_880 : vector<16xf32>
      %swap3A_882 = arith.constant 14 : i32
      %swap3A_883 = arith.index_cast %swap3A_882 : i32 to index
      %swap3A_884 = arith.index_cast %multiple_of3A : i32 to index
      %swap3A_885 = tpu.vector_load %arg9[%swap3A_883, %swap3A_884] {strides = array<i32>} : memref<16x1024xf32, #tpu.memory_space<vmem>>, vector<1x16xf32>,
      %swap3A_886 = vector.shape_cast %swap3A_885 : vector<1x16xf32> to vector<16xf32>
      %swap3A_887 = vector.shape_cast %add3A_881 : vector<16xf32> to vector<1x16xf32>
      tpu.vector_store %arg9[%swap3A_883, %swap3A_884], %swap3A_887 {strides = array<i32>} : memref<16x1024xf32, #tpu.memory_space<vmem>>, vector<1x16xf32>,
      %get3A_888 = arith.constant 30 : i32
      %get3A_889 = arith.constant 0 : i32
      %get3A_890 = arith.constant 0 : i32
      %get3A_891 = tpu.memref_slice %arg8[%scan3A_238, %get3A_889, %get3A_890] : memref<2x32x1024xf32, #tpu.memory_space<vmem>> -> memref<1x32x1024xf32, #tpu.memory_space<vmem>>
      %get3A_892 = tpu.memref_squeeze %get3A_891 : memref<1x32x1024xf32, #tpu.memory_space<vmem>> -> memref<32x1024xf32, #tpu.memory_space<vmem>>
      %get3A_893 = arith.index_cast %get3A_888 : i32 to index
      %get3A_894 = arith.index_cast %multiple_of3A : i32 to index
      %get3A_895 = tpu.vector_load %get3A_892[%get3A_893, %get3A_894] {strides = array<i32>} : memref<32x1024xf32, #tpu.memory_space<vmem>>, vector<1x16xf32>,
      %get3A_896 = vector.shape_cast %get3A_895 : vector<1x16xf32> to vector<16xf32>
      %mul3A_897 = vector.broadcast %squeeze3A_235 : f32 to vector<16xf32>
      %mul3A_898 = arith.mulf %mul3A_897, %get3A_896 : vector<16xf32>
      %get3A_899 = arith.constant 31 : i32
      %get3A_900 = arith.constant 0 : i32
      %get3A_901 = arith.constant 0 : i32
      %get3A_902 = tpu.memref_slice %arg8[%scan3A_238, %get3A_900, %get3A_901] : memref<2x32x1024xf32, #tpu.memory_space<vmem>> -> memref<1x32x1024xf32, #tpu.memory_space<vmem>>
      %get3A_903 = tpu.memref_squeeze %get3A_902 : memref<1x32x1024xf32, #tpu.memory_space<vmem>> -> memref<32x1024xf32, #tpu.memory_space<vmem>>
      %get3A_904 = arith.index_cast %get3A_899 : i32 to index
      %get3A_905 = arith.index_cast %multiple_of3A : i32 to index
      %get3A_906 = tpu.vector_load %get3A_903[%get3A_904, %get3A_905] {strides = array<i32>} : memref<32x1024xf32, #tpu.memory_space<vmem>>, vector<1x16xf32>,
      %get3A_907 = vector.shape_cast %get3A_906 : vector<1x16xf32> to vector<16xf32>
      %mul3A_908 = vector.broadcast %squeeze3A_237 : f32 to vector<16xf32>
      %mul3A_909 = arith.mulf %mul3A_908, %get3A_907 : vector<16xf32>
      %add3A_910 = arith.addf %mul3A_898, %mul3A_909 : vector<16xf32>
      %swap3A_911 = arith.constant 15 : i32
      %swap3A_912 = arith.index_cast %swap3A_911 : i32 to index
      %swap3A_913 = arith.index_cast %multiple_of3A : i32 to index
      %swap3A_914 = tpu.vector_load %arg9[%swap3A_912, %swap3A_913] {strides = array<i32>} : memref<16x1024xf32, #tpu.memory_space<vmem>>, vector<1x16xf32>,
      %swap3A_915 = vector.shape_cast %swap3A_914 : vector<1x16xf32> to vector<16xf32>
      %swap3A_916 = vector.shape_cast %add3A_910 : vector<16xf32> to vector<1x16xf32>
      tpu.vector_store %arg9[%swap3A_912, %swap3A_913], %swap3A_916 {strides = array<i32>} : memref<16x1024xf32, #tpu.memory_space<vmem>>, vector<1x16xf32>,
      %scan3A_917 = arith.constant 0 : i32
      scf.yield %scan3A_917 : i32
    }
    %scan3A_245 = arith.constant 64 : i32
    %mul3A_246 = arith.constant 64 : i32
    %mul3A_247 = arith.muli %add3A, %mul3A_246 : i32
    %add3A_248 = arith.constant 16 : i32
    %add3A_249 = arith.addi %mul3A_247, %add3A_248 : i32
    "tpu.region"() ({
      %run_scoped3A_450 = tpu.sem_alloc : memref<!tpu.dma_semaphore, #tpu.memory_space<semaphore_mem>>
      %dma_start3A_451 = arith.constant 0 : i32
      %dma_start3A_452 = tpu.memref_slice %arg5[%add3A_249, %dma_start3A_451] : memref<2048x1024xf32, #tpu.memory_space<hbm>> -> memref<16x1024xf32, #tpu.memory_space<hbm>>
      %dma_start3A_453 = arith.constant 0 : i32
      %dma_start3A_454 = tpu.memref_slice %arg5[%add3A_249, %dma_start3A_453] : memref<2048x1024xf32, #tpu.memory_space<hbm>> -> memref<16x1024xf32, #tpu.memory_space<hbm>>
      tpu.enqueue_dma source(%arg9 : memref<16x1024xf32, #tpu.memory_space<vmem>>) target(%dma_start3A_454 : memref<16x1024xf32, #tpu.memory_space<hbm>>) target_semaphore(%run_scoped3A_450 : memref<!tpu.dma_semaphore, #tpu.memory_space<semaphore_mem>>)
      %dma_wait3A_455 = arith.constant 0 : i32
      %dma_wait3A_456 = tpu.memref_slice %arg5[%add3A_249, %dma_wait3A_455] : memref<2048x1024xf32, #tpu.memory_space<hbm>> -> memref<16x1024xf32, #tpu.memory_space<hbm>>
      %dma_wait3A_457 = arith.constant 0 : i32
      %dma_wait3A_458 = tpu.memref_slice %arg5[%add3A_249, %dma_wait3A_457] : memref<2048x1024xf32, #tpu.memory_space<hbm>> -> memref<16x1024xf32, #tpu.memory_space<hbm>>
      tpu.wait_dma2 semaphore(%run_scoped3A_450 : memref<!tpu.dma_semaphore, #tpu.memory_space<semaphore_mem>>) src(%arg9 : memref<16x1024xf32, #tpu.memory_space<vmem>>) dst(%dma_wait3A_458 : memref<16x1024xf32, #tpu.memory_space<hbm>>)
      tpu.yield
    }) : () -> ()
    %dma_wait3A_250 = arith.constant 2 : i32
    %dma_wait3A_251 = arith.constant 0 : i32
    %dma_wait3A_252 = arith.constant 0 : i32
    %dma_wait3A_253 = arith.constant 0 : i32
    %dma_wait3A_254 = tpu.memref_slice %arg8[%dma_wait3A_251, %dma_wait3A_252, %dma_wait3A_253] : memref<2x32x1024xf32, #tpu.memory_space<vmem>> -> memref<1x32x1024xf32, #tpu.memory_space<vmem>>
    %dma_wait3A_255 = tpu.memref_squeeze %dma_wait3A_254 : memref<1x32x1024xf32, #tpu.memory_space<vmem>> -> memref<32x1024xf32, #tpu.memory_space<vmem>>
    %dma_wait3A_256 = arith.constant 0 : i32
    %dma_wait3A_257 = tpu.memref_slice %arg6[%dma_wait3A_250, %dma_wait3A_256] : memref<4x32xi32, #tpu.memory_space<vmem>> -> memref<1x32xi32, #tpu.memory_space<vmem>>
    %dma_wait3A_258 = tpu.memref_squeeze %dma_wait3A_257 : memref<1x32xi32, #tpu.memory_space<vmem>> -> memref<32xi32, #tpu.memory_space<vmem>>
    %dma_wait3A_259 = arith.constant 0 : i32
    %dma_wait3A_260 = arith.constant 0 : i32
    %dma_wait3A_261 = tpu.memref_slice %arg2[%dma_wait3A_259, %dma_wait3A_260] : memref<8704x1024xf32, #tpu.memory_space<hbm>> -> memref<8704x1024xf32, #tpu.memory_space<hbm>>
    tpu.wait_indirect_dma semaphore(%arg10 : memref<!tpu.dma_semaphore, #tpu.memory_space<semaphore_mem>>) src(%dma_wait3A_261 : memref<8704x1024xf32, #tpu.memory_space<hbm>>) dst(%dma_wait3A_255 : memref<32x1024xf32, #tpu.memory_space<vmem>>)
    %dma_start3A_262 = arith.constant 3 : i32
    %dma_start3A_263 = arith.constant 1 : i32
    %dma_start3A_264 = arith.constant 0 : i32
    %dma_start3A_265 = arith.constant 0 : i32
    %dma_start3A_266 = tpu.memref_slice %arg8[%dma_start3A_263, %dma_start3A_264, %dma_start3A_265] : memref<2x32x1024xf32, #tpu.memory_space<vmem>> -> memref<1x32x1024xf32, #tpu.memory_space<vmem>>
    %dma_start3A_267 = tpu.memref_squeeze %dma_start3A_266 : memref<1x32x1024xf32, #tpu.memory_space<vmem>> -> memref<32x1024xf32, #tpu.memory_space<vmem>>
    %dma_start3A_268 = arith.constant 0 : i32
    %dma_start3A_269 = tpu.memref_slice %arg6[%dma_start3A_262, %dma_start3A_268] : memref<4x32xi32, #tpu.memory_space<vmem>> -> memref<1x32xi32, #tpu.memory_space<vmem>>
    %dma_start3A_270 = tpu.memref_squeeze %dma_start3A_269 : memref<1x32xi32, #tpu.memory_space<vmem>> -> memref<32xi32, #tpu.memory_space<vmem>>
    %dma_start3A_271 = arith.constant 0 : i32
    %dma_start3A_272 = arith.constant 0 : i32
    %dma_start3A_273 = tpu.memref_slice %arg2[%dma_start3A_271, %dma_start3A_272] : memref<8704x1024xf32, #tpu.memory_space<hbm>> -> memref<8704x1024xf32, #tpu.memory_space<hbm>>
    tpu.enqueue_indirect_dma source(%dma_start3A_273 : memref<8704x1024xf32, #tpu.memory_space<hbm>>) target(%dma_start3A_267 : memref<32x1024xf32, #tpu.memory_space<vmem>>) offsets(%dma_start3A_270 : memref<32xi32, #tpu.memory_space<vmem>>) semaphore(%arg11 : memref<!tpu.dma_semaphore, #tpu.memory_space<semaphore_mem>>)
    %get3A_274 = arith.constant 64 : index
    %get3A_275 = tpu.vector_load %arg7[%get3A_274] {strides = array<i32>} : memref<128xf32, #tpu.memory_space<vmem>>, vector<16xf32>,
    %get3A_276 = vector.shape_cast %get3A_275 : vector<16xf32> to vector<16xf32>
    %get3A_277 = arith.constant 80 : index
    %get3A_278 = tpu.vector_load %arg7[%get3A_277] {strides = array<i32>} : memref<128xf32, #tpu.memory_space<vmem>>, vector<16xf32>,
    %get3A_279 = vector.shape_cast %get3A_278 : vector<16xf32> to vector<16xf32>
    %slice3A_280 = vector.extract_strided_slice %get3A_276 {offsets = [0], sizes = [1], strides = [1]} : vector<16xf32> to vector<1xf32>
    %squeeze3A_281 = vector.extract %slice3A_280[0] : f32 from vector<1xf32>
    %slice3A_282 = vector.extract_strided_slice %get3A_276 {offsets = [1], sizes = [1], strides = [1]} : vector<16xf32> to vector<1xf32>
    %squeeze3A_283 = vector.extract %slice3A_282[0] : f32 from vector<1xf32>
    %slice3A_284 = vector.extract_strided_slice %get3A_276 {offsets = [2], sizes = [1], strides = [1]} : vector<16xf32> to vector<1xf32>
    %squeeze3A_285 = vector.extract %slice3A_284[0] : f32 from vector<1xf32>
    %slice3A_286 = vector.extract_strided_slice %get3A_276 {offsets = [3], sizes = [1], strides = [1]} : vector<16xf32> to vector<1xf32>
    %squeeze3A_287 = vector.extract %slice3A_286[0] : f32 from vector<1xf32>
    %slice3A_288 = vector.extract_strided_slice %get3A_276 {offsets = [4], sizes = [1], strides = [1]} : vector<16xf32> to vector<1xf32>
    %squeeze3A_289 = vector.extract %slice3A_288[0] : f32 from vector<1xf32>
    %slice3A_290 = vector.extract_strided_slice %get3A_276 {offsets = [5], sizes = [1], strides = [1]} : vector<16xf32> to vector<1xf32>
    %squeeze3A_291 = vector.extract %slice3A_290[0] : f32 from vector<1xf32>
    %slice3A_292 = vector.extract_strided_slice %get3A_276 {offsets = [6], sizes = [1], strides = [1]} : vector<16xf32> to vector<1xf32>
    %squeeze3A_293 = vector.extract %slice3A_292[0] : f32 from vector<1xf32>
    %slice3A_294 = vector.extract_strided_slice %get3A_276 {offsets = [7], sizes = [1], strides = [1]} : vector<16xf32> to vector<1xf32>
    %squeeze3A_295 = vector.extract %slice3A_294[0] : f32 from vector<1xf32>
    %slice3A_296 = vector.extract_strided_slice %get3A_276 {offsets = [8], sizes = [1], strides = [1]} : vector<16xf32> to vector<1xf32>
    %squeeze3A_297 = vector.extract %slice3A_296[0] : f32 from vector<1xf32>
    %slice3A_298 = vector.extract_strided_slice %get3A_276 {offsets = [9], sizes = [1], strides = [1]} : vector<16xf32> to vector<1xf32>
    %squeeze3A_299 = vector.extract %slice3A_298[0] : f32 from vector<1xf32>
    %slice3A_300 = vector.extract_strided_slice %get3A_276 {offsets = [10], sizes = [1], strides = [1]} : vector<16xf32> to vector<1xf32>
    %squeeze3A_301 = vector.extract %slice3A_300[0] : f32 from vector<1xf32>
    %slice3A_302 = vector.extract_strided_slice %get3A_276 {offsets = [11], sizes = [1], strides = [1]} : vector<16xf32> to vector<1xf32>
    %squeeze3A_303 = vector.extract %slice3A_302[0] : f32 from vector<1xf32>
    %slice3A_304 = vector.extract_strided_slice %get3A_276 {offsets = [12], sizes = [1], strides = [1]} : vector<16xf32> to vector<1xf32>
    %squeeze3A_305 = vector.extract %slice3A_304[0] : f32 from vector<1xf32>
    %slice3A_306 = vector.extract_strided_slice %get3A_276 {offsets = [13], sizes = [1], strides = [1]} : vector<16xf32> to vector<1xf32>
    %squeeze3A_307 = vector.extract %slice3A_306[0] : f32 from vector<1xf32>
    %slice3A_308 = vector.extract_strided_slice %get3A_276 {offsets = [14], sizes = [1], strides = [1]} : vector<16xf32> to vector<1xf32>
    %squeeze3A_309 = vector.extract %slice3A_308[0] : f32 from vector<1xf32>
    %slice3A_310 = vector.extract_strided_slice %get3A_276 {offsets = [15], sizes = [1], strides = [1]} : vector<16xf32> to vector<1xf32>
    %squeeze3A_311 = vector.extract %slice3A_310[0] : f32 from vector<1xf32>
    %slice3A_312 = vector.extract_strided_slice %get3A_279 {offsets = [0], sizes = [1], strides = [1]} : vector<16xf32> to vector<1xf32>
    %squeeze3A_313 = vector.extract %slice3A_312[0] : f32 from vector<1xf32>
    %slice3A_314 = vector.extract_strided_slice %get3A_279 {offsets = [1], sizes = [1], strides = [1]} : vector<16xf32> to vector<1xf32>
    %squeeze3A_315 = vector.extract %slice3A_314[0] : f32 from vector<1xf32>
    %slice3A_316 = vector.extract_strided_slice %get3A_279 {offsets = [2], sizes = [1], strides = [1]} : vector<16xf32> to vector<1xf32>
    %squeeze3A_317 = vector.extract %slice3A_316[0] : f32 from vector<1xf32>
    %slice3A_318 = vector.extract_strided_slice %get3A_279 {offsets = [3], sizes = [1], strides = [1]} : vector<16xf32> to vector<1xf32>
    %squeeze3A_319 = vector.extract %slice3A_318[0] : f32 from vector<1xf32>
    %slice3A_320 = vector.extract_strided_slice %get3A_279 {offsets = [4], sizes = [1], strides = [1]} : vector<16xf32> to vector<1xf32>
    %squeeze3A_321 = vector.extract %slice3A_320[0] : f32 from vector<1xf32>
    %slice3A_322 = vector.extract_strided_slice %get3A_279 {offsets = [5], sizes = [1], strides = [1]} : vector<16xf32> to vector<1xf32>
    %squeeze3A_323 = vector.extract %slice3A_322[0] : f32 from vector<1xf32>
    %slice3A_324 = vector.extract_strided_slice %get3A_279 {offsets = [6], sizes = [1], strides = [1]} : vector<16xf32> to vector<1xf32>
    %squeeze3A_325 = vector.extract %slice3A_324[0] : f32 from vector<1xf32>
    %slice3A_326 = vector.extract_strided_slice %get3A_279 {offsets = [7], sizes = [1], strides = [1]} : vector<16xf32> to vector<1xf32>
    %squeeze3A_327 = vector.extract %slice3A_326[0] : f32 from vector<1xf32>
    %slice3A_328 = vector.extract_strided_slice %get3A_279 {offsets = [8], sizes = [1], strides = [1]} : vector<16xf32> to vector<1xf32>
    %squeeze3A_329 = vector.extract %slice3A_328[0] : f32 from vector<1xf32>
    %slice3A_330 = vector.extract_strided_slice %get3A_279 {offsets = [9], sizes = [1], strides = [1]} : vector<16xf32> to vector<1xf32>
    %squeeze3A_331 = vector.extract %slice3A_330[0] : f32 from vector<1xf32>
    %slice3A_332 = vector.extract_strided_slice %get3A_279 {offsets = [10], sizes = [1], strides = [1]} : vector<16xf32> to vector<1xf32>
    %squeeze3A_333 = vector.extract %slice3A_332[0] : f32 from vector<1xf32>
    %slice3A_334 = vector.extract_strided_slice %get3A_279 {offsets = [11], sizes = [1], strides = [1]} : vector<16xf32> to vector<1xf32>
    %squeeze3A_335 = vector.extract %slice3A_334[0] : f32 from vector<1xf32>
    %slice3A_336 = vector.extract_strided_slice %get3A_279 {offsets = [12], sizes = [1], strides = [1]} : vector<16xf32> to vector<1xf32>
    %squeeze3A_337 = vector.extract %slice3A_336[0] : f32 from vector<1xf32>
    %slice3A_338 = vector.extract_strided_slice %get3A_279 {offsets = [13], sizes = [1], strides = [1]} : vector<16xf32> to vector<1xf32>
    %squeeze3A_339 = vector.extract %slice3A_338[0] : f32 from vector<1xf32>
    %slice3A_340 = vector.extract_strided_slice %get3A_279 {offsets = [14], sizes = [1], strides = [1]} : vector<16xf32> to vector<1xf32>
    %squeeze3A_341 = vector.extract %slice3A_340[0] : f32 from vector<1xf32>
    %slice3A_342 = vector.extract_strided_slice %get3A_279 {offsets = [15], sizes = [1], strides = [1]} : vector<16xf32> to vector<1xf32>
    %squeeze3A_343 = vector.extract %slice3A_342[0] : f32 from vector<1xf32>
    %scan3A_344 = arith.constant 0 : i32
    %scan3A_345 = arith.constant 0 : i32
    %scan3A_346 = arith.constant 0 : i32
    %scan3A_347 = arith.constant 64 : i32
    %scan3A_348 = arith.addi %scan3A_346, %scan3A_347 : i32
    %scan3A_349 = arith.constant 1 : i32
    %scan3A_350 = scf.for %scan3A_450 = %scan3A_346 to %scan3A_348 step %scan3A_349 iter_args(%scan3A_451 = %scan3A_345) -> (i32)  : i32 {
      %mul3A_452 = arith.constant 16 : i32
      %mul3A_453 = arith.muli %scan3A_450, %mul3A_452 : i32
      %multiple_of3A = tpu.assume_multiple %mul3A_453, 16 : i32
      %get3A_454 = arith.constant 0 : i32
      %get3A_455 = arith.constant 0 : i32
      %get3A_456 = arith.constant 0 : i32
      %get3A_457 = tpu.memref_slice %arg8[%scan3A_344, %get3A_455, %get3A_456] : memref<2x32x1024xf32, #tpu.memory_space<vmem>> -> memref<1x32x1024xf32, #tpu.memory_space<vmem>>
      %get3A_458 = tpu.memref_squeeze %get3A_457 : memref<1x32x1024xf32, #tpu.memory_space<vmem>> -> memref<32x1024xf32, #tpu.memory_space<vmem>>
      %get3A_459 = arith.index_cast %get3A_454 : i32 to index
      %get3A_460 = arith.index_cast %multiple_of3A : i32 to index
      %get3A_461 = tpu.vector_load %get3A_458[%get3A_459, %get3A_460] {strides = array<i32>} : memref<32x1024xf32, #tpu.memory_space<vmem>>, vector<1x16xf32>,
      %get3A_462 = vector.shape_cast %get3A_461 : vector<1x16xf32> to vector<16xf32>
      %mul3A_463 = vector.broadcast %squeeze3A_281 : f32 to vector<16xf32>
      %mul3A_464 = arith.mulf %mul3A_463, %get3A_462 : vector<16xf32>
      %get3A_465 = arith.constant 1 : i32
      %get3A_466 = arith.constant 0 : i32
      %get3A_467 = arith.constant 0 : i32
      %get3A_468 = tpu.memref_slice %arg8[%scan3A_344, %get3A_466, %get3A_467] : memref<2x32x1024xf32, #tpu.memory_space<vmem>> -> memref<1x32x1024xf32, #tpu.memory_space<vmem>>
      %get3A_469 = tpu.memref_squeeze %get3A_468 : memref<1x32x1024xf32, #tpu.memory_space<vmem>> -> memref<32x1024xf32, #tpu.memory_space<vmem>>
      %get3A_470 = arith.index_cast %get3A_465 : i32 to index
      %get3A_471 = arith.index_cast %multiple_of3A : i32 to index
      %get3A_472 = tpu.vector_load %get3A_469[%get3A_470, %get3A_471] {strides = array<i32>} : memref<32x1024xf32, #tpu.memory_space<vmem>>, vector<1x16xf32>,
      %get3A_473 = vector.shape_cast %get3A_472 : vector<1x16xf32> to vector<16xf32>
      %mul3A_474 = vector.broadcast %squeeze3A_283 : f32 to vector<16xf32>
      %mul3A_475 = arith.mulf %mul3A_474, %get3A_473 : vector<16xf32>
      %add3A_476 = arith.addf %mul3A_464, %mul3A_475 : vector<16xf32>
      %swap3A = arith.constant 0 : i32
      %swap3A_477 = arith.index_cast %swap3A : i32 to index
      %swap3A_478 = arith.index_cast %multiple_of3A : i32 to index
      %swap3A_479 = tpu.vector_load %arg9[%swap3A_477, %swap3A_478] {strides = array<i32>} : memref<16x1024xf32, #tpu.memory_space<vmem>>, vector<1x16xf32>,
      %swap3A_480 = vector.shape_cast %swap3A_479 : vector<1x16xf32> to vector<16xf32>
      %swap3A_481 = vector.shape_cast %add3A_476 : vector<16xf32> to vector<1x16xf32>
      tpu.vector_store %arg9[%swap3A_477, %swap3A_478], %swap3A_481 {strides = array<i32>} : memref<16x1024xf32, #tpu.memory_space<vmem>>, vector<1x16xf32>,
      %get3A_482 = arith.constant 2 : i32
      %get3A_483 = arith.constant 0 : i32
      %get3A_484 = arith.constant 0 : i32
      %get3A_485 = tpu.memref_slice %arg8[%scan3A_344, %get3A_483, %get3A_484] : memref<2x32x1024xf32, #tpu.memory_space<vmem>> -> memref<1x32x1024xf32, #tpu.memory_space<vmem>>
      %get3A_486 = tpu.memref_squeeze %get3A_485 : memref<1x32x1024xf32, #tpu.memory_space<vmem>> -> memref<32x1024xf32, #tpu.memory_space<vmem>>
      %get3A_487 = arith.index_cast %get3A_482 : i32 to index
      %get3A_488 = arith.index_cast %multiple_of3A : i32 to index
      %get3A_489 = tpu.vector_load %get3A_486[%get3A_487, %get3A_488] {strides = array<i32>} : memref<32x1024xf32, #tpu.memory_space<vmem>>, vector<1x16xf32>,
      %get3A_490 = vector.shape_cast %get3A_489 : vector<1x16xf32> to vector<16xf32>
      %mul3A_491 = vector.broadcast %squeeze3A_285 : f32 to vector<16xf32>
      %mul3A_492 = arith.mulf %mul3A_491, %get3A_490 : vector<16xf32>
      %get3A_493 = arith.constant 3 : i32
      %get3A_494 = arith.constant 0 : i32
      %get3A_495 = arith.constant 0 : i32
      %get3A_496 = tpu.memref_slice %arg8[%scan3A_344, %get3A_494, %get3A_495] : memref<2x32x1024xf32, #tpu.memory_space<vmem>> -> memref<1x32x1024xf32, #tpu.memory_space<vmem>>
      %get3A_497 = tpu.memref_squeeze %get3A_496 : memref<1x32x1024xf32, #tpu.memory_space<vmem>> -> memref<32x1024xf32, #tpu.memory_space<vmem>>
      %get3A_498 = arith.index_cast %get3A_493 : i32 to index
      %get3A_499 = arith.index_cast %multiple_of3A : i32 to index
      %get3A_500 = tpu.vector_load %get3A_497[%get3A_498, %get3A_499] {strides = array<i32>} : memref<32x1024xf32, #tpu.memory_space<vmem>>, vector<1x16xf32>,
      %get3A_501 = vector.shape_cast %get3A_500 : vector<1x16xf32> to vector<16xf32>
      %mul3A_502 = vector.broadcast %squeeze3A_287 : f32 to vector<16xf32>
      %mul3A_503 = arith.mulf %mul3A_502, %get3A_501 : vector<16xf32>
      %add3A_504 = arith.addf %mul3A_492, %mul3A_503 : vector<16xf32>
      %swap3A_505 = arith.constant 1 : i32
      %swap3A_506 = arith.index_cast %swap3A_505 : i32 to index
      %swap3A_507 = arith.index_cast %multiple_of3A : i32 to index
      %swap3A_508 = tpu.vector_load %arg9[%swap3A_506, %swap3A_507] {strides = array<i32>} : memref<16x1024xf32, #tpu.memory_space<vmem>>, vector<1x16xf32>,
      %swap3A_509 = vector.shape_cast %swap3A_508 : vector<1x16xf32> to vector<16xf32>
      %swap3A_510 = vector.shape_cast %add3A_504 : vector<16xf32> to vector<1x16xf32>
      tpu.vector_store %arg9[%swap3A_506, %swap3A_507], %swap3A_510 {strides = array<i32>} : memref<16x1024xf32, #tpu.memory_space<vmem>>, vector<1x16xf32>,
      %get3A_511 = arith.constant 4 : i32
      %get3A_512 = arith.constant 0 : i32
      %get3A_513 = arith.constant 0 : i32
      %get3A_514 = tpu.memref_slice %arg8[%scan3A_344, %get3A_512, %get3A_513] : memref<2x32x1024xf32, #tpu.memory_space<vmem>> -> memref<1x32x1024xf32, #tpu.memory_space<vmem>>
      %get3A_515 = tpu.memref_squeeze %get3A_514 : memref<1x32x1024xf32, #tpu.memory_space<vmem>> -> memref<32x1024xf32, #tpu.memory_space<vmem>>
      %get3A_516 = arith.index_cast %get3A_511 : i32 to index
      %get3A_517 = arith.index_cast %multiple_of3A : i32 to index
      %get3A_518 = tpu.vector_load %get3A_515[%get3A_516, %get3A_517] {strides = array<i32>} : memref<32x1024xf32, #tpu.memory_space<vmem>>, vector<1x16xf32>,
      %get3A_519 = vector.shape_cast %get3A_518 : vector<1x16xf32> to vector<16xf32>
      %mul3A_520 = vector.broadcast %squeeze3A_289 : f32 to vector<16xf32>
      %mul3A_521 = arith.mulf %mul3A_520, %get3A_519 : vector<16xf32>
      %get3A_522 = arith.constant 5 : i32
      %get3A_523 = arith.constant 0 : i32
      %get3A_524 = arith.constant 0 : i32
      %get3A_525 = tpu.memref_slice %arg8[%scan3A_344, %get3A_523, %get3A_524] : memref<2x32x1024xf32, #tpu.memory_space<vmem>> -> memref<1x32x1024xf32, #tpu.memory_space<vmem>>
      %get3A_526 = tpu.memref_squeeze %get3A_525 : memref<1x32x1024xf32, #tpu.memory_space<vmem>> -> memref<32x1024xf32, #tpu.memory_space<vmem>>
      %get3A_527 = arith.index_cast %get3A_522 : i32 to index
      %get3A_528 = arith.index_cast %multiple_of3A : i32 to index
      %get3A_529 = tpu.vector_load %get3A_526[%get3A_527, %get3A_528] {strides = array<i32>} : memref<32x1024xf32, #tpu.memory_space<vmem>>, vector<1x16xf32>,
      %get3A_530 = vector.shape_cast %get3A_529 : vector<1x16xf32> to vector<16xf32>
      %mul3A_531 = vector.broadcast %squeeze3A_291 : f32 to vector<16xf32>
      %mul3A_532 = arith.mulf %mul3A_531, %get3A_530 : vector<16xf32>
      %add3A_533 = arith.addf %mul3A_521, %mul3A_532 : vector<16xf32>
      %swap3A_534 = arith.constant 2 : i32
      %swap3A_535 = arith.index_cast %swap3A_534 : i32 to index
      %swap3A_536 = arith.index_cast %multiple_of3A : i32 to index
      %swap3A_537 = tpu.vector_load %arg9[%swap3A_535, %swap3A_536] {strides = array<i32>} : memref<16x1024xf32, #tpu.memory_space<vmem>>, vector<1x16xf32>,
      %swap3A_538 = vector.shape_cast %swap3A_537 : vector<1x16xf32> to vector<16xf32>
      %swap3A_539 = vector.shape_cast %add3A_533 : vector<16xf32> to vector<1x16xf32>
      tpu.vector_store %arg9[%swap3A_535, %swap3A_536], %swap3A_539 {strides = array<i32>} : memref<16x1024xf32, #tpu.memory_space<vmem>>, vector<1x16xf32>,
      %get3A_540 = arith.constant 6 : i32
      %get3A_541 = arith.constant 0 : i32
      %get3A_542 = arith.constant 0 : i32
      %get3A_543 = tpu.memref_slice %arg8[%scan3A_344, %get3A_541, %get3A_542] : memref<2x32x1024xf32, #tpu.memory_space<vmem>> -> memref<1x32x1024xf32, #tpu.memory_space<vmem>>
      %get3A_544 = tpu.memref_squeeze %get3A_543 : memref<1x32x1024xf32, #tpu.memory_space<vmem>> -> memref<32x1024xf32, #tpu.memory_space<vmem>>
      %get3A_545 = arith.index_cast %get3A_540 : i32 to index
      %get3A_546 = arith.index_cast %multiple_of3A : i32 to index
      %get3A_547 = tpu.vector_load %get3A_544[%get3A_545, %get3A_546] {strides = array<i32>} : memref<32x1024xf32, #tpu.memory_space<vmem>>, vector<1x16xf32>,
      %get3A_548 = vector.shape_cast %get3A_547 : vector<1x16xf32> to vector<16xf32>
      %mul3A_549 = vector.broadcast %squeeze3A_293 : f32 to vector<16xf32>
      %mul3A_550 = arith.mulf %mul3A_549, %get3A_548 : vector<16xf32>
      %get3A_551 = arith.constant 7 : i32
      %get3A_552 = arith.constant 0 : i32
      %get3A_553 = arith.constant 0 : i32
      %get3A_554 = tpu.memref_slice %arg8[%scan3A_344, %get3A_552, %get3A_553] : memref<2x32x1024xf32, #tpu.memory_space<vmem>> -> memref<1x32x1024xf32, #tpu.memory_space<vmem>>
      %get3A_555 = tpu.memref_squeeze %get3A_554 : memref<1x32x1024xf32, #tpu.memory_space<vmem>> -> memref<32x1024xf32, #tpu.memory_space<vmem>>
      %get3A_556 = arith.index_cast %get3A_551 : i32 to index
      %get3A_557 = arith.index_cast %multiple_of3A : i32 to index
      %get3A_558 = tpu.vector_load %get3A_555[%get3A_556, %get3A_557] {strides = array<i32>} : memref<32x1024xf32, #tpu.memory_space<vmem>>, vector<1x16xf32>,
      %get3A_559 = vector.shape_cast %get3A_558 : vector<1x16xf32> to vector<16xf32>
      %mul3A_560 = vector.broadcast %squeeze3A_295 : f32 to vector<16xf32>
      %mul3A_561 = arith.mulf %mul3A_560, %get3A_559 : vector<16xf32>
      %add3A_562 = arith.addf %mul3A_550, %mul3A_561 : vector<16xf32>
      %swap3A_563 = arith.constant 3 : i32
      %swap3A_564 = arith.index_cast %swap3A_563 : i32 to index
      %swap3A_565 = arith.index_cast %multiple_of3A : i32 to index
      %swap3A_566 = tpu.vector_load %arg9[%swap3A_564, %swap3A_565] {strides = array<i32>} : memref<16x1024xf32, #tpu.memory_space<vmem>>, vector<1x16xf32>,
      %swap3A_567 = vector.shape_cast %swap3A_566 : vector<1x16xf32> to vector<16xf32>
      %swap3A_568 = vector.shape_cast %add3A_562 : vector<16xf32> to vector<1x16xf32>
      tpu.vector_store %arg9[%swap3A_564, %swap3A_565], %swap3A_568 {strides = array<i32>} : memref<16x1024xf32, #tpu.memory_space<vmem>>, vector<1x16xf32>,
      %get3A_569 = arith.constant 8 : i32
      %get3A_570 = arith.constant 0 : i32
      %get3A_571 = arith.constant 0 : i32
      %get3A_572 = tpu.memref_slice %arg8[%scan3A_344, %get3A_570, %get3A_571] : memref<2x32x1024xf32, #tpu.memory_space<vmem>> -> memref<1x32x1024xf32, #tpu.memory_space<vmem>>
      %get3A_573 = tpu.memref_squeeze %get3A_572 : memref<1x32x1024xf32, #tpu.memory_space<vmem>> -> memref<32x1024xf32, #tpu.memory_space<vmem>>
      %get3A_574 = arith.index_cast %get3A_569 : i32 to index
      %get3A_575 = arith.index_cast %multiple_of3A : i32 to index
      %get3A_576 = tpu.vector_load %get3A_573[%get3A_574, %get3A_575] {strides = array<i32>} : memref<32x1024xf32, #tpu.memory_space<vmem>>, vector<1x16xf32>,
      %get3A_577 = vector.shape_cast %get3A_576 : vector<1x16xf32> to vector<16xf32>
      %mul3A_578 = vector.broadcast %squeeze3A_297 : f32 to vector<16xf32>
      %mul3A_579 = arith.mulf %mul3A_578, %get3A_577 : vector<16xf32>
      %get3A_580 = arith.constant 9 : i32
      %get3A_581 = arith.constant 0 : i32
      %get3A_582 = arith.constant 0 : i32
      %get3A_583 = tpu.memref_slice %arg8[%scan3A_344, %get3A_581, %get3A_582] : memref<2x32x1024xf32, #tpu.memory_space<vmem>> -> memref<1x32x1024xf32, #tpu.memory_space<vmem>>
      %get3A_584 = tpu.memref_squeeze %get3A_583 : memref<1x32x1024xf32, #tpu.memory_space<vmem>> -> memref<32x1024xf32, #tpu.memory_space<vmem>>
      %get3A_585 = arith.index_cast %get3A_580 : i32 to index
      %get3A_586 = arith.index_cast %multiple_of3A : i32 to index
      %get3A_587 = tpu.vector_load %get3A_584[%get3A_585, %get3A_586] {strides = array<i32>} : memref<32x1024xf32, #tpu.memory_space<vmem>>, vector<1x16xf32>,
      %get3A_588 = vector.shape_cast %get3A_587 : vector<1x16xf32> to vector<16xf32>
      %mul3A_589 = vector.broadcast %squeeze3A_299 : f32 to vector<16xf32>
      %mul3A_590 = arith.mulf %mul3A_589, %get3A_588 : vector<16xf32>
      %add3A_591 = arith.addf %mul3A_579, %mul3A_590 : vector<16xf32>
      %swap3A_592 = arith.constant 4 : i32
      %swap3A_593 = arith.index_cast %swap3A_592 : i32 to index
      %swap3A_594 = arith.index_cast %multiple_of3A : i32 to index
      %swap3A_595 = tpu.vector_load %arg9[%swap3A_593, %swap3A_594] {strides = array<i32>} : memref<16x1024xf32, #tpu.memory_space<vmem>>, vector<1x16xf32>,
      %swap3A_596 = vector.shape_cast %swap3A_595 : vector<1x16xf32> to vector<16xf32>
      %swap3A_597 = vector.shape_cast %add3A_591 : vector<16xf32> to vector<1x16xf32>
      tpu.vector_store %arg9[%swap3A_593, %swap3A_594], %swap3A_597 {strides = array<i32>} : memref<16x1024xf32, #tpu.memory_space<vmem>>, vector<1x16xf32>,
      %get3A_598 = arith.constant 10 : i32
      %get3A_599 = arith.constant 0 : i32
      %get3A_600 = arith.constant 0 : i32
      %get3A_601 = tpu.memref_slice %arg8[%scan3A_344, %get3A_599, %get3A_600] : memref<2x32x1024xf32, #tpu.memory_space<vmem>> -> memref<1x32x1024xf32, #tpu.memory_space<vmem>>
      %get3A_602 = tpu.memref_squeeze %get3A_601 : memref<1x32x1024xf32, #tpu.memory_space<vmem>> -> memref<32x1024xf32, #tpu.memory_space<vmem>>
      %get3A_603 = arith.index_cast %get3A_598 : i32 to index
      %get3A_604 = arith.index_cast %multiple_of3A : i32 to index
      %get3A_605 = tpu.vector_load %get3A_602[%get3A_603, %get3A_604] {strides = array<i32>} : memref<32x1024xf32, #tpu.memory_space<vmem>>, vector<1x16xf32>,
      %get3A_606 = vector.shape_cast %get3A_605 : vector<1x16xf32> to vector<16xf32>
      %mul3A_607 = vector.broadcast %squeeze3A_301 : f32 to vector<16xf32>
      %mul3A_608 = arith.mulf %mul3A_607, %get3A_606 : vector<16xf32>
      %get3A_609 = arith.constant 11 : i32
      %get3A_610 = arith.constant 0 : i32
      %get3A_611 = arith.constant 0 : i32
      %get3A_612 = tpu.memref_slice %arg8[%scan3A_344, %get3A_610, %get3A_611] : memref<2x32x1024xf32, #tpu.memory_space<vmem>> -> memref<1x32x1024xf32, #tpu.memory_space<vmem>>
      %get3A_613 = tpu.memref_squeeze %get3A_612 : memref<1x32x1024xf32, #tpu.memory_space<vmem>> -> memref<32x1024xf32, #tpu.memory_space<vmem>>
      %get3A_614 = arith.index_cast %get3A_609 : i32 to index
      %get3A_615 = arith.index_cast %multiple_of3A : i32 to index
      %get3A_616 = tpu.vector_load %get3A_613[%get3A_614, %get3A_615] {strides = array<i32>} : memref<32x1024xf32, #tpu.memory_space<vmem>>, vector<1x16xf32>,
      %get3A_617 = vector.shape_cast %get3A_616 : vector<1x16xf32> to vector<16xf32>
      %mul3A_618 = vector.broadcast %squeeze3A_303 : f32 to vector<16xf32>
      %mul3A_619 = arith.mulf %mul3A_618, %get3A_617 : vector<16xf32>
      %add3A_620 = arith.addf %mul3A_608, %mul3A_619 : vector<16xf32>
      %swap3A_621 = arith.constant 5 : i32
      %swap3A_622 = arith.index_cast %swap3A_621 : i32 to index
      %swap3A_623 = arith.index_cast %multiple_of3A : i32 to index
      %swap3A_624 = tpu.vector_load %arg9[%swap3A_622, %swap3A_623] {strides = array<i32>} : memref<16x1024xf32, #tpu.memory_space<vmem>>, vector<1x16xf32>,
      %swap3A_625 = vector.shape_cast %swap3A_624 : vector<1x16xf32> to vector<16xf32>
      %swap3A_626 = vector.shape_cast %add3A_620 : vector<16xf32> to vector<1x16xf32>
      tpu.vector_store %arg9[%swap3A_622, %swap3A_623], %swap3A_626 {strides = array<i32>} : memref<16x1024xf32, #tpu.memory_space<vmem>>, vector<1x16xf32>,
      %get3A_627 = arith.constant 12 : i32
      %get3A_628 = arith.constant 0 : i32
      %get3A_629 = arith.constant 0 : i32
      %get3A_630 = tpu.memref_slice %arg8[%scan3A_344, %get3A_628, %get3A_629] : memref<2x32x1024xf32, #tpu.memory_space<vmem>> -> memref<1x32x1024xf32, #tpu.memory_space<vmem>>
      %get3A_631 = tpu.memref_squeeze %get3A_630 : memref<1x32x1024xf32, #tpu.memory_space<vmem>> -> memref<32x1024xf32, #tpu.memory_space<vmem>>
      %get3A_632 = arith.index_cast %get3A_627 : i32 to index
      %get3A_633 = arith.index_cast %multiple_of3A : i32 to index
      %get3A_634 = tpu.vector_load %get3A_631[%get3A_632, %get3A_633] {strides = array<i32>} : memref<32x1024xf32, #tpu.memory_space<vmem>>, vector<1x16xf32>,
      %get3A_635 = vector.shape_cast %get3A_634 : vector<1x16xf32> to vector<16xf32>
      %mul3A_636 = vector.broadcast %squeeze3A_305 : f32 to vector<16xf32>
      %mul3A_637 = arith.mulf %mul3A_636, %get3A_635 : vector<16xf32>
      %get3A_638 = arith.constant 13 : i32
      %get3A_639 = arith.constant 0 : i32
      %get3A_640 = arith.constant 0 : i32
      %get3A_641 = tpu.memref_slice %arg8[%scan3A_344, %get3A_639, %get3A_640] : memref<2x32x1024xf32, #tpu.memory_space<vmem>> -> memref<1x32x1024xf32, #tpu.memory_space<vmem>>
      %get3A_642 = tpu.memref_squeeze %get3A_641 : memref<1x32x1024xf32, #tpu.memory_space<vmem>> -> memref<32x1024xf32, #tpu.memory_space<vmem>>
      %get3A_643 = arith.index_cast %get3A_638 : i32 to index
      %get3A_644 = arith.index_cast %multiple_of3A : i32 to index
      %get3A_645 = tpu.vector_load %get3A_642[%get3A_643, %get3A_644] {strides = array<i32>} : memref<32x1024xf32, #tpu.memory_space<vmem>>, vector<1x16xf32>,
      %get3A_646 = vector.shape_cast %get3A_645 : vector<1x16xf32> to vector<16xf32>
      %mul3A_647 = vector.broadcast %squeeze3A_307 : f32 to vector<16xf32>
      %mul3A_648 = arith.mulf %mul3A_647, %get3A_646 : vector<16xf32>
      %add3A_649 = arith.addf %mul3A_637, %mul3A_648 : vector<16xf32>
      %swap3A_650 = arith.constant 6 : i32
      %swap3A_651 = arith.index_cast %swap3A_650 : i32 to index
      %swap3A_652 = arith.index_cast %multiple_of3A : i32 to index
      %swap3A_653 = tpu.vector_load %arg9[%swap3A_651, %swap3A_652] {strides = array<i32>} : memref<16x1024xf32, #tpu.memory_space<vmem>>, vector<1x16xf32>,
      %swap3A_654 = vector.shape_cast %swap3A_653 : vector<1x16xf32> to vector<16xf32>
      %swap3A_655 = vector.shape_cast %add3A_649 : vector<16xf32> to vector<1x16xf32>
      tpu.vector_store %arg9[%swap3A_651, %swap3A_652], %swap3A_655 {strides = array<i32>} : memref<16x1024xf32, #tpu.memory_space<vmem>>, vector<1x16xf32>,
      %get3A_656 = arith.constant 14 : i32
      %get3A_657 = arith.constant 0 : i32
      %get3A_658 = arith.constant 0 : i32
      %get3A_659 = tpu.memref_slice %arg8[%scan3A_344, %get3A_657, %get3A_658] : memref<2x32x1024xf32, #tpu.memory_space<vmem>> -> memref<1x32x1024xf32, #tpu.memory_space<vmem>>
      %get3A_660 = tpu.memref_squeeze %get3A_659 : memref<1x32x1024xf32, #tpu.memory_space<vmem>> -> memref<32x1024xf32, #tpu.memory_space<vmem>>
      %get3A_661 = arith.index_cast %get3A_656 : i32 to index
      %get3A_662 = arith.index_cast %multiple_of3A : i32 to index
      %get3A_663 = tpu.vector_load %get3A_660[%get3A_661, %get3A_662] {strides = array<i32>} : memref<32x1024xf32, #tpu.memory_space<vmem>>, vector<1x16xf32>,
      %get3A_664 = vector.shape_cast %get3A_663 : vector<1x16xf32> to vector<16xf32>
      %mul3A_665 = vector.broadcast %squeeze3A_309 : f32 to vector<16xf32>
      %mul3A_666 = arith.mulf %mul3A_665, %get3A_664 : vector<16xf32>
      %get3A_667 = arith.constant 15 : i32
      %get3A_668 = arith.constant 0 : i32
      %get3A_669 = arith.constant 0 : i32
      %get3A_670 = tpu.memref_slice %arg8[%scan3A_344, %get3A_668, %get3A_669] : memref<2x32x1024xf32, #tpu.memory_space<vmem>> -> memref<1x32x1024xf32, #tpu.memory_space<vmem>>
      %get3A_671 = tpu.memref_squeeze %get3A_670 : memref<1x32x1024xf32, #tpu.memory_space<vmem>> -> memref<32x1024xf32, #tpu.memory_space<vmem>>
      %get3A_672 = arith.index_cast %get3A_667 : i32 to index
      %get3A_673 = arith.index_cast %multiple_of3A : i32 to index
      %get3A_674 = tpu.vector_load %get3A_671[%get3A_672, %get3A_673] {strides = array<i32>} : memref<32x1024xf32, #tpu.memory_space<vmem>>, vector<1x16xf32>,
      %get3A_675 = vector.shape_cast %get3A_674 : vector<1x16xf32> to vector<16xf32>
      %mul3A_676 = vector.broadcast %squeeze3A_311 : f32 to vector<16xf32>
      %mul3A_677 = arith.mulf %mul3A_676, %get3A_675 : vector<16xf32>
      %add3A_678 = arith.addf %mul3A_666, %mul3A_677 : vector<16xf32>
      %swap3A_679 = arith.constant 7 : i32
      %swap3A_680 = arith.index_cast %swap3A_679 : i32 to index
      %swap3A_681 = arith.index_cast %multiple_of3A : i32 to index
      %swap3A_682 = tpu.vector_load %arg9[%swap3A_680, %swap3A_681] {strides = array<i32>} : memref<16x1024xf32, #tpu.memory_space<vmem>>, vector<1x16xf32>,
      %swap3A_683 = vector.shape_cast %swap3A_682 : vector<1x16xf32> to vector<16xf32>
      %swap3A_684 = vector.shape_cast %add3A_678 : vector<16xf32> to vector<1x16xf32>
      tpu.vector_store %arg9[%swap3A_680, %swap3A_681], %swap3A_684 {strides = array<i32>} : memref<16x1024xf32, #tpu.memory_space<vmem>>, vector<1x16xf32>,
      %get3A_685 = arith.constant 16 : i32
      %get3A_686 = arith.constant 0 : i32
      %get3A_687 = arith.constant 0 : i32
      %get3A_688 = tpu.memref_slice %arg8[%scan3A_344, %get3A_686, %get3A_687] : memref<2x32x1024xf32, #tpu.memory_space<vmem>> -> memref<1x32x1024xf32, #tpu.memory_space<vmem>>
      %get3A_689 = tpu.memref_squeeze %get3A_688 : memref<1x32x1024xf32, #tpu.memory_space<vmem>> -> memref<32x1024xf32, #tpu.memory_space<vmem>>
      %get3A_690 = arith.index_cast %get3A_685 : i32 to index
      %get3A_691 = arith.index_cast %multiple_of3A : i32 to index
      %get3A_692 = tpu.vector_load %get3A_689[%get3A_690, %get3A_691] {strides = array<i32>} : memref<32x1024xf32, #tpu.memory_space<vmem>>, vector<1x16xf32>,
      %get3A_693 = vector.shape_cast %get3A_692 : vector<1x16xf32> to vector<16xf32>
      %mul3A_694 = vector.broadcast %squeeze3A_313 : f32 to vector<16xf32>
      %mul3A_695 = arith.mulf %mul3A_694, %get3A_693 : vector<16xf32>
      %get3A_696 = arith.constant 17 : i32
      %get3A_697 = arith.constant 0 : i32
      %get3A_698 = arith.constant 0 : i32
      %get3A_699 = tpu.memref_slice %arg8[%scan3A_344, %get3A_697, %get3A_698] : memref<2x32x1024xf32, #tpu.memory_space<vmem>> -> memref<1x32x1024xf32, #tpu.memory_space<vmem>>
      %get3A_700 = tpu.memref_squeeze %get3A_699 : memref<1x32x1024xf32, #tpu.memory_space<vmem>> -> memref<32x1024xf32, #tpu.memory_space<vmem>>
      %get3A_701 = arith.index_cast %get3A_696 : i32 to index
      %get3A_702 = arith.index_cast %multiple_of3A : i32 to index
      %get3A_703 = tpu.vector_load %get3A_700[%get3A_701, %get3A_702] {strides = array<i32>} : memref<32x1024xf32, #tpu.memory_space<vmem>>, vector<1x16xf32>,
      %get3A_704 = vector.shape_cast %get3A_703 : vector<1x16xf32> to vector<16xf32>
      %mul3A_705 = vector.broadcast %squeeze3A_315 : f32 to vector<16xf32>
      %mul3A_706 = arith.mulf %mul3A_705, %get3A_704 : vector<16xf32>
      %add3A_707 = arith.addf %mul3A_695, %mul3A_706 : vector<16xf32>
      %swap3A_708 = arith.constant 8 : i32
      %swap3A_709 = arith.index_cast %swap3A_708 : i32 to index
      %swap3A_710 = arith.index_cast %multiple_of3A : i32 to index
      %swap3A_711 = tpu.vector_load %arg9[%swap3A_709, %swap3A_710] {strides = array<i32>} : memref<16x1024xf32, #tpu.memory_space<vmem>>, vector<1x16xf32>,
      %swap3A_712 = vector.shape_cast %swap3A_711 : vector<1x16xf32> to vector<16xf32>
      %swap3A_713 = vector.shape_cast %add3A_707 : vector<16xf32> to vector<1x16xf32>
      tpu.vector_store %arg9[%swap3A_709, %swap3A_710], %swap3A_713 {strides = array<i32>} : memref<16x1024xf32, #tpu.memory_space<vmem>>, vector<1x16xf32>,
      %get3A_714 = arith.constant 18 : i32
      %get3A_715 = arith.constant 0 : i32
      %get3A_716 = arith.constant 0 : i32
      %get3A_717 = tpu.memref_slice %arg8[%scan3A_344, %get3A_715, %get3A_716] : memref<2x32x1024xf32, #tpu.memory_space<vmem>> -> memref<1x32x1024xf32, #tpu.memory_space<vmem>>
      %get3A_718 = tpu.memref_squeeze %get3A_717 : memref<1x32x1024xf32, #tpu.memory_space<vmem>> -> memref<32x1024xf32, #tpu.memory_space<vmem>>
      %get3A_719 = arith.index_cast %get3A_714 : i32 to index
      %get3A_720 = arith.index_cast %multiple_of3A : i32 to index
      %get3A_721 = tpu.vector_load %get3A_718[%get3A_719, %get3A_720] {strides = array<i32>} : memref<32x1024xf32, #tpu.memory_space<vmem>>, vector<1x16xf32>,
      %get3A_722 = vector.shape_cast %get3A_721 : vector<1x16xf32> to vector<16xf32>
      %mul3A_723 = vector.broadcast %squeeze3A_317 : f32 to vector<16xf32>
      %mul3A_724 = arith.mulf %mul3A_723, %get3A_722 : vector<16xf32>
      %get3A_725 = arith.constant 19 : i32
      %get3A_726 = arith.constant 0 : i32
      %get3A_727 = arith.constant 0 : i32
      %get3A_728 = tpu.memref_slice %arg8[%scan3A_344, %get3A_726, %get3A_727] : memref<2x32x1024xf32, #tpu.memory_space<vmem>> -> memref<1x32x1024xf32, #tpu.memory_space<vmem>>
      %get3A_729 = tpu.memref_squeeze %get3A_728 : memref<1x32x1024xf32, #tpu.memory_space<vmem>> -> memref<32x1024xf32, #tpu.memory_space<vmem>>
      %get3A_730 = arith.index_cast %get3A_725 : i32 to index
      %get3A_731 = arith.index_cast %multiple_of3A : i32 to index
      %get3A_732 = tpu.vector_load %get3A_729[%get3A_730, %get3A_731] {strides = array<i32>} : memref<32x1024xf32, #tpu.memory_space<vmem>>, vector<1x16xf32>,
      %get3A_733 = vector.shape_cast %get3A_732 : vector<1x16xf32> to vector<16xf32>
      %mul3A_734 = vector.broadcast %squeeze3A_319 : f32 to vector<16xf32>
      %mul3A_735 = arith.mulf %mul3A_734, %get3A_733 : vector<16xf32>
      %add3A_736 = arith.addf %mul3A_724, %mul3A_735 : vector<16xf32>
      %swap3A_737 = arith.constant 9 : i32
      %swap3A_738 = arith.index_cast %swap3A_737 : i32 to index
      %swap3A_739 = arith.index_cast %multiple_of3A : i32 to index
      %swap3A_740 = tpu.vector_load %arg9[%swap3A_738, %swap3A_739] {strides = array<i32>} : memref<16x1024xf32, #tpu.memory_space<vmem>>, vector<1x16xf32>,
      %swap3A_741 = vector.shape_cast %swap3A_740 : vector<1x16xf32> to vector<16xf32>
      %swap3A_742 = vector.shape_cast %add3A_736 : vector<16xf32> to vector<1x16xf32>
      tpu.vector_store %arg9[%swap3A_738, %swap3A_739], %swap3A_742 {strides = array<i32>} : memref<16x1024xf32, #tpu.memory_space<vmem>>, vector<1x16xf32>,
      %get3A_743 = arith.constant 20 : i32
      %get3A_744 = arith.constant 0 : i32
      %get3A_745 = arith.constant 0 : i32
      %get3A_746 = tpu.memref_slice %arg8[%scan3A_344, %get3A_744, %get3A_745] : memref<2x32x1024xf32, #tpu.memory_space<vmem>> -> memref<1x32x1024xf32, #tpu.memory_space<vmem>>
      %get3A_747 = tpu.memref_squeeze %get3A_746 : memref<1x32x1024xf32, #tpu.memory_space<vmem>> -> memref<32x1024xf32, #tpu.memory_space<vmem>>
      %get3A_748 = arith.index_cast %get3A_743 : i32 to index
      %get3A_749 = arith.index_cast %multiple_of3A : i32 to index
      %get3A_750 = tpu.vector_load %get3A_747[%get3A_748, %get3A_749] {strides = array<i32>} : memref<32x1024xf32, #tpu.memory_space<vmem>>, vector<1x16xf32>,
      %get3A_751 = vector.shape_cast %get3A_750 : vector<1x16xf32> to vector<16xf32>
      %mul3A_752 = vector.broadcast %squeeze3A_321 : f32 to vector<16xf32>
      %mul3A_753 = arith.mulf %mul3A_752, %get3A_751 : vector<16xf32>
      %get3A_754 = arith.constant 21 : i32
      %get3A_755 = arith.constant 0 : i32
      %get3A_756 = arith.constant 0 : i32
      %get3A_757 = tpu.memref_slice %arg8[%scan3A_344, %get3A_755, %get3A_756] : memref<2x32x1024xf32, #tpu.memory_space<vmem>> -> memref<1x32x1024xf32, #tpu.memory_space<vmem>>
      %get3A_758 = tpu.memref_squeeze %get3A_757 : memref<1x32x1024xf32, #tpu.memory_space<vmem>> -> memref<32x1024xf32, #tpu.memory_space<vmem>>
      %get3A_759 = arith.index_cast %get3A_754 : i32 to index
      %get3A_760 = arith.index_cast %multiple_of3A : i32 to index
      %get3A_761 = tpu.vector_load %get3A_758[%get3A_759, %get3A_760] {strides = array<i32>} : memref<32x1024xf32, #tpu.memory_space<vmem>>, vector<1x16xf32>,
      %get3A_762 = vector.shape_cast %get3A_761 : vector<1x16xf32> to vector<16xf32>
      %mul3A_763 = vector.broadcast %squeeze3A_323 : f32 to vector<16xf32>
      %mul3A_764 = arith.mulf %mul3A_763, %get3A_762 : vector<16xf32>
      %add3A_765 = arith.addf %mul3A_753, %mul3A_764 : vector<16xf32>
      %swap3A_766 = arith.constant 10 : i32
      %swap3A_767 = arith.index_cast %swap3A_766 : i32 to index
      %swap3A_768 = arith.index_cast %multiple_of3A : i32 to index
      %swap3A_769 = tpu.vector_load %arg9[%swap3A_767, %swap3A_768] {strides = array<i32>} : memref<16x1024xf32, #tpu.memory_space<vmem>>, vector<1x16xf32>,
      %swap3A_770 = vector.shape_cast %swap3A_769 : vector<1x16xf32> to vector<16xf32>
      %swap3A_771 = vector.shape_cast %add3A_765 : vector<16xf32> to vector<1x16xf32>
      tpu.vector_store %arg9[%swap3A_767, %swap3A_768], %swap3A_771 {strides = array<i32>} : memref<16x1024xf32, #tpu.memory_space<vmem>>, vector<1x16xf32>,
      %get3A_772 = arith.constant 22 : i32
      %get3A_773 = arith.constant 0 : i32
      %get3A_774 = arith.constant 0 : i32
      %get3A_775 = tpu.memref_slice %arg8[%scan3A_344, %get3A_773, %get3A_774] : memref<2x32x1024xf32, #tpu.memory_space<vmem>> -> memref<1x32x1024xf32, #tpu.memory_space<vmem>>
      %get3A_776 = tpu.memref_squeeze %get3A_775 : memref<1x32x1024xf32, #tpu.memory_space<vmem>> -> memref<32x1024xf32, #tpu.memory_space<vmem>>
      %get3A_777 = arith.index_cast %get3A_772 : i32 to index
      %get3A_778 = arith.index_cast %multiple_of3A : i32 to index
      %get3A_779 = tpu.vector_load %get3A_776[%get3A_777, %get3A_778] {strides = array<i32>} : memref<32x1024xf32, #tpu.memory_space<vmem>>, vector<1x16xf32>,
      %get3A_780 = vector.shape_cast %get3A_779 : vector<1x16xf32> to vector<16xf32>
      %mul3A_781 = vector.broadcast %squeeze3A_325 : f32 to vector<16xf32>
      %mul3A_782 = arith.mulf %mul3A_781, %get3A_780 : vector<16xf32>
      %get3A_783 = arith.constant 23 : i32
      %get3A_784 = arith.constant 0 : i32
      %get3A_785 = arith.constant 0 : i32
      %get3A_786 = tpu.memref_slice %arg8[%scan3A_344, %get3A_784, %get3A_785] : memref<2x32x1024xf32, #tpu.memory_space<vmem>> -> memref<1x32x1024xf32, #tpu.memory_space<vmem>>
      %get3A_787 = tpu.memref_squeeze %get3A_786 : memref<1x32x1024xf32, #tpu.memory_space<vmem>> -> memref<32x1024xf32, #tpu.memory_space<vmem>>
      %get3A_788 = arith.index_cast %get3A_783 : i32 to index
      %get3A_789 = arith.index_cast %multiple_of3A : i32 to index
      %get3A_790 = tpu.vector_load %get3A_787[%get3A_788, %get3A_789] {strides = array<i32>} : memref<32x1024xf32, #tpu.memory_space<vmem>>, vector<1x16xf32>,
      %get3A_791 = vector.shape_cast %get3A_790 : vector<1x16xf32> to vector<16xf32>
      %mul3A_792 = vector.broadcast %squeeze3A_327 : f32 to vector<16xf32>
      %mul3A_793 = arith.mulf %mul3A_792, %get3A_791 : vector<16xf32>
      %add3A_794 = arith.addf %mul3A_782, %mul3A_793 : vector<16xf32>
      %swap3A_795 = arith.constant 11 : i32
      %swap3A_796 = arith.index_cast %swap3A_795 : i32 to index
      %swap3A_797 = arith.index_cast %multiple_of3A : i32 to index
      %swap3A_798 = tpu.vector_load %arg9[%swap3A_796, %swap3A_797] {strides = array<i32>} : memref<16x1024xf32, #tpu.memory_space<vmem>>, vector<1x16xf32>,
      %swap3A_799 = vector.shape_cast %swap3A_798 : vector<1x16xf32> to vector<16xf32>
      %swap3A_800 = vector.shape_cast %add3A_794 : vector<16xf32> to vector<1x16xf32>
      tpu.vector_store %arg9[%swap3A_796, %swap3A_797], %swap3A_800 {strides = array<i32>} : memref<16x1024xf32, #tpu.memory_space<vmem>>, vector<1x16xf32>,
      %get3A_801 = arith.constant 24 : i32
      %get3A_802 = arith.constant 0 : i32
      %get3A_803 = arith.constant 0 : i32
      %get3A_804 = tpu.memref_slice %arg8[%scan3A_344, %get3A_802, %get3A_803] : memref<2x32x1024xf32, #tpu.memory_space<vmem>> -> memref<1x32x1024xf32, #tpu.memory_space<vmem>>
      %get3A_805 = tpu.memref_squeeze %get3A_804 : memref<1x32x1024xf32, #tpu.memory_space<vmem>> -> memref<32x1024xf32, #tpu.memory_space<vmem>>
      %get3A_806 = arith.index_cast %get3A_801 : i32 to index
      %get3A_807 = arith.index_cast %multiple_of3A : i32 to index
      %get3A_808 = tpu.vector_load %get3A_805[%get3A_806, %get3A_807] {strides = array<i32>} : memref<32x1024xf32, #tpu.memory_space<vmem>>, vector<1x16xf32>,
      %get3A_809 = vector.shape_cast %get3A_808 : vector<1x16xf32> to vector<16xf32>
      %mul3A_810 = vector.broadcast %squeeze3A_329 : f32 to vector<16xf32>
      %mul3A_811 = arith.mulf %mul3A_810, %get3A_809 : vector<16xf32>
      %get3A_812 = arith.constant 25 : i32
      %get3A_813 = arith.constant 0 : i32
      %get3A_814 = arith.constant 0 : i32
      %get3A_815 = tpu.memref_slice %arg8[%scan3A_344, %get3A_813, %get3A_814] : memref<2x32x1024xf32, #tpu.memory_space<vmem>> -> memref<1x32x1024xf32, #tpu.memory_space<vmem>>
      %get3A_816 = tpu.memref_squeeze %get3A_815 : memref<1x32x1024xf32, #tpu.memory_space<vmem>> -> memref<32x1024xf32, #tpu.memory_space<vmem>>
      %get3A_817 = arith.index_cast %get3A_812 : i32 to index
      %get3A_818 = arith.index_cast %multiple_of3A : i32 to index
      %get3A_819 = tpu.vector_load %get3A_816[%get3A_817, %get3A_818] {strides = array<i32>} : memref<32x1024xf32, #tpu.memory_space<vmem>>, vector<1x16xf32>,
      %get3A_820 = vector.shape_cast %get3A_819 : vector<1x16xf32> to vector<16xf32>
      %mul3A_821 = vector.broadcast %squeeze3A_331 : f32 to vector<16xf32>
      %mul3A_822 = arith.mulf %mul3A_821, %get3A_820 : vector<16xf32>
      %add3A_823 = arith.addf %mul3A_811, %mul3A_822 : vector<16xf32>
      %swap3A_824 = arith.constant 12 : i32
      %swap3A_825 = arith.index_cast %swap3A_824 : i32 to index
      %swap3A_826 = arith.index_cast %multiple_of3A : i32 to index
      %swap3A_827 = tpu.vector_load %arg9[%swap3A_825, %swap3A_826] {strides = array<i32>} : memref<16x1024xf32, #tpu.memory_space<vmem>>, vector<1x16xf32>,
      %swap3A_828 = vector.shape_cast %swap3A_827 : vector<1x16xf32> to vector<16xf32>
      %swap3A_829 = vector.shape_cast %add3A_823 : vector<16xf32> to vector<1x16xf32>
      tpu.vector_store %arg9[%swap3A_825, %swap3A_826], %swap3A_829 {strides = array<i32>} : memref<16x1024xf32, #tpu.memory_space<vmem>>, vector<1x16xf32>,
      %get3A_830 = arith.constant 26 : i32
      %get3A_831 = arith.constant 0 : i32
      %get3A_832 = arith.constant 0 : i32
      %get3A_833 = tpu.memref_slice %arg8[%scan3A_344, %get3A_831, %get3A_832] : memref<2x32x1024xf32, #tpu.memory_space<vmem>> -> memref<1x32x1024xf32, #tpu.memory_space<vmem>>
      %get3A_834 = tpu.memref_squeeze %get3A_833 : memref<1x32x1024xf32, #tpu.memory_space<vmem>> -> memref<32x1024xf32, #tpu.memory_space<vmem>>
      %get3A_835 = arith.index_cast %get3A_830 : i32 to index
      %get3A_836 = arith.index_cast %multiple_of3A : i32 to index
      %get3A_837 = tpu.vector_load %get3A_834[%get3A_835, %get3A_836] {strides = array<i32>} : memref<32x1024xf32, #tpu.memory_space<vmem>>, vector<1x16xf32>,
      %get3A_838 = vector.shape_cast %get3A_837 : vector<1x16xf32> to vector<16xf32>
      %mul3A_839 = vector.broadcast %squeeze3A_333 : f32 to vector<16xf32>
      %mul3A_840 = arith.mulf %mul3A_839, %get3A_838 : vector<16xf32>
      %get3A_841 = arith.constant 27 : i32
      %get3A_842 = arith.constant 0 : i32
      %get3A_843 = arith.constant 0 : i32
      %get3A_844 = tpu.memref_slice %arg8[%scan3A_344, %get3A_842, %get3A_843] : memref<2x32x1024xf32, #tpu.memory_space<vmem>> -> memref<1x32x1024xf32, #tpu.memory_space<vmem>>
      %get3A_845 = tpu.memref_squeeze %get3A_844 : memref<1x32x1024xf32, #tpu.memory_space<vmem>> -> memref<32x1024xf32, #tpu.memory_space<vmem>>
      %get3A_846 = arith.index_cast %get3A_841 : i32 to index
      %get3A_847 = arith.index_cast %multiple_of3A : i32 to index
      %get3A_848 = tpu.vector_load %get3A_845[%get3A_846, %get3A_847] {strides = array<i32>} : memref<32x1024xf32, #tpu.memory_space<vmem>>, vector<1x16xf32>,
      %get3A_849 = vector.shape_cast %get3A_848 : vector<1x16xf32> to vector<16xf32>
      %mul3A_850 = vector.broadcast %squeeze3A_335 : f32 to vector<16xf32>
      %mul3A_851 = arith.mulf %mul3A_850, %get3A_849 : vector<16xf32>
      %add3A_852 = arith.addf %mul3A_840, %mul3A_851 : vector<16xf32>
      %swap3A_853 = arith.constant 13 : i32
      %swap3A_854 = arith.index_cast %swap3A_853 : i32 to index
      %swap3A_855 = arith.index_cast %multiple_of3A : i32 to index
      %swap3A_856 = tpu.vector_load %arg9[%swap3A_854, %swap3A_855] {strides = array<i32>} : memref<16x1024xf32, #tpu.memory_space<vmem>>, vector<1x16xf32>,
      %swap3A_857 = vector.shape_cast %swap3A_856 : vector<1x16xf32> to vector<16xf32>
      %swap3A_858 = vector.shape_cast %add3A_852 : vector<16xf32> to vector<1x16xf32>
      tpu.vector_store %arg9[%swap3A_854, %swap3A_855], %swap3A_858 {strides = array<i32>} : memref<16x1024xf32, #tpu.memory_space<vmem>>, vector<1x16xf32>,
      %get3A_859 = arith.constant 28 : i32
      %get3A_860 = arith.constant 0 : i32
      %get3A_861 = arith.constant 0 : i32
      %get3A_862 = tpu.memref_slice %arg8[%scan3A_344, %get3A_860, %get3A_861] : memref<2x32x1024xf32, #tpu.memory_space<vmem>> -> memref<1x32x1024xf32, #tpu.memory_space<vmem>>
      %get3A_863 = tpu.memref_squeeze %get3A_862 : memref<1x32x1024xf32, #tpu.memory_space<vmem>> -> memref<32x1024xf32, #tpu.memory_space<vmem>>
      %get3A_864 = arith.index_cast %get3A_859 : i32 to index
      %get3A_865 = arith.index_cast %multiple_of3A : i32 to index
      %get3A_866 = tpu.vector_load %get3A_863[%get3A_864, %get3A_865] {strides = array<i32>} : memref<32x1024xf32, #tpu.memory_space<vmem>>, vector<1x16xf32>,
      %get3A_867 = vector.shape_cast %get3A_866 : vector<1x16xf32> to vector<16xf32>
      %mul3A_868 = vector.broadcast %squeeze3A_337 : f32 to vector<16xf32>
      %mul3A_869 = arith.mulf %mul3A_868, %get3A_867 : vector<16xf32>
      %get3A_870 = arith.constant 29 : i32
      %get3A_871 = arith.constant 0 : i32
      %get3A_872 = arith.constant 0 : i32
      %get3A_873 = tpu.memref_slice %arg8[%scan3A_344, %get3A_871, %get3A_872] : memref<2x32x1024xf32, #tpu.memory_space<vmem>> -> memref<1x32x1024xf32, #tpu.memory_space<vmem>>
      %get3A_874 = tpu.memref_squeeze %get3A_873 : memref<1x32x1024xf32, #tpu.memory_space<vmem>> -> memref<32x1024xf32, #tpu.memory_space<vmem>>
      %get3A_875 = arith.index_cast %get3A_870 : i32 to index
      %get3A_876 = arith.index_cast %multiple_of3A : i32 to index
      %get3A_877 = tpu.vector_load %get3A_874[%get3A_875, %get3A_876] {strides = array<i32>} : memref<32x1024xf32, #tpu.memory_space<vmem>>, vector<1x16xf32>,
      %get3A_878 = vector.shape_cast %get3A_877 : vector<1x16xf32> to vector<16xf32>
      %mul3A_879 = vector.broadcast %squeeze3A_339 : f32 to vector<16xf32>
      %mul3A_880 = arith.mulf %mul3A_879, %get3A_878 : vector<16xf32>
      %add3A_881 = arith.addf %mul3A_869, %mul3A_880 : vector<16xf32>
      %swap3A_882 = arith.constant 14 : i32
      %swap3A_883 = arith.index_cast %swap3A_882 : i32 to index
      %swap3A_884 = arith.index_cast %multiple_of3A : i32 to index
      %swap3A_885 = tpu.vector_load %arg9[%swap3A_883, %swap3A_884] {strides = array<i32>} : memref<16x1024xf32, #tpu.memory_space<vmem>>, vector<1x16xf32>,
      %swap3A_886 = vector.shape_cast %swap3A_885 : vector<1x16xf32> to vector<16xf32>
      %swap3A_887 = vector.shape_cast %add3A_881 : vector<16xf32> to vector<1x16xf32>
      tpu.vector_store %arg9[%swap3A_883, %swap3A_884], %swap3A_887 {strides = array<i32>} : memref<16x1024xf32, #tpu.memory_space<vmem>>, vector<1x16xf32>,
      %get3A_888 = arith.constant 30 : i32
      %get3A_889 = arith.constant 0 : i32
      %get3A_890 = arith.constant 0 : i32
      %get3A_891 = tpu.memref_slice %arg8[%scan3A_344, %get3A_889, %get3A_890] : memref<2x32x1024xf32, #tpu.memory_space<vmem>> -> memref<1x32x1024xf32, #tpu.memory_space<vmem>>
      %get3A_892 = tpu.memref_squeeze %get3A_891 : memref<1x32x1024xf32, #tpu.memory_space<vmem>> -> memref<32x1024xf32, #tpu.memory_space<vmem>>
      %get3A_893 = arith.index_cast %get3A_888 : i32 to index
      %get3A_894 = arith.index_cast %multiple_of3A : i32 to index
      %get3A_895 = tpu.vector_load %get3A_892[%get3A_893, %get3A_894] {strides = array<i32>} : memref<32x1024xf32, #tpu.memory_space<vmem>>, vector<1x16xf32>,
      %get3A_896 = vector.shape_cast %get3A_895 : vector<1x16xf32> to vector<16xf32>
      %mul3A_897 = vector.broadcast %squeeze3A_341 : f32 to vector<16xf32>
      %mul3A_898 = arith.mulf %mul3A_897, %get3A_896 : vector<16xf32>
      %get3A_899 = arith.constant 31 : i32
      %get3A_900 = arith.constant 0 : i32
      %get3A_901 = arith.constant 0 : i32
      %get3A_902 = tpu.memref_slice %arg8[%scan3A_344, %get3A_900, %get3A_901] : memref<2x32x1024xf32, #tpu.memory_space<vmem>> -> memref<1x32x1024xf32, #tpu.memory_space<vmem>>
      %get3A_903 = tpu.memref_squeeze %get3A_902 : memref<1x32x1024xf32, #tpu.memory_space<vmem>> -> memref<32x1024xf32, #tpu.memory_space<vmem>>
      %get3A_904 = arith.index_cast %get3A_899 : i32 to index
      %get3A_905 = arith.index_cast %multiple_of3A : i32 to index
      %get3A_906 = tpu.vector_load %get3A_903[%get3A_904, %get3A_905] {strides = array<i32>} : memref<32x1024xf32, #tpu.memory_space<vmem>>, vector<1x16xf32>,
      %get3A_907 = vector.shape_cast %get3A_906 : vector<1x16xf32> to vector<16xf32>
      %mul3A_908 = vector.broadcast %squeeze3A_343 : f32 to vector<16xf32>
      %mul3A_909 = arith.mulf %mul3A_908, %get3A_907 : vector<16xf32>
      %add3A_910 = arith.addf %mul3A_898, %mul3A_909 : vector<16xf32>
      %swap3A_911 = arith.constant 15 : i32
      %swap3A_912 = arith.index_cast %swap3A_911 : i32 to index
      %swap3A_913 = arith.index_cast %multiple_of3A : i32 to index
      %swap3A_914 = tpu.vector_load %arg9[%swap3A_912, %swap3A_913] {strides = array<i32>} : memref<16x1024xf32, #tpu.memory_space<vmem>>, vector<1x16xf32>,
      %swap3A_915 = vector.shape_cast %swap3A_914 : vector<1x16xf32> to vector<16xf32>
      %swap3A_916 = vector.shape_cast %add3A_910 : vector<16xf32> to vector<1x16xf32>
      tpu.vector_store %arg9[%swap3A_912, %swap3A_913], %swap3A_916 {strides = array<i32>} : memref<16x1024xf32, #tpu.memory_space<vmem>>, vector<1x16xf32>,
      %scan3A_917 = arith.constant 0 : i32
      scf.yield %scan3A_917 : i32
    }
    %scan3A_351 = arith.constant 64 : i32
    %mul3A_352 = arith.constant 64 : i32
    %mul3A_353 = arith.muli %add3A, %mul3A_352 : i32
    %add3A_354 = arith.constant 32 : i32
    %add3A_355 = arith.addi %mul3A_353, %add3A_354 : i32
    "tpu.region"() ({
      %run_scoped3A_450 = tpu.sem_alloc : memref<!tpu.dma_semaphore, #tpu.memory_space<semaphore_mem>>
      %dma_start3A_451 = arith.constant 0 : i32
      %dma_start3A_452 = tpu.memref_slice %arg5[%add3A_355, %dma_start3A_451] : memref<2048x1024xf32, #tpu.memory_space<hbm>> -> memref<16x1024xf32, #tpu.memory_space<hbm>>
      %dma_start3A_453 = arith.constant 0 : i32
      %dma_start3A_454 = tpu.memref_slice %arg5[%add3A_355, %dma_start3A_453] : memref<2048x1024xf32, #tpu.memory_space<hbm>> -> memref<16x1024xf32, #tpu.memory_space<hbm>>
      tpu.enqueue_dma source(%arg9 : memref<16x1024xf32, #tpu.memory_space<vmem>>) target(%dma_start3A_454 : memref<16x1024xf32, #tpu.memory_space<hbm>>) target_semaphore(%run_scoped3A_450 : memref<!tpu.dma_semaphore, #tpu.memory_space<semaphore_mem>>)
      %dma_wait3A_455 = arith.constant 0 : i32
      %dma_wait3A_456 = tpu.memref_slice %arg5[%add3A_355, %dma_wait3A_455] : memref<2048x1024xf32, #tpu.memory_space<hbm>> -> memref<16x1024xf32, #tpu.memory_space<hbm>>
      %dma_wait3A_457 = arith.constant 0 : i32
      %dma_wait3A_458 = tpu.memref_slice %arg5[%add3A_355, %dma_wait3A_457] : memref<2048x1024xf32, #tpu.memory_space<hbm>> -> memref<16x1024xf32, #tpu.memory_space<hbm>>
      tpu.wait_dma2 semaphore(%run_scoped3A_450 : memref<!tpu.dma_semaphore, #tpu.memory_space<semaphore_mem>>) src(%arg9 : memref<16x1024xf32, #tpu.memory_space<vmem>>) dst(%dma_wait3A_458 : memref<16x1024xf32, #tpu.memory_space<hbm>>)
      tpu.yield
    }) : () -> ()
    %dma_wait3A_356 = arith.constant 3 : i32
    %dma_wait3A_357 = arith.constant 1 : i32
    %dma_wait3A_358 = arith.constant 0 : i32
    %dma_wait3A_359 = arith.constant 0 : i32
    %dma_wait3A_360 = tpu.memref_slice %arg8[%dma_wait3A_357, %dma_wait3A_358, %dma_wait3A_359] : memref<2x32x1024xf32, #tpu.memory_space<vmem>> -> memref<1x32x1024xf32, #tpu.memory_space<vmem>>
    %dma_wait3A_361 = tpu.memref_squeeze %dma_wait3A_360 : memref<1x32x1024xf32, #tpu.memory_space<vmem>> -> memref<32x1024xf32, #tpu.memory_space<vmem>>
    %dma_wait3A_362 = arith.constant 0 : i32
    %dma_wait3A_363 = tpu.memref_slice %arg6[%dma_wait3A_356, %dma_wait3A_362] : memref<4x32xi32, #tpu.memory_space<vmem>> -> memref<1x32xi32, #tpu.memory_space<vmem>>
    %dma_wait3A_364 = tpu.memref_squeeze %dma_wait3A_363 : memref<1x32xi32, #tpu.memory_space<vmem>> -> memref<32xi32, #tpu.memory_space<vmem>>
    %dma_wait3A_365 = arith.constant 0 : i32
    %dma_wait3A_366 = arith.constant 0 : i32
    %dma_wait3A_367 = tpu.memref_slice %arg2[%dma_wait3A_365, %dma_wait3A_366] : memref<8704x1024xf32, #tpu.memory_space<hbm>> -> memref<8704x1024xf32, #tpu.memory_space<hbm>>
    tpu.wait_indirect_dma semaphore(%arg11 : memref<!tpu.dma_semaphore, #tpu.memory_space<semaphore_mem>>) src(%dma_wait3A_367 : memref<8704x1024xf32, #tpu.memory_space<hbm>>) dst(%dma_wait3A_361 : memref<32x1024xf32, #tpu.memory_space<vmem>>)
    %get3A_368 = arith.constant 96 : index
    %get3A_369 = tpu.vector_load %arg7[%get3A_368] {strides = array<i32>} : memref<128xf32, #tpu.memory_space<vmem>>, vector<16xf32>,
    %get3A_370 = vector.shape_cast %get3A_369 : vector<16xf32> to vector<16xf32>
    %get3A_371 = arith.constant 112 : index
    %get3A_372 = tpu.vector_load %arg7[%get3A_371] {strides = array<i32>} : memref<128xf32, #tpu.memory_space<vmem>>, vector<16xf32>,
    %get3A_373 = vector.shape_cast %get3A_372 : vector<16xf32> to vector<16xf32>
    %slice3A_374 = vector.extract_strided_slice %get3A_370 {offsets = [0], sizes = [1], strides = [1]} : vector<16xf32> to vector<1xf32>
    %squeeze3A_375 = vector.extract %slice3A_374[0] : f32 from vector<1xf32>
    %slice3A_376 = vector.extract_strided_slice %get3A_370 {offsets = [1], sizes = [1], strides = [1]} : vector<16xf32> to vector<1xf32>
    %squeeze3A_377 = vector.extract %slice3A_376[0] : f32 from vector<1xf32>
    %slice3A_378 = vector.extract_strided_slice %get3A_370 {offsets = [2], sizes = [1], strides = [1]} : vector<16xf32> to vector<1xf32>
    %squeeze3A_379 = vector.extract %slice3A_378[0] : f32 from vector<1xf32>
    %slice3A_380 = vector.extract_strided_slice %get3A_370 {offsets = [3], sizes = [1], strides = [1]} : vector<16xf32> to vector<1xf32>
    %squeeze3A_381 = vector.extract %slice3A_380[0] : f32 from vector<1xf32>
    %slice3A_382 = vector.extract_strided_slice %get3A_370 {offsets = [4], sizes = [1], strides = [1]} : vector<16xf32> to vector<1xf32>
    %squeeze3A_383 = vector.extract %slice3A_382[0] : f32 from vector<1xf32>
    %slice3A_384 = vector.extract_strided_slice %get3A_370 {offsets = [5], sizes = [1], strides = [1]} : vector<16xf32> to vector<1xf32>
    %squeeze3A_385 = vector.extract %slice3A_384[0] : f32 from vector<1xf32>
    %slice3A_386 = vector.extract_strided_slice %get3A_370 {offsets = [6], sizes = [1], strides = [1]} : vector<16xf32> to vector<1xf32>
    %squeeze3A_387 = vector.extract %slice3A_386[0] : f32 from vector<1xf32>
    %slice3A_388 = vector.extract_strided_slice %get3A_370 {offsets = [7], sizes = [1], strides = [1]} : vector<16xf32> to vector<1xf32>
    %squeeze3A_389 = vector.extract %slice3A_388[0] : f32 from vector<1xf32>
    %slice3A_390 = vector.extract_strided_slice %get3A_370 {offsets = [8], sizes = [1], strides = [1]} : vector<16xf32> to vector<1xf32>
    %squeeze3A_391 = vector.extract %slice3A_390[0] : f32 from vector<1xf32>
    %slice3A_392 = vector.extract_strided_slice %get3A_370 {offsets = [9], sizes = [1], strides = [1]} : vector<16xf32> to vector<1xf32>
    %squeeze3A_393 = vector.extract %slice3A_392[0] : f32 from vector<1xf32>
    %slice3A_394 = vector.extract_strided_slice %get3A_370 {offsets = [10], sizes = [1], strides = [1]} : vector<16xf32> to vector<1xf32>
    %squeeze3A_395 = vector.extract %slice3A_394[0] : f32 from vector<1xf32>
    %slice3A_396 = vector.extract_strided_slice %get3A_370 {offsets = [11], sizes = [1], strides = [1]} : vector<16xf32> to vector<1xf32>
    %squeeze3A_397 = vector.extract %slice3A_396[0] : f32 from vector<1xf32>
    %slice3A_398 = vector.extract_strided_slice %get3A_370 {offsets = [12], sizes = [1], strides = [1]} : vector<16xf32> to vector<1xf32>
    %squeeze3A_399 = vector.extract %slice3A_398[0] : f32 from vector<1xf32>
    %slice3A_400 = vector.extract_strided_slice %get3A_370 {offsets = [13], sizes = [1], strides = [1]} : vector<16xf32> to vector<1xf32>
    %squeeze3A_401 = vector.extract %slice3A_400[0] : f32 from vector<1xf32>
    %slice3A_402 = vector.extract_strided_slice %get3A_370 {offsets = [14], sizes = [1], strides = [1]} : vector<16xf32> to vector<1xf32>
    %squeeze3A_403 = vector.extract %slice3A_402[0] : f32 from vector<1xf32>
    %slice3A_404 = vector.extract_strided_slice %get3A_370 {offsets = [15], sizes = [1], strides = [1]} : vector<16xf32> to vector<1xf32>
    %squeeze3A_405 = vector.extract %slice3A_404[0] : f32 from vector<1xf32>
    %slice3A_406 = vector.extract_strided_slice %get3A_373 {offsets = [0], sizes = [1], strides = [1]} : vector<16xf32> to vector<1xf32>
    %squeeze3A_407 = vector.extract %slice3A_406[0] : f32 from vector<1xf32>
    %slice3A_408 = vector.extract_strided_slice %get3A_373 {offsets = [1], sizes = [1], strides = [1]} : vector<16xf32> to vector<1xf32>
    %squeeze3A_409 = vector.extract %slice3A_408[0] : f32 from vector<1xf32>
    %slice3A_410 = vector.extract_strided_slice %get3A_373 {offsets = [2], sizes = [1], strides = [1]} : vector<16xf32> to vector<1xf32>
    %squeeze3A_411 = vector.extract %slice3A_410[0] : f32 from vector<1xf32>
    %slice3A_412 = vector.extract_strided_slice %get3A_373 {offsets = [3], sizes = [1], strides = [1]} : vector<16xf32> to vector<1xf32>
    %squeeze3A_413 = vector.extract %slice3A_412[0] : f32 from vector<1xf32>
    %slice3A_414 = vector.extract_strided_slice %get3A_373 {offsets = [4], sizes = [1], strides = [1]} : vector<16xf32> to vector<1xf32>
    %squeeze3A_415 = vector.extract %slice3A_414[0] : f32 from vector<1xf32>
    %slice3A_416 = vector.extract_strided_slice %get3A_373 {offsets = [5], sizes = [1], strides = [1]} : vector<16xf32> to vector<1xf32>
    %squeeze3A_417 = vector.extract %slice3A_416[0] : f32 from vector<1xf32>
    %slice3A_418 = vector.extract_strided_slice %get3A_373 {offsets = [6], sizes = [1], strides = [1]} : vector<16xf32> to vector<1xf32>
    %squeeze3A_419 = vector.extract %slice3A_418[0] : f32 from vector<1xf32>
    %slice3A_420 = vector.extract_strided_slice %get3A_373 {offsets = [7], sizes = [1], strides = [1]} : vector<16xf32> to vector<1xf32>
    %squeeze3A_421 = vector.extract %slice3A_420[0] : f32 from vector<1xf32>
    %slice3A_422 = vector.extract_strided_slice %get3A_373 {offsets = [8], sizes = [1], strides = [1]} : vector<16xf32> to vector<1xf32>
    %squeeze3A_423 = vector.extract %slice3A_422[0] : f32 from vector<1xf32>
    %slice3A_424 = vector.extract_strided_slice %get3A_373 {offsets = [9], sizes = [1], strides = [1]} : vector<16xf32> to vector<1xf32>
    %squeeze3A_425 = vector.extract %slice3A_424[0] : f32 from vector<1xf32>
    %slice3A_426 = vector.extract_strided_slice %get3A_373 {offsets = [10], sizes = [1], strides = [1]} : vector<16xf32> to vector<1xf32>
    %squeeze3A_427 = vector.extract %slice3A_426[0] : f32 from vector<1xf32>
    %slice3A_428 = vector.extract_strided_slice %get3A_373 {offsets = [11], sizes = [1], strides = [1]} : vector<16xf32> to vector<1xf32>
    %squeeze3A_429 = vector.extract %slice3A_428[0] : f32 from vector<1xf32>
    %slice3A_430 = vector.extract_strided_slice %get3A_373 {offsets = [12], sizes = [1], strides = [1]} : vector<16xf32> to vector<1xf32>
    %squeeze3A_431 = vector.extract %slice3A_430[0] : f32 from vector<1xf32>
    %slice3A_432 = vector.extract_strided_slice %get3A_373 {offsets = [13], sizes = [1], strides = [1]} : vector<16xf32> to vector<1xf32>
    %squeeze3A_433 = vector.extract %slice3A_432[0] : f32 from vector<1xf32>
    %slice3A_434 = vector.extract_strided_slice %get3A_373 {offsets = [14], sizes = [1], strides = [1]} : vector<16xf32> to vector<1xf32>
    %squeeze3A_435 = vector.extract %slice3A_434[0] : f32 from vector<1xf32>
    %slice3A_436 = vector.extract_strided_slice %get3A_373 {offsets = [15], sizes = [1], strides = [1]} : vector<16xf32> to vector<1xf32>
    %squeeze3A_437 = vector.extract %slice3A_436[0] : f32 from vector<1xf32>
    %scan3A_438 = arith.constant 1 : i32
    %scan3A_439 = arith.constant 0 : i32
    %scan3A_440 = arith.constant 0 : i32
    %scan3A_441 = arith.constant 64 : i32
    %scan3A_442 = arith.addi %scan3A_440, %scan3A_441 : i32
    %scan3A_443 = arith.constant 1 : i32
    %scan3A_444 = scf.for %scan3A_450 = %scan3A_440 to %scan3A_442 step %scan3A_443 iter_args(%scan3A_451 = %scan3A_439) -> (i32)  : i32 {
      %mul3A_452 = arith.constant 16 : i32
      %mul3A_453 = arith.muli %scan3A_450, %mul3A_452 : i32
      %multiple_of3A = tpu.assume_multiple %mul3A_453, 16 : i32
      %get3A_454 = arith.constant 0 : i32
      %get3A_455 = arith.constant 0 : i32
      %get3A_456 = arith.constant 0 : i32
      %get3A_457 = tpu.memref_slice %arg8[%scan3A_438, %get3A_455, %get3A_456] : memref<2x32x1024xf32, #tpu.memory_space<vmem>> -> memref<1x32x1024xf32, #tpu.memory_space<vmem>>
      %get3A_458 = tpu.memref_squeeze %get3A_457 : memref<1x32x1024xf32, #tpu.memory_space<vmem>> -> memref<32x1024xf32, #tpu.memory_space<vmem>>
      %get3A_459 = arith.index_cast %get3A_454 : i32 to index
      %get3A_460 = arith.index_cast %multiple_of3A : i32 to index
      %get3A_461 = tpu.vector_load %get3A_458[%get3A_459, %get3A_460] {strides = array<i32>} : memref<32x1024xf32, #tpu.memory_space<vmem>>, vector<1x16xf32>,
      %get3A_462 = vector.shape_cast %get3A_461 : vector<1x16xf32> to vector<16xf32>
      %mul3A_463 = vector.broadcast %squeeze3A_375 : f32 to vector<16xf32>
      %mul3A_464 = arith.mulf %mul3A_463, %get3A_462 : vector<16xf32>
      %get3A_465 = arith.constant 1 : i32
      %get3A_466 = arith.constant 0 : i32
      %get3A_467 = arith.constant 0 : i32
      %get3A_468 = tpu.memref_slice %arg8[%scan3A_438, %get3A_466, %get3A_467] : memref<2x32x1024xf32, #tpu.memory_space<vmem>> -> memref<1x32x1024xf32, #tpu.memory_space<vmem>>
      %get3A_469 = tpu.memref_squeeze %get3A_468 : memref<1x32x1024xf32, #tpu.memory_space<vmem>> -> memref<32x1024xf32, #tpu.memory_space<vmem>>
      %get3A_470 = arith.index_cast %get3A_465 : i32 to index
      %get3A_471 = arith.index_cast %multiple_of3A : i32 to index
      %get3A_472 = tpu.vector_load %get3A_469[%get3A_470, %get3A_471] {strides = array<i32>} : memref<32x1024xf32, #tpu.memory_space<vmem>>, vector<1x16xf32>,
      %get3A_473 = vector.shape_cast %get3A_472 : vector<1x16xf32> to vector<16xf32>
      %mul3A_474 = vector.broadcast %squeeze3A_377 : f32 to vector<16xf32>
      %mul3A_475 = arith.mulf %mul3A_474, %get3A_473 : vector<16xf32>
      %add3A_476 = arith.addf %mul3A_464, %mul3A_475 : vector<16xf32>
      %swap3A = arith.constant 0 : i32
      %swap3A_477 = arith.index_cast %swap3A : i32 to index
      %swap3A_478 = arith.index_cast %multiple_of3A : i32 to index
      %swap3A_479 = tpu.vector_load %arg9[%swap3A_477, %swap3A_478] {strides = array<i32>} : memref<16x1024xf32, #tpu.memory_space<vmem>>, vector<1x16xf32>,
      %swap3A_480 = vector.shape_cast %swap3A_479 : vector<1x16xf32> to vector<16xf32>
      %swap3A_481 = vector.shape_cast %add3A_476 : vector<16xf32> to vector<1x16xf32>
      tpu.vector_store %arg9[%swap3A_477, %swap3A_478], %swap3A_481 {strides = array<i32>} : memref<16x1024xf32, #tpu.memory_space<vmem>>, vector<1x16xf32>,
      %get3A_482 = arith.constant 2 : i32
      %get3A_483 = arith.constant 0 : i32
      %get3A_484 = arith.constant 0 : i32
      %get3A_485 = tpu.memref_slice %arg8[%scan3A_438, %get3A_483, %get3A_484] : memref<2x32x1024xf32, #tpu.memory_space<vmem>> -> memref<1x32x1024xf32, #tpu.memory_space<vmem>>
      %get3A_486 = tpu.memref_squeeze %get3A_485 : memref<1x32x1024xf32, #tpu.memory_space<vmem>> -> memref<32x1024xf32, #tpu.memory_space<vmem>>
      %get3A_487 = arith.index_cast %get3A_482 : i32 to index
      %get3A_488 = arith.index_cast %multiple_of3A : i32 to index
      %get3A_489 = tpu.vector_load %get3A_486[%get3A_487, %get3A_488] {strides = array<i32>} : memref<32x1024xf32, #tpu.memory_space<vmem>>, vector<1x16xf32>,
      %get3A_490 = vector.shape_cast %get3A_489 : vector<1x16xf32> to vector<16xf32>
      %mul3A_491 = vector.broadcast %squeeze3A_379 : f32 to vector<16xf32>
      %mul3A_492 = arith.mulf %mul3A_491, %get3A_490 : vector<16xf32>
      %get3A_493 = arith.constant 3 : i32
      %get3A_494 = arith.constant 0 : i32
      %get3A_495 = arith.constant 0 : i32
      %get3A_496 = tpu.memref_slice %arg8[%scan3A_438, %get3A_494, %get3A_495] : memref<2x32x1024xf32, #tpu.memory_space<vmem>> -> memref<1x32x1024xf32, #tpu.memory_space<vmem>>
      %get3A_497 = tpu.memref_squeeze %get3A_496 : memref<1x32x1024xf32, #tpu.memory_space<vmem>> -> memref<32x1024xf32, #tpu.memory_space<vmem>>
      %get3A_498 = arith.index_cast %get3A_493 : i32 to index
      %get3A_499 = arith.index_cast %multiple_of3A : i32 to index
      %get3A_500 = tpu.vector_load %get3A_497[%get3A_498, %get3A_499] {strides = array<i32>} : memref<32x1024xf32, #tpu.memory_space<vmem>>, vector<1x16xf32>,
      %get3A_501 = vector.shape_cast %get3A_500 : vector<1x16xf32> to vector<16xf32>
      %mul3A_502 = vector.broadcast %squeeze3A_381 : f32 to vector<16xf32>
      %mul3A_503 = arith.mulf %mul3A_502, %get3A_501 : vector<16xf32>
      %add3A_504 = arith.addf %mul3A_492, %mul3A_503 : vector<16xf32>
      %swap3A_505 = arith.constant 1 : i32
      %swap3A_506 = arith.index_cast %swap3A_505 : i32 to index
      %swap3A_507 = arith.index_cast %multiple_of3A : i32 to index
      %swap3A_508 = tpu.vector_load %arg9[%swap3A_506, %swap3A_507] {strides = array<i32>} : memref<16x1024xf32, #tpu.memory_space<vmem>>, vector<1x16xf32>,
      %swap3A_509 = vector.shape_cast %swap3A_508 : vector<1x16xf32> to vector<16xf32>
      %swap3A_510 = vector.shape_cast %add3A_504 : vector<16xf32> to vector<1x16xf32>
      tpu.vector_store %arg9[%swap3A_506, %swap3A_507], %swap3A_510 {strides = array<i32>} : memref<16x1024xf32, #tpu.memory_space<vmem>>, vector<1x16xf32>,
      %get3A_511 = arith.constant 4 : i32
      %get3A_512 = arith.constant 0 : i32
      %get3A_513 = arith.constant 0 : i32
      %get3A_514 = tpu.memref_slice %arg8[%scan3A_438, %get3A_512, %get3A_513] : memref<2x32x1024xf32, #tpu.memory_space<vmem>> -> memref<1x32x1024xf32, #tpu.memory_space<vmem>>
      %get3A_515 = tpu.memref_squeeze %get3A_514 : memref<1x32x1024xf32, #tpu.memory_space<vmem>> -> memref<32x1024xf32, #tpu.memory_space<vmem>>
      %get3A_516 = arith.index_cast %get3A_511 : i32 to index
      %get3A_517 = arith.index_cast %multiple_of3A : i32 to index
      %get3A_518 = tpu.vector_load %get3A_515[%get3A_516, %get3A_517] {strides = array<i32>} : memref<32x1024xf32, #tpu.memory_space<vmem>>, vector<1x16xf32>,
      %get3A_519 = vector.shape_cast %get3A_518 : vector<1x16xf32> to vector<16xf32>
      %mul3A_520 = vector.broadcast %squeeze3A_383 : f32 to vector<16xf32>
      %mul3A_521 = arith.mulf %mul3A_520, %get3A_519 : vector<16xf32>
      %get3A_522 = arith.constant 5 : i32
      %get3A_523 = arith.constant 0 : i32
      %get3A_524 = arith.constant 0 : i32
      %get3A_525 = tpu.memref_slice %arg8[%scan3A_438, %get3A_523, %get3A_524] : memref<2x32x1024xf32, #tpu.memory_space<vmem>> -> memref<1x32x1024xf32, #tpu.memory_space<vmem>>
      %get3A_526 = tpu.memref_squeeze %get3A_525 : memref<1x32x1024xf32, #tpu.memory_space<vmem>> -> memref<32x1024xf32, #tpu.memory_space<vmem>>
      %get3A_527 = arith.index_cast %get3A_522 : i32 to index
      %get3A_528 = arith.index_cast %multiple_of3A : i32 to index
      %get3A_529 = tpu.vector_load %get3A_526[%get3A_527, %get3A_528] {strides = array<i32>} : memref<32x1024xf32, #tpu.memory_space<vmem>>, vector<1x16xf32>,
      %get3A_530 = vector.shape_cast %get3A_529 : vector<1x16xf32> to vector<16xf32>
      %mul3A_531 = vector.broadcast %squeeze3A_385 : f32 to vector<16xf32>
      %mul3A_532 = arith.mulf %mul3A_531, %get3A_530 : vector<16xf32>
      %add3A_533 = arith.addf %mul3A_521, %mul3A_532 : vector<16xf32>
      %swap3A_534 = arith.constant 2 : i32
      %swap3A_535 = arith.index_cast %swap3A_534 : i32 to index
      %swap3A_536 = arith.index_cast %multiple_of3A : i32 to index
      %swap3A_537 = tpu.vector_load %arg9[%swap3A_535, %swap3A_536] {strides = array<i32>} : memref<16x1024xf32, #tpu.memory_space<vmem>>, vector<1x16xf32>,
      %swap3A_538 = vector.shape_cast %swap3A_537 : vector<1x16xf32> to vector<16xf32>
      %swap3A_539 = vector.shape_cast %add3A_533 : vector<16xf32> to vector<1x16xf32>
      tpu.vector_store %arg9[%swap3A_535, %swap3A_536], %swap3A_539 {strides = array<i32>} : memref<16x1024xf32, #tpu.memory_space<vmem>>, vector<1x16xf32>,
      %get3A_540 = arith.constant 6 : i32
      %get3A_541 = arith.constant 0 : i32
      %get3A_542 = arith.constant 0 : i32
      %get3A_543 = tpu.memref_slice %arg8[%scan3A_438, %get3A_541, %get3A_542] : memref<2x32x1024xf32, #tpu.memory_space<vmem>> -> memref<1x32x1024xf32, #tpu.memory_space<vmem>>
      %get3A_544 = tpu.memref_squeeze %get3A_543 : memref<1x32x1024xf32, #tpu.memory_space<vmem>> -> memref<32x1024xf32, #tpu.memory_space<vmem>>
      %get3A_545 = arith.index_cast %get3A_540 : i32 to index
      %get3A_546 = arith.index_cast %multiple_of3A : i32 to index
      %get3A_547 = tpu.vector_load %get3A_544[%get3A_545, %get3A_546] {strides = array<i32>} : memref<32x1024xf32, #tpu.memory_space<vmem>>, vector<1x16xf32>,
      %get3A_548 = vector.shape_cast %get3A_547 : vector<1x16xf32> to vector<16xf32>
      %mul3A_549 = vector.broadcast %squeeze3A_387 : f32 to vector<16xf32>
      %mul3A_550 = arith.mulf %mul3A_549, %get3A_548 : vector<16xf32>
      %get3A_551 = arith.constant 7 : i32
      %get3A_552 = arith.constant 0 : i32
      %get3A_553 = arith.constant 0 : i32
      %get3A_554 = tpu.memref_slice %arg8[%scan3A_438, %get3A_552, %get3A_553] : memref<2x32x1024xf32, #tpu.memory_space<vmem>> -> memref<1x32x1024xf32, #tpu.memory_space<vmem>>
      %get3A_555 = tpu.memref_squeeze %get3A_554 : memref<1x32x1024xf32, #tpu.memory_space<vmem>> -> memref<32x1024xf32, #tpu.memory_space<vmem>>
      %get3A_556 = arith.index_cast %get3A_551 : i32 to index
      %get3A_557 = arith.index_cast %multiple_of3A : i32 to index
      %get3A_558 = tpu.vector_load %get3A_555[%get3A_556, %get3A_557] {strides = array<i32>} : memref<32x1024xf32, #tpu.memory_space<vmem>>, vector<1x16xf32>,
      %get3A_559 = vector.shape_cast %get3A_558 : vector<1x16xf32> to vector<16xf32>
      %mul3A_560 = vector.broadcast %squeeze3A_389 : f32 to vector<16xf32>
      %mul3A_561 = arith.mulf %mul3A_560, %get3A_559 : vector<16xf32>
      %add3A_562 = arith.addf %mul3A_550, %mul3A_561 : vector<16xf32>
      %swap3A_563 = arith.constant 3 : i32
      %swap3A_564 = arith.index_cast %swap3A_563 : i32 to index
      %swap3A_565 = arith.index_cast %multiple_of3A : i32 to index
      %swap3A_566 = tpu.vector_load %arg9[%swap3A_564, %swap3A_565] {strides = array<i32>} : memref<16x1024xf32, #tpu.memory_space<vmem>>, vector<1x16xf32>,
      %swap3A_567 = vector.shape_cast %swap3A_566 : vector<1x16xf32> to vector<16xf32>
      %swap3A_568 = vector.shape_cast %add3A_562 : vector<16xf32> to vector<1x16xf32>
      tpu.vector_store %arg9[%swap3A_564, %swap3A_565], %swap3A_568 {strides = array<i32>} : memref<16x1024xf32, #tpu.memory_space<vmem>>, vector<1x16xf32>,
      %get3A_569 = arith.constant 8 : i32
      %get3A_570 = arith.constant 0 : i32
      %get3A_571 = arith.constant 0 : i32
      %get3A_572 = tpu.memref_slice %arg8[%scan3A_438, %get3A_570, %get3A_571] : memref<2x32x1024xf32, #tpu.memory_space<vmem>> -> memref<1x32x1024xf32, #tpu.memory_space<vmem>>
      %get3A_573 = tpu.memref_squeeze %get3A_572 : memref<1x32x1024xf32, #tpu.memory_space<vmem>> -> memref<32x1024xf32, #tpu.memory_space<vmem>>
      %get3A_574 = arith.index_cast %get3A_569 : i32 to index
      %get3A_575 = arith.index_cast %multiple_of3A : i32 to index
      %get3A_576 = tpu.vector_load %get3A_573[%get3A_574, %get3A_575] {strides = array<i32>} : memref<32x1024xf32, #tpu.memory_space<vmem>>, vector<1x16xf32>,
      %get3A_577 = vector.shape_cast %get3A_576 : vector<1x16xf32> to vector<16xf32>
      %mul3A_578 = vector.broadcast %squeeze3A_391 : f32 to vector<16xf32>
      %mul3A_579 = arith.mulf %mul3A_578, %get3A_577 : vector<16xf32>
      %get3A_580 = arith.constant 9 : i32
      %get3A_581 = arith.constant 0 : i32
      %get3A_582 = arith.constant 0 : i32
      %get3A_583 = tpu.memref_slice %arg8[%scan3A_438, %get3A_581, %get3A_582] : memref<2x32x1024xf32, #tpu.memory_space<vmem>> -> memref<1x32x1024xf32, #tpu.memory_space<vmem>>
      %get3A_584 = tpu.memref_squeeze %get3A_583 : memref<1x32x1024xf32, #tpu.memory_space<vmem>> -> memref<32x1024xf32, #tpu.memory_space<vmem>>
      %get3A_585 = arith.index_cast %get3A_580 : i32 to index
      %get3A_586 = arith.index_cast %multiple_of3A : i32 to index
      %get3A_587 = tpu.vector_load %get3A_584[%get3A_585, %get3A_586] {strides = array<i32>} : memref<32x1024xf32, #tpu.memory_space<vmem>>, vector<1x16xf32>,
      %get3A_588 = vector.shape_cast %get3A_587 : vector<1x16xf32> to vector<16xf32>
      %mul3A_589 = vector.broadcast %squeeze3A_393 : f32 to vector<16xf32>
      %mul3A_590 = arith.mulf %mul3A_589, %get3A_588 : vector<16xf32>
      %add3A_591 = arith.addf %mul3A_579, %mul3A_590 : vector<16xf32>
      %swap3A_592 = arith.constant 4 : i32
      %swap3A_593 = arith.index_cast %swap3A_592 : i32 to index
      %swap3A_594 = arith.index_cast %multiple_of3A : i32 to index
      %swap3A_595 = tpu.vector_load %arg9[%swap3A_593, %swap3A_594] {strides = array<i32>} : memref<16x1024xf32, #tpu.memory_space<vmem>>, vector<1x16xf32>,
      %swap3A_596 = vector.shape_cast %swap3A_595 : vector<1x16xf32> to vector<16xf32>
      %swap3A_597 = vector.shape_cast %add3A_591 : vector<16xf32> to vector<1x16xf32>
      tpu.vector_store %arg9[%swap3A_593, %swap3A_594], %swap3A_597 {strides = array<i32>} : memref<16x1024xf32, #tpu.memory_space<vmem>>, vector<1x16xf32>,
      %get3A_598 = arith.constant 10 : i32
      %get3A_599 = arith.constant 0 : i32
      %get3A_600 = arith.constant 0 : i32
      %get3A_601 = tpu.memref_slice %arg8[%scan3A_438, %get3A_599, %get3A_600] : memref<2x32x1024xf32, #tpu.memory_space<vmem>> -> memref<1x32x1024xf32, #tpu.memory_space<vmem>>
      %get3A_602 = tpu.memref_squeeze %get3A_601 : memref<1x32x1024xf32, #tpu.memory_space<vmem>> -> memref<32x1024xf32, #tpu.memory_space<vmem>>
      %get3A_603 = arith.index_cast %get3A_598 : i32 to index
      %get3A_604 = arith.index_cast %multiple_of3A : i32 to index
      %get3A_605 = tpu.vector_load %get3A_602[%get3A_603, %get3A_604] {strides = array<i32>} : memref<32x1024xf32, #tpu.memory_space<vmem>>, vector<1x16xf32>,
      %get3A_606 = vector.shape_cast %get3A_605 : vector<1x16xf32> to vector<16xf32>
      %mul3A_607 = vector.broadcast %squeeze3A_395 : f32 to vector<16xf32>
      %mul3A_608 = arith.mulf %mul3A_607, %get3A_606 : vector<16xf32>
      %get3A_609 = arith.constant 11 : i32
      %get3A_610 = arith.constant 0 : i32
      %get3A_611 = arith.constant 0 : i32
      %get3A_612 = tpu.memref_slice %arg8[%scan3A_438, %get3A_610, %get3A_611] : memref<2x32x1024xf32, #tpu.memory_space<vmem>> -> memref<1x32x1024xf32, #tpu.memory_space<vmem>>
      %get3A_613 = tpu.memref_squeeze %get3A_612 : memref<1x32x1024xf32, #tpu.memory_space<vmem>> -> memref<32x1024xf32, #tpu.memory_space<vmem>>
      %get3A_614 = arith.index_cast %get3A_609 : i32 to index
      %get3A_615 = arith.index_cast %multiple_of3A : i32 to index
      %get3A_616 = tpu.vector_load %get3A_613[%get3A_614, %get3A_615] {strides = array<i32>} : memref<32x1024xf32, #tpu.memory_space<vmem>>, vector<1x16xf32>,
      %get3A_617 = vector.shape_cast %get3A_616 : vector<1x16xf32> to vector<16xf32>
      %mul3A_618 = vector.broadcast %squeeze3A_397 : f32 to vector<16xf32>
      %mul3A_619 = arith.mulf %mul3A_618, %get3A_617 : vector<16xf32>
      %add3A_620 = arith.addf %mul3A_608, %mul3A_619 : vector<16xf32>
      %swap3A_621 = arith.constant 5 : i32
      %swap3A_622 = arith.index_cast %swap3A_621 : i32 to index
      %swap3A_623 = arith.index_cast %multiple_of3A : i32 to index
      %swap3A_624 = tpu.vector_load %arg9[%swap3A_622, %swap3A_623] {strides = array<i32>} : memref<16x1024xf32, #tpu.memory_space<vmem>>, vector<1x16xf32>,
      %swap3A_625 = vector.shape_cast %swap3A_624 : vector<1x16xf32> to vector<16xf32>
      %swap3A_626 = vector.shape_cast %add3A_620 : vector<16xf32> to vector<1x16xf32>
      tpu.vector_store %arg9[%swap3A_622, %swap3A_623], %swap3A_626 {strides = array<i32>} : memref<16x1024xf32, #tpu.memory_space<vmem>>, vector<1x16xf32>,
      %get3A_627 = arith.constant 12 : i32
      %get3A_628 = arith.constant 0 : i32
      %get3A_629 = arith.constant 0 : i32
      %get3A_630 = tpu.memref_slice %arg8[%scan3A_438, %get3A_628, %get3A_629] : memref<2x32x1024xf32, #tpu.memory_space<vmem>> -> memref<1x32x1024xf32, #tpu.memory_space<vmem>>
      %get3A_631 = tpu.memref_squeeze %get3A_630 : memref<1x32x1024xf32, #tpu.memory_space<vmem>> -> memref<32x1024xf32, #tpu.memory_space<vmem>>
      %get3A_632 = arith.index_cast %get3A_627 : i32 to index
      %get3A_633 = arith.index_cast %multiple_of3A : i32 to index
      %get3A_634 = tpu.vector_load %get3A_631[%get3A_632, %get3A_633] {strides = array<i32>} : memref<32x1024xf32, #tpu.memory_space<vmem>>, vector<1x16xf32>,
      %get3A_635 = vector.shape_cast %get3A_634 : vector<1x16xf32> to vector<16xf32>
      %mul3A_636 = vector.broadcast %squeeze3A_399 : f32 to vector<16xf32>
      %mul3A_637 = arith.mulf %mul3A_636, %get3A_635 : vector<16xf32>
      %get3A_638 = arith.constant 13 : i32
      %get3A_639 = arith.constant 0 : i32
      %get3A_640 = arith.constant 0 : i32
      %get3A_641 = tpu.memref_slice %arg8[%scan3A_438, %get3A_639, %get3A_640] : memref<2x32x1024xf32, #tpu.memory_space<vmem>> -> memref<1x32x1024xf32, #tpu.memory_space<vmem>>
      %get3A_642 = tpu.memref_squeeze %get3A_641 : memref<1x32x1024xf32, #tpu.memory_space<vmem>> -> memref<32x1024xf32, #tpu.memory_space<vmem>>
      %get3A_643 = arith.index_cast %get3A_638 : i32 to index
      %get3A_644 = arith.index_cast %multiple_of3A : i32 to index
      %get3A_645 = tpu.vector_load %get3A_642[%get3A_643, %get3A_644] {strides = array<i32>} : memref<32x1024xf32, #tpu.memory_space<vmem>>, vector<1x16xf32>,
      %get3A_646 = vector.shape_cast %get3A_645 : vector<1x16xf32> to vector<16xf32>
      %mul3A_647 = vector.broadcast %squeeze3A_401 : f32 to vector<16xf32>
      %mul3A_648 = arith.mulf %mul3A_647, %get3A_646 : vector<16xf32>
      %add3A_649 = arith.addf %mul3A_637, %mul3A_648 : vector<16xf32>
      %swap3A_650 = arith.constant 6 : i32
      %swap3A_651 = arith.index_cast %swap3A_650 : i32 to index
      %swap3A_652 = arith.index_cast %multiple_of3A : i32 to index
      %swap3A_653 = tpu.vector_load %arg9[%swap3A_651, %swap3A_652] {strides = array<i32>} : memref<16x1024xf32, #tpu.memory_space<vmem>>, vector<1x16xf32>,
      %swap3A_654 = vector.shape_cast %swap3A_653 : vector<1x16xf32> to vector<16xf32>
      %swap3A_655 = vector.shape_cast %add3A_649 : vector<16xf32> to vector<1x16xf32>
      tpu.vector_store %arg9[%swap3A_651, %swap3A_652], %swap3A_655 {strides = array<i32>} : memref<16x1024xf32, #tpu.memory_space<vmem>>, vector<1x16xf32>,
      %get3A_656 = arith.constant 14 : i32
      %get3A_657 = arith.constant 0 : i32
      %get3A_658 = arith.constant 0 : i32
      %get3A_659 = tpu.memref_slice %arg8[%scan3A_438, %get3A_657, %get3A_658] : memref<2x32x1024xf32, #tpu.memory_space<vmem>> -> memref<1x32x1024xf32, #tpu.memory_space<vmem>>
      %get3A_660 = tpu.memref_squeeze %get3A_659 : memref<1x32x1024xf32, #tpu.memory_space<vmem>> -> memref<32x1024xf32, #tpu.memory_space<vmem>>
      %get3A_661 = arith.index_cast %get3A_656 : i32 to index
      %get3A_662 = arith.index_cast %multiple_of3A : i32 to index
      %get3A_663 = tpu.vector_load %get3A_660[%get3A_661, %get3A_662] {strides = array<i32>} : memref<32x1024xf32, #tpu.memory_space<vmem>>, vector<1x16xf32>,
      %get3A_664 = vector.shape_cast %get3A_663 : vector<1x16xf32> to vector<16xf32>
      %mul3A_665 = vector.broadcast %squeeze3A_403 : f32 to vector<16xf32>
      %mul3A_666 = arith.mulf %mul3A_665, %get3A_664 : vector<16xf32>
      %get3A_667 = arith.constant 15 : i32
      %get3A_668 = arith.constant 0 : i32
      %get3A_669 = arith.constant 0 : i32
      %get3A_670 = tpu.memref_slice %arg8[%scan3A_438, %get3A_668, %get3A_669] : memref<2x32x1024xf32, #tpu.memory_space<vmem>> -> memref<1x32x1024xf32, #tpu.memory_space<vmem>>
      %get3A_671 = tpu.memref_squeeze %get3A_670 : memref<1x32x1024xf32, #tpu.memory_space<vmem>> -> memref<32x1024xf32, #tpu.memory_space<vmem>>
      %get3A_672 = arith.index_cast %get3A_667 : i32 to index
      %get3A_673 = arith.index_cast %multiple_of3A : i32 to index
      %get3A_674 = tpu.vector_load %get3A_671[%get3A_672, %get3A_673] {strides = array<i32>} : memref<32x1024xf32, #tpu.memory_space<vmem>>, vector<1x16xf32>,
      %get3A_675 = vector.shape_cast %get3A_674 : vector<1x16xf32> to vector<16xf32>
      %mul3A_676 = vector.broadcast %squeeze3A_405 : f32 to vector<16xf32>
      %mul3A_677 = arith.mulf %mul3A_676, %get3A_675 : vector<16xf32>
      %add3A_678 = arith.addf %mul3A_666, %mul3A_677 : vector<16xf32>
      %swap3A_679 = arith.constant 7 : i32
      %swap3A_680 = arith.index_cast %swap3A_679 : i32 to index
      %swap3A_681 = arith.index_cast %multiple_of3A : i32 to index
      %swap3A_682 = tpu.vector_load %arg9[%swap3A_680, %swap3A_681] {strides = array<i32>} : memref<16x1024xf32, #tpu.memory_space<vmem>>, vector<1x16xf32>,
      %swap3A_683 = vector.shape_cast %swap3A_682 : vector<1x16xf32> to vector<16xf32>
      %swap3A_684 = vector.shape_cast %add3A_678 : vector<16xf32> to vector<1x16xf32>
      tpu.vector_store %arg9[%swap3A_680, %swap3A_681], %swap3A_684 {strides = array<i32>} : memref<16x1024xf32, #tpu.memory_space<vmem>>, vector<1x16xf32>,
      %get3A_685 = arith.constant 16 : i32
      %get3A_686 = arith.constant 0 : i32
      %get3A_687 = arith.constant 0 : i32
      %get3A_688 = tpu.memref_slice %arg8[%scan3A_438, %get3A_686, %get3A_687] : memref<2x32x1024xf32, #tpu.memory_space<vmem>> -> memref<1x32x1024xf32, #tpu.memory_space<vmem>>
      %get3A_689 = tpu.memref_squeeze %get3A_688 : memref<1x32x1024xf32, #tpu.memory_space<vmem>> -> memref<32x1024xf32, #tpu.memory_space<vmem>>
      %get3A_690 = arith.index_cast %get3A_685 : i32 to index
      %get3A_691 = arith.index_cast %multiple_of3A : i32 to index
      %get3A_692 = tpu.vector_load %get3A_689[%get3A_690, %get3A_691] {strides = array<i32>} : memref<32x1024xf32, #tpu.memory_space<vmem>>, vector<1x16xf32>,
      %get3A_693 = vector.shape_cast %get3A_692 : vector<1x16xf32> to vector<16xf32>
      %mul3A_694 = vector.broadcast %squeeze3A_407 : f32 to vector<16xf32>
      %mul3A_695 = arith.mulf %mul3A_694, %get3A_693 : vector<16xf32>
      %get3A_696 = arith.constant 17 : i32
      %get3A_697 = arith.constant 0 : i32
      %get3A_698 = arith.constant 0 : i32
      %get3A_699 = tpu.memref_slice %arg8[%scan3A_438, %get3A_697, %get3A_698] : memref<2x32x1024xf32, #tpu.memory_space<vmem>> -> memref<1x32x1024xf32, #tpu.memory_space<vmem>>
      %get3A_700 = tpu.memref_squeeze %get3A_699 : memref<1x32x1024xf32, #tpu.memory_space<vmem>> -> memref<32x1024xf32, #tpu.memory_space<vmem>>
      %get3A_701 = arith.index_cast %get3A_696 : i32 to index
      %get3A_702 = arith.index_cast %multiple_of3A : i32 to index
      %get3A_703 = tpu.vector_load %get3A_700[%get3A_701, %get3A_702] {strides = array<i32>} : memref<32x1024xf32, #tpu.memory_space<vmem>>, vector<1x16xf32>,
      %get3A_704 = vector.shape_cast %get3A_703 : vector<1x16xf32> to vector<16xf32>
      %mul3A_705 = vector.broadcast %squeeze3A_409 : f32 to vector<16xf32>
      %mul3A_706 = arith.mulf %mul3A_705, %get3A_704 : vector<16xf32>
      %add3A_707 = arith.addf %mul3A_695, %mul3A_706 : vector<16xf32>
      %swap3A_708 = arith.constant 8 : i32
      %swap3A_709 = arith.index_cast %swap3A_708 : i32 to index
      %swap3A_710 = arith.index_cast %multiple_of3A : i32 to index
      %swap3A_711 = tpu.vector_load %arg9[%swap3A_709, %swap3A_710] {strides = array<i32>} : memref<16x1024xf32, #tpu.memory_space<vmem>>, vector<1x16xf32>,
      %swap3A_712 = vector.shape_cast %swap3A_711 : vector<1x16xf32> to vector<16xf32>
      %swap3A_713 = vector.shape_cast %add3A_707 : vector<16xf32> to vector<1x16xf32>
      tpu.vector_store %arg9[%swap3A_709, %swap3A_710], %swap3A_713 {strides = array<i32>} : memref<16x1024xf32, #tpu.memory_space<vmem>>, vector<1x16xf32>,
      %get3A_714 = arith.constant 18 : i32
      %get3A_715 = arith.constant 0 : i32
      %get3A_716 = arith.constant 0 : i32
      %get3A_717 = tpu.memref_slice %arg8[%scan3A_438, %get3A_715, %get3A_716] : memref<2x32x1024xf32, #tpu.memory_space<vmem>> -> memref<1x32x1024xf32, #tpu.memory_space<vmem>>
      %get3A_718 = tpu.memref_squeeze %get3A_717 : memref<1x32x1024xf32, #tpu.memory_space<vmem>> -> memref<32x1024xf32, #tpu.memory_space<vmem>>
      %get3A_719 = arith.index_cast %get3A_714 : i32 to index
      %get3A_720 = arith.index_cast %multiple_of3A : i32 to index
      %get3A_721 = tpu.vector_load %get3A_718[%get3A_719, %get3A_720] {strides = array<i32>} : memref<32x1024xf32, #tpu.memory_space<vmem>>, vector<1x16xf32>,
      %get3A_722 = vector.shape_cast %get3A_721 : vector<1x16xf32> to vector<16xf32>
      %mul3A_723 = vector.broadcast %squeeze3A_411 : f32 to vector<16xf32>
      %mul3A_724 = arith.mulf %mul3A_723, %get3A_722 : vector<16xf32>
      %get3A_725 = arith.constant 19 : i32
      %get3A_726 = arith.constant 0 : i32
      %get3A_727 = arith.constant 0 : i32
      %get3A_728 = tpu.memref_slice %arg8[%scan3A_438, %get3A_726, %get3A_727] : memref<2x32x1024xf32, #tpu.memory_space<vmem>> -> memref<1x32x1024xf32, #tpu.memory_space<vmem>>
      %get3A_729 = tpu.memref_squeeze %get3A_728 : memref<1x32x1024xf32, #tpu.memory_space<vmem>> -> memref<32x1024xf32, #tpu.memory_space<vmem>>
      %get3A_730 = arith.index_cast %get3A_725 : i32 to index
      %get3A_731 = arith.index_cast %multiple_of3A : i32 to index
      %get3A_732 = tpu.vector_load %get3A_729[%get3A_730, %get3A_731] {strides = array<i32>} : memref<32x1024xf32, #tpu.memory_space<vmem>>, vector<1x16xf32>,
      %get3A_733 = vector.shape_cast %get3A_732 : vector<1x16xf32> to vector<16xf32>
      %mul3A_734 = vector.broadcast %squeeze3A_413 : f32 to vector<16xf32>
      %mul3A_735 = arith.mulf %mul3A_734, %get3A_733 : vector<16xf32>
      %add3A_736 = arith.addf %mul3A_724, %mul3A_735 : vector<16xf32>
      %swap3A_737 = arith.constant 9 : i32
      %swap3A_738 = arith.index_cast %swap3A_737 : i32 to index
      %swap3A_739 = arith.index_cast %multiple_of3A : i32 to index
      %swap3A_740 = tpu.vector_load %arg9[%swap3A_738, %swap3A_739] {strides = array<i32>} : memref<16x1024xf32, #tpu.memory_space<vmem>>, vector<1x16xf32>,
      %swap3A_741 = vector.shape_cast %swap3A_740 : vector<1x16xf32> to vector<16xf32>
      %swap3A_742 = vector.shape_cast %add3A_736 : vector<16xf32> to vector<1x16xf32>
      tpu.vector_store %arg9[%swap3A_738, %swap3A_739], %swap3A_742 {strides = array<i32>} : memref<16x1024xf32, #tpu.memory_space<vmem>>, vector<1x16xf32>,
      %get3A_743 = arith.constant 20 : i32
      %get3A_744 = arith.constant 0 : i32
      %get3A_745 = arith.constant 0 : i32
      %get3A_746 = tpu.memref_slice %arg8[%scan3A_438, %get3A_744, %get3A_745] : memref<2x32x1024xf32, #tpu.memory_space<vmem>> -> memref<1x32x1024xf32, #tpu.memory_space<vmem>>
      %get3A_747 = tpu.memref_squeeze %get3A_746 : memref<1x32x1024xf32, #tpu.memory_space<vmem>> -> memref<32x1024xf32, #tpu.memory_space<vmem>>
      %get3A_748 = arith.index_cast %get3A_743 : i32 to index
      %get3A_749 = arith.index_cast %multiple_of3A : i32 to index
      %get3A_750 = tpu.vector_load %get3A_747[%get3A_748, %get3A_749] {strides = array<i32>} : memref<32x1024xf32, #tpu.memory_space<vmem>>, vector<1x16xf32>,
      %get3A_751 = vector.shape_cast %get3A_750 : vector<1x16xf32> to vector<16xf32>
      %mul3A_752 = vector.broadcast %squeeze3A_415 : f32 to vector<16xf32>
      %mul3A_753 = arith.mulf %mul3A_752, %get3A_751 : vector<16xf32>
      %get3A_754 = arith.constant 21 : i32
      %get3A_755 = arith.constant 0 : i32
      %get3A_756 = arith.constant 0 : i32
      %get3A_757 = tpu.memref_slice %arg8[%scan3A_438, %get3A_755, %get3A_756] : memref<2x32x1024xf32, #tpu.memory_space<vmem>> -> memref<1x32x1024xf32, #tpu.memory_space<vmem>>
      %get3A_758 = tpu.memref_squeeze %get3A_757 : memref<1x32x1024xf32, #tpu.memory_space<vmem>> -> memref<32x1024xf32, #tpu.memory_space<vmem>>
      %get3A_759 = arith.index_cast %get3A_754 : i32 to index
      %get3A_760 = arith.index_cast %multiple_of3A : i32 to index
      %get3A_761 = tpu.vector_load %get3A_758[%get3A_759, %get3A_760] {strides = array<i32>} : memref<32x1024xf32, #tpu.memory_space<vmem>>, vector<1x16xf32>,
      %get3A_762 = vector.shape_cast %get3A_761 : vector<1x16xf32> to vector<16xf32>
      %mul3A_763 = vector.broadcast %squeeze3A_417 : f32 to vector<16xf32>
      %mul3A_764 = arith.mulf %mul3A_763, %get3A_762 : vector<16xf32>
      %add3A_765 = arith.addf %mul3A_753, %mul3A_764 : vector<16xf32>
      %swap3A_766 = arith.constant 10 : i32
      %swap3A_767 = arith.index_cast %swap3A_766 : i32 to index
      %swap3A_768 = arith.index_cast %multiple_of3A : i32 to index
      %swap3A_769 = tpu.vector_load %arg9[%swap3A_767, %swap3A_768] {strides = array<i32>} : memref<16x1024xf32, #tpu.memory_space<vmem>>, vector<1x16xf32>,
      %swap3A_770 = vector.shape_cast %swap3A_769 : vector<1x16xf32> to vector<16xf32>
      %swap3A_771 = vector.shape_cast %add3A_765 : vector<16xf32> to vector<1x16xf32>
      tpu.vector_store %arg9[%swap3A_767, %swap3A_768], %swap3A_771 {strides = array<i32>} : memref<16x1024xf32, #tpu.memory_space<vmem>>, vector<1x16xf32>,
      %get3A_772 = arith.constant 22 : i32
      %get3A_773 = arith.constant 0 : i32
      %get3A_774 = arith.constant 0 : i32
      %get3A_775 = tpu.memref_slice %arg8[%scan3A_438, %get3A_773, %get3A_774] : memref<2x32x1024xf32, #tpu.memory_space<vmem>> -> memref<1x32x1024xf32, #tpu.memory_space<vmem>>
      %get3A_776 = tpu.memref_squeeze %get3A_775 : memref<1x32x1024xf32, #tpu.memory_space<vmem>> -> memref<32x1024xf32, #tpu.memory_space<vmem>>
      %get3A_777 = arith.index_cast %get3A_772 : i32 to index
      %get3A_778 = arith.index_cast %multiple_of3A : i32 to index
      %get3A_779 = tpu.vector_load %get3A_776[%get3A_777, %get3A_778] {strides = array<i32>} : memref<32x1024xf32, #tpu.memory_space<vmem>>, vector<1x16xf32>,
      %get3A_780 = vector.shape_cast %get3A_779 : vector<1x16xf32> to vector<16xf32>
      %mul3A_781 = vector.broadcast %squeeze3A_419 : f32 to vector<16xf32>
      %mul3A_782 = arith.mulf %mul3A_781, %get3A_780 : vector<16xf32>
      %get3A_783 = arith.constant 23 : i32
      %get3A_784 = arith.constant 0 : i32
      %get3A_785 = arith.constant 0 : i32
      %get3A_786 = tpu.memref_slice %arg8[%scan3A_438, %get3A_784, %get3A_785] : memref<2x32x1024xf32, #tpu.memory_space<vmem>> -> memref<1x32x1024xf32, #tpu.memory_space<vmem>>
      %get3A_787 = tpu.memref_squeeze %get3A_786 : memref<1x32x1024xf32, #tpu.memory_space<vmem>> -> memref<32x1024xf32, #tpu.memory_space<vmem>>
      %get3A_788 = arith.index_cast %get3A_783 : i32 to index
      %get3A_789 = arith.index_cast %multiple_of3A : i32 to index
      %get3A_790 = tpu.vector_load %get3A_787[%get3A_788, %get3A_789] {strides = array<i32>} : memref<32x1024xf32, #tpu.memory_space<vmem>>, vector<1x16xf32>,
      %get3A_791 = vector.shape_cast %get3A_790 : vector<1x16xf32> to vector<16xf32>
      %mul3A_792 = vector.broadcast %squeeze3A_421 : f32 to vector<16xf32>
      %mul3A_793 = arith.mulf %mul3A_792, %get3A_791 : vector<16xf32>
      %add3A_794 = arith.addf %mul3A_782, %mul3A_793 : vector<16xf32>
      %swap3A_795 = arith.constant 11 : i32
      %swap3A_796 = arith.index_cast %swap3A_795 : i32 to index
      %swap3A_797 = arith.index_cast %multiple_of3A : i32 to index
      %swap3A_798 = tpu.vector_load %arg9[%swap3A_796, %swap3A_797] {strides = array<i32>} : memref<16x1024xf32, #tpu.memory_space<vmem>>, vector<1x16xf32>,
      %swap3A_799 = vector.shape_cast %swap3A_798 : vector<1x16xf32> to vector<16xf32>
      %swap3A_800 = vector.shape_cast %add3A_794 : vector<16xf32> to vector<1x16xf32>
      tpu.vector_store %arg9[%swap3A_796, %swap3A_797], %swap3A_800 {strides = array<i32>} : memref<16x1024xf32, #tpu.memory_space<vmem>>, vector<1x16xf32>,
      %get3A_801 = arith.constant 24 : i32
      %get3A_802 = arith.constant 0 : i32
      %get3A_803 = arith.constant 0 : i32
      %get3A_804 = tpu.memref_slice %arg8[%scan3A_438, %get3A_802, %get3A_803] : memref<2x32x1024xf32, #tpu.memory_space<vmem>> -> memref<1x32x1024xf32, #tpu.memory_space<vmem>>
      %get3A_805 = tpu.memref_squeeze %get3A_804 : memref<1x32x1024xf32, #tpu.memory_space<vmem>> -> memref<32x1024xf32, #tpu.memory_space<vmem>>
      %get3A_806 = arith.index_cast %get3A_801 : i32 to index
      %get3A_807 = arith.index_cast %multiple_of3A : i32 to index
      %get3A_808 = tpu.vector_load %get3A_805[%get3A_806, %get3A_807] {strides = array<i32>} : memref<32x1024xf32, #tpu.memory_space<vmem>>, vector<1x16xf32>,
      %get3A_809 = vector.shape_cast %get3A_808 : vector<1x16xf32> to vector<16xf32>
      %mul3A_810 = vector.broadcast %squeeze3A_423 : f32 to vector<16xf32>
      %mul3A_811 = arith.mulf %mul3A_810, %get3A_809 : vector<16xf32>
      %get3A_812 = arith.constant 25 : i32
      %get3A_813 = arith.constant 0 : i32
      %get3A_814 = arith.constant 0 : i32
      %get3A_815 = tpu.memref_slice %arg8[%scan3A_438, %get3A_813, %get3A_814] : memref<2x32x1024xf32, #tpu.memory_space<vmem>> -> memref<1x32x1024xf32, #tpu.memory_space<vmem>>
      %get3A_816 = tpu.memref_squeeze %get3A_815 : memref<1x32x1024xf32, #tpu.memory_space<vmem>> -> memref<32x1024xf32, #tpu.memory_space<vmem>>
      %get3A_817 = arith.index_cast %get3A_812 : i32 to index
      %get3A_818 = arith.index_cast %multiple_of3A : i32 to index
      %get3A_819 = tpu.vector_load %get3A_816[%get3A_817, %get3A_818] {strides = array<i32>} : memref<32x1024xf32, #tpu.memory_space<vmem>>, vector<1x16xf32>,
      %get3A_820 = vector.shape_cast %get3A_819 : vector<1x16xf32> to vector<16xf32>
      %mul3A_821 = vector.broadcast %squeeze3A_425 : f32 to vector<16xf32>
      %mul3A_822 = arith.mulf %mul3A_821, %get3A_820 : vector<16xf32>
      %add3A_823 = arith.addf %mul3A_811, %mul3A_822 : vector<16xf32>
      %swap3A_824 = arith.constant 12 : i32
      %swap3A_825 = arith.index_cast %swap3A_824 : i32 to index
      %swap3A_826 = arith.index_cast %multiple_of3A : i32 to index
      %swap3A_827 = tpu.vector_load %arg9[%swap3A_825, %swap3A_826] {strides = array<i32>} : memref<16x1024xf32, #tpu.memory_space<vmem>>, vector<1x16xf32>,
      %swap3A_828 = vector.shape_cast %swap3A_827 : vector<1x16xf32> to vector<16xf32>
      %swap3A_829 = vector.shape_cast %add3A_823 : vector<16xf32> to vector<1x16xf32>
      tpu.vector_store %arg9[%swap3A_825, %swap3A_826], %swap3A_829 {strides = array<i32>} : memref<16x1024xf32, #tpu.memory_space<vmem>>, vector<1x16xf32>,
      %get3A_830 = arith.constant 26 : i32
      %get3A_831 = arith.constant 0 : i32
      %get3A_832 = arith.constant 0 : i32
      %get3A_833 = tpu.memref_slice %arg8[%scan3A_438, %get3A_831, %get3A_832] : memref<2x32x1024xf32, #tpu.memory_space<vmem>> -> memref<1x32x1024xf32, #tpu.memory_space<vmem>>
      %get3A_834 = tpu.memref_squeeze %get3A_833 : memref<1x32x1024xf32, #tpu.memory_space<vmem>> -> memref<32x1024xf32, #tpu.memory_space<vmem>>
      %get3A_835 = arith.index_cast %get3A_830 : i32 to index
      %get3A_836 = arith.index_cast %multiple_of3A : i32 to index
      %get3A_837 = tpu.vector_load %get3A_834[%get3A_835, %get3A_836] {strides = array<i32>} : memref<32x1024xf32, #tpu.memory_space<vmem>>, vector<1x16xf32>,
      %get3A_838 = vector.shape_cast %get3A_837 : vector<1x16xf32> to vector<16xf32>
      %mul3A_839 = vector.broadcast %squeeze3A_427 : f32 to vector<16xf32>
      %mul3A_840 = arith.mulf %mul3A_839, %get3A_838 : vector<16xf32>
      %get3A_841 = arith.constant 27 : i32
      %get3A_842 = arith.constant 0 : i32
      %get3A_843 = arith.constant 0 : i32
      %get3A_844 = tpu.memref_slice %arg8[%scan3A_438, %get3A_842, %get3A_843] : memref<2x32x1024xf32, #tpu.memory_space<vmem>> -> memref<1x32x1024xf32, #tpu.memory_space<vmem>>
      %get3A_845 = tpu.memref_squeeze %get3A_844 : memref<1x32x1024xf32, #tpu.memory_space<vmem>> -> memref<32x1024xf32, #tpu.memory_space<vmem>>
      %get3A_846 = arith.index_cast %get3A_841 : i32 to index
      %get3A_847 = arith.index_cast %multiple_of3A : i32 to index
      %get3A_848 = tpu.vector_load %get3A_845[%get3A_846, %get3A_847] {strides = array<i32>} : memref<32x1024xf32, #tpu.memory_space<vmem>>, vector<1x16xf32>,
      %get3A_849 = vector.shape_cast %get3A_848 : vector<1x16xf32> to vector<16xf32>
      %mul3A_850 = vector.broadcast %squeeze3A_429 : f32 to vector<16xf32>
      %mul3A_851 = arith.mulf %mul3A_850, %get3A_849 : vector<16xf32>
      %add3A_852 = arith.addf %mul3A_840, %mul3A_851 : vector<16xf32>
      %swap3A_853 = arith.constant 13 : i32
      %swap3A_854 = arith.index_cast %swap3A_853 : i32 to index
      %swap3A_855 = arith.index_cast %multiple_of3A : i32 to index
      %swap3A_856 = tpu.vector_load %arg9[%swap3A_854, %swap3A_855] {strides = array<i32>} : memref<16x1024xf32, #tpu.memory_space<vmem>>, vector<1x16xf32>,
      %swap3A_857 = vector.shape_cast %swap3A_856 : vector<1x16xf32> to vector<16xf32>
      %swap3A_858 = vector.shape_cast %add3A_852 : vector<16xf32> to vector<1x16xf32>
      tpu.vector_store %arg9[%swap3A_854, %swap3A_855], %swap3A_858 {strides = array<i32>} : memref<16x1024xf32, #tpu.memory_space<vmem>>, vector<1x16xf32>,
      %get3A_859 = arith.constant 28 : i32
      %get3A_860 = arith.constant 0 : i32
      %get3A_861 = arith.constant 0 : i32
      %get3A_862 = tpu.memref_slice %arg8[%scan3A_438, %get3A_860, %get3A_861] : memref<2x32x1024xf32, #tpu.memory_space<vmem>> -> memref<1x32x1024xf32, #tpu.memory_space<vmem>>
      %get3A_863 = tpu.memref_squeeze %get3A_862 : memref<1x32x1024xf32, #tpu.memory_space<vmem>> -> memref<32x1024xf32, #tpu.memory_space<vmem>>
      %get3A_864 = arith.index_cast %get3A_859 : i32 to index
      %get3A_865 = arith.index_cast %multiple_of3A : i32 to index
      %get3A_866 = tpu.vector_load %get3A_863[%get3A_864, %get3A_865] {strides = array<i32>} : memref<32x1024xf32, #tpu.memory_space<vmem>>, vector<1x16xf32>,
      %get3A_867 = vector.shape_cast %get3A_866 : vector<1x16xf32> to vector<16xf32>
      %mul3A_868 = vector.broadcast %squeeze3A_431 : f32 to vector<16xf32>
      %mul3A_869 = arith.mulf %mul3A_868, %get3A_867 : vector<16xf32>
      %get3A_870 = arith.constant 29 : i32
      %get3A_871 = arith.constant 0 : i32
      %get3A_872 = arith.constant 0 : i32
      %get3A_873 = tpu.memref_slice %arg8[%scan3A_438, %get3A_871, %get3A_872] : memref<2x32x1024xf32, #tpu.memory_space<vmem>> -> memref<1x32x1024xf32, #tpu.memory_space<vmem>>
      %get3A_874 = tpu.memref_squeeze %get3A_873 : memref<1x32x1024xf32, #tpu.memory_space<vmem>> -> memref<32x1024xf32, #tpu.memory_space<vmem>>
      %get3A_875 = arith.index_cast %get3A_870 : i32 to index
      %get3A_876 = arith.index_cast %multiple_of3A : i32 to index
      %get3A_877 = tpu.vector_load %get3A_874[%get3A_875, %get3A_876] {strides = array<i32>} : memref<32x1024xf32, #tpu.memory_space<vmem>>, vector<1x16xf32>,
      %get3A_878 = vector.shape_cast %get3A_877 : vector<1x16xf32> to vector<16xf32>
      %mul3A_879 = vector.broadcast %squeeze3A_433 : f32 to vector<16xf32>
      %mul3A_880 = arith.mulf %mul3A_879, %get3A_878 : vector<16xf32>
      %add3A_881 = arith.addf %mul3A_869, %mul3A_880 : vector<16xf32>
      %swap3A_882 = arith.constant 14 : i32
      %swap3A_883 = arith.index_cast %swap3A_882 : i32 to index
      %swap3A_884 = arith.index_cast %multiple_of3A : i32 to index
      %swap3A_885 = tpu.vector_load %arg9[%swap3A_883, %swap3A_884] {strides = array<i32>} : memref<16x1024xf32, #tpu.memory_space<vmem>>, vector<1x16xf32>,
      %swap3A_886 = vector.shape_cast %swap3A_885 : vector<1x16xf32> to vector<16xf32>
      %swap3A_887 = vector.shape_cast %add3A_881 : vector<16xf32> to vector<1x16xf32>
      tpu.vector_store %arg9[%swap3A_883, %swap3A_884], %swap3A_887 {strides = array<i32>} : memref<16x1024xf32, #tpu.memory_space<vmem>>, vector<1x16xf32>,
      %get3A_888 = arith.constant 30 : i32
      %get3A_889 = arith.constant 0 : i32
      %get3A_890 = arith.constant 0 : i32
      %get3A_891 = tpu.memref_slice %arg8[%scan3A_438, %get3A_889, %get3A_890] : memref<2x32x1024xf32, #tpu.memory_space<vmem>> -> memref<1x32x1024xf32, #tpu.memory_space<vmem>>
      %get3A_892 = tpu.memref_squeeze %get3A_891 : memref<1x32x1024xf32, #tpu.memory_space<vmem>> -> memref<32x1024xf32, #tpu.memory_space<vmem>>
      %get3A_893 = arith.index_cast %get3A_888 : i32 to index
      %get3A_894 = arith.index_cast %multiple_of3A : i32 to index
      %get3A_895 = tpu.vector_load %get3A_892[%get3A_893, %get3A_894] {strides = array<i32>} : memref<32x1024xf32, #tpu.memory_space<vmem>>, vector<1x16xf32>,
      %get3A_896 = vector.shape_cast %get3A_895 : vector<1x16xf32> to vector<16xf32>
      %mul3A_897 = vector.broadcast %squeeze3A_435 : f32 to vector<16xf32>
      %mul3A_898 = arith.mulf %mul3A_897, %get3A_896 : vector<16xf32>
      %get3A_899 = arith.constant 31 : i32
      %get3A_900 = arith.constant 0 : i32
      %get3A_901 = arith.constant 0 : i32
      %get3A_902 = tpu.memref_slice %arg8[%scan3A_438, %get3A_900, %get3A_901] : memref<2x32x1024xf32, #tpu.memory_space<vmem>> -> memref<1x32x1024xf32, #tpu.memory_space<vmem>>
      %get3A_903 = tpu.memref_squeeze %get3A_902 : memref<1x32x1024xf32, #tpu.memory_space<vmem>> -> memref<32x1024xf32, #tpu.memory_space<vmem>>
      %get3A_904 = arith.index_cast %get3A_899 : i32 to index
      %get3A_905 = arith.index_cast %multiple_of3A : i32 to index
      %get3A_906 = tpu.vector_load %get3A_903[%get3A_904, %get3A_905] {strides = array<i32>} : memref<32x1024xf32, #tpu.memory_space<vmem>>, vector<1x16xf32>,
      %get3A_907 = vector.shape_cast %get3A_906 : vector<1x16xf32> to vector<16xf32>
      %mul3A_908 = vector.broadcast %squeeze3A_437 : f32 to vector<16xf32>
      %mul3A_909 = arith.mulf %mul3A_908, %get3A_907 : vector<16xf32>
      %add3A_910 = arith.addf %mul3A_898, %mul3A_909 : vector<16xf32>
      %swap3A_911 = arith.constant 15 : i32
      %swap3A_912 = arith.index_cast %swap3A_911 : i32 to index
      %swap3A_913 = arith.index_cast %multiple_of3A : i32 to index
      %swap3A_914 = tpu.vector_load %arg9[%swap3A_912, %swap3A_913] {strides = array<i32>} : memref<16x1024xf32, #tpu.memory_space<vmem>>, vector<1x16xf32>,
      %swap3A_915 = vector.shape_cast %swap3A_914 : vector<1x16xf32> to vector<16xf32>
      %swap3A_916 = vector.shape_cast %add3A_910 : vector<16xf32> to vector<1x16xf32>
      tpu.vector_store %arg9[%swap3A_912, %swap3A_913], %swap3A_916 {strides = array<i32>} : memref<16x1024xf32, #tpu.memory_space<vmem>>, vector<1x16xf32>,
      %scan3A_917 = arith.constant 0 : i32
      scf.yield %scan3A_917 : i32
    }
    %scan3A_445 = arith.constant 64 : i32
    %mul3A_446 = arith.constant 64 : i32
    %mul3A_447 = arith.muli %add3A, %mul3A_446 : i32
    %add3A_448 = arith.constant 48 : i32
    %add3A_449 = arith.addi %mul3A_447, %add3A_448 : i32
    "tpu.region"() ({
      %run_scoped3A_450 = tpu.sem_alloc : memref<!tpu.dma_semaphore, #tpu.memory_space<semaphore_mem>>
      %dma_start3A_451 = arith.constant 0 : i32
      %dma_start3A_452 = tpu.memref_slice %arg5[%add3A_449, %dma_start3A_451] : memref<2048x1024xf32, #tpu.memory_space<hbm>> -> memref<16x1024xf32, #tpu.memory_space<hbm>>
      %dma_start3A_453 = arith.constant 0 : i32
      %dma_start3A_454 = tpu.memref_slice %arg5[%add3A_449, %dma_start3A_453] : memref<2048x1024xf32, #tpu.memory_space<hbm>> -> memref<16x1024xf32, #tpu.memory_space<hbm>>
      tpu.enqueue_dma source(%arg9 : memref<16x1024xf32, #tpu.memory_space<vmem>>) target(%dma_start3A_454 : memref<16x1024xf32, #tpu.memory_space<hbm>>) target_semaphore(%run_scoped3A_450 : memref<!tpu.dma_semaphore, #tpu.memory_space<semaphore_mem>>)
      %dma_wait3A_455 = arith.constant 0 : i32
      %dma_wait3A_456 = tpu.memref_slice %arg5[%add3A_449, %dma_wait3A_455] : memref<2048x1024xf32, #tpu.memory_space<hbm>> -> memref<16x1024xf32, #tpu.memory_space<hbm>>
      %dma_wait3A_457 = arith.constant 0 : i32
      %dma_wait3A_458 = tpu.memref_slice %arg5[%add3A_449, %dma_wait3A_457] : memref<2048x1024xf32, #tpu.memory_space<hbm>> -> memref<16x1024xf32, #tpu.memory_space<hbm>>
      tpu.wait_dma2 semaphore(%run_scoped3A_450 : memref<!tpu.dma_semaphore, #tpu.memory_space<semaphore_mem>>) src(%arg9 : memref<16x1024xf32, #tpu.memory_space<vmem>>) dst(%dma_wait3A_458 : memref<16x1024xf32, #tpu.memory_space<hbm>>)
      tpu.yield
    }) : () -> ()
    return
  }
}

#map = affine_map<(d0, d1) -> (0)>
#map1 = affine_map<(d0, d1) -> (0, 0)>
module attributes {stable_mosaic.version = 14 : i64} {
  func.func @dispatch_kernel(%arg0: i32, %arg1: i32, %arg2: memref<4096xi32, #tpu.memory_space<hbm>>, %arg3: memref<4096xi32, #tpu.memory_space<hbm>>, %arg4: memref<2048x1024xf32, #tpu.memory_space<hbm>>, %arg5: memref<8704x1024xf32, #tpu.memory_space<hbm>>, %arg6: memref<4x32xi32, #tpu.memory_space<vmem>>, %arg7: memref<4x32xi32, #tpu.memory_space<vmem>>, %arg8: memref<2x32x1024xf32, #tpu.memory_space<vmem>>, %arg9: memref<!tpu.dma_semaphore, #tpu.memory_space<semaphore_mem>>, %arg10: memref<!tpu.dma_semaphore, #tpu.memory_space<semaphore_mem>>, %arg11: memref<!tpu.dma_semaphore, #tpu.memory_space<semaphore_mem>>, %arg12: memref<!tpu.dma_semaphore, #tpu.memory_space<semaphore_mem>>) attributes {dimension_semantics = [#tpu.dimension_semantics<core_parallel>, #tpu.dimension_semantics<subcore_parallel>], iteration_bounds = array<i64: 2, 16>, scalar_prefetch = 0 : i64, scratch_operands = 7 : i64, tpu.core_type = #tpu.core_type<sc_vector_subcore>, window_params = [{transform_indices = #map}, {transform_indices = #map}, {transform_indices = #map1}, {transform_indices = #map1}]} {
    %mul3A = arith.constant 2 : i32
    %mul3A_0 = arith.muli %arg1, %mul3A : i32
    %add3A = arith.addi %mul3A_0, %arg0 : i32
    %mul3A_1 = arith.constant 128 : i32
    %mul3A_2 = arith.muli %add3A, %mul3A_1 : i32
    %add3A_3 = arith.constant 0 : i32
    %add3A_4 = arith.addi %mul3A_2, %add3A_3 : i32
    %run_scoped3A = arith.constant 0 : i32
    "tpu.region"() ({
      %run_scoped3A_230 = tpu.sem_alloc : memref<!tpu.dma_semaphore, #tpu.memory_space<semaphore_mem>>
      %dma_start3A_231 = arith.constant 0 : i32
      %dma_start3A_232 = tpu.memref_slice %arg6[%run_scoped3A, %dma_start3A_231] : memref<4x32xi32, #tpu.memory_space<vmem>> -> memref<1x32xi32, #tpu.memory_space<vmem>>
      %dma_start3A_233 = tpu.memref_squeeze %dma_start3A_232 : memref<1x32xi32, #tpu.memory_space<vmem>> -> memref<32xi32, #tpu.memory_space<vmem>>
      %dma_start3A_234 = tpu.memref_slice %arg3[%add3A_4] : memref<4096xi32, #tpu.memory_space<hbm>> -> memref<32xi32, #tpu.memory_space<hbm>>
      %dma_start3A_235 = arith.constant 0 : i32
      %dma_start3A_236 = tpu.memref_slice %arg6[%run_scoped3A, %dma_start3A_235] : memref<4x32xi32, #tpu.memory_space<vmem>> -> memref<1x32xi32, #tpu.memory_space<vmem>>
      %dma_start3A_237 = tpu.memref_squeeze %dma_start3A_236 : memref<1x32xi32, #tpu.memory_space<vmem>> -> memref<32xi32, #tpu.memory_space<vmem>>
      %dma_start3A_238 = tpu.memref_slice %arg3[%add3A_4] : memref<4096xi32, #tpu.memory_space<hbm>> -> memref<32xi32, #tpu.memory_space<hbm>>
      tpu.enqueue_dma source(%dma_start3A_238 : memref<32xi32, #tpu.memory_space<hbm>>) target(%dma_start3A_237 : memref<32xi32, #tpu.memory_space<vmem>>) target_semaphore(%run_scoped3A_230 : memref<!tpu.dma_semaphore, #tpu.memory_space<semaphore_mem>>)
      %dma_wait3A_239 = arith.constant 0 : i32
      %dma_wait3A_240 = tpu.memref_slice %arg6[%run_scoped3A, %dma_wait3A_239] : memref<4x32xi32, #tpu.memory_space<vmem>> -> memref<1x32xi32, #tpu.memory_space<vmem>>
      %dma_wait3A_241 = tpu.memref_squeeze %dma_wait3A_240 : memref<1x32xi32, #tpu.memory_space<vmem>> -> memref<32xi32, #tpu.memory_space<vmem>>
      %dma_wait3A_242 = tpu.memref_slice %arg3[%add3A_4] : memref<4096xi32, #tpu.memory_space<hbm>> -> memref<32xi32, #tpu.memory_space<hbm>>
      %dma_wait3A_243 = arith.constant 0 : i32
      %dma_wait3A_244 = tpu.memref_slice %arg6[%run_scoped3A, %dma_wait3A_243] : memref<4x32xi32, #tpu.memory_space<vmem>> -> memref<1x32xi32, #tpu.memory_space<vmem>>
      %dma_wait3A_245 = tpu.memref_squeeze %dma_wait3A_244 : memref<1x32xi32, #tpu.memory_space<vmem>> -> memref<32xi32, #tpu.memory_space<vmem>>
      %dma_wait3A_246 = tpu.memref_slice %arg3[%add3A_4] : memref<4096xi32, #tpu.memory_space<hbm>> -> memref<32xi32, #tpu.memory_space<hbm>>
      tpu.wait_dma2 semaphore(%run_scoped3A_230 : memref<!tpu.dma_semaphore, #tpu.memory_space<semaphore_mem>>) src(%dma_wait3A_246 : memref<32xi32, #tpu.memory_space<hbm>>) dst(%dma_wait3A_245 : memref<32xi32, #tpu.memory_space<vmem>>)
      tpu.yield
    }) : () -> ()
    %mul3A_5 = arith.constant 128 : i32
    %mul3A_6 = arith.muli %add3A, %mul3A_5 : i32
    %add3A_7 = arith.constant 0 : i32
    %add3A_8 = arith.addi %mul3A_6, %add3A_7 : i32
    %run_scoped3A_9 = arith.constant 0 : i32
    "tpu.region"() ({
      %run_scoped3A_230 = tpu.sem_alloc : memref<!tpu.dma_semaphore, #tpu.memory_space<semaphore_mem>>
      %dma_start3A_231 = arith.constant 0 : i32
      %dma_start3A_232 = tpu.memref_slice %arg7[%run_scoped3A_9, %dma_start3A_231] : memref<4x32xi32, #tpu.memory_space<vmem>> -> memref<1x32xi32, #tpu.memory_space<vmem>>
      %dma_start3A_233 = tpu.memref_squeeze %dma_start3A_232 : memref<1x32xi32, #tpu.memory_space<vmem>> -> memref<32xi32, #tpu.memory_space<vmem>>
      %dma_start3A_234 = tpu.memref_slice %arg2[%add3A_8] : memref<4096xi32, #tpu.memory_space<hbm>> -> memref<32xi32, #tpu.memory_space<hbm>>
      %dma_start3A_235 = arith.constant 0 : i32
      %dma_start3A_236 = tpu.memref_slice %arg7[%run_scoped3A_9, %dma_start3A_235] : memref<4x32xi32, #tpu.memory_space<vmem>> -> memref<1x32xi32, #tpu.memory_space<vmem>>
      %dma_start3A_237 = tpu.memref_squeeze %dma_start3A_236 : memref<1x32xi32, #tpu.memory_space<vmem>> -> memref<32xi32, #tpu.memory_space<vmem>>
      %dma_start3A_238 = tpu.memref_slice %arg2[%add3A_8] : memref<4096xi32, #tpu.memory_space<hbm>> -> memref<32xi32, #tpu.memory_space<hbm>>
      tpu.enqueue_dma source(%dma_start3A_238 : memref<32xi32, #tpu.memory_space<hbm>>) target(%dma_start3A_237 : memref<32xi32, #tpu.memory_space<vmem>>) target_semaphore(%run_scoped3A_230 : memref<!tpu.dma_semaphore, #tpu.memory_space<semaphore_mem>>)
      %dma_wait3A_239 = arith.constant 0 : i32
      %dma_wait3A_240 = tpu.memref_slice %arg7[%run_scoped3A_9, %dma_wait3A_239] : memref<4x32xi32, #tpu.memory_space<vmem>> -> memref<1x32xi32, #tpu.memory_space<vmem>>
      %dma_wait3A_241 = tpu.memref_squeeze %dma_wait3A_240 : memref<1x32xi32, #tpu.memory_space<vmem>> -> memref<32xi32, #tpu.memory_space<vmem>>
      %dma_wait3A_242 = tpu.memref_slice %arg2[%add3A_8] : memref<4096xi32, #tpu.memory_space<hbm>> -> memref<32xi32, #tpu.memory_space<hbm>>
      %dma_wait3A_243 = arith.constant 0 : i32
      %dma_wait3A_244 = tpu.memref_slice %arg7[%run_scoped3A_9, %dma_wait3A_243] : memref<4x32xi32, #tpu.memory_space<vmem>> -> memref<1x32xi32, #tpu.memory_space<vmem>>
      %dma_wait3A_245 = tpu.memref_squeeze %dma_wait3A_244 : memref<1x32xi32, #tpu.memory_space<vmem>> -> memref<32xi32, #tpu.memory_space<vmem>>
      %dma_wait3A_246 = tpu.memref_slice %arg2[%add3A_8] : memref<4096xi32, #tpu.memory_space<hbm>> -> memref<32xi32, #tpu.memory_space<hbm>>
      tpu.wait_dma2 semaphore(%run_scoped3A_230 : memref<!tpu.dma_semaphore, #tpu.memory_space<semaphore_mem>>) src(%dma_wait3A_246 : memref<32xi32, #tpu.memory_space<hbm>>) dst(%dma_wait3A_245 : memref<32xi32, #tpu.memory_space<vmem>>)
      tpu.yield
    }) : () -> ()
    %mul3A_10 = arith.constant 128 : i32
    %mul3A_11 = arith.muli %add3A, %mul3A_10 : i32
    %add3A_12 = arith.constant 32 : i32
    %add3A_13 = arith.addi %mul3A_11, %add3A_12 : i32
    %run_scoped3A_14 = arith.constant 1 : i32
    "tpu.region"() ({
      %run_scoped3A_230 = tpu.sem_alloc : memref<!tpu.dma_semaphore, #tpu.memory_space<semaphore_mem>>
      %dma_start3A_231 = arith.constant 0 : i32
      %dma_start3A_232 = tpu.memref_slice %arg6[%run_scoped3A_14, %dma_start3A_231] : memref<4x32xi32, #tpu.memory_space<vmem>> -> memref<1x32xi32, #tpu.memory_space<vmem>>
      %dma_start3A_233 = tpu.memref_squeeze %dma_start3A_232 : memref<1x32xi32, #tpu.memory_space<vmem>> -> memref<32xi32, #tpu.memory_space<vmem>>
      %dma_start3A_234 = tpu.memref_slice %arg3[%add3A_13] : memref<4096xi32, #tpu.memory_space<hbm>> -> memref<32xi32, #tpu.memory_space<hbm>>
      %dma_start3A_235 = arith.constant 0 : i32
      %dma_start3A_236 = tpu.memref_slice %arg6[%run_scoped3A_14, %dma_start3A_235] : memref<4x32xi32, #tpu.memory_space<vmem>> -> memref<1x32xi32, #tpu.memory_space<vmem>>
      %dma_start3A_237 = tpu.memref_squeeze %dma_start3A_236 : memref<1x32xi32, #tpu.memory_space<vmem>> -> memref<32xi32, #tpu.memory_space<vmem>>
      %dma_start3A_238 = tpu.memref_slice %arg3[%add3A_13] : memref<4096xi32, #tpu.memory_space<hbm>> -> memref<32xi32, #tpu.memory_space<hbm>>
      tpu.enqueue_dma source(%dma_start3A_238 : memref<32xi32, #tpu.memory_space<hbm>>) target(%dma_start3A_237 : memref<32xi32, #tpu.memory_space<vmem>>) target_semaphore(%run_scoped3A_230 : memref<!tpu.dma_semaphore, #tpu.memory_space<semaphore_mem>>)
      %dma_wait3A_239 = arith.constant 0 : i32
      %dma_wait3A_240 = tpu.memref_slice %arg6[%run_scoped3A_14, %dma_wait3A_239] : memref<4x32xi32, #tpu.memory_space<vmem>> -> memref<1x32xi32, #tpu.memory_space<vmem>>
      %dma_wait3A_241 = tpu.memref_squeeze %dma_wait3A_240 : memref<1x32xi32, #tpu.memory_space<vmem>> -> memref<32xi32, #tpu.memory_space<vmem>>
      %dma_wait3A_242 = tpu.memref_slice %arg3[%add3A_13] : memref<4096xi32, #tpu.memory_space<hbm>> -> memref<32xi32, #tpu.memory_space<hbm>>
      %dma_wait3A_243 = arith.constant 0 : i32
      %dma_wait3A_244 = tpu.memref_slice %arg6[%run_scoped3A_14, %dma_wait3A_243] : memref<4x32xi32, #tpu.memory_space<vmem>> -> memref<1x32xi32, #tpu.memory_space<vmem>>
      %dma_wait3A_245 = tpu.memref_squeeze %dma_wait3A_244 : memref<1x32xi32, #tpu.memory_space<vmem>> -> memref<32xi32, #tpu.memory_space<vmem>>
      %dma_wait3A_246 = tpu.memref_slice %arg3[%add3A_13] : memref<4096xi32, #tpu.memory_space<hbm>> -> memref<32xi32, #tpu.memory_space<hbm>>
      tpu.wait_dma2 semaphore(%run_scoped3A_230 : memref<!tpu.dma_semaphore, #tpu.memory_space<semaphore_mem>>) src(%dma_wait3A_246 : memref<32xi32, #tpu.memory_space<hbm>>) dst(%dma_wait3A_245 : memref<32xi32, #tpu.memory_space<vmem>>)
      tpu.yield
    }) : () -> ()
    %mul3A_15 = arith.constant 128 : i32
    %mul3A_16 = arith.muli %add3A, %mul3A_15 : i32
    %add3A_17 = arith.constant 32 : i32
    %add3A_18 = arith.addi %mul3A_16, %add3A_17 : i32
    %run_scoped3A_19 = arith.constant 1 : i32
    "tpu.region"() ({
      %run_scoped3A_230 = tpu.sem_alloc : memref<!tpu.dma_semaphore, #tpu.memory_space<semaphore_mem>>
      %dma_start3A_231 = arith.constant 0 : i32
      %dma_start3A_232 = tpu.memref_slice %arg7[%run_scoped3A_19, %dma_start3A_231] : memref<4x32xi32, #tpu.memory_space<vmem>> -> memref<1x32xi32, #tpu.memory_space<vmem>>
      %dma_start3A_233 = tpu.memref_squeeze %dma_start3A_232 : memref<1x32xi32, #tpu.memory_space<vmem>> -> memref<32xi32, #tpu.memory_space<vmem>>
      %dma_start3A_234 = tpu.memref_slice %arg2[%add3A_18] : memref<4096xi32, #tpu.memory_space<hbm>> -> memref<32xi32, #tpu.memory_space<hbm>>
      %dma_start3A_235 = arith.constant 0 : i32
      %dma_start3A_236 = tpu.memref_slice %arg7[%run_scoped3A_19, %dma_start3A_235] : memref<4x32xi32, #tpu.memory_space<vmem>> -> memref<1x32xi32, #tpu.memory_space<vmem>>
      %dma_start3A_237 = tpu.memref_squeeze %dma_start3A_236 : memref<1x32xi32, #tpu.memory_space<vmem>> -> memref<32xi32, #tpu.memory_space<vmem>>
      %dma_start3A_238 = tpu.memref_slice %arg2[%add3A_18] : memref<4096xi32, #tpu.memory_space<hbm>> -> memref<32xi32, #tpu.memory_space<hbm>>
      tpu.enqueue_dma source(%dma_start3A_238 : memref<32xi32, #tpu.memory_space<hbm>>) target(%dma_start3A_237 : memref<32xi32, #tpu.memory_space<vmem>>) target_semaphore(%run_scoped3A_230 : memref<!tpu.dma_semaphore, #tpu.memory_space<semaphore_mem>>)
      %dma_wait3A_239 = arith.constant 0 : i32
      %dma_wait3A_240 = tpu.memref_slice %arg7[%run_scoped3A_19, %dma_wait3A_239] : memref<4x32xi32, #tpu.memory_space<vmem>> -> memref<1x32xi32, #tpu.memory_space<vmem>>
      %dma_wait3A_241 = tpu.memref_squeeze %dma_wait3A_240 : memref<1x32xi32, #tpu.memory_space<vmem>> -> memref<32xi32, #tpu.memory_space<vmem>>
      %dma_wait3A_242 = tpu.memref_slice %arg2[%add3A_18] : memref<4096xi32, #tpu.memory_space<hbm>> -> memref<32xi32, #tpu.memory_space<hbm>>
      %dma_wait3A_243 = arith.constant 0 : i32
      %dma_wait3A_244 = tpu.memref_slice %arg7[%run_scoped3A_19, %dma_wait3A_243] : memref<4x32xi32, #tpu.memory_space<vmem>> -> memref<1x32xi32, #tpu.memory_space<vmem>>
      %dma_wait3A_245 = tpu.memref_squeeze %dma_wait3A_244 : memref<1x32xi32, #tpu.memory_space<vmem>> -> memref<32xi32, #tpu.memory_space<vmem>>
      %dma_wait3A_246 = tpu.memref_slice %arg2[%add3A_18] : memref<4096xi32, #tpu.memory_space<hbm>> -> memref<32xi32, #tpu.memory_space<hbm>>
      tpu.wait_dma2 semaphore(%run_scoped3A_230 : memref<!tpu.dma_semaphore, #tpu.memory_space<semaphore_mem>>) src(%dma_wait3A_246 : memref<32xi32, #tpu.memory_space<hbm>>) dst(%dma_wait3A_245 : memref<32xi32, #tpu.memory_space<vmem>>)
      tpu.yield
    }) : () -> ()
    %mul3A_20 = arith.constant 128 : i32
    %mul3A_21 = arith.muli %add3A, %mul3A_20 : i32
    %add3A_22 = arith.constant 64 : i32
    %add3A_23 = arith.addi %mul3A_21, %add3A_22 : i32
    %run_scoped3A_24 = arith.constant 2 : i32
    "tpu.region"() ({
      %run_scoped3A_230 = tpu.sem_alloc : memref<!tpu.dma_semaphore, #tpu.memory_space<semaphore_mem>>
      %dma_start3A_231 = arith.constant 0 : i32
      %dma_start3A_232 = tpu.memref_slice %arg6[%run_scoped3A_24, %dma_start3A_231] : memref<4x32xi32, #tpu.memory_space<vmem>> -> memref<1x32xi32, #tpu.memory_space<vmem>>
      %dma_start3A_233 = tpu.memref_squeeze %dma_start3A_232 : memref<1x32xi32, #tpu.memory_space<vmem>> -> memref<32xi32, #tpu.memory_space<vmem>>
      %dma_start3A_234 = tpu.memref_slice %arg3[%add3A_23] : memref<4096xi32, #tpu.memory_space<hbm>> -> memref<32xi32, #tpu.memory_space<hbm>>
      %dma_start3A_235 = arith.constant 0 : i32
      %dma_start3A_236 = tpu.memref_slice %arg6[%run_scoped3A_24, %dma_start3A_235] : memref<4x32xi32, #tpu.memory_space<vmem>> -> memref<1x32xi32, #tpu.memory_space<vmem>>
      %dma_start3A_237 = tpu.memref_squeeze %dma_start3A_236 : memref<1x32xi32, #tpu.memory_space<vmem>> -> memref<32xi32, #tpu.memory_space<vmem>>
      %dma_start3A_238 = tpu.memref_slice %arg3[%add3A_23] : memref<4096xi32, #tpu.memory_space<hbm>> -> memref<32xi32, #tpu.memory_space<hbm>>
      tpu.enqueue_dma source(%dma_start3A_238 : memref<32xi32, #tpu.memory_space<hbm>>) target(%dma_start3A_237 : memref<32xi32, #tpu.memory_space<vmem>>) target_semaphore(%run_scoped3A_230 : memref<!tpu.dma_semaphore, #tpu.memory_space<semaphore_mem>>)
      %dma_wait3A_239 = arith.constant 0 : i32
      %dma_wait3A_240 = tpu.memref_slice %arg6[%run_scoped3A_24, %dma_wait3A_239] : memref<4x32xi32, #tpu.memory_space<vmem>> -> memref<1x32xi32, #tpu.memory_space<vmem>>
      %dma_wait3A_241 = tpu.memref_squeeze %dma_wait3A_240 : memref<1x32xi32, #tpu.memory_space<vmem>> -> memref<32xi32, #tpu.memory_space<vmem>>
      %dma_wait3A_242 = tpu.memref_slice %arg3[%add3A_23] : memref<4096xi32, #tpu.memory_space<hbm>> -> memref<32xi32, #tpu.memory_space<hbm>>
      %dma_wait3A_243 = arith.constant 0 : i32
      %dma_wait3A_244 = tpu.memref_slice %arg6[%run_scoped3A_24, %dma_wait3A_243] : memref<4x32xi32, #tpu.memory_space<vmem>> -> memref<1x32xi32, #tpu.memory_space<vmem>>
      %dma_wait3A_245 = tpu.memref_squeeze %dma_wait3A_244 : memref<1x32xi32, #tpu.memory_space<vmem>> -> memref<32xi32, #tpu.memory_space<vmem>>
      %dma_wait3A_246 = tpu.memref_slice %arg3[%add3A_23] : memref<4096xi32, #tpu.memory_space<hbm>> -> memref<32xi32, #tpu.memory_space<hbm>>
      tpu.wait_dma2 semaphore(%run_scoped3A_230 : memref<!tpu.dma_semaphore, #tpu.memory_space<semaphore_mem>>) src(%dma_wait3A_246 : memref<32xi32, #tpu.memory_space<hbm>>) dst(%dma_wait3A_245 : memref<32xi32, #tpu.memory_space<vmem>>)
      tpu.yield
    }) : () -> ()
    %mul3A_25 = arith.constant 128 : i32
    %mul3A_26 = arith.muli %add3A, %mul3A_25 : i32
    %add3A_27 = arith.constant 64 : i32
    %add3A_28 = arith.addi %mul3A_26, %add3A_27 : i32
    %run_scoped3A_29 = arith.constant 2 : i32
    "tpu.region"() ({
      %run_scoped3A_230 = tpu.sem_alloc : memref<!tpu.dma_semaphore, #tpu.memory_space<semaphore_mem>>
      %dma_start3A_231 = arith.constant 0 : i32
      %dma_start3A_232 = tpu.memref_slice %arg7[%run_scoped3A_29, %dma_start3A_231] : memref<4x32xi32, #tpu.memory_space<vmem>> -> memref<1x32xi32, #tpu.memory_space<vmem>>
      %dma_start3A_233 = tpu.memref_squeeze %dma_start3A_232 : memref<1x32xi32, #tpu.memory_space<vmem>> -> memref<32xi32, #tpu.memory_space<vmem>>
      %dma_start3A_234 = tpu.memref_slice %arg2[%add3A_28] : memref<4096xi32, #tpu.memory_space<hbm>> -> memref<32xi32, #tpu.memory_space<hbm>>
      %dma_start3A_235 = arith.constant 0 : i32
      %dma_start3A_236 = tpu.memref_slice %arg7[%run_scoped3A_29, %dma_start3A_235] : memref<4x32xi32, #tpu.memory_space<vmem>> -> memref<1x32xi32, #tpu.memory_space<vmem>>
      %dma_start3A_237 = tpu.memref_squeeze %dma_start3A_236 : memref<1x32xi32, #tpu.memory_space<vmem>> -> memref<32xi32, #tpu.memory_space<vmem>>
      %dma_start3A_238 = tpu.memref_slice %arg2[%add3A_28] : memref<4096xi32, #tpu.memory_space<hbm>> -> memref<32xi32, #tpu.memory_space<hbm>>
      tpu.enqueue_dma source(%dma_start3A_238 : memref<32xi32, #tpu.memory_space<hbm>>) target(%dma_start3A_237 : memref<32xi32, #tpu.memory_space<vmem>>) target_semaphore(%run_scoped3A_230 : memref<!tpu.dma_semaphore, #tpu.memory_space<semaphore_mem>>)
      %dma_wait3A_239 = arith.constant 0 : i32
      %dma_wait3A_240 = tpu.memref_slice %arg7[%run_scoped3A_29, %dma_wait3A_239] : memref<4x32xi32, #tpu.memory_space<vmem>> -> memref<1x32xi32, #tpu.memory_space<vmem>>
      %dma_wait3A_241 = tpu.memref_squeeze %dma_wait3A_240 : memref<1x32xi32, #tpu.memory_space<vmem>> -> memref<32xi32, #tpu.memory_space<vmem>>
      %dma_wait3A_242 = tpu.memref_slice %arg2[%add3A_28] : memref<4096xi32, #tpu.memory_space<hbm>> -> memref<32xi32, #tpu.memory_space<hbm>>
      %dma_wait3A_243 = arith.constant 0 : i32
      %dma_wait3A_244 = tpu.memref_slice %arg7[%run_scoped3A_29, %dma_wait3A_243] : memref<4x32xi32, #tpu.memory_space<vmem>> -> memref<1x32xi32, #tpu.memory_space<vmem>>
      %dma_wait3A_245 = tpu.memref_squeeze %dma_wait3A_244 : memref<1x32xi32, #tpu.memory_space<vmem>> -> memref<32xi32, #tpu.memory_space<vmem>>
      %dma_wait3A_246 = tpu.memref_slice %arg2[%add3A_28] : memref<4096xi32, #tpu.memory_space<hbm>> -> memref<32xi32, #tpu.memory_space<hbm>>
      tpu.wait_dma2 semaphore(%run_scoped3A_230 : memref<!tpu.dma_semaphore, #tpu.memory_space<semaphore_mem>>) src(%dma_wait3A_246 : memref<32xi32, #tpu.memory_space<hbm>>) dst(%dma_wait3A_245 : memref<32xi32, #tpu.memory_space<vmem>>)
      tpu.yield
    }) : () -> ()
    %mul3A_30 = arith.constant 128 : i32
    %mul3A_31 = arith.muli %add3A, %mul3A_30 : i32
    %add3A_32 = arith.constant 96 : i32
    %add3A_33 = arith.addi %mul3A_31, %add3A_32 : i32
    %run_scoped3A_34 = arith.constant 3 : i32
    "tpu.region"() ({
      %run_scoped3A_230 = tpu.sem_alloc : memref<!tpu.dma_semaphore, #tpu.memory_space<semaphore_mem>>
      %dma_start3A_231 = arith.constant 0 : i32
      %dma_start3A_232 = tpu.memref_slice %arg6[%run_scoped3A_34, %dma_start3A_231] : memref<4x32xi32, #tpu.memory_space<vmem>> -> memref<1x32xi32, #tpu.memory_space<vmem>>
      %dma_start3A_233 = tpu.memref_squeeze %dma_start3A_232 : memref<1x32xi32, #tpu.memory_space<vmem>> -> memref<32xi32, #tpu.memory_space<vmem>>
      %dma_start3A_234 = tpu.memref_slice %arg3[%add3A_33] : memref<4096xi32, #tpu.memory_space<hbm>> -> memref<32xi32, #tpu.memory_space<hbm>>
      %dma_start3A_235 = arith.constant 0 : i32
      %dma_start3A_236 = tpu.memref_slice %arg6[%run_scoped3A_34, %dma_start3A_235] : memref<4x32xi32, #tpu.memory_space<vmem>> -> memref<1x32xi32, #tpu.memory_space<vmem>>
      %dma_start3A_237 = tpu.memref_squeeze %dma_start3A_236 : memref<1x32xi32, #tpu.memory_space<vmem>> -> memref<32xi32, #tpu.memory_space<vmem>>
      %dma_start3A_238 = tpu.memref_slice %arg3[%add3A_33] : memref<4096xi32, #tpu.memory_space<hbm>> -> memref<32xi32, #tpu.memory_space<hbm>>
      tpu.enqueue_dma source(%dma_start3A_238 : memref<32xi32, #tpu.memory_space<hbm>>) target(%dma_start3A_237 : memref<32xi32, #tpu.memory_space<vmem>>) target_semaphore(%run_scoped3A_230 : memref<!tpu.dma_semaphore, #tpu.memory_space<semaphore_mem>>)
      %dma_wait3A_239 = arith.constant 0 : i32
      %dma_wait3A_240 = tpu.memref_slice %arg6[%run_scoped3A_34, %dma_wait3A_239] : memref<4x32xi32, #tpu.memory_space<vmem>> -> memref<1x32xi32, #tpu.memory_space<vmem>>
      %dma_wait3A_241 = tpu.memref_squeeze %dma_wait3A_240 : memref<1x32xi32, #tpu.memory_space<vmem>> -> memref<32xi32, #tpu.memory_space<vmem>>
      %dma_wait3A_242 = tpu.memref_slice %arg3[%add3A_33] : memref<4096xi32, #tpu.memory_space<hbm>> -> memref<32xi32, #tpu.memory_space<hbm>>
      %dma_wait3A_243 = arith.constant 0 : i32
      %dma_wait3A_244 = tpu.memref_slice %arg6[%run_scoped3A_34, %dma_wait3A_243] : memref<4x32xi32, #tpu.memory_space<vmem>> -> memref<1x32xi32, #tpu.memory_space<vmem>>
      %dma_wait3A_245 = tpu.memref_squeeze %dma_wait3A_244 : memref<1x32xi32, #tpu.memory_space<vmem>> -> memref<32xi32, #tpu.memory_space<vmem>>
      %dma_wait3A_246 = tpu.memref_slice %arg3[%add3A_33] : memref<4096xi32, #tpu.memory_space<hbm>> -> memref<32xi32, #tpu.memory_space<hbm>>
      tpu.wait_dma2 semaphore(%run_scoped3A_230 : memref<!tpu.dma_semaphore, #tpu.memory_space<semaphore_mem>>) src(%dma_wait3A_246 : memref<32xi32, #tpu.memory_space<hbm>>) dst(%dma_wait3A_245 : memref<32xi32, #tpu.memory_space<vmem>>)
      tpu.yield
    }) : () -> ()
    %mul3A_35 = arith.constant 128 : i32
    %mul3A_36 = arith.muli %add3A, %mul3A_35 : i32
    %add3A_37 = arith.constant 96 : i32
    %add3A_38 = arith.addi %mul3A_36, %add3A_37 : i32
    %run_scoped3A_39 = arith.constant 3 : i32
    "tpu.region"() ({
      %run_scoped3A_230 = tpu.sem_alloc : memref<!tpu.dma_semaphore, #tpu.memory_space<semaphore_mem>>
      %dma_start3A_231 = arith.constant 0 : i32
      %dma_start3A_232 = tpu.memref_slice %arg7[%run_scoped3A_39, %dma_start3A_231] : memref<4x32xi32, #tpu.memory_space<vmem>> -> memref<1x32xi32, #tpu.memory_space<vmem>>
      %dma_start3A_233 = tpu.memref_squeeze %dma_start3A_232 : memref<1x32xi32, #tpu.memory_space<vmem>> -> memref<32xi32, #tpu.memory_space<vmem>>
      %dma_start3A_234 = tpu.memref_slice %arg2[%add3A_38] : memref<4096xi32, #tpu.memory_space<hbm>> -> memref<32xi32, #tpu.memory_space<hbm>>
      %dma_start3A_235 = arith.constant 0 : i32
      %dma_start3A_236 = tpu.memref_slice %arg7[%run_scoped3A_39, %dma_start3A_235] : memref<4x32xi32, #tpu.memory_space<vmem>> -> memref<1x32xi32, #tpu.memory_space<vmem>>
      %dma_start3A_237 = tpu.memref_squeeze %dma_start3A_236 : memref<1x32xi32, #tpu.memory_space<vmem>> -> memref<32xi32, #tpu.memory_space<vmem>>
      %dma_start3A_238 = tpu.memref_slice %arg2[%add3A_38] : memref<4096xi32, #tpu.memory_space<hbm>> -> memref<32xi32, #tpu.memory_space<hbm>>
      tpu.enqueue_dma source(%dma_start3A_238 : memref<32xi32, #tpu.memory_space<hbm>>) target(%dma_start3A_237 : memref<32xi32, #tpu.memory_space<vmem>>) target_semaphore(%run_scoped3A_230 : memref<!tpu.dma_semaphore, #tpu.memory_space<semaphore_mem>>)
      %dma_wait3A_239 = arith.constant 0 : i32
      %dma_wait3A_240 = tpu.memref_slice %arg7[%run_scoped3A_39, %dma_wait3A_239] : memref<4x32xi32, #tpu.memory_space<vmem>> -> memref<1x32xi32, #tpu.memory_space<vmem>>
      %dma_wait3A_241 = tpu.memref_squeeze %dma_wait3A_240 : memref<1x32xi32, #tpu.memory_space<vmem>> -> memref<32xi32, #tpu.memory_space<vmem>>
      %dma_wait3A_242 = tpu.memref_slice %arg2[%add3A_38] : memref<4096xi32, #tpu.memory_space<hbm>> -> memref<32xi32, #tpu.memory_space<hbm>>
      %dma_wait3A_243 = arith.constant 0 : i32
      %dma_wait3A_244 = tpu.memref_slice %arg7[%run_scoped3A_39, %dma_wait3A_243] : memref<4x32xi32, #tpu.memory_space<vmem>> -> memref<1x32xi32, #tpu.memory_space<vmem>>
      %dma_wait3A_245 = tpu.memref_squeeze %dma_wait3A_244 : memref<1x32xi32, #tpu.memory_space<vmem>> -> memref<32xi32, #tpu.memory_space<vmem>>
      %dma_wait3A_246 = tpu.memref_slice %arg2[%add3A_38] : memref<4096xi32, #tpu.memory_space<hbm>> -> memref<32xi32, #tpu.memory_space<hbm>>
      tpu.wait_dma2 semaphore(%run_scoped3A_230 : memref<!tpu.dma_semaphore, #tpu.memory_space<semaphore_mem>>) src(%dma_wait3A_246 : memref<32xi32, #tpu.memory_space<hbm>>) dst(%dma_wait3A_245 : memref<32xi32, #tpu.memory_space<vmem>>)
      tpu.yield
    }) : () -> ()
    %dma_start3A = arith.constant 0 : i32
    %dma_start3A_40 = arith.constant 0 : i32
    %dma_start3A_41 = arith.constant 0 : i32
    %dma_start3A_42 = arith.constant 0 : i32
    %dma_start3A_43 = tpu.memref_slice %arg8[%dma_start3A_40, %dma_start3A_41, %dma_start3A_42] : memref<2x32x1024xf32, #tpu.memory_space<vmem>> -> memref<1x32x1024xf32, #tpu.memory_space<vmem>>
    %dma_start3A_44 = tpu.memref_squeeze %dma_start3A_43 : memref<1x32x1024xf32, #tpu.memory_space<vmem>> -> memref<32x1024xf32, #tpu.memory_space<vmem>>
    %dma_start3A_45 = arith.constant 0 : i32
    %dma_start3A_46 = tpu.memref_slice %arg7[%dma_start3A, %dma_start3A_45] : memref<4x32xi32, #tpu.memory_space<vmem>> -> memref<1x32xi32, #tpu.memory_space<vmem>>
    %dma_start3A_47 = tpu.memref_squeeze %dma_start3A_46 : memref<1x32xi32, #tpu.memory_space<vmem>> -> memref<32xi32, #tpu.memory_space<vmem>>
    %dma_start3A_48 = arith.constant 0 : i32
    %dma_start3A_49 = arith.constant 0 : i32
    %dma_start3A_50 = tpu.memref_slice %arg4[%dma_start3A_48, %dma_start3A_49] : memref<2048x1024xf32, #tpu.memory_space<hbm>> -> memref<2048x1024xf32, #tpu.memory_space<hbm>>
    tpu.enqueue_indirect_dma source(%dma_start3A_50 : memref<2048x1024xf32, #tpu.memory_space<hbm>>) target(%dma_start3A_44 : memref<32x1024xf32, #tpu.memory_space<vmem>>) offsets(%dma_start3A_47 : memref<32xi32, #tpu.memory_space<vmem>>) semaphore(%arg9 : memref<!tpu.dma_semaphore, #tpu.memory_space<semaphore_mem>>)
    %dma_wait3A = arith.constant 0 : i32
    %dma_wait3A_51 = arith.constant 0 : i32
    %dma_wait3A_52 = arith.constant 0 : i32
    %dma_wait3A_53 = arith.constant 0 : i32
    %dma_wait3A_54 = tpu.memref_slice %arg8[%dma_wait3A_51, %dma_wait3A_52, %dma_wait3A_53] : memref<2x32x1024xf32, #tpu.memory_space<vmem>> -> memref<1x32x1024xf32, #tpu.memory_space<vmem>>
    %dma_wait3A_55 = tpu.memref_squeeze %dma_wait3A_54 : memref<1x32x1024xf32, #tpu.memory_space<vmem>> -> memref<32x1024xf32, #tpu.memory_space<vmem>>
    %dma_wait3A_56 = arith.constant 0 : i32
    %dma_wait3A_57 = tpu.memref_slice %arg7[%dma_wait3A, %dma_wait3A_56] : memref<4x32xi32, #tpu.memory_space<vmem>> -> memref<1x32xi32, #tpu.memory_space<vmem>>
    %dma_wait3A_58 = tpu.memref_squeeze %dma_wait3A_57 : memref<1x32xi32, #tpu.memory_space<vmem>> -> memref<32xi32, #tpu.memory_space<vmem>>
    %dma_wait3A_59 = arith.constant 0 : i32
    %dma_wait3A_60 = arith.constant 0 : i32
    %dma_wait3A_61 = tpu.memref_slice %arg4[%dma_wait3A_59, %dma_wait3A_60] : memref<2048x1024xf32, #tpu.memory_space<hbm>> -> memref<2048x1024xf32, #tpu.memory_space<hbm>>
    tpu.wait_indirect_dma semaphore(%arg9 : memref<!tpu.dma_semaphore, #tpu.memory_space<semaphore_mem>>) src(%dma_wait3A_61 : memref<2048x1024xf32, #tpu.memory_space<hbm>>) dst(%dma_wait3A_55 : memref<32x1024xf32, #tpu.memory_space<vmem>>)
    %dma_start3A_62 = arith.constant 0 : i32
    %dma_start3A_63 = arith.constant 0 : i32
    %dma_start3A_64 = arith.constant 0 : i32
    %dma_start3A_65 = arith.constant 0 : i32
    %dma_start3A_66 = tpu.memref_slice %arg8[%dma_start3A_62, %dma_start3A_64, %dma_start3A_65] : memref<2x32x1024xf32, #tpu.memory_space<vmem>> -> memref<1x32x1024xf32, #tpu.memory_space<vmem>>
    %dma_start3A_67 = tpu.memref_squeeze %dma_start3A_66 : memref<1x32x1024xf32, #tpu.memory_space<vmem>> -> memref<32x1024xf32, #tpu.memory_space<vmem>>
    %dma_start3A_68 = arith.constant 0 : i32
    %dma_start3A_69 = tpu.memref_slice %arg6[%dma_start3A_63, %dma_start3A_68] : memref<4x32xi32, #tpu.memory_space<vmem>> -> memref<1x32xi32, #tpu.memory_space<vmem>>
    %dma_start3A_70 = tpu.memref_squeeze %dma_start3A_69 : memref<1x32xi32, #tpu.memory_space<vmem>> -> memref<32xi32, #tpu.memory_space<vmem>>
    %dma_start3A_71 = arith.constant 0 : i32
    %dma_start3A_72 = arith.constant 0 : i32
    %dma_start3A_73 = tpu.memref_slice %arg5[%dma_start3A_71, %dma_start3A_72] : memref<8704x1024xf32, #tpu.memory_space<hbm>> -> memref<8704x1024xf32, #tpu.memory_space<hbm>>
    tpu.enqueue_indirect_dma source(%dma_start3A_67 : memref<32x1024xf32, #tpu.memory_space<vmem>>) target(%dma_start3A_73 : memref<8704x1024xf32, #tpu.memory_space<hbm>>) offsets(%dma_start3A_70 : memref<32xi32, #tpu.memory_space<vmem>>) semaphore(%arg11 : memref<!tpu.dma_semaphore, #tpu.memory_space<semaphore_mem>>)
    %dma_start3A_74 = arith.constant 1 : i32
    %dma_start3A_75 = arith.constant 1 : i32
    %dma_start3A_76 = arith.constant 0 : i32
    %dma_start3A_77 = arith.constant 0 : i32
    %dma_start3A_78 = tpu.memref_slice %arg8[%dma_start3A_75, %dma_start3A_76, %dma_start3A_77] : memref<2x32x1024xf32, #tpu.memory_space<vmem>> -> memref<1x32x1024xf32, #tpu.memory_space<vmem>>
    %dma_start3A_79 = tpu.memref_squeeze %dma_start3A_78 : memref<1x32x1024xf32, #tpu.memory_space<vmem>> -> memref<32x1024xf32, #tpu.memory_space<vmem>>
    %dma_start3A_80 = arith.constant 0 : i32
    %dma_start3A_81 = tpu.memref_slice %arg7[%dma_start3A_74, %dma_start3A_80] : memref<4x32xi32, #tpu.memory_space<vmem>> -> memref<1x32xi32, #tpu.memory_space<vmem>>
    %dma_start3A_82 = tpu.memref_squeeze %dma_start3A_81 : memref<1x32xi32, #tpu.memory_space<vmem>> -> memref<32xi32, #tpu.memory_space<vmem>>
    %dma_start3A_83 = arith.constant 0 : i32
    %dma_start3A_84 = arith.constant 0 : i32
    %dma_start3A_85 = tpu.memref_slice %arg4[%dma_start3A_83, %dma_start3A_84] : memref<2048x1024xf32, #tpu.memory_space<hbm>> -> memref<2048x1024xf32, #tpu.memory_space<hbm>>
    tpu.enqueue_indirect_dma source(%dma_start3A_85 : memref<2048x1024xf32, #tpu.memory_space<hbm>>) target(%dma_start3A_79 : memref<32x1024xf32, #tpu.memory_space<vmem>>) offsets(%dma_start3A_82 : memref<32xi32, #tpu.memory_space<vmem>>) semaphore(%arg10 : memref<!tpu.dma_semaphore, #tpu.memory_space<semaphore_mem>>)
    %dma_wait3A_86 = arith.constant 1 : i32
    %dma_wait3A_87 = arith.constant 1 : i32
    %dma_wait3A_88 = arith.constant 0 : i32
    %dma_wait3A_89 = arith.constant 0 : i32
    %dma_wait3A_90 = tpu.memref_slice %arg8[%dma_wait3A_87, %dma_wait3A_88, %dma_wait3A_89] : memref<2x32x1024xf32, #tpu.memory_space<vmem>> -> memref<1x32x1024xf32, #tpu.memory_space<vmem>>
    %dma_wait3A_91 = tpu.memref_squeeze %dma_wait3A_90 : memref<1x32x1024xf32, #tpu.memory_space<vmem>> -> memref<32x1024xf32, #tpu.memory_space<vmem>>
    %dma_wait3A_92 = arith.constant 0 : i32
    %dma_wait3A_93 = tpu.memref_slice %arg7[%dma_wait3A_86, %dma_wait3A_92] : memref<4x32xi32, #tpu.memory_space<vmem>> -> memref<1x32xi32, #tpu.memory_space<vmem>>
    %dma_wait3A_94 = tpu.memref_squeeze %dma_wait3A_93 : memref<1x32xi32, #tpu.memory_space<vmem>> -> memref<32xi32, #tpu.memory_space<vmem>>
    %dma_wait3A_95 = arith.constant 0 : i32
    %dma_wait3A_96 = arith.constant 0 : i32
    %dma_wait3A_97 = tpu.memref_slice %arg4[%dma_wait3A_95, %dma_wait3A_96] : memref<2048x1024xf32, #tpu.memory_space<hbm>> -> memref<2048x1024xf32, #tpu.memory_space<hbm>>
    tpu.wait_indirect_dma semaphore(%arg10 : memref<!tpu.dma_semaphore, #tpu.memory_space<semaphore_mem>>) src(%dma_wait3A_97 : memref<2048x1024xf32, #tpu.memory_space<hbm>>) dst(%dma_wait3A_91 : memref<32x1024xf32, #tpu.memory_space<vmem>>)
    %dma_start3A_98 = arith.constant 1 : i32
    %dma_start3A_99 = arith.constant 1 : i32
    %dma_start3A_100 = arith.constant 0 : i32
    %dma_start3A_101 = arith.constant 0 : i32
    %dma_start3A_102 = tpu.memref_slice %arg8[%dma_start3A_98, %dma_start3A_100, %dma_start3A_101] : memref<2x32x1024xf32, #tpu.memory_space<vmem>> -> memref<1x32x1024xf32, #tpu.memory_space<vmem>>
    %dma_start3A_103 = tpu.memref_squeeze %dma_start3A_102 : memref<1x32x1024xf32, #tpu.memory_space<vmem>> -> memref<32x1024xf32, #tpu.memory_space<vmem>>
    %dma_start3A_104 = arith.constant 0 : i32
    %dma_start3A_105 = tpu.memref_slice %arg6[%dma_start3A_99, %dma_start3A_104] : memref<4x32xi32, #tpu.memory_space<vmem>> -> memref<1x32xi32, #tpu.memory_space<vmem>>
    %dma_start3A_106 = tpu.memref_squeeze %dma_start3A_105 : memref<1x32xi32, #tpu.memory_space<vmem>> -> memref<32xi32, #tpu.memory_space<vmem>>
    %dma_start3A_107 = arith.constant 0 : i32
    %dma_start3A_108 = arith.constant 0 : i32
    %dma_start3A_109 = tpu.memref_slice %arg5[%dma_start3A_107, %dma_start3A_108] : memref<8704x1024xf32, #tpu.memory_space<hbm>> -> memref<8704x1024xf32, #tpu.memory_space<hbm>>
    tpu.enqueue_indirect_dma source(%dma_start3A_103 : memref<32x1024xf32, #tpu.memory_space<vmem>>) target(%dma_start3A_109 : memref<8704x1024xf32, #tpu.memory_space<hbm>>) offsets(%dma_start3A_106 : memref<32xi32, #tpu.memory_space<vmem>>) semaphore(%arg12 : memref<!tpu.dma_semaphore, #tpu.memory_space<semaphore_mem>>)
    %dma_wait3A_110 = arith.constant 0 : i32
    %dma_wait3A_111 = arith.constant 0 : i32
    %dma_wait3A_112 = arith.constant 0 : i32
    %dma_wait3A_113 = arith.constant 0 : i32
    %dma_wait3A_114 = tpu.memref_slice %arg8[%dma_wait3A_110, %dma_wait3A_112, %dma_wait3A_113] : memref<2x32x1024xf32, #tpu.memory_space<vmem>> -> memref<1x32x1024xf32, #tpu.memory_space<vmem>>
    %dma_wait3A_115 = tpu.memref_squeeze %dma_wait3A_114 : memref<1x32x1024xf32, #tpu.memory_space<vmem>> -> memref<32x1024xf32, #tpu.memory_space<vmem>>
    %dma_wait3A_116 = arith.constant 0 : i32
    %dma_wait3A_117 = tpu.memref_slice %arg6[%dma_wait3A_111, %dma_wait3A_116] : memref<4x32xi32, #tpu.memory_space<vmem>> -> memref<1x32xi32, #tpu.memory_space<vmem>>
    %dma_wait3A_118 = tpu.memref_squeeze %dma_wait3A_117 : memref<1x32xi32, #tpu.memory_space<vmem>> -> memref<32xi32, #tpu.memory_space<vmem>>
    %dma_wait3A_119 = arith.constant 0 : i32
    %dma_wait3A_120 = arith.constant 0 : i32
    %dma_wait3A_121 = tpu.memref_slice %arg5[%dma_wait3A_119, %dma_wait3A_120] : memref<8704x1024xf32, #tpu.memory_space<hbm>> -> memref<8704x1024xf32, #tpu.memory_space<hbm>>
    tpu.wait_indirect_dma semaphore(%arg11 : memref<!tpu.dma_semaphore, #tpu.memory_space<semaphore_mem>>) src(%dma_wait3A_115 : memref<32x1024xf32, #tpu.memory_space<vmem>>) dst(%dma_wait3A_121 : memref<8704x1024xf32, #tpu.memory_space<hbm>>)
    %dma_start3A_122 = arith.constant 2 : i32
    %dma_start3A_123 = arith.constant 0 : i32
    %dma_start3A_124 = arith.constant 0 : i32
    %dma_start3A_125 = arith.constant 0 : i32
    %dma_start3A_126 = tpu.memref_slice %arg8[%dma_start3A_123, %dma_start3A_124, %dma_start3A_125] : memref<2x32x1024xf32, #tpu.memory_space<vmem>> -> memref<1x32x1024xf32, #tpu.memory_space<vmem>>
    %dma_start3A_127 = tpu.memref_squeeze %dma_start3A_126 : memref<1x32x1024xf32, #tpu.memory_space<vmem>> -> memref<32x1024xf32, #tpu.memory_space<vmem>>
    %dma_start3A_128 = arith.constant 0 : i32
    %dma_start3A_129 = tpu.memref_slice %arg7[%dma_start3A_122, %dma_start3A_128] : memref<4x32xi32, #tpu.memory_space<vmem>> -> memref<1x32xi32, #tpu.memory_space<vmem>>
    %dma_start3A_130 = tpu.memref_squeeze %dma_start3A_129 : memref<1x32xi32, #tpu.memory_space<vmem>> -> memref<32xi32, #tpu.memory_space<vmem>>
    %dma_start3A_131 = arith.constant 0 : i32
    %dma_start3A_132 = arith.constant 0 : i32
    %dma_start3A_133 = tpu.memref_slice %arg4[%dma_start3A_131, %dma_start3A_132] : memref<2048x1024xf32, #tpu.memory_space<hbm>> -> memref<2048x1024xf32, #tpu.memory_space<hbm>>
    tpu.enqueue_indirect_dma source(%dma_start3A_133 : memref<2048x1024xf32, #tpu.memory_space<hbm>>) target(%dma_start3A_127 : memref<32x1024xf32, #tpu.memory_space<vmem>>) offsets(%dma_start3A_130 : memref<32xi32, #tpu.memory_space<vmem>>) semaphore(%arg9 : memref<!tpu.dma_semaphore, #tpu.memory_space<semaphore_mem>>)
    %dma_wait3A_134 = arith.constant 2 : i32
    %dma_wait3A_135 = arith.constant 0 : i32
    %dma_wait3A_136 = arith.constant 0 : i32
    %dma_wait3A_137 = arith.constant 0 : i32
    %dma_wait3A_138 = tpu.memref_slice %arg8[%dma_wait3A_135, %dma_wait3A_136, %dma_wait3A_137] : memref<2x32x1024xf32, #tpu.memory_space<vmem>> -> memref<1x32x1024xf32, #tpu.memory_space<vmem>>
    %dma_wait3A_139 = tpu.memref_squeeze %dma_wait3A_138 : memref<1x32x1024xf32, #tpu.memory_space<vmem>> -> memref<32x1024xf32, #tpu.memory_space<vmem>>
    %dma_wait3A_140 = arith.constant 0 : i32
    %dma_wait3A_141 = tpu.memref_slice %arg7[%dma_wait3A_134, %dma_wait3A_140] : memref<4x32xi32, #tpu.memory_space<vmem>> -> memref<1x32xi32, #tpu.memory_space<vmem>>
    %dma_wait3A_142 = tpu.memref_squeeze %dma_wait3A_141 : memref<1x32xi32, #tpu.memory_space<vmem>> -> memref<32xi32, #tpu.memory_space<vmem>>
    %dma_wait3A_143 = arith.constant 0 : i32
    %dma_wait3A_144 = arith.constant 0 : i32
    %dma_wait3A_145 = tpu.memref_slice %arg4[%dma_wait3A_143, %dma_wait3A_144] : memref<2048x1024xf32, #tpu.memory_space<hbm>> -> memref<2048x1024xf32, #tpu.memory_space<hbm>>
    tpu.wait_indirect_dma semaphore(%arg9 : memref<!tpu.dma_semaphore, #tpu.memory_space<semaphore_mem>>) src(%dma_wait3A_145 : memref<2048x1024xf32, #tpu.memory_space<hbm>>) dst(%dma_wait3A_139 : memref<32x1024xf32, #tpu.memory_space<vmem>>)
    %dma_start3A_146 = arith.constant 0 : i32
    %dma_start3A_147 = arith.constant 2 : i32
    %dma_start3A_148 = arith.constant 0 : i32
    %dma_start3A_149 = arith.constant 0 : i32
    %dma_start3A_150 = tpu.memref_slice %arg8[%dma_start3A_146, %dma_start3A_148, %dma_start3A_149] : memref<2x32x1024xf32, #tpu.memory_space<vmem>> -> memref<1x32x1024xf32, #tpu.memory_space<vmem>>
    %dma_start3A_151 = tpu.memref_squeeze %dma_start3A_150 : memref<1x32x1024xf32, #tpu.memory_space<vmem>> -> memref<32x1024xf32, #tpu.memory_space<vmem>>
    %dma_start3A_152 = arith.constant 0 : i32
    %dma_start3A_153 = tpu.memref_slice %arg6[%dma_start3A_147, %dma_start3A_152] : memref<4x32xi32, #tpu.memory_space<vmem>> -> memref<1x32xi32, #tpu.memory_space<vmem>>
    %dma_start3A_154 = tpu.memref_squeeze %dma_start3A_153 : memref<1x32xi32, #tpu.memory_space<vmem>> -> memref<32xi32, #tpu.memory_space<vmem>>
    %dma_start3A_155 = arith.constant 0 : i32
    %dma_start3A_156 = arith.constant 0 : i32
    %dma_start3A_157 = tpu.memref_slice %arg5[%dma_start3A_155, %dma_start3A_156] : memref<8704x1024xf32, #tpu.memory_space<hbm>> -> memref<8704x1024xf32, #tpu.memory_space<hbm>>
    tpu.enqueue_indirect_dma source(%dma_start3A_151 : memref<32x1024xf32, #tpu.memory_space<vmem>>) target(%dma_start3A_157 : memref<8704x1024xf32, #tpu.memory_space<hbm>>) offsets(%dma_start3A_154 : memref<32xi32, #tpu.memory_space<vmem>>) semaphore(%arg11 : memref<!tpu.dma_semaphore, #tpu.memory_space<semaphore_mem>>)
    %dma_wait3A_158 = arith.constant 1 : i32
    %dma_wait3A_159 = arith.constant 1 : i32
    %dma_wait3A_160 = arith.constant 0 : i32
    %dma_wait3A_161 = arith.constant 0 : i32
    %dma_wait3A_162 = tpu.memref_slice %arg8[%dma_wait3A_158, %dma_wait3A_160, %dma_wait3A_161] : memref<2x32x1024xf32, #tpu.memory_space<vmem>> -> memref<1x32x1024xf32, #tpu.memory_space<vmem>>
    %dma_wait3A_163 = tpu.memref_squeeze %dma_wait3A_162 : memref<1x32x1024xf32, #tpu.memory_space<vmem>> -> memref<32x1024xf32, #tpu.memory_space<vmem>>
    %dma_wait3A_164 = arith.constant 0 : i32
    %dma_wait3A_165 = tpu.memref_slice %arg6[%dma_wait3A_159, %dma_wait3A_164] : memref<4x32xi32, #tpu.memory_space<vmem>> -> memref<1x32xi32, #tpu.memory_space<vmem>>
    %dma_wait3A_166 = tpu.memref_squeeze %dma_wait3A_165 : memref<1x32xi32, #tpu.memory_space<vmem>> -> memref<32xi32, #tpu.memory_space<vmem>>
    %dma_wait3A_167 = arith.constant 0 : i32
    %dma_wait3A_168 = arith.constant 0 : i32
    %dma_wait3A_169 = tpu.memref_slice %arg5[%dma_wait3A_167, %dma_wait3A_168] : memref<8704x1024xf32, #tpu.memory_space<hbm>> -> memref<8704x1024xf32, #tpu.memory_space<hbm>>
    tpu.wait_indirect_dma semaphore(%arg12 : memref<!tpu.dma_semaphore, #tpu.memory_space<semaphore_mem>>) src(%dma_wait3A_163 : memref<32x1024xf32, #tpu.memory_space<vmem>>) dst(%dma_wait3A_169 : memref<8704x1024xf32, #tpu.memory_space<hbm>>)
    %dma_start3A_170 = arith.constant 3 : i32
    %dma_start3A_171 = arith.constant 1 : i32
    %dma_start3A_172 = arith.constant 0 : i32
    %dma_start3A_173 = arith.constant 0 : i32
    %dma_start3A_174 = tpu.memref_slice %arg8[%dma_start3A_171, %dma_start3A_172, %dma_start3A_173] : memref<2x32x1024xf32, #tpu.memory_space<vmem>> -> memref<1x32x1024xf32, #tpu.memory_space<vmem>>
    %dma_start3A_175 = tpu.memref_squeeze %dma_start3A_174 : memref<1x32x1024xf32, #tpu.memory_space<vmem>> -> memref<32x1024xf32, #tpu.memory_space<vmem>>
    %dma_start3A_176 = arith.constant 0 : i32
    %dma_start3A_177 = tpu.memref_slice %arg7[%dma_start3A_170, %dma_start3A_176] : memref<4x32xi32, #tpu.memory_space<vmem>> -> memref<1x32xi32, #tpu.memory_space<vmem>>
    %dma_start3A_178 = tpu.memref_squeeze %dma_start3A_177 : memref<1x32xi32, #tpu.memory_space<vmem>> -> memref<32xi32, #tpu.memory_space<vmem>>
    %dma_start3A_179 = arith.constant 0 : i32
    %dma_start3A_180 = arith.constant 0 : i32
    %dma_start3A_181 = tpu.memref_slice %arg4[%dma_start3A_179, %dma_start3A_180] : memref<2048x1024xf32, #tpu.memory_space<hbm>> -> memref<2048x1024xf32, #tpu.memory_space<hbm>>
    tpu.enqueue_indirect_dma source(%dma_start3A_181 : memref<2048x1024xf32, #tpu.memory_space<hbm>>) target(%dma_start3A_175 : memref<32x1024xf32, #tpu.memory_space<vmem>>) offsets(%dma_start3A_178 : memref<32xi32, #tpu.memory_space<vmem>>) semaphore(%arg10 : memref<!tpu.dma_semaphore, #tpu.memory_space<semaphore_mem>>)
    %dma_wait3A_182 = arith.constant 3 : i32
    %dma_wait3A_183 = arith.constant 1 : i32
    %dma_wait3A_184 = arith.constant 0 : i32
    %dma_wait3A_185 = arith.constant 0 : i32
    %dma_wait3A_186 = tpu.memref_slice %arg8[%dma_wait3A_183, %dma_wait3A_184, %dma_wait3A_185] : memref<2x32x1024xf32, #tpu.memory_space<vmem>> -> memref<1x32x1024xf32, #tpu.memory_space<vmem>>
    %dma_wait3A_187 = tpu.memref_squeeze %dma_wait3A_186 : memref<1x32x1024xf32, #tpu.memory_space<vmem>> -> memref<32x1024xf32, #tpu.memory_space<vmem>>
    %dma_wait3A_188 = arith.constant 0 : i32
    %dma_wait3A_189 = tpu.memref_slice %arg7[%dma_wait3A_182, %dma_wait3A_188] : memref<4x32xi32, #tpu.memory_space<vmem>> -> memref<1x32xi32, #tpu.memory_space<vmem>>
    %dma_wait3A_190 = tpu.memref_squeeze %dma_wait3A_189 : memref<1x32xi32, #tpu.memory_space<vmem>> -> memref<32xi32, #tpu.memory_space<vmem>>
    %dma_wait3A_191 = arith.constant 0 : i32
    %dma_wait3A_192 = arith.constant 0 : i32
    %dma_wait3A_193 = tpu.memref_slice %arg4[%dma_wait3A_191, %dma_wait3A_192] : memref<2048x1024xf32, #tpu.memory_space<hbm>> -> memref<2048x1024xf32, #tpu.memory_space<hbm>>
    tpu.wait_indirect_dma semaphore(%arg10 : memref<!tpu.dma_semaphore, #tpu.memory_space<semaphore_mem>>) src(%dma_wait3A_193 : memref<2048x1024xf32, #tpu.memory_space<hbm>>) dst(%dma_wait3A_187 : memref<32x1024xf32, #tpu.memory_space<vmem>>)
    %dma_start3A_194 = arith.constant 1 : i32
    %dma_start3A_195 = arith.constant 3 : i32
    %dma_start3A_196 = arith.constant 0 : i32
    %dma_start3A_197 = arith.constant 0 : i32
    %dma_start3A_198 = tpu.memref_slice %arg8[%dma_start3A_194, %dma_start3A_196, %dma_start3A_197] : memref<2x32x1024xf32, #tpu.memory_space<vmem>> -> memref<1x32x1024xf32, #tpu.memory_space<vmem>>
    %dma_start3A_199 = tpu.memref_squeeze %dma_start3A_198 : memref<1x32x1024xf32, #tpu.memory_space<vmem>> -> memref<32x1024xf32, #tpu.memory_space<vmem>>
    %dma_start3A_200 = arith.constant 0 : i32
    %dma_start3A_201 = tpu.memref_slice %arg6[%dma_start3A_195, %dma_start3A_200] : memref<4x32xi32, #tpu.memory_space<vmem>> -> memref<1x32xi32, #tpu.memory_space<vmem>>
    %dma_start3A_202 = tpu.memref_squeeze %dma_start3A_201 : memref<1x32xi32, #tpu.memory_space<vmem>> -> memref<32xi32, #tpu.memory_space<vmem>>
    %dma_start3A_203 = arith.constant 0 : i32
    %dma_start3A_204 = arith.constant 0 : i32
    %dma_start3A_205 = tpu.memref_slice %arg5[%dma_start3A_203, %dma_start3A_204] : memref<8704x1024xf32, #tpu.memory_space<hbm>> -> memref<8704x1024xf32, #tpu.memory_space<hbm>>
    tpu.enqueue_indirect_dma source(%dma_start3A_199 : memref<32x1024xf32, #tpu.memory_space<vmem>>) target(%dma_start3A_205 : memref<8704x1024xf32, #tpu.memory_space<hbm>>) offsets(%dma_start3A_202 : memref<32xi32, #tpu.memory_space<vmem>>) semaphore(%arg12 : memref<!tpu.dma_semaphore, #tpu.memory_space<semaphore_mem>>)
    %dma_wait3A_206 = arith.constant 0 : i32
    %dma_wait3A_207 = arith.constant 2 : i32
    %dma_wait3A_208 = arith.constant 0 : i32
    %dma_wait3A_209 = arith.constant 0 : i32
    %dma_wait3A_210 = tpu.memref_slice %arg8[%dma_wait3A_206, %dma_wait3A_208, %dma_wait3A_209] : memref<2x32x1024xf32, #tpu.memory_space<vmem>> -> memref<1x32x1024xf32, #tpu.memory_space<vmem>>
    %dma_wait3A_211 = tpu.memref_squeeze %dma_wait3A_210 : memref<1x32x1024xf32, #tpu.memory_space<vmem>> -> memref<32x1024xf32, #tpu.memory_space<vmem>>
    %dma_wait3A_212 = arith.constant 0 : i32
    %dma_wait3A_213 = tpu.memref_slice %arg6[%dma_wait3A_207, %dma_wait3A_212] : memref<4x32xi32, #tpu.memory_space<vmem>> -> memref<1x32xi32, #tpu.memory_space<vmem>>
    %dma_wait3A_214 = tpu.memref_squeeze %dma_wait3A_213 : memref<1x32xi32, #tpu.memory_space<vmem>> -> memref<32xi32, #tpu.memory_space<vmem>>
    %dma_wait3A_215 = arith.constant 0 : i32
    %dma_wait3A_216 = arith.constant 0 : i32
    %dma_wait3A_217 = tpu.memref_slice %arg5[%dma_wait3A_215, %dma_wait3A_216] : memref<8704x1024xf32, #tpu.memory_space<hbm>> -> memref<8704x1024xf32, #tpu.memory_space<hbm>>
    tpu.wait_indirect_dma semaphore(%arg11 : memref<!tpu.dma_semaphore, #tpu.memory_space<semaphore_mem>>) src(%dma_wait3A_211 : memref<32x1024xf32, #tpu.memory_space<vmem>>) dst(%dma_wait3A_217 : memref<8704x1024xf32, #tpu.memory_space<hbm>>)
    %dma_wait3A_218 = arith.constant 1 : i32
    %dma_wait3A_219 = arith.constant 3 : i32
    %dma_wait3A_220 = arith.constant 0 : i32
    %dma_wait3A_221 = arith.constant 0 : i32
    %dma_wait3A_222 = tpu.memref_slice %arg8[%dma_wait3A_218, %dma_wait3A_220, %dma_wait3A_221] : memref<2x32x1024xf32, #tpu.memory_space<vmem>> -> memref<1x32x1024xf32, #tpu.memory_space<vmem>>
    %dma_wait3A_223 = tpu.memref_squeeze %dma_wait3A_222 : memref<1x32x1024xf32, #tpu.memory_space<vmem>> -> memref<32x1024xf32, #tpu.memory_space<vmem>>
    %dma_wait3A_224 = arith.constant 0 : i32
    %dma_wait3A_225 = tpu.memref_slice %arg6[%dma_wait3A_219, %dma_wait3A_224] : memref<4x32xi32, #tpu.memory_space<vmem>> -> memref<1x32xi32, #tpu.memory_space<vmem>>
    %dma_wait3A_226 = tpu.memref_squeeze %dma_wait3A_225 : memref<1x32xi32, #tpu.memory_space<vmem>> -> memref<32xi32, #tpu.memory_space<vmem>>
    %dma_wait3A_227 = arith.constant 0 : i32
    %dma_wait3A_228 = arith.constant 0 : i32
    %dma_wait3A_229 = tpu.memref_slice %arg5[%dma_wait3A_227, %dma_wait3A_228] : memref<8704x1024xf32, #tpu.memory_space<hbm>> -> memref<8704x1024xf32, #tpu.memory_space<hbm>>
    tpu.wait_indirect_dma semaphore(%arg12 : memref<!tpu.dma_semaphore, #tpu.memory_space<semaphore_mem>>) src(%dma_wait3A_223 : memref<32x1024xf32, #tpu.memory_space<vmem>>) dst(%dma_wait3A_229 : memref<8704x1024xf32, #tpu.memory_space<hbm>>)
    return
  }
}

module attributes {stable_mosaic.version = 14 : i64} {
  func.func @_router_body(%arg0: i32, %arg1: memref<2048x1024xf32, #tpu.memory_space<vmem>>, %arg2: memref<1x1024xf32, #tpu.memory_space<vmem>>, %arg3: memref<8x1024xf32, #tpu.memory_space<vmem>>, %arg4: memref<1x8xf32, #tpu.memory_space<vmem>>, %arg5: memref<2048x1024xf32, #tpu.memory_space<vmem>>, %arg6: memref<2048x2xi32, #tpu.memory_space<vmem>>, %arg7: memref<2048x2xf32, #tpu.memory_space<vmem>>, %arg8: memref<1x32xi32, #tpu.memory_space<vmem>>) attributes {dimension_semantics = [#tpu.dimension_semantics<arbitrary>], iteration_bounds = array<i64: 1>, scalar_prefetch = 0 : i64, scratch_operands = 0 : i64, tpu.core_type = #tpu.core_type<tc>, window_params = [{pipeline_mode = #tpu.pipeline_mode<synchronous>, transform_indices = @transform_0, window_bounds = array<i64: 2048, 1024>}, {pipeline_mode = #tpu.pipeline_mode<synchronous>, transform_indices = @transform_1, window_bounds = array<i64: 1, 1024>}, {pipeline_mode = #tpu.pipeline_mode<synchronous>, transform_indices = @transform_2, window_bounds = array<i64: 8, 1024>}, {pipeline_mode = #tpu.pipeline_mode<synchronous>, transform_indices = @transform_3, window_bounds = array<i64: 1, 8>}, {pipeline_mode = #tpu.pipeline_mode<synchronous>, transform_indices = @transform_4, window_bounds = array<i64: 2048, 1024>}, {pipeline_mode = #tpu.pipeline_mode<synchronous>, transform_indices = @transform_5, window_bounds = array<i64: 2048, 2>}, {pipeline_mode = #tpu.pipeline_mode<synchronous>, transform_indices = @transform_6, window_bounds = array<i64: 2048, 2>}, {pipeline_mode = #tpu.pipeline_mode<synchronous>, transform_indices = @transform_7, window_bounds = array<i64: 1, 32>}]} {
    %get3A = arith.constant 0 : index
    %get3A_0 = arith.constant 0 : index
    %get3A_1 = vector.load %arg1[%get3A, %get3A_0] : memref<2048x1024xf32, #tpu.memory_space<vmem>>, vector<2048x1024xf32>
    %mul3A = arith.mulf %get3A_1, %get3A_1 : vector<2048x1024xf32>
    %reduce_sum3A = arith.constant dense<0.000000e+00> : vector<2048xf32>
    %reduce_sum3A_2 = vector.multi_reduction <add>, %mul3A, %reduce_sum3A [1] : vector<2048x1024xf32> to vector<2048xf32>
    %broadcast_in_dim3A = vector.shape_cast %reduce_sum3A_2 : vector<2048xf32> to vector<2048x1xf32>
    %div3A = arith.constant 1.024000e+03 : f32
    %div3A_3 = vector.broadcast %div3A : f32 to vector<2048x1xf32>
    %div3A_4 = arith.divf %broadcast_in_dim3A, %div3A_3 : vector<2048x1xf32>
    %add3A = arith.constant 1.1920929E-7 : f32
    %add3A_5 = vector.broadcast %add3A : f32 to vector<2048x1xf32>
    %add3A_6 = arith.addf %div3A_4, %add3A_5 : vector<2048x1xf32>
    %rsqrt3A = math.rsqrt %add3A_6 : vector<2048x1xf32>
    %mul3A_7 = vector.broadcast %rsqrt3A : vector<2048x1xf32> to vector<2048x1024xf32>
    %mul3A_8 = arith.mulf %get3A_1, %mul3A_7 : vector<2048x1024xf32>
    %get3A_9 = arith.constant 0 : index
    %get3A_10 = arith.constant 0 : index
    %get3A_11 = vector.load %arg2[%get3A_9, %get3A_10] : memref<1x1024xf32, #tpu.memory_space<vmem>>, vector<1x1024xf32>
    %mul3A_12 = vector.broadcast %get3A_11 : vector<1x1024xf32> to vector<2048x1024xf32>
    %mul3A_13 = arith.mulf %mul3A_8, %mul3A_12 : vector<2048x1024xf32>
    %swap3A = arith.constant 0 : index
    %swap3A_14 = arith.constant 0 : index
    %swap3A_15 = vector.load %arg5[%swap3A, %swap3A_14] : memref<2048x1024xf32, #tpu.memory_space<vmem>>, vector<2048x1024xf32>
    tpu.vector_store %arg5[%swap3A, %swap3A_14], %mul3A_13 {strides = array<i32>} : memref<2048x1024xf32, #tpu.memory_space<vmem>>, vector<2048x1024xf32>,
    %get3A_16 = arith.constant 0 : index
    %get3A_17 = arith.constant 0 : index
    %get3A_18 = vector.load %arg3[%get3A_16, %get3A_17] : memref<8x1024xf32, #tpu.memory_space<vmem>>, vector<8x1024xf32>
    %dot_general3A = arith.constant dense<0.000000e+00> : vector<2048x8xf32>
    %dot_general3A_19 = tpu.matmul %mul3A_13, %get3A_18, %dot_general3A {dimension_numbers = #tpu.dot_dimension_numbers<[1], [1], [0], [0], [0, 0, 1, 0], [], []>, transpose_lhs_hint = false} : vector<2048x1024xf32>, vector<8x1024xf32>, vector<2048x8xf32> -> vector<2048x8xf32>
    %get3A_20 = arith.constant 0 : index
    %get3A_21 = arith.constant 0 : index
    %get3A_22 = vector.load %arg4[%get3A_20, %get3A_21] : memref<1x8xf32, #tpu.memory_space<vmem>>, vector<1x8xf32>
    %add3A_23 = vector.broadcast %get3A_22 : vector<1x8xf32> to vector<2048x8xf32>
    %add3A_24 = arith.addf %dot_general3A_19, %add3A_23 : vector<2048x8xf32>
    %iota3A = tpu.iota {dimensions = array<i32: 1>} : vector<2048x8xi32>
    %reduce_max3A = arith.constant dense<0xFF800000> : vector<2048xf32>
    %reduce_max3A_25 = vector.multi_reduction <maximumf>, %add3A_24, %reduce_max3A [1] : vector<2048x8xf32> to vector<2048xf32>
    %broadcast_in_dim3A_26 = vector.shape_cast %reduce_max3A_25 : vector<2048xf32> to vector<2048x1xf32>
    %eq3A = vector.broadcast %broadcast_in_dim3A_26 : vector<2048x1xf32> to vector<2048x8xf32>
    %eq3A_27 = arith.cmpf oeq, %add3A_24, %eq3A : vector<2048x8xf32>
    %jit3A = arith.constant 8 : i32
    %broadcast_in_dim3A_28 = vector.broadcast %jit3A : i32 to vector<2048x8xi32>
    %select_n3A = arith.select %eq3A_27, %iota3A, %broadcast_in_dim3A_28 : vector<2048x8xi1>, vector<2048x8xi32>
    %reduce_min3A = arith.constant dense<2147483647> : vector<2048xi32>
    %reduce_min3A_29 = vector.multi_reduction <minsi>, %select_n3A, %reduce_min3A [1] : vector<2048x8xi32> to vector<2048xi32>
    %broadcast_in_dim3A_30 = vector.shape_cast %reduce_min3A_29 : vector<2048xi32> to vector<2048x1xi32>
    %eq3A_31 = vector.broadcast %broadcast_in_dim3A_30 : vector<2048x1xi32> to vector<2048x8xi32>
    %eq3A_32 = arith.cmpi eq, %iota3A, %eq3A_31 : vector<2048x8xi32>
    %jit3A_33 = arith.constant 0xFF800000 : f32
    %broadcast_in_dim3A_34 = vector.broadcast %jit3A_33 : f32 to vector<2048x8xf32>
    %select_n3A_35 = arith.select %eq3A_32, %broadcast_in_dim3A_34, %add3A_24 : vector<2048x8xi1>, vector<2048x8xf32>
    %reduce_max3A_36 = arith.constant dense<0xFF800000> : vector<2048xf32>
    %reduce_max3A_37 = vector.multi_reduction <maximumf>, %select_n3A_35, %reduce_max3A_36 [1] : vector<2048x8xf32> to vector<2048xf32>
    %broadcast_in_dim3A_38 = vector.shape_cast %reduce_max3A_37 : vector<2048xf32> to vector<2048x1xf32>
    %eq3A_39 = vector.broadcast %broadcast_in_dim3A_38 : vector<2048x1xf32> to vector<2048x8xf32>
    %eq3A_40 = arith.cmpf oeq, %select_n3A_35, %eq3A_39 : vector<2048x8xf32>
    %jit3A_41 = arith.constant 8 : i32
    %broadcast_in_dim3A_42 = vector.broadcast %jit3A_41 : i32 to vector<2048x8xi32>
    %select_n3A_43 = arith.select %eq3A_40, %iota3A, %broadcast_in_dim3A_42 : vector<2048x8xi1>, vector<2048x8xi32>
    %reduce_min3A_44 = arith.constant dense<2147483647> : vector<2048xi32>
    %reduce_min3A_45 = vector.multi_reduction <minsi>, %select_n3A_43, %reduce_min3A_44 [1] : vector<2048x8xi32> to vector<2048xi32>
    %broadcast_in_dim3A_46 = vector.shape_cast %reduce_min3A_45 : vector<2048xi32> to vector<2048x1xi32>
    %sub3A = arith.subf %broadcast_in_dim3A_38, %broadcast_in_dim3A_26 : vector<2048x1xf32>
    %exp3A = math.exp %sub3A : vector<2048x1xf32>
    %add3A_47 = arith.constant 1.000000e+00 : f32
    %add3A_48 = vector.broadcast %add3A_47 : f32 to vector<2048x1xf32>
    %add3A_49 = arith.addf %add3A_48, %exp3A : vector<2048x1xf32>
    %div3A_50 = arith.constant 1.000000e+00 : f32
    %div3A_51 = vector.broadcast %div3A_50 : f32 to vector<2048x1xf32>
    %div3A_52 = arith.divf %div3A_51, %add3A_49 : vector<2048x1xf32>
    %mul3A_53 = arith.mulf %exp3A, %div3A_52 : vector<2048x1xf32>
    %concatenate3A = tpu.concatenate %div3A_52, %mul3A_53 in 1 : vector<2048x1xf32>, vector<2048x1xf32> -> vector<2048x2xf32>
    %swap3A_54 = arith.constant 0 : index
    %swap3A_55 = arith.constant 0 : index
    %swap3A_56 = vector.load %arg7[%swap3A_54, %swap3A_55] : memref<2048x2xf32, #tpu.memory_space<vmem>>, vector<2048x2xf32>
    tpu.vector_store %arg7[%swap3A_54, %swap3A_55], %concatenate3A {strides = array<i32>} : memref<2048x2xf32, #tpu.memory_space<vmem>>, vector<2048x2xf32>,
    %eq3A_57 = vector.broadcast %broadcast_in_dim3A_30 : vector<2048x1xi32> to vector<2048x8xi32>
    %eq3A_58 = arith.cmpi eq, %iota3A, %eq3A_57 : vector<2048x8xi32>
    %convert_element_type3A = arith.extui %eq3A_58 : vector<2048x8xi1> to vector<2048x8xi32>
    %convert_element_type3A_59 = arith.sitofp %convert_element_type3A : vector<2048x8xi32> to vector<2048x8xf32>
    %eq3A_60 = vector.broadcast %broadcast_in_dim3A_46 : vector<2048x1xi32> to vector<2048x8xi32>
    %eq3A_61 = arith.cmpi eq, %iota3A, %eq3A_60 : vector<2048x8xi32>
    %convert_element_type3A_62 = arith.extui %eq3A_61 : vector<2048x8xi1> to vector<2048x8xi32>
    %convert_element_type3A_63 = arith.sitofp %convert_element_type3A_62 : vector<2048x8xi32> to vector<2048x8xf32>
    %add3A_64 = arith.addf %convert_element_type3A_59, %convert_element_type3A_63 : vector<2048x8xf32>
    %iota3A_65 = tpu.iota {dimensions = array<i32: 0>} : vector<2048x2048xi32>
    %iota3A_66 = tpu.iota {dimensions = array<i32: 1>} : vector<2048x2048xi32>
    %gt3A = arith.cmpi sgt, %iota3A_65, %iota3A_66 : vector<2048x2048xi32>
    %jit3A_67 = arith.constant 1.000000e+00 : f32
    %jit3A_68 = arith.constant 0.000000e+00 : f32
    %broadcast_in_dim3A_69 = vector.broadcast %jit3A_67 : f32 to vector<2048x2048xf32>
    %broadcast_in_dim3A_70 = vector.broadcast %jit3A_68 : f32 to vector<2048x2048xf32>
    %select_n3A_71 = arith.select %gt3A, %broadcast_in_dim3A_69, %broadcast_in_dim3A_70 : vector<2048x2048xi1>, vector<2048x2048xf32>
    %dot_general3A_72 = arith.constant dense<0.000000e+00> : vector<2048x8xf32>
    %dot_general3A_73 = tpu.matmul %select_n3A_71, %add3A_64, %dot_general3A_72 {dimension_numbers = #tpu.dot_dimension_numbers<[1], [0], [0], [1], [0, 0, 1, 1], [], []>, transpose_lhs_hint = false} : vector<2048x2048xf32>, vector<2048x8xf32>, vector<2048x8xf32> -> vector<2048x8xf32>
    %eq3A_74 = arith.constant 0 : i32
    %eq3A_75 = vector.broadcast %eq3A_74 : i32 to vector<2048x8xi32>
    %eq3A_76 = arith.cmpi eq, %iota3A, %eq3A_75 : vector<2048x8xi32>
    %jit3A_77 = arith.constant 0.000000e+00 : f32
    %broadcast_in_dim3A_78 = vector.broadcast %jit3A_77 : f32 to vector<2048x8xf32>
    %select_n3A_79 = arith.select %eq3A_76, %add3A_64, %broadcast_in_dim3A_78 : vector<2048x8xi1>, vector<2048x8xf32>
    %reduce_sum3A_80 = vector.shape_cast %select_n3A_79 : vector<2048x8xf32> to vector<1x2048x8xf32>
    %reduce_sum3A_81 = arith.constant dense<0.000000e+00> : vector<1xf32>
    %reduce_sum3A_82 = vector.multi_reduction <add>, %reduce_sum3A_80, %reduce_sum3A_81 [1, 2] : vector<1x2048x8xf32> to vector<1xf32>
    %reduce_sum3A_83 = vector.shape_cast %reduce_sum3A_82 : vector<1xf32> to vector<1x1x1xf32>
    %reduce_sum3A_84 = vector.extract %reduce_sum3A_83[0, 0, 0] : f32 from vector<1x1x1xf32>
    %convert_element_type3A_85 = arith.fptosi %reduce_sum3A_84 : f32 to i32
    %gt3A_86 = arith.constant 0 : i32
    %gt3A_87 = arith.cmpi sgt, %convert_element_type3A_85, %gt3A_86 : i32
    %jit3A_88 = arith.constant 0 : i32
    %jit3A_89 = arith.constant 512 : i32
    %div3A_90 = arith.divsi %jit3A_88, %jit3A_89 : i32
    %sign3A = arith.constant 0 : i32
    %sign3A_91 = arith.cmpi sgt, %jit3A_88, %sign3A : i32
    %sign3A_92 = arith.extui %sign3A_91 : i1 to i32
    %sign3A_93 = arith.constant 0 : i32
    %sign3A_94 = arith.cmpi slt, %jit3A_88, %sign3A_93 : i32
    %sign3A_95 = arith.extui %sign3A_94 : i1 to i32
    %sign3A_96 = arith.subi %sign3A_92, %sign3A_95 : i32
    %sign3A_97 = arith.constant 0 : i32
    %sign3A_98 = arith.cmpi sgt, %jit3A_89, %sign3A_97 : i32
    %sign3A_99 = arith.extui %sign3A_98 : i1 to i32
    %sign3A_100 = arith.constant 0 : i32
    %sign3A_101 = arith.cmpi slt, %jit3A_89, %sign3A_100 : i32
    %sign3A_102 = arith.extui %sign3A_101 : i1 to i32
    %sign3A_103 = arith.subi %sign3A_99, %sign3A_102 : i32
    %ne3A = arith.cmpi ne, %sign3A_96, %sign3A_103 : i32
    %rem3A = arith.remsi %jit3A_88, %jit3A_89 : i32
    %ne3A_104 = arith.constant 0 : i32
    %ne3A_105 = arith.cmpi ne, %rem3A, %ne3A_104 : i32
    %and3A = arith.andi %ne3A, %ne3A_105 : i1
    %sub3A_106 = arith.constant 1 : i32
    %sub3A_107 = arith.subi %div3A_90, %sub3A_106 : i32
    %select_n3A_108 = arith.select %and3A, %sub3A_107, %div3A_90 : i32
    %add3A_109 = arith.constant 511 : i32
    %add3A_110 = arith.addi %convert_element_type3A_85, %add3A_109 : i32
    %jit3A_111 = arith.constant 512 : i32
    %div3A_112 = arith.divsi %add3A_110, %jit3A_111 : i32
    %sign3A_113 = arith.constant 0 : i32
    %sign3A_114 = arith.cmpi sgt, %add3A_110, %sign3A_113 : i32
    %sign3A_115 = arith.extui %sign3A_114 : i1 to i32
    %sign3A_116 = arith.constant 0 : i32
    %sign3A_117 = arith.cmpi slt, %add3A_110, %sign3A_116 : i32
    %sign3A_118 = arith.extui %sign3A_117 : i1 to i32
    %sign3A_119 = arith.subi %sign3A_115, %sign3A_118 : i32
    %sign3A_120 = arith.constant 0 : i32
    %sign3A_121 = arith.cmpi sgt, %jit3A_111, %sign3A_120 : i32
    %sign3A_122 = arith.extui %sign3A_121 : i1 to i32
    %sign3A_123 = arith.constant 0 : i32
    %sign3A_124 = arith.cmpi slt, %jit3A_111, %sign3A_123 : i32
    %sign3A_125 = arith.extui %sign3A_124 : i1 to i32
    %sign3A_126 = arith.subi %sign3A_122, %sign3A_125 : i32
    %ne3A_127 = arith.cmpi ne, %sign3A_119, %sign3A_126 : i32
    %rem3A_128 = arith.remsi %add3A_110, %jit3A_111 : i32
    %ne3A_129 = arith.constant 0 : i32
    %ne3A_130 = arith.cmpi ne, %rem3A_128, %ne3A_129 : i32
    %and3A_131 = arith.andi %ne3A_127, %ne3A_130 : i1
    %sub3A_132 = arith.constant 1 : i32
    %sub3A_133 = arith.subi %div3A_112, %sub3A_132 : i32
    %select_n3A_134 = arith.select %and3A_131, %sub3A_133, %div3A_112 : i32
    %mul3A_135 = arith.constant 512 : i32
    %mul3A_136 = arith.muli %select_n3A_134, %mul3A_135 : i32
    %add3A_137 = arith.constant 0 : i32
    %add3A_138 = arith.addi %add3A_137, %mul3A_136 : i32
    %jit3A_139 = arith.constant 512 : i32
    %div3A_140 = arith.divsi %add3A_138, %jit3A_139 : i32
    %sign3A_141 = arith.constant 0 : i32
    %sign3A_142 = arith.cmpi sgt, %add3A_138, %sign3A_141 : i32
    %sign3A_143 = arith.extui %sign3A_142 : i1 to i32
    %sign3A_144 = arith.constant 0 : i32
    %sign3A_145 = arith.cmpi slt, %add3A_138, %sign3A_144 : i32
    %sign3A_146 = arith.extui %sign3A_145 : i1 to i32
    %sign3A_147 = arith.subi %sign3A_143, %sign3A_146 : i32
    %sign3A_148 = arith.constant 0 : i32
    %sign3A_149 = arith.cmpi sgt, %jit3A_139, %sign3A_148 : i32
    %sign3A_150 = arith.extui %sign3A_149 : i1 to i32
    %sign3A_151 = arith.constant 0 : i32
    %sign3A_152 = arith.cmpi slt, %jit3A_139, %sign3A_151 : i32
    %sign3A_153 = arith.extui %sign3A_152 : i1 to i32
    %sign3A_154 = arith.subi %sign3A_150, %sign3A_153 : i32
    %ne3A_155 = arith.cmpi ne, %sign3A_147, %sign3A_154 : i32
    %rem3A_156 = arith.remsi %add3A_138, %jit3A_139 : i32
    %ne3A_157 = arith.constant 0 : i32
    %ne3A_158 = arith.cmpi ne, %rem3A_156, %ne3A_157 : i32
    %and3A_159 = arith.andi %ne3A_155, %ne3A_158 : i1
    %sub3A_160 = arith.constant 1 : i32
    %sub3A_161 = arith.subi %div3A_140, %sub3A_160 : i32
    %select_n3A_162 = arith.select %and3A_159, %sub3A_161, %div3A_140 : i32
    %eq3A_163 = arith.constant 1 : i32
    %eq3A_164 = vector.broadcast %eq3A_163 : i32 to vector<2048x8xi32>
    %eq3A_165 = arith.cmpi eq, %iota3A, %eq3A_164 : vector<2048x8xi32>
    %jit3A_166 = arith.constant 0.000000e+00 : f32
    %broadcast_in_dim3A_167 = vector.broadcast %jit3A_166 : f32 to vector<2048x8xf32>
    %select_n3A_168 = arith.select %eq3A_165, %add3A_64, %broadcast_in_dim3A_167 : vector<2048x8xi1>, vector<2048x8xf32>
    %reduce_sum3A_169 = vector.shape_cast %select_n3A_168 : vector<2048x8xf32> to vector<1x2048x8xf32>
    %reduce_sum3A_170 = arith.constant dense<0.000000e+00> : vector<1xf32>
    %reduce_sum3A_171 = vector.multi_reduction <add>, %reduce_sum3A_169, %reduce_sum3A_170 [1, 2] : vector<1x2048x8xf32> to vector<1xf32>
    %reduce_sum3A_172 = vector.shape_cast %reduce_sum3A_171 : vector<1xf32> to vector<1x1x1xf32>
    %reduce_sum3A_173 = vector.extract %reduce_sum3A_172[0, 0, 0] : f32 from vector<1x1x1xf32>
    %convert_element_type3A_174 = arith.fptosi %reduce_sum3A_173 : f32 to i32
    %gt3A_175 = arith.constant 0 : i32
    %gt3A_176 = arith.cmpi sgt, %convert_element_type3A_174, %gt3A_175 : i32
    %jit3A_177 = arith.constant 512 : i32
    %div3A_178 = arith.divsi %add3A_138, %jit3A_177 : i32
    %sign3A_179 = arith.constant 0 : i32
    %sign3A_180 = arith.cmpi sgt, %add3A_138, %sign3A_179 : i32
    %sign3A_181 = arith.extui %sign3A_180 : i1 to i32
    %sign3A_182 = arith.constant 0 : i32
    %sign3A_183 = arith.cmpi slt, %add3A_138, %sign3A_182 : i32
    %sign3A_184 = arith.extui %sign3A_183 : i1 to i32
    %sign3A_185 = arith.subi %sign3A_181, %sign3A_184 : i32
    %sign3A_186 = arith.constant 0 : i32
    %sign3A_187 = arith.cmpi sgt, %jit3A_177, %sign3A_186 : i32
    %sign3A_188 = arith.extui %sign3A_187 : i1 to i32
    %sign3A_189 = arith.constant 0 : i32
    %sign3A_190 = arith.cmpi slt, %jit3A_177, %sign3A_189 : i32
    %sign3A_191 = arith.extui %sign3A_190 : i1 to i32
    %sign3A_192 = arith.subi %sign3A_188, %sign3A_191 : i32
    %ne3A_193 = arith.cmpi ne, %sign3A_185, %sign3A_192 : i32
    %rem3A_194 = arith.remsi %add3A_138, %jit3A_177 : i32
    %ne3A_195 = arith.constant 0 : i32
    %ne3A_196 = arith.cmpi ne, %rem3A_194, %ne3A_195 : i32
    %and3A_197 = arith.andi %ne3A_193, %ne3A_196 : i1
    %sub3A_198 = arith.constant 1 : i32
    %sub3A_199 = arith.subi %div3A_178, %sub3A_198 : i32
    %select_n3A_200 = arith.select %and3A_197, %sub3A_199, %div3A_178 : i32
    %add3A_201 = arith.constant 511 : i32
    %add3A_202 = arith.addi %convert_element_type3A_174, %add3A_201 : i32
    %jit3A_203 = arith.constant 512 : i32
    %div3A_204 = arith.divsi %add3A_202, %jit3A_203 : i32
    %sign3A_205 = arith.constant 0 : i32
    %sign3A_206 = arith.cmpi sgt, %add3A_202, %sign3A_205 : i32
    %sign3A_207 = arith.extui %sign3A_206 : i1 to i32
    %sign3A_208 = arith.constant 0 : i32
    %sign3A_209 = arith.cmpi slt, %add3A_202, %sign3A_208 : i32
    %sign3A_210 = arith.extui %sign3A_209 : i1 to i32
    %sign3A_211 = arith.subi %sign3A_207, %sign3A_210 : i32
    %sign3A_212 = arith.constant 0 : i32
    %sign3A_213 = arith.cmpi sgt, %jit3A_203, %sign3A_212 : i32
    %sign3A_214 = arith.extui %sign3A_213 : i1 to i32
    %sign3A_215 = arith.constant 0 : i32
    %sign3A_216 = arith.cmpi slt, %jit3A_203, %sign3A_215 : i32
    %sign3A_217 = arith.extui %sign3A_216 : i1 to i32
    %sign3A_218 = arith.subi %sign3A_214, %sign3A_217 : i32
    %ne3A_219 = arith.cmpi ne, %sign3A_211, %sign3A_218 : i32
    %rem3A_220 = arith.remsi %add3A_202, %jit3A_203 : i32
    %ne3A_221 = arith.constant 0 : i32
    %ne3A_222 = arith.cmpi ne, %rem3A_220, %ne3A_221 : i32
    %and3A_223 = arith.andi %ne3A_219, %ne3A_222 : i1
    %sub3A_224 = arith.constant 1 : i32
    %sub3A_225 = arith.subi %div3A_204, %sub3A_224 : i32
    %select_n3A_226 = arith.select %and3A_223, %sub3A_225, %div3A_204 : i32
    %mul3A_227 = arith.constant 512 : i32
    %mul3A_228 = arith.muli %select_n3A_226, %mul3A_227 : i32
    %add3A_229 = arith.addi %add3A_138, %mul3A_228 : i32
    %jit3A_230 = arith.constant 512 : i32
    %div3A_231 = arith.divsi %add3A_229, %jit3A_230 : i32
    %sign3A_232 = arith.constant 0 : i32
    %sign3A_233 = arith.cmpi sgt, %add3A_229, %sign3A_232 : i32
    %sign3A_234 = arith.extui %sign3A_233 : i1 to i32
    %sign3A_235 = arith.constant 0 : i32
    %sign3A_236 = arith.cmpi slt, %add3A_229, %sign3A_235 : i32
    %sign3A_237 = arith.extui %sign3A_236 : i1 to i32
    %sign3A_238 = arith.subi %sign3A_234, %sign3A_237 : i32
    %sign3A_239 = arith.constant 0 : i32
    %sign3A_240 = arith.cmpi sgt, %jit3A_230, %sign3A_239 : i32
    %sign3A_241 = arith.extui %sign3A_240 : i1 to i32
    %sign3A_242 = arith.constant 0 : i32
    %sign3A_243 = arith.cmpi slt, %jit3A_230, %sign3A_242 : i32
    %sign3A_244 = arith.extui %sign3A_243 : i1 to i32
    %sign3A_245 = arith.subi %sign3A_241, %sign3A_244 : i32
    %ne3A_246 = arith.cmpi ne, %sign3A_238, %sign3A_245 : i32
    %rem3A_247 = arith.remsi %add3A_229, %jit3A_230 : i32
    %ne3A_248 = arith.constant 0 : i32
    %ne3A_249 = arith.cmpi ne, %rem3A_247, %ne3A_248 : i32
    %and3A_250 = arith.andi %ne3A_246, %ne3A_249 : i1
    %sub3A_251 = arith.constant 1 : i32
    %sub3A_252 = arith.subi %div3A_231, %sub3A_251 : i32
    %select_n3A_253 = arith.select %and3A_250, %sub3A_252, %div3A_231 : i32
    %eq3A_254 = arith.constant 2 : i32
    %eq3A_255 = vector.broadcast %eq3A_254 : i32 to vector<2048x8xi32>
    %eq3A_256 = arith.cmpi eq, %iota3A, %eq3A_255 : vector<2048x8xi32>
    %jit3A_257 = arith.constant 0.000000e+00 : f32
    %broadcast_in_dim3A_258 = vector.broadcast %jit3A_257 : f32 to vector<2048x8xf32>
    %select_n3A_259 = arith.select %eq3A_256, %add3A_64, %broadcast_in_dim3A_258 : vector<2048x8xi1>, vector<2048x8xf32>
    %reduce_sum3A_260 = vector.shape_cast %select_n3A_259 : vector<2048x8xf32> to vector<1x2048x8xf32>
    %reduce_sum3A_261 = arith.constant dense<0.000000e+00> : vector<1xf32>
    %reduce_sum3A_262 = vector.multi_reduction <add>, %reduce_sum3A_260, %reduce_sum3A_261 [1, 2] : vector<1x2048x8xf32> to vector<1xf32>
    %reduce_sum3A_263 = vector.shape_cast %reduce_sum3A_262 : vector<1xf32> to vector<1x1x1xf32>
    %reduce_sum3A_264 = vector.extract %reduce_sum3A_263[0, 0, 0] : f32 from vector<1x1x1xf32>
    %convert_element_type3A_265 = arith.fptosi %reduce_sum3A_264 : f32 to i32
    %gt3A_266 = arith.constant 0 : i32
    %gt3A_267 = arith.cmpi sgt, %convert_element_type3A_265, %gt3A_266 : i32
    %jit3A_268 = arith.constant 512 : i32
    %div3A_269 = arith.divsi %add3A_229, %jit3A_268 : i32
    %sign3A_270 = arith.constant 0 : i32
    %sign3A_271 = arith.cmpi sgt, %add3A_229, %sign3A_270 : i32
    %sign3A_272 = arith.extui %sign3A_271 : i1 to i32
    %sign3A_273 = arith.constant 0 : i32
    %sign3A_274 = arith.cmpi slt, %add3A_229, %sign3A_273 : i32
    %sign3A_275 = arith.extui %sign3A_274 : i1 to i32
    %sign3A_276 = arith.subi %sign3A_272, %sign3A_275 : i32
    %sign3A_277 = arith.constant 0 : i32
    %sign3A_278 = arith.cmpi sgt, %jit3A_268, %sign3A_277 : i32
    %sign3A_279 = arith.extui %sign3A_278 : i1 to i32
    %sign3A_280 = arith.constant 0 : i32
    %sign3A_281 = arith.cmpi slt, %jit3A_268, %sign3A_280 : i32
    %sign3A_282 = arith.extui %sign3A_281 : i1 to i32
    %sign3A_283 = arith.subi %sign3A_279, %sign3A_282 : i32
    %ne3A_284 = arith.cmpi ne, %sign3A_276, %sign3A_283 : i32
    %rem3A_285 = arith.remsi %add3A_229, %jit3A_268 : i32
    %ne3A_286 = arith.constant 0 : i32
    %ne3A_287 = arith.cmpi ne, %rem3A_285, %ne3A_286 : i32
    %and3A_288 = arith.andi %ne3A_284, %ne3A_287 : i1
    %sub3A_289 = arith.constant 1 : i32
    %sub3A_290 = arith.subi %div3A_269, %sub3A_289 : i32
    %select_n3A_291 = arith.select %and3A_288, %sub3A_290, %div3A_269 : i32
    %add3A_292 = arith.constant 511 : i32
    %add3A_293 = arith.addi %convert_element_type3A_265, %add3A_292 : i32
    %jit3A_294 = arith.constant 512 : i32
    %div3A_295 = arith.divsi %add3A_293, %jit3A_294 : i32
    %sign3A_296 = arith.constant 0 : i32
    %sign3A_297 = arith.cmpi sgt, %add3A_293, %sign3A_296 : i32
    %sign3A_298 = arith.extui %sign3A_297 : i1 to i32
    %sign3A_299 = arith.constant 0 : i32
    %sign3A_300 = arith.cmpi slt, %add3A_293, %sign3A_299 : i32
    %sign3A_301 = arith.extui %sign3A_300 : i1 to i32
    %sign3A_302 = arith.subi %sign3A_298, %sign3A_301 : i32
    %sign3A_303 = arith.constant 0 : i32
    %sign3A_304 = arith.cmpi sgt, %jit3A_294, %sign3A_303 : i32
    %sign3A_305 = arith.extui %sign3A_304 : i1 to i32
    %sign3A_306 = arith.constant 0 : i32
    %sign3A_307 = arith.cmpi slt, %jit3A_294, %sign3A_306 : i32
    %sign3A_308 = arith.extui %sign3A_307 : i1 to i32
    %sign3A_309 = arith.subi %sign3A_305, %sign3A_308 : i32
    %ne3A_310 = arith.cmpi ne, %sign3A_302, %sign3A_309 : i32
    %rem3A_311 = arith.remsi %add3A_293, %jit3A_294 : i32
    %ne3A_312 = arith.constant 0 : i32
    %ne3A_313 = arith.cmpi ne, %rem3A_311, %ne3A_312 : i32
    %and3A_314 = arith.andi %ne3A_310, %ne3A_313 : i1
    %sub3A_315 = arith.constant 1 : i32
    %sub3A_316 = arith.subi %div3A_295, %sub3A_315 : i32
    %select_n3A_317 = arith.select %and3A_314, %sub3A_316, %div3A_295 : i32
    %mul3A_318 = arith.constant 512 : i32
    %mul3A_319 = arith.muli %select_n3A_317, %mul3A_318 : i32
    %add3A_320 = arith.addi %add3A_229, %mul3A_319 : i32
    %jit3A_321 = arith.constant 512 : i32
    %div3A_322 = arith.divsi %add3A_320, %jit3A_321 : i32
    %sign3A_323 = arith.constant 0 : i32
    %sign3A_324 = arith.cmpi sgt, %add3A_320, %sign3A_323 : i32
    %sign3A_325 = arith.extui %sign3A_324 : i1 to i32
    %sign3A_326 = arith.constant 0 : i32
    %sign3A_327 = arith.cmpi slt, %add3A_320, %sign3A_326 : i32
    %sign3A_328 = arith.extui %sign3A_327 : i1 to i32
    %sign3A_329 = arith.subi %sign3A_325, %sign3A_328 : i32
    %sign3A_330 = arith.constant 0 : i32
    %sign3A_331 = arith.cmpi sgt, %jit3A_321, %sign3A_330 : i32
    %sign3A_332 = arith.extui %sign3A_331 : i1 to i32
    %sign3A_333 = arith.constant 0 : i32
    %sign3A_334 = arith.cmpi slt, %jit3A_321, %sign3A_333 : i32
    %sign3A_335 = arith.extui %sign3A_334 : i1 to i32
    %sign3A_336 = arith.subi %sign3A_332, %sign3A_335 : i32
    %ne3A_337 = arith.cmpi ne, %sign3A_329, %sign3A_336 : i32
    %rem3A_338 = arith.remsi %add3A_320, %jit3A_321 : i32
    %ne3A_339 = arith.constant 0 : i32
    %ne3A_340 = arith.cmpi ne, %rem3A_338, %ne3A_339 : i32
    %and3A_341 = arith.andi %ne3A_337, %ne3A_340 : i1
    %sub3A_342 = arith.constant 1 : i32
    %sub3A_343 = arith.subi %div3A_322, %sub3A_342 : i32
    %select_n3A_344 = arith.select %and3A_341, %sub3A_343, %div3A_322 : i32
    %eq3A_345 = arith.constant 3 : i32
    %eq3A_346 = vector.broadcast %eq3A_345 : i32 to vector<2048x8xi32>
    %eq3A_347 = arith.cmpi eq, %iota3A, %eq3A_346 : vector<2048x8xi32>
    %jit3A_348 = arith.constant 0.000000e+00 : f32
    %broadcast_in_dim3A_349 = vector.broadcast %jit3A_348 : f32 to vector<2048x8xf32>
    %select_n3A_350 = arith.select %eq3A_347, %add3A_64, %broadcast_in_dim3A_349 : vector<2048x8xi1>, vector<2048x8xf32>
    %reduce_sum3A_351 = vector.shape_cast %select_n3A_350 : vector<2048x8xf32> to vector<1x2048x8xf32>
    %reduce_sum3A_352 = arith.constant dense<0.000000e+00> : vector<1xf32>
    %reduce_sum3A_353 = vector.multi_reduction <add>, %reduce_sum3A_351, %reduce_sum3A_352 [1, 2] : vector<1x2048x8xf32> to vector<1xf32>
    %reduce_sum3A_354 = vector.shape_cast %reduce_sum3A_353 : vector<1xf32> to vector<1x1x1xf32>
    %reduce_sum3A_355 = vector.extract %reduce_sum3A_354[0, 0, 0] : f32 from vector<1x1x1xf32>
    %convert_element_type3A_356 = arith.fptosi %reduce_sum3A_355 : f32 to i32
    %gt3A_357 = arith.constant 0 : i32
    %gt3A_358 = arith.cmpi sgt, %convert_element_type3A_356, %gt3A_357 : i32
    %jit3A_359 = arith.constant 512 : i32
    %div3A_360 = arith.divsi %add3A_320, %jit3A_359 : i32
    %sign3A_361 = arith.constant 0 : i32
    %sign3A_362 = arith.cmpi sgt, %add3A_320, %sign3A_361 : i32
    %sign3A_363 = arith.extui %sign3A_362 : i1 to i32
    %sign3A_364 = arith.constant 0 : i32
    %sign3A_365 = arith.cmpi slt, %add3A_320, %sign3A_364 : i32
    %sign3A_366 = arith.extui %sign3A_365 : i1 to i32
    %sign3A_367 = arith.subi %sign3A_363, %sign3A_366 : i32
    %sign3A_368 = arith.constant 0 : i32
    %sign3A_369 = arith.cmpi sgt, %jit3A_359, %sign3A_368 : i32
    %sign3A_370 = arith.extui %sign3A_369 : i1 to i32
    %sign3A_371 = arith.constant 0 : i32
    %sign3A_372 = arith.cmpi slt, %jit3A_359, %sign3A_371 : i32
    %sign3A_373 = arith.extui %sign3A_372 : i1 to i32
    %sign3A_374 = arith.subi %sign3A_370, %sign3A_373 : i32
    %ne3A_375 = arith.cmpi ne, %sign3A_367, %sign3A_374 : i32
    %rem3A_376 = arith.remsi %add3A_320, %jit3A_359 : i32
    %ne3A_377 = arith.constant 0 : i32
    %ne3A_378 = arith.cmpi ne, %rem3A_376, %ne3A_377 : i32
    %and3A_379 = arith.andi %ne3A_375, %ne3A_378 : i1
    %sub3A_380 = arith.constant 1 : i32
    %sub3A_381 = arith.subi %div3A_360, %sub3A_380 : i32
    %select_n3A_382 = arith.select %and3A_379, %sub3A_381, %div3A_360 : i32
    %add3A_383 = arith.constant 511 : i32
    %add3A_384 = arith.addi %convert_element_type3A_356, %add3A_383 : i32
    %jit3A_385 = arith.constant 512 : i32
    %div3A_386 = arith.divsi %add3A_384, %jit3A_385 : i32
    %sign3A_387 = arith.constant 0 : i32
    %sign3A_388 = arith.cmpi sgt, %add3A_384, %sign3A_387 : i32
    %sign3A_389 = arith.extui %sign3A_388 : i1 to i32
    %sign3A_390 = arith.constant 0 : i32
    %sign3A_391 = arith.cmpi slt, %add3A_384, %sign3A_390 : i32
    %sign3A_392 = arith.extui %sign3A_391 : i1 to i32
    %sign3A_393 = arith.subi %sign3A_389, %sign3A_392 : i32
    %sign3A_394 = arith.constant 0 : i32
    %sign3A_395 = arith.cmpi sgt, %jit3A_385, %sign3A_394 : i32
    %sign3A_396 = arith.extui %sign3A_395 : i1 to i32
    %sign3A_397 = arith.constant 0 : i32
    %sign3A_398 = arith.cmpi slt, %jit3A_385, %sign3A_397 : i32
    %sign3A_399 = arith.extui %sign3A_398 : i1 to i32
    %sign3A_400 = arith.subi %sign3A_396, %sign3A_399 : i32
    %ne3A_401 = arith.cmpi ne, %sign3A_393, %sign3A_400 : i32
    %rem3A_402 = arith.remsi %add3A_384, %jit3A_385 : i32
    %ne3A_403 = arith.constant 0 : i32
    %ne3A_404 = arith.cmpi ne, %rem3A_402, %ne3A_403 : i32
    %and3A_405 = arith.andi %ne3A_401, %ne3A_404 : i1
    %sub3A_406 = arith.constant 1 : i32
    %sub3A_407 = arith.subi %div3A_386, %sub3A_406 : i32
    %select_n3A_408 = arith.select %and3A_405, %sub3A_407, %div3A_386 : i32
    %mul3A_409 = arith.constant 512 : i32
    %mul3A_410 = arith.muli %select_n3A_408, %mul3A_409 : i32
    %add3A_411 = arith.addi %add3A_320, %mul3A_410 : i32
    %jit3A_412 = arith.constant 512 : i32
    %div3A_413 = arith.divsi %add3A_411, %jit3A_412 : i32
    %sign3A_414 = arith.constant 0 : i32
    %sign3A_415 = arith.cmpi sgt, %add3A_411, %sign3A_414 : i32
    %sign3A_416 = arith.extui %sign3A_415 : i1 to i32
    %sign3A_417 = arith.constant 0 : i32
    %sign3A_418 = arith.cmpi slt, %add3A_411, %sign3A_417 : i32
    %sign3A_419 = arith.extui %sign3A_418 : i1 to i32
    %sign3A_420 = arith.subi %sign3A_416, %sign3A_419 : i32
    %sign3A_421 = arith.constant 0 : i32
    %sign3A_422 = arith.cmpi sgt, %jit3A_412, %sign3A_421 : i32
    %sign3A_423 = arith.extui %sign3A_422 : i1 to i32
    %sign3A_424 = arith.constant 0 : i32
    %sign3A_425 = arith.cmpi slt, %jit3A_412, %sign3A_424 : i32
    %sign3A_426 = arith.extui %sign3A_425 : i1 to i32
    %sign3A_427 = arith.subi %sign3A_423, %sign3A_426 : i32
    %ne3A_428 = arith.cmpi ne, %sign3A_420, %sign3A_427 : i32
    %rem3A_429 = arith.remsi %add3A_411, %jit3A_412 : i32
    %ne3A_430 = arith.constant 0 : i32
    %ne3A_431 = arith.cmpi ne, %rem3A_429, %ne3A_430 : i32
    %and3A_432 = arith.andi %ne3A_428, %ne3A_431 : i1
    %sub3A_433 = arith.constant 1 : i32
    %sub3A_434 = arith.subi %div3A_413, %sub3A_433 : i32
    %select_n3A_435 = arith.select %and3A_432, %sub3A_434, %div3A_413 : i32
    %eq3A_436 = arith.constant 4 : i32
    %eq3A_437 = vector.broadcast %eq3A_436 : i32 to vector<2048x8xi32>
    %eq3A_438 = arith.cmpi eq, %iota3A, %eq3A_437 : vector<2048x8xi32>
    %jit3A_439 = arith.constant 0.000000e+00 : f32
    %broadcast_in_dim3A_440 = vector.broadcast %jit3A_439 : f32 to vector<2048x8xf32>
    %select_n3A_441 = arith.select %eq3A_438, %add3A_64, %broadcast_in_dim3A_440 : vector<2048x8xi1>, vector<2048x8xf32>
    %reduce_sum3A_442 = vector.shape_cast %select_n3A_441 : vector<2048x8xf32> to vector<1x2048x8xf32>
    %reduce_sum3A_443 = arith.constant dense<0.000000e+00> : vector<1xf32>
    %reduce_sum3A_444 = vector.multi_reduction <add>, %reduce_sum3A_442, %reduce_sum3A_443 [1, 2] : vector<1x2048x8xf32> to vector<1xf32>
    %reduce_sum3A_445 = vector.shape_cast %reduce_sum3A_444 : vector<1xf32> to vector<1x1x1xf32>
    %reduce_sum3A_446 = vector.extract %reduce_sum3A_445[0, 0, 0] : f32 from vector<1x1x1xf32>
    %convert_element_type3A_447 = arith.fptosi %reduce_sum3A_446 : f32 to i32
    %gt3A_448 = arith.constant 0 : i32
    %gt3A_449 = arith.cmpi sgt, %convert_element_type3A_447, %gt3A_448 : i32
    %jit3A_450 = arith.constant 512 : i32
    %div3A_451 = arith.divsi %add3A_411, %jit3A_450 : i32
    %sign3A_452 = arith.constant 0 : i32
    %sign3A_453 = arith.cmpi sgt, %add3A_411, %sign3A_452 : i32
    %sign3A_454 = arith.extui %sign3A_453 : i1 to i32
    %sign3A_455 = arith.constant 0 : i32
    %sign3A_456 = arith.cmpi slt, %add3A_411, %sign3A_455 : i32
    %sign3A_457 = arith.extui %sign3A_456 : i1 to i32
    %sign3A_458 = arith.subi %sign3A_454, %sign3A_457 : i32
    %sign3A_459 = arith.constant 0 : i32
    %sign3A_460 = arith.cmpi sgt, %jit3A_450, %sign3A_459 : i32
    %sign3A_461 = arith.extui %sign3A_460 : i1 to i32
    %sign3A_462 = arith.constant 0 : i32
    %sign3A_463 = arith.cmpi slt, %jit3A_450, %sign3A_462 : i32
    %sign3A_464 = arith.extui %sign3A_463 : i1 to i32
    %sign3A_465 = arith.subi %sign3A_461, %sign3A_464 : i32
    %ne3A_466 = arith.cmpi ne, %sign3A_458, %sign3A_465 : i32
    %rem3A_467 = arith.remsi %add3A_411, %jit3A_450 : i32
    %ne3A_468 = arith.constant 0 : i32
    %ne3A_469 = arith.cmpi ne, %rem3A_467, %ne3A_468 : i32
    %and3A_470 = arith.andi %ne3A_466, %ne3A_469 : i1
    %sub3A_471 = arith.constant 1 : i32
    %sub3A_472 = arith.subi %div3A_451, %sub3A_471 : i32
    %select_n3A_473 = arith.select %and3A_470, %sub3A_472, %div3A_451 : i32
    %add3A_474 = arith.constant 511 : i32
    %add3A_475 = arith.addi %convert_element_type3A_447, %add3A_474 : i32
    %jit3A_476 = arith.constant 512 : i32
    %div3A_477 = arith.divsi %add3A_475, %jit3A_476 : i32
    %sign3A_478 = arith.constant 0 : i32
    %sign3A_479 = arith.cmpi sgt, %add3A_475, %sign3A_478 : i32
    %sign3A_480 = arith.extui %sign3A_479 : i1 to i32
    %sign3A_481 = arith.constant 0 : i32
    %sign3A_482 = arith.cmpi slt, %add3A_475, %sign3A_481 : i32
    %sign3A_483 = arith.extui %sign3A_482 : i1 to i32
    %sign3A_484 = arith.subi %sign3A_480, %sign3A_483 : i32
    %sign3A_485 = arith.constant 0 : i32
    %sign3A_486 = arith.cmpi sgt, %jit3A_476, %sign3A_485 : i32
    %sign3A_487 = arith.extui %sign3A_486 : i1 to i32
    %sign3A_488 = arith.constant 0 : i32
    %sign3A_489 = arith.cmpi slt, %jit3A_476, %sign3A_488 : i32
    %sign3A_490 = arith.extui %sign3A_489 : i1 to i32
    %sign3A_491 = arith.subi %sign3A_487, %sign3A_490 : i32
    %ne3A_492 = arith.cmpi ne, %sign3A_484, %sign3A_491 : i32
    %rem3A_493 = arith.remsi %add3A_475, %jit3A_476 : i32
    %ne3A_494 = arith.constant 0 : i32
    %ne3A_495 = arith.cmpi ne, %rem3A_493, %ne3A_494 : i32
    %and3A_496 = arith.andi %ne3A_492, %ne3A_495 : i1
    %sub3A_497 = arith.constant 1 : i32
    %sub3A_498 = arith.subi %div3A_477, %sub3A_497 : i32
    %select_n3A_499 = arith.select %and3A_496, %sub3A_498, %div3A_477 : i32
    %mul3A_500 = arith.constant 512 : i32
    %mul3A_501 = arith.muli %select_n3A_499, %mul3A_500 : i32
    %add3A_502 = arith.addi %add3A_411, %mul3A_501 : i32
    %jit3A_503 = arith.constant 512 : i32
    %div3A_504 = arith.divsi %add3A_502, %jit3A_503 : i32
    %sign3A_505 = arith.constant 0 : i32
    %sign3A_506 = arith.cmpi sgt, %add3A_502, %sign3A_505 : i32
    %sign3A_507 = arith.extui %sign3A_506 : i1 to i32
    %sign3A_508 = arith.constant 0 : i32
    %sign3A_509 = arith.cmpi slt, %add3A_502, %sign3A_508 : i32
    %sign3A_510 = arith.extui %sign3A_509 : i1 to i32
    %sign3A_511 = arith.subi %sign3A_507, %sign3A_510 : i32
    %sign3A_512 = arith.constant 0 : i32
    %sign3A_513 = arith.cmpi sgt, %jit3A_503, %sign3A_512 : i32
    %sign3A_514 = arith.extui %sign3A_513 : i1 to i32
    %sign3A_515 = arith.constant 0 : i32
    %sign3A_516 = arith.cmpi slt, %jit3A_503, %sign3A_515 : i32
    %sign3A_517 = arith.extui %sign3A_516 : i1 to i32
    %sign3A_518 = arith.subi %sign3A_514, %sign3A_517 : i32
    %ne3A_519 = arith.cmpi ne, %sign3A_511, %sign3A_518 : i32
    %rem3A_520 = arith.remsi %add3A_502, %jit3A_503 : i32
    %ne3A_521 = arith.constant 0 : i32
    %ne3A_522 = arith.cmpi ne, %rem3A_520, %ne3A_521 : i32
    %and3A_523 = arith.andi %ne3A_519, %ne3A_522 : i1
    %sub3A_524 = arith.constant 1 : i32
    %sub3A_525 = arith.subi %div3A_504, %sub3A_524 : i32
    %select_n3A_526 = arith.select %and3A_523, %sub3A_525, %div3A_504 : i32
    %eq3A_527 = arith.constant 5 : i32
    %eq3A_528 = vector.broadcast %eq3A_527 : i32 to vector<2048x8xi32>
    %eq3A_529 = arith.cmpi eq, %iota3A, %eq3A_528 : vector<2048x8xi32>
    %jit3A_530 = arith.constant 0.000000e+00 : f32
    %broadcast_in_dim3A_531 = vector.broadcast %jit3A_530 : f32 to vector<2048x8xf32>
    %select_n3A_532 = arith.select %eq3A_529, %add3A_64, %broadcast_in_dim3A_531 : vector<2048x8xi1>, vector<2048x8xf32>
    %reduce_sum3A_533 = vector.shape_cast %select_n3A_532 : vector<2048x8xf32> to vector<1x2048x8xf32>
    %reduce_sum3A_534 = arith.constant dense<0.000000e+00> : vector<1xf32>
    %reduce_sum3A_535 = vector.multi_reduction <add>, %reduce_sum3A_533, %reduce_sum3A_534 [1, 2] : vector<1x2048x8xf32> to vector<1xf32>
    %reduce_sum3A_536 = vector.shape_cast %reduce_sum3A_535 : vector<1xf32> to vector<1x1x1xf32>
    %reduce_sum3A_537 = vector.extract %reduce_sum3A_536[0, 0, 0] : f32 from vector<1x1x1xf32>
    %convert_element_type3A_538 = arith.fptosi %reduce_sum3A_537 : f32 to i32
    %gt3A_539 = arith.constant 0 : i32
    %gt3A_540 = arith.cmpi sgt, %convert_element_type3A_538, %gt3A_539 : i32
    %jit3A_541 = arith.constant 512 : i32
    %div3A_542 = arith.divsi %add3A_502, %jit3A_541 : i32
    %sign3A_543 = arith.constant 0 : i32
    %sign3A_544 = arith.cmpi sgt, %add3A_502, %sign3A_543 : i32
    %sign3A_545 = arith.extui %sign3A_544 : i1 to i32
    %sign3A_546 = arith.constant 0 : i32
    %sign3A_547 = arith.cmpi slt, %add3A_502, %sign3A_546 : i32
    %sign3A_548 = arith.extui %sign3A_547 : i1 to i32
    %sign3A_549 = arith.subi %sign3A_545, %sign3A_548 : i32
    %sign3A_550 = arith.constant 0 : i32
    %sign3A_551 = arith.cmpi sgt, %jit3A_541, %sign3A_550 : i32
    %sign3A_552 = arith.extui %sign3A_551 : i1 to i32
    %sign3A_553 = arith.constant 0 : i32
    %sign3A_554 = arith.cmpi slt, %jit3A_541, %sign3A_553 : i32
    %sign3A_555 = arith.extui %sign3A_554 : i1 to i32
    %sign3A_556 = arith.subi %sign3A_552, %sign3A_555 : i32
    %ne3A_557 = arith.cmpi ne, %sign3A_549, %sign3A_556 : i32
    %rem3A_558 = arith.remsi %add3A_502, %jit3A_541 : i32
    %ne3A_559 = arith.constant 0 : i32
    %ne3A_560 = arith.cmpi ne, %rem3A_558, %ne3A_559 : i32
    %and3A_561 = arith.andi %ne3A_557, %ne3A_560 : i1
    %sub3A_562 = arith.constant 1 : i32
    %sub3A_563 = arith.subi %div3A_542, %sub3A_562 : i32
    %select_n3A_564 = arith.select %and3A_561, %sub3A_563, %div3A_542 : i32
    %add3A_565 = arith.constant 511 : i32
    %add3A_566 = arith.addi %convert_element_type3A_538, %add3A_565 : i32
    %jit3A_567 = arith.constant 512 : i32
    %div3A_568 = arith.divsi %add3A_566, %jit3A_567 : i32
    %sign3A_569 = arith.constant 0 : i32
    %sign3A_570 = arith.cmpi sgt, %add3A_566, %sign3A_569 : i32
    %sign3A_571 = arith.extui %sign3A_570 : i1 to i32
    %sign3A_572 = arith.constant 0 : i32
    %sign3A_573 = arith.cmpi slt, %add3A_566, %sign3A_572 : i32
    %sign3A_574 = arith.extui %sign3A_573 : i1 to i32
    %sign3A_575 = arith.subi %sign3A_571, %sign3A_574 : i32
    %sign3A_576 = arith.constant 0 : i32
    %sign3A_577 = arith.cmpi sgt, %jit3A_567, %sign3A_576 : i32
    %sign3A_578 = arith.extui %sign3A_577 : i1 to i32
    %sign3A_579 = arith.constant 0 : i32
    %sign3A_580 = arith.cmpi slt, %jit3A_567, %sign3A_579 : i32
    %sign3A_581 = arith.extui %sign3A_580 : i1 to i32
    %sign3A_582 = arith.subi %sign3A_578, %sign3A_581 : i32
    %ne3A_583 = arith.cmpi ne, %sign3A_575, %sign3A_582 : i32
    %rem3A_584 = arith.remsi %add3A_566, %jit3A_567 : i32
    %ne3A_585 = arith.constant 0 : i32
    %ne3A_586 = arith.cmpi ne, %rem3A_584, %ne3A_585 : i32
    %and3A_587 = arith.andi %ne3A_583, %ne3A_586 : i1
    %sub3A_588 = arith.constant 1 : i32
    %sub3A_589 = arith.subi %div3A_568, %sub3A_588 : i32
    %select_n3A_590 = arith.select %and3A_587, %sub3A_589, %div3A_568 : i32
    %mul3A_591 = arith.constant 512 : i32
    %mul3A_592 = arith.muli %select_n3A_590, %mul3A_591 : i32
    %add3A_593 = arith.addi %add3A_502, %mul3A_592 : i32
    %jit3A_594 = arith.constant 512 : i32
    %div3A_595 = arith.divsi %add3A_593, %jit3A_594 : i32
    %sign3A_596 = arith.constant 0 : i32
    %sign3A_597 = arith.cmpi sgt, %add3A_593, %sign3A_596 : i32
    %sign3A_598 = arith.extui %sign3A_597 : i1 to i32
    %sign3A_599 = arith.constant 0 : i32
    %sign3A_600 = arith.cmpi slt, %add3A_593, %sign3A_599 : i32
    %sign3A_601 = arith.extui %sign3A_600 : i1 to i32
    %sign3A_602 = arith.subi %sign3A_598, %sign3A_601 : i32
    %sign3A_603 = arith.constant 0 : i32
    %sign3A_604 = arith.cmpi sgt, %jit3A_594, %sign3A_603 : i32
    %sign3A_605 = arith.extui %sign3A_604 : i1 to i32
    %sign3A_606 = arith.constant 0 : i32
    %sign3A_607 = arith.cmpi slt, %jit3A_594, %sign3A_606 : i32
    %sign3A_608 = arith.extui %sign3A_607 : i1 to i32
    %sign3A_609 = arith.subi %sign3A_605, %sign3A_608 : i32
    %ne3A_610 = arith.cmpi ne, %sign3A_602, %sign3A_609 : i32
    %rem3A_611 = arith.remsi %add3A_593, %jit3A_594 : i32
    %ne3A_612 = arith.constant 0 : i32
    %ne3A_613 = arith.cmpi ne, %rem3A_611, %ne3A_612 : i32
    %and3A_614 = arith.andi %ne3A_610, %ne3A_613 : i1
    %sub3A_615 = arith.constant 1 : i32
    %sub3A_616 = arith.subi %div3A_595, %sub3A_615 : i32
    %select_n3A_617 = arith.select %and3A_614, %sub3A_616, %div3A_595 : i32
    %eq3A_618 = arith.constant 6 : i32
    %eq3A_619 = vector.broadcast %eq3A_618 : i32 to vector<2048x8xi32>
    %eq3A_620 = arith.cmpi eq, %iota3A, %eq3A_619 : vector<2048x8xi32>
    %jit3A_621 = arith.constant 0.000000e+00 : f32
    %broadcast_in_dim3A_622 = vector.broadcast %jit3A_621 : f32 to vector<2048x8xf32>
    %select_n3A_623 = arith.select %eq3A_620, %add3A_64, %broadcast_in_dim3A_622 : vector<2048x8xi1>, vector<2048x8xf32>
    %reduce_sum3A_624 = vector.shape_cast %select_n3A_623 : vector<2048x8xf32> to vector<1x2048x8xf32>
    %reduce_sum3A_625 = arith.constant dense<0.000000e+00> : vector<1xf32>
    %reduce_sum3A_626 = vector.multi_reduction <add>, %reduce_sum3A_624, %reduce_sum3A_625 [1, 2] : vector<1x2048x8xf32> to vector<1xf32>
    %reduce_sum3A_627 = vector.shape_cast %reduce_sum3A_626 : vector<1xf32> to vector<1x1x1xf32>
    %reduce_sum3A_628 = vector.extract %reduce_sum3A_627[0, 0, 0] : f32 from vector<1x1x1xf32>
    %convert_element_type3A_629 = arith.fptosi %reduce_sum3A_628 : f32 to i32
    %gt3A_630 = arith.constant 0 : i32
    %gt3A_631 = arith.cmpi sgt, %convert_element_type3A_629, %gt3A_630 : i32
    %jit3A_632 = arith.constant 512 : i32
    %div3A_633 = arith.divsi %add3A_593, %jit3A_632 : i32
    %sign3A_634 = arith.constant 0 : i32
    %sign3A_635 = arith.cmpi sgt, %add3A_593, %sign3A_634 : i32
    %sign3A_636 = arith.extui %sign3A_635 : i1 to i32
    %sign3A_637 = arith.constant 0 : i32
    %sign3A_638 = arith.cmpi slt, %add3A_593, %sign3A_637 : i32
    %sign3A_639 = arith.extui %sign3A_638 : i1 to i32
    %sign3A_640 = arith.subi %sign3A_636, %sign3A_639 : i32
    %sign3A_641 = arith.constant 0 : i32
    %sign3A_642 = arith.cmpi sgt, %jit3A_632, %sign3A_641 : i32
    %sign3A_643 = arith.extui %sign3A_642 : i1 to i32
    %sign3A_644 = arith.constant 0 : i32
    %sign3A_645 = arith.cmpi slt, %jit3A_632, %sign3A_644 : i32
    %sign3A_646 = arith.extui %sign3A_645 : i1 to i32
    %sign3A_647 = arith.subi %sign3A_643, %sign3A_646 : i32
    %ne3A_648 = arith.cmpi ne, %sign3A_640, %sign3A_647 : i32
    %rem3A_649 = arith.remsi %add3A_593, %jit3A_632 : i32
    %ne3A_650 = arith.constant 0 : i32
    %ne3A_651 = arith.cmpi ne, %rem3A_649, %ne3A_650 : i32
    %and3A_652 = arith.andi %ne3A_648, %ne3A_651 : i1
    %sub3A_653 = arith.constant 1 : i32
    %sub3A_654 = arith.subi %div3A_633, %sub3A_653 : i32
    %select_n3A_655 = arith.select %and3A_652, %sub3A_654, %div3A_633 : i32
    %add3A_656 = arith.constant 511 : i32
    %add3A_657 = arith.addi %convert_element_type3A_629, %add3A_656 : i32
    %jit3A_658 = arith.constant 512 : i32
    %div3A_659 = arith.divsi %add3A_657, %jit3A_658 : i32
    %sign3A_660 = arith.constant 0 : i32
    %sign3A_661 = arith.cmpi sgt, %add3A_657, %sign3A_660 : i32
    %sign3A_662 = arith.extui %sign3A_661 : i1 to i32
    %sign3A_663 = arith.constant 0 : i32
    %sign3A_664 = arith.cmpi slt, %add3A_657, %sign3A_663 : i32
    %sign3A_665 = arith.extui %sign3A_664 : i1 to i32
    %sign3A_666 = arith.subi %sign3A_662, %sign3A_665 : i32
    %sign3A_667 = arith.constant 0 : i32
    %sign3A_668 = arith.cmpi sgt, %jit3A_658, %sign3A_667 : i32
    %sign3A_669 = arith.extui %sign3A_668 : i1 to i32
    %sign3A_670 = arith.constant 0 : i32
    %sign3A_671 = arith.cmpi slt, %jit3A_658, %sign3A_670 : i32
    %sign3A_672 = arith.extui %sign3A_671 : i1 to i32
    %sign3A_673 = arith.subi %sign3A_669, %sign3A_672 : i32
    %ne3A_674 = arith.cmpi ne, %sign3A_666, %sign3A_673 : i32
    %rem3A_675 = arith.remsi %add3A_657, %jit3A_658 : i32
    %ne3A_676 = arith.constant 0 : i32
    %ne3A_677 = arith.cmpi ne, %rem3A_675, %ne3A_676 : i32
    %and3A_678 = arith.andi %ne3A_674, %ne3A_677 : i1
    %sub3A_679 = arith.constant 1 : i32
    %sub3A_680 = arith.subi %div3A_659, %sub3A_679 : i32
    %select_n3A_681 = arith.select %and3A_678, %sub3A_680, %div3A_659 : i32
    %mul3A_682 = arith.constant 512 : i32
    %mul3A_683 = arith.muli %select_n3A_681, %mul3A_682 : i32
    %add3A_684 = arith.addi %add3A_593, %mul3A_683 : i32
    %jit3A_685 = arith.constant 512 : i32
    %div3A_686 = arith.divsi %add3A_684, %jit3A_685 : i32
    %sign3A_687 = arith.constant 0 : i32
    %sign3A_688 = arith.cmpi sgt, %add3A_684, %sign3A_687 : i32
    %sign3A_689 = arith.extui %sign3A_688 : i1 to i32
    %sign3A_690 = arith.constant 0 : i32
    %sign3A_691 = arith.cmpi slt, %add3A_684, %sign3A_690 : i32
    %sign3A_692 = arith.extui %sign3A_691 : i1 to i32
    %sign3A_693 = arith.subi %sign3A_689, %sign3A_692 : i32
    %sign3A_694 = arith.constant 0 : i32
    %sign3A_695 = arith.cmpi sgt, %jit3A_685, %sign3A_694 : i32
    %sign3A_696 = arith.extui %sign3A_695 : i1 to i32
    %sign3A_697 = arith.constant 0 : i32
    %sign3A_698 = arith.cmpi slt, %jit3A_685, %sign3A_697 : i32
    %sign3A_699 = arith.extui %sign3A_698 : i1 to i32
    %sign3A_700 = arith.subi %sign3A_696, %sign3A_699 : i32
    %ne3A_701 = arith.cmpi ne, %sign3A_693, %sign3A_700 : i32
    %rem3A_702 = arith.remsi %add3A_684, %jit3A_685 : i32
    %ne3A_703 = arith.constant 0 : i32
    %ne3A_704 = arith.cmpi ne, %rem3A_702, %ne3A_703 : i32
    %and3A_705 = arith.andi %ne3A_701, %ne3A_704 : i1
    %sub3A_706 = arith.constant 1 : i32
    %sub3A_707 = arith.subi %div3A_686, %sub3A_706 : i32
    %select_n3A_708 = arith.select %and3A_705, %sub3A_707, %div3A_686 : i32
    %eq3A_709 = arith.constant 7 : i32
    %eq3A_710 = vector.broadcast %eq3A_709 : i32 to vector<2048x8xi32>
    %eq3A_711 = arith.cmpi eq, %iota3A, %eq3A_710 : vector<2048x8xi32>
    %jit3A_712 = arith.constant 0.000000e+00 : f32
    %broadcast_in_dim3A_713 = vector.broadcast %jit3A_712 : f32 to vector<2048x8xf32>
    %select_n3A_714 = arith.select %eq3A_711, %add3A_64, %broadcast_in_dim3A_713 : vector<2048x8xi1>, vector<2048x8xf32>
    %reduce_sum3A_715 = vector.shape_cast %select_n3A_714 : vector<2048x8xf32> to vector<1x2048x8xf32>
    %reduce_sum3A_716 = arith.constant dense<0.000000e+00> : vector<1xf32>
    %reduce_sum3A_717 = vector.multi_reduction <add>, %reduce_sum3A_715, %reduce_sum3A_716 [1, 2] : vector<1x2048x8xf32> to vector<1xf32>
    %reduce_sum3A_718 = vector.shape_cast %reduce_sum3A_717 : vector<1xf32> to vector<1x1x1xf32>
    %reduce_sum3A_719 = vector.extract %reduce_sum3A_718[0, 0, 0] : f32 from vector<1x1x1xf32>
    %convert_element_type3A_720 = arith.fptosi %reduce_sum3A_719 : f32 to i32
    %gt3A_721 = arith.constant 0 : i32
    %gt3A_722 = arith.cmpi sgt, %convert_element_type3A_720, %gt3A_721 : i32
    %jit3A_723 = arith.constant 512 : i32
    %div3A_724 = arith.divsi %add3A_684, %jit3A_723 : i32
    %sign3A_725 = arith.constant 0 : i32
    %sign3A_726 = arith.cmpi sgt, %add3A_684, %sign3A_725 : i32
    %sign3A_727 = arith.extui %sign3A_726 : i1 to i32
    %sign3A_728 = arith.constant 0 : i32
    %sign3A_729 = arith.cmpi slt, %add3A_684, %sign3A_728 : i32
    %sign3A_730 = arith.extui %sign3A_729 : i1 to i32
    %sign3A_731 = arith.subi %sign3A_727, %sign3A_730 : i32
    %sign3A_732 = arith.constant 0 : i32
    %sign3A_733 = arith.cmpi sgt, %jit3A_723, %sign3A_732 : i32
    %sign3A_734 = arith.extui %sign3A_733 : i1 to i32
    %sign3A_735 = arith.constant 0 : i32
    %sign3A_736 = arith.cmpi slt, %jit3A_723, %sign3A_735 : i32
    %sign3A_737 = arith.extui %sign3A_736 : i1 to i32
    %sign3A_738 = arith.subi %sign3A_734, %sign3A_737 : i32
    %ne3A_739 = arith.cmpi ne, %sign3A_731, %sign3A_738 : i32
    %rem3A_740 = arith.remsi %add3A_684, %jit3A_723 : i32
    %ne3A_741 = arith.constant 0 : i32
    %ne3A_742 = arith.cmpi ne, %rem3A_740, %ne3A_741 : i32
    %and3A_743 = arith.andi %ne3A_739, %ne3A_742 : i1
    %sub3A_744 = arith.constant 1 : i32
    %sub3A_745 = arith.subi %div3A_724, %sub3A_744 : i32
    %select_n3A_746 = arith.select %and3A_743, %sub3A_745, %div3A_724 : i32
    %add3A_747 = arith.constant 511 : i32
    %add3A_748 = arith.addi %convert_element_type3A_720, %add3A_747 : i32
    %jit3A_749 = arith.constant 512 : i32
    %div3A_750 = arith.divsi %add3A_748, %jit3A_749 : i32
    %sign3A_751 = arith.constant 0 : i32
    %sign3A_752 = arith.cmpi sgt, %add3A_748, %sign3A_751 : i32
    %sign3A_753 = arith.extui %sign3A_752 : i1 to i32
    %sign3A_754 = arith.constant 0 : i32
    %sign3A_755 = arith.cmpi slt, %add3A_748, %sign3A_754 : i32
    %sign3A_756 = arith.extui %sign3A_755 : i1 to i32
    %sign3A_757 = arith.subi %sign3A_753, %sign3A_756 : i32
    %sign3A_758 = arith.constant 0 : i32
    %sign3A_759 = arith.cmpi sgt, %jit3A_749, %sign3A_758 : i32
    %sign3A_760 = arith.extui %sign3A_759 : i1 to i32
    %sign3A_761 = arith.constant 0 : i32
    %sign3A_762 = arith.cmpi slt, %jit3A_749, %sign3A_761 : i32
    %sign3A_763 = arith.extui %sign3A_762 : i1 to i32
    %sign3A_764 = arith.subi %sign3A_760, %sign3A_763 : i32
    %ne3A_765 = arith.cmpi ne, %sign3A_757, %sign3A_764 : i32
    %rem3A_766 = arith.remsi %add3A_748, %jit3A_749 : i32
    %ne3A_767 = arith.constant 0 : i32
    %ne3A_768 = arith.cmpi ne, %rem3A_766, %ne3A_767 : i32
    %and3A_769 = arith.andi %ne3A_765, %ne3A_768 : i1
    %sub3A_770 = arith.constant 1 : i32
    %sub3A_771 = arith.subi %div3A_750, %sub3A_770 : i32
    %select_n3A_772 = arith.select %and3A_769, %sub3A_771, %div3A_750 : i32
    %mul3A_773 = arith.constant 512 : i32
    %mul3A_774 = arith.muli %select_n3A_772, %mul3A_773 : i32
    %add3A_775 = arith.addi %add3A_684, %mul3A_774 : i32
    %jit3A_776 = arith.constant 512 : i32
    %div3A_777 = arith.divsi %add3A_775, %jit3A_776 : i32
    %sign3A_778 = arith.constant 0 : i32
    %sign3A_779 = arith.cmpi sgt, %add3A_775, %sign3A_778 : i32
    %sign3A_780 = arith.extui %sign3A_779 : i1 to i32
    %sign3A_781 = arith.constant 0 : i32
    %sign3A_782 = arith.cmpi slt, %add3A_775, %sign3A_781 : i32
    %sign3A_783 = arith.extui %sign3A_782 : i1 to i32
    %sign3A_784 = arith.subi %sign3A_780, %sign3A_783 : i32
    %sign3A_785 = arith.constant 0 : i32
    %sign3A_786 = arith.cmpi sgt, %jit3A_776, %sign3A_785 : i32
    %sign3A_787 = arith.extui %sign3A_786 : i1 to i32
    %sign3A_788 = arith.constant 0 : i32
    %sign3A_789 = arith.cmpi slt, %jit3A_776, %sign3A_788 : i32
    %sign3A_790 = arith.extui %sign3A_789 : i1 to i32
    %sign3A_791 = arith.subi %sign3A_787, %sign3A_790 : i32
    %ne3A_792 = arith.cmpi ne, %sign3A_784, %sign3A_791 : i32
    %rem3A_793 = arith.remsi %add3A_775, %jit3A_776 : i32
    %ne3A_794 = arith.constant 0 : i32
    %ne3A_795 = arith.cmpi ne, %rem3A_793, %ne3A_794 : i32
    %and3A_796 = arith.andi %ne3A_792, %ne3A_795 : i1
    %sub3A_797 = arith.constant 1 : i32
    %sub3A_798 = arith.subi %div3A_777, %sub3A_797 : i32
    %select_n3A_799 = arith.select %and3A_796, %sub3A_798, %div3A_777 : i32
    %jit3A_800 = arith.constant 512 : i32
    %div3A_801 = arith.divsi %add3A_775, %jit3A_800 : i32
    %sign3A_802 = arith.constant 0 : i32
    %sign3A_803 = arith.cmpi sgt, %add3A_775, %sign3A_802 : i32
    %sign3A_804 = arith.extui %sign3A_803 : i1 to i32
    %sign3A_805 = arith.constant 0 : i32
    %sign3A_806 = arith.cmpi slt, %add3A_775, %sign3A_805 : i32
    %sign3A_807 = arith.extui %sign3A_806 : i1 to i32
    %sign3A_808 = arith.subi %sign3A_804, %sign3A_807 : i32
    %sign3A_809 = arith.constant 0 : i32
    %sign3A_810 = arith.cmpi sgt, %jit3A_800, %sign3A_809 : i32
    %sign3A_811 = arith.extui %sign3A_810 : i1 to i32
    %sign3A_812 = arith.constant 0 : i32
    %sign3A_813 = arith.cmpi slt, %jit3A_800, %sign3A_812 : i32
    %sign3A_814 = arith.extui %sign3A_813 : i1 to i32
    %sign3A_815 = arith.subi %sign3A_811, %sign3A_814 : i32
    %ne3A_816 = arith.cmpi ne, %sign3A_808, %sign3A_815 : i32
    %rem3A_817 = arith.remsi %add3A_775, %jit3A_800 : i32
    %ne3A_818 = arith.constant 0 : i32
    %ne3A_819 = arith.cmpi ne, %rem3A_817, %ne3A_818 : i32
    %and3A_820 = arith.andi %ne3A_816, %ne3A_819 : i1
    %sub3A_821 = arith.constant 1 : i32
    %sub3A_822 = arith.subi %div3A_801, %sub3A_821 : i32
    %select_n3A_823 = arith.select %and3A_820, %sub3A_822, %div3A_801 : i32
    %broadcast_in_dim3A_824 = arith.constant 0.000000e+00 : f32
    %broadcast_in_dim3A_825 = vector.broadcast %broadcast_in_dim3A_824 : f32 to vector<1x8xf32>
    %slice3A = vector.extract_strided_slice %iota3A {offsets = [0, 0], sizes = [1, 8], strides = [1, 1]} : vector<2048x8xi32> to vector<1x8xi32>
    %eq3A_826 = arith.constant 0 : i32
    %eq3A_827 = vector.broadcast %eq3A_826 : i32 to vector<1x8xi32>
    %eq3A_828 = arith.cmpi eq, %slice3A, %eq3A_827 : vector<1x8xi32>
    %jit3A_829 = arith.constant 0.000000e+00 : f32
    %broadcast_in_dim3A_830 = vector.broadcast %jit3A_829 : f32 to vector<1x8xf32>
    %select_n3A_831 = arith.select %eq3A_828, %broadcast_in_dim3A_830, %broadcast_in_dim3A_825 : vector<1x8xi1>, vector<1x8xf32>
    %slice3A_832 = vector.extract_strided_slice %iota3A {offsets = [0, 0], sizes = [1, 8], strides = [1, 1]} : vector<2048x8xi32> to vector<1x8xi32>
    %eq3A_833 = arith.constant 1 : i32
    %eq3A_834 = vector.broadcast %eq3A_833 : i32 to vector<1x8xi32>
    %eq3A_835 = arith.cmpi eq, %slice3A_832, %eq3A_834 : vector<1x8xi32>
    %convert_element_type3A_836 = arith.sitofp %add3A_138 : i32 to f32
    %broadcast_in_dim3A_837 = vector.broadcast %convert_element_type3A_836 : f32 to vector<1x8xf32>
    %select_n3A_838 = arith.select %eq3A_835, %broadcast_in_dim3A_837, %select_n3A_831 : vector<1x8xi1>, vector<1x8xf32>
    %slice3A_839 = vector.extract_strided_slice %iota3A {offsets = [0, 0], sizes = [1, 8], strides = [1, 1]} : vector<2048x8xi32> to vector<1x8xi32>
    %eq3A_840 = arith.constant 2 : i32
    %eq3A_841 = vector.broadcast %eq3A_840 : i32 to vector<1x8xi32>
    %eq3A_842 = arith.cmpi eq, %slice3A_839, %eq3A_841 : vector<1x8xi32>
    %convert_element_type3A_843 = arith.sitofp %add3A_229 : i32 to f32
    %broadcast_in_dim3A_844 = vector.broadcast %convert_element_type3A_843 : f32 to vector<1x8xf32>
    %select_n3A_845 = arith.select %eq3A_842, %broadcast_in_dim3A_844, %select_n3A_838 : vector<1x8xi1>, vector<1x8xf32>
    %slice3A_846 = vector.extract_strided_slice %iota3A {offsets = [0, 0], sizes = [1, 8], strides = [1, 1]} : vector<2048x8xi32> to vector<1x8xi32>
    %eq3A_847 = arith.constant 3 : i32
    %eq3A_848 = vector.broadcast %eq3A_847 : i32 to vector<1x8xi32>
    %eq3A_849 = arith.cmpi eq, %slice3A_846, %eq3A_848 : vector<1x8xi32>
    %convert_element_type3A_850 = arith.sitofp %add3A_320 : i32 to f32
    %broadcast_in_dim3A_851 = vector.broadcast %convert_element_type3A_850 : f32 to vector<1x8xf32>
    %select_n3A_852 = arith.select %eq3A_849, %broadcast_in_dim3A_851, %select_n3A_845 : vector<1x8xi1>, vector<1x8xf32>
    %slice3A_853 = vector.extract_strided_slice %iota3A {offsets = [0, 0], sizes = [1, 8], strides = [1, 1]} : vector<2048x8xi32> to vector<1x8xi32>
    %eq3A_854 = arith.constant 4 : i32
    %eq3A_855 = vector.broadcast %eq3A_854 : i32 to vector<1x8xi32>
    %eq3A_856 = arith.cmpi eq, %slice3A_853, %eq3A_855 : vector<1x8xi32>
    %convert_element_type3A_857 = arith.sitofp %add3A_411 : i32 to f32
    %broadcast_in_dim3A_858 = vector.broadcast %convert_element_type3A_857 : f32 to vector<1x8xf32>
    %select_n3A_859 = arith.select %eq3A_856, %broadcast_in_dim3A_858, %select_n3A_852 : vector<1x8xi1>, vector<1x8xf32>
    %slice3A_860 = vector.extract_strided_slice %iota3A {offsets = [0, 0], sizes = [1, 8], strides = [1, 1]} : vector<2048x8xi32> to vector<1x8xi32>
    %eq3A_861 = arith.constant 5 : i32
    %eq3A_862 = vector.broadcast %eq3A_861 : i32 to vector<1x8xi32>
    %eq3A_863 = arith.cmpi eq, %slice3A_860, %eq3A_862 : vector<1x8xi32>
    %convert_element_type3A_864 = arith.sitofp %add3A_502 : i32 to f32
    %broadcast_in_dim3A_865 = vector.broadcast %convert_element_type3A_864 : f32 to vector<1x8xf32>
    %select_n3A_866 = arith.select %eq3A_863, %broadcast_in_dim3A_865, %select_n3A_859 : vector<1x8xi1>, vector<1x8xf32>
    %slice3A_867 = vector.extract_strided_slice %iota3A {offsets = [0, 0], sizes = [1, 8], strides = [1, 1]} : vector<2048x8xi32> to vector<1x8xi32>
    %eq3A_868 = arith.constant 6 : i32
    %eq3A_869 = vector.broadcast %eq3A_868 : i32 to vector<1x8xi32>
    %eq3A_870 = arith.cmpi eq, %slice3A_867, %eq3A_869 : vector<1x8xi32>
    %convert_element_type3A_871 = arith.sitofp %add3A_593 : i32 to f32
    %broadcast_in_dim3A_872 = vector.broadcast %convert_element_type3A_871 : f32 to vector<1x8xf32>
    %select_n3A_873 = arith.select %eq3A_870, %broadcast_in_dim3A_872, %select_n3A_866 : vector<1x8xi1>, vector<1x8xf32>
    %slice3A_874 = vector.extract_strided_slice %iota3A {offsets = [0, 0], sizes = [1, 8], strides = [1, 1]} : vector<2048x8xi32> to vector<1x8xi32>
    %eq3A_875 = arith.constant 7 : i32
    %eq3A_876 = vector.broadcast %eq3A_875 : i32 to vector<1x8xi32>
    %eq3A_877 = arith.cmpi eq, %slice3A_874, %eq3A_876 : vector<1x8xi32>
    %convert_element_type3A_878 = arith.sitofp %add3A_684 : i32 to f32
    %broadcast_in_dim3A_879 = vector.broadcast %convert_element_type3A_878 : f32 to vector<1x8xf32>
    %select_n3A_880 = arith.select %eq3A_877, %broadcast_in_dim3A_879, %select_n3A_873 : vector<1x8xi1>, vector<1x8xf32>
    %add3A_881 = vector.broadcast %select_n3A_880 : vector<1x8xf32> to vector<2048x8xf32>
    %add3A_882 = arith.addf %add3A_881, %dot_general3A_73 : vector<2048x8xf32>
    %mul3A_883 = arith.mulf %convert_element_type3A_59, %add3A_882 : vector<2048x8xf32>
    %reduce_sum3A_884 = arith.constant dense<0.000000e+00> : vector<2048xf32>
    %reduce_sum3A_885 = vector.multi_reduction <add>, %mul3A_883, %reduce_sum3A_884 [1] : vector<2048x8xf32> to vector<2048xf32>
    %broadcast_in_dim3A_886 = vector.shape_cast %reduce_sum3A_885 : vector<2048xf32> to vector<2048x1xf32>
    %add3A_887 = arith.addf %add3A_882, %convert_element_type3A_59 : vector<2048x8xf32>
    %mul3A_888 = arith.mulf %convert_element_type3A_63, %add3A_887 : vector<2048x8xf32>
    %reduce_sum3A_889 = arith.constant dense<0.000000e+00> : vector<2048xf32>
    %reduce_sum3A_890 = vector.multi_reduction <add>, %mul3A_888, %reduce_sum3A_889 [1] : vector<2048x8xf32> to vector<2048xf32>
    %broadcast_in_dim3A_891 = vector.shape_cast %reduce_sum3A_890 : vector<2048xf32> to vector<2048x1xf32>
    %concatenate3A_892 = tpu.concatenate %broadcast_in_dim3A_886, %broadcast_in_dim3A_891 in 1 : vector<2048x1xf32>, vector<2048x1xf32> -> vector<2048x2xf32>
    %convert_element_type3A_893 = arith.fptosi %concatenate3A_892 : vector<2048x2xf32> to vector<2048x2xi32>
    %swap3A_894 = arith.constant 0 : index
    %swap3A_895 = arith.constant 0 : index
    %swap3A_896 = vector.load %arg6[%swap3A_894, %swap3A_895] : memref<2048x2xi32, #tpu.memory_space<vmem>>, vector<2048x2xi32>
    tpu.vector_store %arg6[%swap3A_894, %swap3A_895], %convert_element_type3A_893 {strides = array<i32>} : memref<2048x2xi32, #tpu.memory_space<vmem>>, vector<2048x2xi32>,
    %iota3A_897 = tpu.iota {dimensions = array<i32: 1>} : vector<1x32xi32>
    %broadcast_in_dim3A_898 = arith.constant 0 : i32
    %broadcast_in_dim3A_899 = vector.broadcast %broadcast_in_dim3A_898 : i32 to vector<1x32xi32>
    %broadcast_in_dim3A_900 = arith.constant 0 : i32
    %broadcast_in_dim3A_901 = vector.broadcast %broadcast_in_dim3A_900 : i32 to vector<1x32xi32>
    %ge3A = vector.broadcast %select_n3A_162 : i32 to vector<1x32xi32>
    %ge3A_902 = arith.cmpi sge, %iota3A_897, %ge3A : vector<1x32xi32>
    %jit3A_903 = arith.constant 1 : i32
    %jit3A_904 = arith.constant 0 : i32
    %broadcast_in_dim3A_905 = vector.broadcast %jit3A_903 : i32 to vector<1x32xi32>
    %broadcast_in_dim3A_906 = vector.broadcast %jit3A_904 : i32 to vector<1x32xi32>
    %select_n3A_907 = arith.select %ge3A_902, %broadcast_in_dim3A_905, %broadcast_in_dim3A_906 : vector<1x32xi1>, vector<1x32xi32>
    %add3A_908 = arith.addi %broadcast_in_dim3A_899, %select_n3A_907 : vector<1x32xi32>
    %sub3A_909 = arith.constant 1 : i32
    %sub3A_910 = arith.subi %select_n3A_823, %sub3A_909 : i32
    %le3A = arith.cmpi sle, %select_n3A_162, %sub3A_910 : i32
    %jit3A_911 = arith.constant 1 : i32
    %jit3A_912 = arith.constant 0 : i32
    %select_n3A_913 = arith.select %le3A, %jit3A_911, %jit3A_912 : i32
    %add3A_914 = arith.constant 0 : i32
    %add3A_915 = arith.addi %add3A_914, %select_n3A_913 : i32
    %ge3A_916 = vector.broadcast %select_n3A_108 : i32 to vector<1x32xi32>
    %ge3A_917 = arith.cmpi sge, %iota3A_897, %ge3A_916 : vector<1x32xi32>
    %and3A_918 = vector.broadcast %gt3A_87 : i1 to vector<1x32xi1>
    %and3A_919 = arith.andi %ge3A_917, %and3A_918 : vector<1x32xi1>
    %jit3A_920 = arith.constant 1 : i32
    %jit3A_921 = arith.constant 0 : i32
    %broadcast_in_dim3A_922 = vector.broadcast %jit3A_920 : i32 to vector<1x32xi32>
    %broadcast_in_dim3A_923 = vector.broadcast %jit3A_921 : i32 to vector<1x32xi32>
    %select_n3A_924 = arith.select %and3A_919, %broadcast_in_dim3A_922, %broadcast_in_dim3A_923 : vector<1x32xi1>, vector<1x32xi32>
    %add3A_925 = arith.addi %broadcast_in_dim3A_901, %select_n3A_924 : vector<1x32xi32>
    %ge3A_926 = vector.broadcast %select_n3A_253 : i32 to vector<1x32xi32>
    %ge3A_927 = arith.cmpi sge, %iota3A_897, %ge3A_926 : vector<1x32xi32>
    %jit3A_928 = arith.constant 1 : i32
    %jit3A_929 = arith.constant 0 : i32
    %broadcast_in_dim3A_930 = vector.broadcast %jit3A_928 : i32 to vector<1x32xi32>
    %broadcast_in_dim3A_931 = vector.broadcast %jit3A_929 : i32 to vector<1x32xi32>
    %select_n3A_932 = arith.select %ge3A_927, %broadcast_in_dim3A_930, %broadcast_in_dim3A_931 : vector<1x32xi1>, vector<1x32xi32>
    %add3A_933 = arith.addi %add3A_908, %select_n3A_932 : vector<1x32xi32>
    %sub3A_934 = arith.constant 1 : i32
    %sub3A_935 = arith.subi %select_n3A_823, %sub3A_934 : i32
    %le3A_936 = arith.cmpi sle, %select_n3A_253, %sub3A_935 : i32
    %jit3A_937 = arith.constant 1 : i32
    %jit3A_938 = arith.constant 0 : i32
    %select_n3A_939 = arith.select %le3A_936, %jit3A_937, %jit3A_938 : i32
    %add3A_940 = arith.addi %add3A_915, %select_n3A_939 : i32
    %ge3A_941 = vector.broadcast %select_n3A_200 : i32 to vector<1x32xi32>
    %ge3A_942 = arith.cmpi sge, %iota3A_897, %ge3A_941 : vector<1x32xi32>
    %and3A_943 = vector.broadcast %gt3A_176 : i1 to vector<1x32xi1>
    %and3A_944 = arith.andi %ge3A_942, %and3A_943 : vector<1x32xi1>
    %jit3A_945 = arith.constant 1 : i32
    %jit3A_946 = arith.constant 0 : i32
    %broadcast_in_dim3A_947 = vector.broadcast %jit3A_945 : i32 to vector<1x32xi32>
    %broadcast_in_dim3A_948 = vector.broadcast %jit3A_946 : i32 to vector<1x32xi32>
    %select_n3A_949 = arith.select %and3A_944, %broadcast_in_dim3A_947, %broadcast_in_dim3A_948 : vector<1x32xi1>, vector<1x32xi32>
    %add3A_950 = arith.addi %add3A_925, %select_n3A_949 : vector<1x32xi32>
    %ge3A_951 = vector.broadcast %select_n3A_344 : i32 to vector<1x32xi32>
    %ge3A_952 = arith.cmpi sge, %iota3A_897, %ge3A_951 : vector<1x32xi32>
    %jit3A_953 = arith.constant 1 : i32
    %jit3A_954 = arith.constant 0 : i32
    %broadcast_in_dim3A_955 = vector.broadcast %jit3A_953 : i32 to vector<1x32xi32>
    %broadcast_in_dim3A_956 = vector.broadcast %jit3A_954 : i32 to vector<1x32xi32>
    %select_n3A_957 = arith.select %ge3A_952, %broadcast_in_dim3A_955, %broadcast_in_dim3A_956 : vector<1x32xi1>, vector<1x32xi32>
    %add3A_958 = arith.addi %add3A_933, %select_n3A_957 : vector<1x32xi32>
    %sub3A_959 = arith.constant 1 : i32
    %sub3A_960 = arith.subi %select_n3A_823, %sub3A_959 : i32
    %le3A_961 = arith.cmpi sle, %select_n3A_344, %sub3A_960 : i32
    %jit3A_962 = arith.constant 1 : i32
    %jit3A_963 = arith.constant 0 : i32
    %select_n3A_964 = arith.select %le3A_961, %jit3A_962, %jit3A_963 : i32
    %add3A_965 = arith.addi %add3A_940, %select_n3A_964 : i32
    %ge3A_966 = vector.broadcast %select_n3A_291 : i32 to vector<1x32xi32>
    %ge3A_967 = arith.cmpi sge, %iota3A_897, %ge3A_966 : vector<1x32xi32>
    %and3A_968 = vector.broadcast %gt3A_267 : i1 to vector<1x32xi1>
    %and3A_969 = arith.andi %ge3A_967, %and3A_968 : vector<1x32xi1>
    %jit3A_970 = arith.constant 1 : i32
    %jit3A_971 = arith.constant 0 : i32
    %broadcast_in_dim3A_972 = vector.broadcast %jit3A_970 : i32 to vector<1x32xi32>
    %broadcast_in_dim3A_973 = vector.broadcast %jit3A_971 : i32 to vector<1x32xi32>
    %select_n3A_974 = arith.select %and3A_969, %broadcast_in_dim3A_972, %broadcast_in_dim3A_973 : vector<1x32xi1>, vector<1x32xi32>
    %add3A_975 = arith.addi %add3A_950, %select_n3A_974 : vector<1x32xi32>
    %ge3A_976 = vector.broadcast %select_n3A_435 : i32 to vector<1x32xi32>
    %ge3A_977 = arith.cmpi sge, %iota3A_897, %ge3A_976 : vector<1x32xi32>
    %jit3A_978 = arith.constant 1 : i32
    %jit3A_979 = arith.constant 0 : i32
    %broadcast_in_dim3A_980 = vector.broadcast %jit3A_978 : i32 to vector<1x32xi32>
    %broadcast_in_dim3A_981 = vector.broadcast %jit3A_979 : i32 to vector<1x32xi32>
    %select_n3A_982 = arith.select %ge3A_977, %broadcast_in_dim3A_980, %broadcast_in_dim3A_981 : vector<1x32xi1>, vector<1x32xi32>
    %add3A_983 = arith.addi %add3A_958, %select_n3A_982 : vector<1x32xi32>
    %sub3A_984 = arith.constant 1 : i32
    %sub3A_985 = arith.subi %select_n3A_823, %sub3A_984 : i32
    %le3A_986 = arith.cmpi sle, %select_n3A_435, %sub3A_985 : i32
    %jit3A_987 = arith.constant 1 : i32
    %jit3A_988 = arith.constant 0 : i32
    %select_n3A_989 = arith.select %le3A_986, %jit3A_987, %jit3A_988 : i32
    %add3A_990 = arith.addi %add3A_965, %select_n3A_989 : i32
    %ge3A_991 = vector.broadcast %select_n3A_382 : i32 to vector<1x32xi32>
    %ge3A_992 = arith.cmpi sge, %iota3A_897, %ge3A_991 : vector<1x32xi32>
    %and3A_993 = vector.broadcast %gt3A_358 : i1 to vector<1x32xi1>
    %and3A_994 = arith.andi %ge3A_992, %and3A_993 : vector<1x32xi1>
    %jit3A_995 = arith.constant 1 : i32
    %jit3A_996 = arith.constant 0 : i32
    %broadcast_in_dim3A_997 = vector.broadcast %jit3A_995 : i32 to vector<1x32xi32>
    %broadcast_in_dim3A_998 = vector.broadcast %jit3A_996 : i32 to vector<1x32xi32>
    %select_n3A_999 = arith.select %and3A_994, %broadcast_in_dim3A_997, %broadcast_in_dim3A_998 : vector<1x32xi1>, vector<1x32xi32>
    %add3A_1000 = arith.addi %add3A_975, %select_n3A_999 : vector<1x32xi32>
    %ge3A_1001 = vector.broadcast %select_n3A_526 : i32 to vector<1x32xi32>
    %ge3A_1002 = arith.cmpi sge, %iota3A_897, %ge3A_1001 : vector<1x32xi32>
    %jit3A_1003 = arith.constant 1 : i32
    %jit3A_1004 = arith.constant 0 : i32
    %broadcast_in_dim3A_1005 = vector.broadcast %jit3A_1003 : i32 to vector<1x32xi32>
    %broadcast_in_dim3A_1006 = vector.broadcast %jit3A_1004 : i32 to vector<1x32xi32>
    %select_n3A_1007 = arith.select %ge3A_1002, %broadcast_in_dim3A_1005, %broadcast_in_dim3A_1006 : vector<1x32xi1>, vector<1x32xi32>
    %add3A_1008 = arith.addi %add3A_983, %select_n3A_1007 : vector<1x32xi32>
    %sub3A_1009 = arith.constant 1 : i32
    %sub3A_1010 = arith.subi %select_n3A_823, %sub3A_1009 : i32
    %le3A_1011 = arith.cmpi sle, %select_n3A_526, %sub3A_1010 : i32
    %jit3A_1012 = arith.constant 1 : i32
    %jit3A_1013 = arith.constant 0 : i32
    %select_n3A_1014 = arith.select %le3A_1011, %jit3A_1012, %jit3A_1013 : i32
    %add3A_1015 = arith.addi %add3A_990, %select_n3A_1014 : i32
    %ge3A_1016 = vector.broadcast %select_n3A_473 : i32 to vector<1x32xi32>
    %ge3A_1017 = arith.cmpi sge, %iota3A_897, %ge3A_1016 : vector<1x32xi32>
    %and3A_1018 = vector.broadcast %gt3A_449 : i1 to vector<1x32xi1>
    %and3A_1019 = arith.andi %ge3A_1017, %and3A_1018 : vector<1x32xi1>
    %jit3A_1020 = arith.constant 1 : i32
    %jit3A_1021 = arith.constant 0 : i32
    %broadcast_in_dim3A_1022 = vector.broadcast %jit3A_1020 : i32 to vector<1x32xi32>
    %broadcast_in_dim3A_1023 = vector.broadcast %jit3A_1021 : i32 to vector<1x32xi32>
    %select_n3A_1024 = arith.select %and3A_1019, %broadcast_in_dim3A_1022, %broadcast_in_dim3A_1023 : vector<1x32xi1>, vector<1x32xi32>
    %add3A_1025 = arith.addi %add3A_1000, %select_n3A_1024 : vector<1x32xi32>
    %ge3A_1026 = vector.broadcast %select_n3A_617 : i32 to vector<1x32xi32>
    %ge3A_1027 = arith.cmpi sge, %iota3A_897, %ge3A_1026 : vector<1x32xi32>
    %jit3A_1028 = arith.constant 1 : i32
    %jit3A_1029 = arith.constant 0 : i32
    %broadcast_in_dim3A_1030 = vector.broadcast %jit3A_1028 : i32 to vector<1x32xi32>
    %broadcast_in_dim3A_1031 = vector.broadcast %jit3A_1029 : i32 to vector<1x32xi32>
    %select_n3A_1032 = arith.select %ge3A_1027, %broadcast_in_dim3A_1030, %broadcast_in_dim3A_1031 : vector<1x32xi1>, vector<1x32xi32>
    %add3A_1033 = arith.addi %add3A_1008, %select_n3A_1032 : vector<1x32xi32>
    %sub3A_1034 = arith.constant 1 : i32
    %sub3A_1035 = arith.subi %select_n3A_823, %sub3A_1034 : i32
    %le3A_1036 = arith.cmpi sle, %select_n3A_617, %sub3A_1035 : i32
    %jit3A_1037 = arith.constant 1 : i32
    %jit3A_1038 = arith.constant 0 : i32
    %select_n3A_1039 = arith.select %le3A_1036, %jit3A_1037, %jit3A_1038 : i32
    %add3A_1040 = arith.addi %add3A_1015, %select_n3A_1039 : i32
    %ge3A_1041 = vector.broadcast %select_n3A_564 : i32 to vector<1x32xi32>
    %ge3A_1042 = arith.cmpi sge, %iota3A_897, %ge3A_1041 : vector<1x32xi32>
    %and3A_1043 = vector.broadcast %gt3A_540 : i1 to vector<1x32xi1>
    %and3A_1044 = arith.andi %ge3A_1042, %and3A_1043 : vector<1x32xi1>
    %jit3A_1045 = arith.constant 1 : i32
    %jit3A_1046 = arith.constant 0 : i32
    %broadcast_in_dim3A_1047 = vector.broadcast %jit3A_1045 : i32 to vector<1x32xi32>
    %broadcast_in_dim3A_1048 = vector.broadcast %jit3A_1046 : i32 to vector<1x32xi32>
    %select_n3A_1049 = arith.select %and3A_1044, %broadcast_in_dim3A_1047, %broadcast_in_dim3A_1048 : vector<1x32xi1>, vector<1x32xi32>
    %add3A_1050 = arith.addi %add3A_1025, %select_n3A_1049 : vector<1x32xi32>
    %ge3A_1051 = vector.broadcast %select_n3A_708 : i32 to vector<1x32xi32>
    %ge3A_1052 = arith.cmpi sge, %iota3A_897, %ge3A_1051 : vector<1x32xi32>
    %jit3A_1053 = arith.constant 1 : i32
    %jit3A_1054 = arith.constant 0 : i32
    %broadcast_in_dim3A_1055 = vector.broadcast %jit3A_1053 : i32 to vector<1x32xi32>
    %broadcast_in_dim3A_1056 = vector.broadcast %jit3A_1054 : i32 to vector<1x32xi32>
    %select_n3A_1057 = arith.select %ge3A_1052, %broadcast_in_dim3A_1055, %broadcast_in_dim3A_1056 : vector<1x32xi1>, vector<1x32xi32>
    %add3A_1058 = arith.addi %add3A_1033, %select_n3A_1057 : vector<1x32xi32>
    %sub3A_1059 = arith.constant 1 : i32
    %sub3A_1060 = arith.subi %select_n3A_823, %sub3A_1059 : i32
    %le3A_1061 = arith.cmpi sle, %select_n3A_708, %sub3A_1060 : i32
    %jit3A_1062 = arith.constant 1 : i32
    %jit3A_1063 = arith.constant 0 : i32
    %select_n3A_1064 = arith.select %le3A_1061, %jit3A_1062, %jit3A_1063 : i32
    %add3A_1065 = arith.addi %add3A_1040, %select_n3A_1064 : i32
    %ge3A_1066 = vector.broadcast %select_n3A_655 : i32 to vector<1x32xi32>
    %ge3A_1067 = arith.cmpi sge, %iota3A_897, %ge3A_1066 : vector<1x32xi32>
    %and3A_1068 = vector.broadcast %gt3A_631 : i1 to vector<1x32xi1>
    %and3A_1069 = arith.andi %ge3A_1067, %and3A_1068 : vector<1x32xi1>
    %jit3A_1070 = arith.constant 1 : i32
    %jit3A_1071 = arith.constant 0 : i32
    %broadcast_in_dim3A_1072 = vector.broadcast %jit3A_1070 : i32 to vector<1x32xi32>
    %broadcast_in_dim3A_1073 = vector.broadcast %jit3A_1071 : i32 to vector<1x32xi32>
    %select_n3A_1074 = arith.select %and3A_1069, %broadcast_in_dim3A_1072, %broadcast_in_dim3A_1073 : vector<1x32xi1>, vector<1x32xi32>
    %add3A_1075 = arith.addi %add3A_1050, %select_n3A_1074 : vector<1x32xi32>
    %ge3A_1076 = vector.broadcast %select_n3A_799 : i32 to vector<1x32xi32>
    %ge3A_1077 = arith.cmpi sge, %iota3A_897, %ge3A_1076 : vector<1x32xi32>
    %jit3A_1078 = arith.constant 1 : i32
    %jit3A_1079 = arith.constant 0 : i32
    %broadcast_in_dim3A_1080 = vector.broadcast %jit3A_1078 : i32 to vector<1x32xi32>
    %broadcast_in_dim3A_1081 = vector.broadcast %jit3A_1079 : i32 to vector<1x32xi32>
    %select_n3A_1082 = arith.select %ge3A_1077, %broadcast_in_dim3A_1080, %broadcast_in_dim3A_1081 : vector<1x32xi1>, vector<1x32xi32>
    %add3A_1083 = arith.addi %add3A_1058, %select_n3A_1082 : vector<1x32xi32>
    %sub3A_1084 = arith.constant 1 : i32
    %sub3A_1085 = arith.subi %select_n3A_823, %sub3A_1084 : i32
    %le3A_1086 = arith.cmpi sle, %select_n3A_799, %sub3A_1085 : i32
    %jit3A_1087 = arith.constant 1 : i32
    %jit3A_1088 = arith.constant 0 : i32
    %select_n3A_1089 = arith.select %le3A_1086, %jit3A_1087, %jit3A_1088 : i32
    %add3A_1090 = arith.addi %add3A_1065, %select_n3A_1089 : i32
    %ge3A_1091 = vector.broadcast %select_n3A_746 : i32 to vector<1x32xi32>
    %ge3A_1092 = arith.cmpi sge, %iota3A_897, %ge3A_1091 : vector<1x32xi32>
    %and3A_1093 = vector.broadcast %gt3A_722 : i1 to vector<1x32xi1>
    %and3A_1094 = arith.andi %ge3A_1092, %and3A_1093 : vector<1x32xi1>
    %jit3A_1095 = arith.constant 1 : i32
    %jit3A_1096 = arith.constant 0 : i32
    %broadcast_in_dim3A_1097 = vector.broadcast %jit3A_1095 : i32 to vector<1x32xi32>
    %broadcast_in_dim3A_1098 = vector.broadcast %jit3A_1096 : i32 to vector<1x32xi32>
    %select_n3A_1099 = arith.select %and3A_1094, %broadcast_in_dim3A_1097, %broadcast_in_dim3A_1098 : vector<1x32xi1>, vector<1x32xi32>
    %add3A_1100 = arith.addi %add3A_1075, %select_n3A_1099 : vector<1x32xi32>
    %lt3A = vector.broadcast %select_n3A_823 : i32 to vector<1x32xi32>
    %lt3A_1101 = arith.cmpi slt, %iota3A_897, %lt3A : vector<1x32xi32>
    %broadcast_in_dim3A_1102 = vector.broadcast %add3A_1090 : i32 to vector<1x32xi32>
    %select_n3A_1103 = arith.select %lt3A_1101, %add3A_1083, %broadcast_in_dim3A_1102 : vector<1x32xi1>, vector<1x32xi32>
    %sub3A_1104 = arith.constant 1 : i32
    %sub3A_1105 = vector.broadcast %sub3A_1104 : i32 to vector<1x32xi32>
    %sub3A_1106 = arith.subi %add3A_1100, %sub3A_1105 : vector<1x32xi32>
    %rem3A_1107 = arith.constant 2 : i32
    %rem3A_1108 = vector.broadcast %rem3A_1107 : i32 to vector<1x32xi32>
    %rem3A_1109 = arith.remsi %sub3A_1106, %rem3A_1108 : vector<1x32xi32>
    %eq3A_1110 = arith.constant 17 : i32
    %eq3A_1111 = vector.broadcast %eq3A_1110 : i32 to vector<1x32xi32>
    %eq3A_1112 = arith.cmpi eq, %iota3A_897, %eq3A_1111 : vector<1x32xi32>
    %mul3A_1113 = arith.constant 8 : i32
    %mul3A_1114 = vector.broadcast %mul3A_1113 : i32 to vector<1x32xi32>
    %mul3A_1115 = arith.muli %mul3A_1114, %rem3A_1109 : vector<1x32xi32>
    %add3A_1116 = arith.addi %select_n3A_1103, %mul3A_1115 : vector<1x32xi32>
    %broadcast_in_dim3A_1117 = vector.broadcast %select_n3A_823 : i32 to vector<1x32xi32>
    %select_n3A_1118 = arith.select %eq3A_1112, %broadcast_in_dim3A_1117, %add3A_1116 : vector<1x32xi1>, vector<1x32xi32>
    %swap3A_1119 = arith.constant 0 : index
    %swap3A_1120 = arith.constant 0 : index
    %swap3A_1121 = vector.load %arg8[%swap3A_1119, %swap3A_1120] : memref<1x32xi32, #tpu.memory_space<vmem>>, vector<1x32xi32>
    tpu.vector_store %arg8[%swap3A_1119, %swap3A_1120], %select_n3A_1118 {strides = array<i32>} : memref<1x32xi32, #tpu.memory_space<vmem>>, vector<1x32xi32>,
    return
  }
  func.func @transform_0(%arg0: i32) -> (i32, i32) {
    %c0_i32 = arith.constant 0 : i32
    %c0_i32_0 = arith.constant 0 : i32
    %c0_i32_1 = arith.constant 0 : i32
    return %c0_i32, %c0_i32_0 : i32, i32
  }
  func.func @transform_1(%arg0: i32) -> (i32, i32) {
    %c0_i32 = arith.constant 0 : i32
    %c0_i32_0 = arith.constant 0 : i32
    %c0_i32_1 = arith.constant 0 : i32
    return %c0_i32, %c0_i32_0 : i32, i32
  }
  func.func @transform_2(%arg0: i32) -> (i32, i32) {
    %c0_i32 = arith.constant 0 : i32
    %c0_i32_0 = arith.constant 0 : i32
    %c0_i32_1 = arith.constant 0 : i32
    return %c0_i32, %c0_i32_0 : i32, i32
  }
  func.func @transform_3(%arg0: i32) -> (i32, i32) {
    %c0_i32 = arith.constant 0 : i32
    %c0_i32_0 = arith.constant 0 : i32
    %c0_i32_1 = arith.constant 0 : i32
    return %c0_i32, %c0_i32_0 : i32, i32
  }
  func.func @transform_4(%arg0: i32) -> (i32, i32) {
    %c0_i32 = arith.constant 0 : i32
    %c0_i32_0 = arith.constant 0 : i32
    %c0_i32_1 = arith.constant 0 : i32
    return %c0_i32, %c0_i32_0 : i32, i32
  }
  func.func @transform_5(%arg0: i32) -> (i32, i32) {
    %c0_i32 = arith.constant 0 : i32
    %c0_i32_0 = arith.constant 0 : i32
    %c0_i32_1 = arith.constant 0 : i32
    return %c0_i32, %c0_i32_0 : i32, i32
  }
  func.func @transform_6(%arg0: i32) -> (i32, i32) {
    %c0_i32 = arith.constant 0 : i32
    %c0_i32_0 = arith.constant 0 : i32
    %c0_i32_1 = arith.constant 0 : i32
    return %c0_i32, %c0_i32_0 : i32, i32
  }
  func.func @transform_7(%arg0: i32) -> (i32, i32) {
    %c0_i32 = arith.constant 0 : i32
    %c0_i32_0 = arith.constant 0 : i32
    %c0_i32_1 = arith.constant 0 : i32
    return %c0_i32, %c0_i32_0 : i32, i32
  }
}

module attributes {stable_mosaic.version = 14 : i64} {
  func.func @_ffn_body(%arg0: i32, %arg1: memref<32xi32, #tpu.memory_space<smem>>, %arg2: memref<512x1024xf32, #tpu.memory_space<vmem>>, %arg3: memref<1x2048x1024xf32, #tpu.memory_space<vmem>>, %arg4: memref<1x1x2048xf32, #tpu.memory_space<vmem>>, %arg5: memref<1x2048x1024xf32, #tpu.memory_space<vmem>>, %arg6: memref<1x1x2048xf32, #tpu.memory_space<vmem>>, %arg7: memref<1x1024x2048xf32, #tpu.memory_space<vmem>>, %arg8: memref<1x1x1024xf32, #tpu.memory_space<vmem>>, %arg9: memref<512x1024xf32, #tpu.memory_space<vmem>>) attributes {dimension_semantics = [#tpu.dimension_semantics<arbitrary>], iteration_bounds = array<i64: 17>, scalar_prefetch = 1 : i64, scratch_operands = 0 : i64, tpu.core_type = #tpu.core_type<tc>, window_params = [{transform_indices = @transform_0, window_bounds = array<i64: 512, 1024>}, {transform_indices = @transform_1, window_bounds = array<i64: 1, 2048, 1024>}, {transform_indices = @transform_2, window_bounds = array<i64: 1, 1, 2048>}, {transform_indices = @transform_3, window_bounds = array<i64: 1, 2048, 1024>}, {transform_indices = @transform_4, window_bounds = array<i64: 1, 1, 2048>}, {transform_indices = @transform_5, window_bounds = array<i64: 1, 1024, 2048>}, {transform_indices = @transform_6, window_bounds = array<i64: 1, 1, 1024>}, {transform_indices = @transform_7, window_bounds = array<i64: 512, 1024>}]} {
    %get3A = arith.constant 17 : index
    %get3A_0 = memref.load %arg1[%get3A] : memref<32xi32, #tpu.memory_space<smem>>
    %lt3A = arith.cmpi slt, %arg0, %get3A_0 : i32
    %convert_element_type3A = arith.extui %lt3A : i1 to i32
    %cond3A = arith.constant 0 : i32
    %cond3A_1 = arith.cmpi ne, %convert_element_type3A, %cond3A : i32
    scf.if %cond3A_1 {
      %get3A_2 = arith.constant 0 : index
      %get3A_3 = arith.constant 0 : index
      %get3A_4 = vector.load %arg2[%get3A_2, %get3A_3] : memref<512x1024xf32, #tpu.memory_space<vmem>>, vector<512x1024xf32>
      %get3A_5 = arith.constant 0 : index
      %get3A_6 = arith.constant 0 : index
      %get3A_7 = arith.constant 0 : index
      %get3A_8 = vector.load %arg3[%get3A_5, %get3A_6, %get3A_7] : memref<1x2048x1024xf32, #tpu.memory_space<vmem>>, vector<1x2048x1024xf32>
      %get3A_9 = vector.shape_cast %get3A_8 : vector<1x2048x1024xf32> to vector<2048x1024xf32>
      %dot_general3A = arith.constant dense<0.000000e+00> : vector<512x2048xf32>
      %dot_general3A_10 = tpu.matmul %get3A_4, %get3A_9, %dot_general3A {dimension_numbers = #tpu.dot_dimension_numbers<[1], [1], [0], [0], [0, 0, 1, 0], [], []>, transpose_lhs_hint = false} : vector<512x1024xf32>, vector<2048x1024xf32>, vector<512x2048xf32> -> vector<512x2048xf32>
      %get3A_11 = arith.constant 0 : index
      %get3A_12 = arith.constant 0 : index
      %get3A_13 = arith.constant 0 : index
      %get3A_14 = vector.load %arg4[%get3A_11, %get3A_12, %get3A_13] : memref<1x1x2048xf32, #tpu.memory_space<vmem>>, vector<1x1x2048xf32>
      %get3A_15 = vector.shape_cast %get3A_14 : vector<1x1x2048xf32> to vector<1x2048xf32>
      %add3A = vector.broadcast %get3A_15 : vector<1x2048xf32> to vector<512x2048xf32>
      %add3A_16 = arith.addf %dot_general3A_10, %add3A : vector<512x2048xf32>
      %get3A_17 = arith.constant 0 : index
      %get3A_18 = arith.constant 0 : index
      %get3A_19 = arith.constant 0 : index
      %get3A_20 = vector.load %arg5[%get3A_17, %get3A_18, %get3A_19] : memref<1x2048x1024xf32, #tpu.memory_space<vmem>>, vector<1x2048x1024xf32>
      %get3A_21 = vector.shape_cast %get3A_20 : vector<1x2048x1024xf32> to vector<2048x1024xf32>
      %dot_general3A_22 = arith.constant dense<0.000000e+00> : vector<512x2048xf32>
      %dot_general3A_23 = tpu.matmul %get3A_4, %get3A_21, %dot_general3A_22 {dimension_numbers = #tpu.dot_dimension_numbers<[1], [1], [0], [0], [0, 0, 1, 0], [], []>, transpose_lhs_hint = false} : vector<512x1024xf32>, vector<2048x1024xf32>, vector<512x2048xf32> -> vector<512x2048xf32>
      %get3A_24 = arith.constant 0 : index
      %get3A_25 = arith.constant 0 : index
      %get3A_26 = arith.constant 0 : index
      %get3A_27 = vector.load %arg6[%get3A_24, %get3A_25, %get3A_26] : memref<1x1x2048xf32, #tpu.memory_space<vmem>>, vector<1x1x2048xf32>
      %get3A_28 = vector.shape_cast %get3A_27 : vector<1x1x2048xf32> to vector<1x2048xf32>
      %add3A_29 = vector.broadcast %get3A_28 : vector<1x2048xf32> to vector<512x2048xf32>
      %add3A_30 = arith.addf %dot_general3A_23, %add3A_29 : vector<512x2048xf32>
      %neg3A = arith.constant 0.000000e+00 : f32
      %neg3A_31 = vector.broadcast %neg3A : f32 to vector<512x2048xf32>
      %neg3A_32 = arith.subf %neg3A_31, %add3A_16 : vector<512x2048xf32>
      %exp3A = math.exp %neg3A_32 : vector<512x2048xf32>
      %add3A_33 = arith.constant 1.000000e+00 : f32
      %add3A_34 = vector.broadcast %add3A_33 : f32 to vector<512x2048xf32>
      %add3A_35 = arith.addf %add3A_34, %exp3A : vector<512x2048xf32>
      %div3A = arith.divf %add3A_16, %add3A_35 : vector<512x2048xf32>
      %mul3A = arith.mulf %div3A, %add3A_30 : vector<512x2048xf32>
      %get3A_36 = arith.constant 0 : index
      %get3A_37 = arith.constant 0 : index
      %get3A_38 = arith.constant 0 : index
      %get3A_39 = vector.load %arg7[%get3A_36, %get3A_37, %get3A_38] : memref<1x1024x2048xf32, #tpu.memory_space<vmem>>, vector<1x1024x2048xf32>
      %get3A_40 = vector.shape_cast %get3A_39 : vector<1x1024x2048xf32> to vector<1024x2048xf32>
      %dot_general3A_41 = arith.constant dense<0.000000e+00> : vector<512x1024xf32>
      %dot_general3A_42 = tpu.matmul %mul3A, %get3A_40, %dot_general3A_41 {dimension_numbers = #tpu.dot_dimension_numbers<[1], [1], [0], [0], [0, 0, 1, 0], [], []>, transpose_lhs_hint = false} : vector<512x2048xf32>, vector<1024x2048xf32>, vector<512x1024xf32> -> vector<512x1024xf32>
      %get3A_43 = arith.constant 0 : index
      %get3A_44 = arith.constant 0 : index
      %get3A_45 = arith.constant 0 : index
      %get3A_46 = vector.load %arg8[%get3A_43, %get3A_44, %get3A_45] : memref<1x1x1024xf32, #tpu.memory_space<vmem>>, vector<1x1x1024xf32>
      %get3A_47 = vector.shape_cast %get3A_46 : vector<1x1x1024xf32> to vector<1x1024xf32>
      %add3A_48 = vector.broadcast %get3A_47 : vector<1x1024xf32> to vector<512x1024xf32>
      %add3A_49 = arith.addf %dot_general3A_42, %add3A_48 : vector<512x1024xf32>
      %swap3A = arith.constant 0 : index
      %swap3A_50 = arith.constant 0 : index
      %swap3A_51 = vector.load %arg9[%swap3A, %swap3A_50] : memref<512x1024xf32, #tpu.memory_space<vmem>>, vector<512x1024xf32>
      tpu.vector_store %arg9[%swap3A, %swap3A_50], %add3A_49 {strides = array<i32>} : memref<512x1024xf32, #tpu.memory_space<vmem>>, vector<512x1024xf32>,
    } else {
    }
    return
  }
  func.func @transform_0(%arg0: i32, %arg1: memref<32xi32, #tpu.memory_space<smem>>) -> (i32, i32) {
    %c0_i32 = arith.constant 0 : i32
    %c0_i32_0 = arith.constant 0 : i32
    return %arg0, %c0_i32 : i32, i32
  }
  func.func @transform_1(%arg0: i32, %arg1: memref<32xi32, #tpu.memory_space<smem>>) -> (i32, i32, i32) {
    %get3A = arith.index_cast %arg0 : i32 to index
    %get3A_0 = memref.load %arg1[%get3A] : memref<32xi32, #tpu.memory_space<smem>>
    %rem3A = arith.constant 8 : i32
    %rem3A_1 = arith.remsi %get3A_0, %rem3A : i32
    %c0_i32 = arith.constant 0 : i32
    %c0_i32_2 = arith.constant 0 : i32
    %c0_i32_3 = arith.constant 0 : i32
    return %rem3A_1, %c0_i32, %c0_i32_2 : i32, i32, i32
  }
  func.func @transform_2(%arg0: i32, %arg1: memref<32xi32, #tpu.memory_space<smem>>) -> (i32, i32, i32) {
    %get3A = arith.index_cast %arg0 : i32 to index
    %get3A_0 = memref.load %arg1[%get3A] : memref<32xi32, #tpu.memory_space<smem>>
    %rem3A = arith.constant 8 : i32
    %rem3A_1 = arith.remsi %get3A_0, %rem3A : i32
    %c0_i32 = arith.constant 0 : i32
    %c0_i32_2 = arith.constant 0 : i32
    %c0_i32_3 = arith.constant 0 : i32
    return %rem3A_1, %c0_i32, %c0_i32_2 : i32, i32, i32
  }
  func.func @transform_3(%arg0: i32, %arg1: memref<32xi32, #tpu.memory_space<smem>>) -> (i32, i32, i32) {
    %get3A = arith.index_cast %arg0 : i32 to index
    %get3A_0 = memref.load %arg1[%get3A] : memref<32xi32, #tpu.memory_space<smem>>
    %rem3A = arith.constant 8 : i32
    %rem3A_1 = arith.remsi %get3A_0, %rem3A : i32
    %c0_i32 = arith.constant 0 : i32
    %c0_i32_2 = arith.constant 0 : i32
    %c0_i32_3 = arith.constant 0 : i32
    return %rem3A_1, %c0_i32, %c0_i32_2 : i32, i32, i32
  }
  func.func @transform_4(%arg0: i32, %arg1: memref<32xi32, #tpu.memory_space<smem>>) -> (i32, i32, i32) {
    %get3A = arith.index_cast %arg0 : i32 to index
    %get3A_0 = memref.load %arg1[%get3A] : memref<32xi32, #tpu.memory_space<smem>>
    %rem3A = arith.constant 8 : i32
    %rem3A_1 = arith.remsi %get3A_0, %rem3A : i32
    %c0_i32 = arith.constant 0 : i32
    %c0_i32_2 = arith.constant 0 : i32
    %c0_i32_3 = arith.constant 0 : i32
    return %rem3A_1, %c0_i32, %c0_i32_2 : i32, i32, i32
  }
  func.func @transform_5(%arg0: i32, %arg1: memref<32xi32, #tpu.memory_space<smem>>) -> (i32, i32, i32) {
    %get3A = arith.index_cast %arg0 : i32 to index
    %get3A_0 = memref.load %arg1[%get3A] : memref<32xi32, #tpu.memory_space<smem>>
    %rem3A = arith.constant 8 : i32
    %rem3A_1 = arith.remsi %get3A_0, %rem3A : i32
    %c0_i32 = arith.constant 0 : i32
    %c0_i32_2 = arith.constant 0 : i32
    %c0_i32_3 = arith.constant 0 : i32
    return %rem3A_1, %c0_i32, %c0_i32_2 : i32, i32, i32
  }
  func.func @transform_6(%arg0: i32, %arg1: memref<32xi32, #tpu.memory_space<smem>>) -> (i32, i32, i32) {
    %get3A = arith.index_cast %arg0 : i32 to index
    %get3A_0 = memref.load %arg1[%get3A] : memref<32xi32, #tpu.memory_space<smem>>
    %rem3A = arith.constant 8 : i32
    %rem3A_1 = arith.remsi %get3A_0, %rem3A : i32
    %c0_i32 = arith.constant 0 : i32
    %c0_i32_2 = arith.constant 0 : i32
    %c0_i32_3 = arith.constant 0 : i32
    return %rem3A_1, %c0_i32, %c0_i32_2 : i32, i32, i32
  }
  func.func @transform_7(%arg0: i32, %arg1: memref<32xi32, #tpu.memory_space<smem>>) -> (i32, i32) {
    %c0_i32 = arith.constant 0 : i32
    %c0_i32_0 = arith.constant 0 : i32
    return %arg0, %c0_i32 : i32, i32
  }
}

</mosaic_0001>

<sc_bundles>
// kernel: kernel.6.cloned.1.call-start
scs
__scs_entry_jumppad:
0x0: {  	(pc) =	sbr.rel $0x88, $3  }
0x1: {  	(tag) =	ssettag $0x0;
	lr =	simm.s32 $0x1  }
0x2: {  	[smem:$0x3F97] =	sst lr;
	_ =	strace $0xD0000000  }
0x3: {  	_ = 	snop  }
0x4: {  	_ = 	snop  }
0x5: {  	_ = 	snop  }
0x6: {  	_ = 	snop  }
0x7: {  	_ = 	snop  }
__scs_overlays_trampoline_lowered:
0x8: {  	[smem:$0x3FA6] =	sst s0  }
0x9: {  	[smem:$0x3FA7] =	sst s1  }
0xa: {  	[smem:$0x3FA8] =	sst s2  }
0xb: {  	[smem:$0x3FA9] =	sst s3  }
0xc: {  	[smem:$0x3FAA] =	sst s4  }
0xd: {  	[smem:$0x3FAB] =	sst s5  }
0xe: {  	[smem:$0x3FAC] =	sst s6  }
0xf: {  	[smem:$0x3FAD] =	sst s7  }
0x10: {  	[smem:$0x3FAE] =	sst s8  }
0x11: {  	[smem:$0x3FAF] =	sst s9;
	s0 =	simm.s32 @!p0 $0x0  }
0x12: {  	s1 =	sld [smem:$0x3F95];
	s0 =	simm.s32 @p0 $0x1  }
0x13: {  	[smem:$0x3FB0] =	sst s0;
	s0 =	simm.s32 @!p1 $0x0  }
0x14: {  	s2 =	sld [smem:$0x3F94];
	s0 =	simm.s32 @p1 $0x1  }
0x15: {  	[smem:$0x3FB1] =	sst s0;
	s0 =	simm.s32 @!p2 $0x0  }
0x16: {  	s3 =	sld [smem:$0x3FDB];
	s0 =	simm.s32 @p2 $0x1  }
0x17: {  	s4 =	simm.s32 $0x1BF5;
	[smem:$0x3FB3] =	sst s0  }
0x18: {  	s0 =	sld [smem:$0x3F96];
	_ =	swait.ge [sflag:s4], $0x0  }
0x19: {  	s7 =	sld [smem:$0x3F97]  }
0x1a: {  	s8 =	sadd.s32 $0xFFFFE003, lr  }
0x1b: {  	s9 =	sadd.s32 $0xFFFFFEF7, lr;
	s5 =	simm.s32 $0xFFFFFFFF;
	p2 =	slt.u32 s8, $0xFFFFF086  }
0x1c: {  	p1 =	slt.u32 s9, $0xF7A;
	s5 =	simm.s32 @!p2 $0x0  }
0x1d: {  	s5 =	simm.s32 @p1 $0x1;
	p0 =	seq.s32 s7, s2  }
0x1e: {  	s7 =	smul.u32 @!p0 $0xF7A, s2;
	p2 =	seq.s32 @!p0 s5, $0x0  }
0x1f: {  	s9 =	smul.u32 $0xF7A, s1;
	s8 =	simm.s32 @!p0 $0x1BF5;
	p2 =	por !p2, p0  }
0x20: {  	[sflag:s8] =	ssyncset.s32 @!p0 $0xFFFFF086;
	s6 =	sadd.s32 @!p0 s3, s7;
	s7 =	simm.s32 @!p0 $0x108  }
0x21: {  	s3 =	sadd.s32 s3, s9;
	s6 =	sadd.s32 @!p0 $0x88, s6;
	s7 =	simm.s32 @p2 $0x1082  }
0x22: {  	[simem:s7], [sflag:s8] =	dma.local @!p0 [hbm:s6], $0xF7A  }
0x23: {  	s9 =	sor.u32 $0xD0000000, s2;
	s6 =	simm.s32 $0x108;
	_ =	swait.ge @!p0 [sflag:s8], $0x0  }
0x24: {  	s3 =	sadd.s32 $0x88, s3;
	s6 =	simm.s32 @!p1 $0x1082;
	[sflag:s4] =	ssyncset.s32 $0xFFFFF086  }
0x25: {  	[simem:s6], [sflag:s4] =	dma.local [hbm:s3], $0xF7A  }
0x26: {  	[smem:$0x3F97] =	sst s1;
	(tag) =	ssettag s2;
	_ =	strace s9  }
0x27: {  	s1 =	sld [smem:$0x3FA7]  }
0x28: {  	s2 =	sld [smem:$0x3FA8]  }
0x29: {  	s4 =	sld [smem:$0x3FAA]  }
0x2a: {  	p0 =	seq.s32 s5, $0x0;
	s5 =	sld [smem:$0x3FAB]  }
0x2b: {  	s6 =	sld [smem:$0x3FAC]  }
0x2c: {  	s7 =	sld [smem:$0x3FAD]  }
0x2d: {  	s3 =	simm.s32 $0x108;
	s8 =	sld [smem:$0x3FAE]  }
0x2e: {  	s3 =	simm.s32 @!p0 $0x1082;
	s9 =	sld [smem:$0x3FAF]  }
0x2f: {  	lr =	sadd.s32 s0, s3;
	s0 =	sld [smem:$0x3FA6]  }
0x30: {  	s3 =	sld [smem:$0x3FA9]  }
0x31: {  	[smem:$0x3FB2] =	sst s10  }
0x32: {  	s10 =	sld [smem:$0x3FB0];
	_ =	sdelay $0x3  }
0x33: {  	p0 =	seq.s32 s10, $0x1;
	s10 =	sld [smem:$0x3FB2];
	_ =	sdelay $0x3  }
0x34: {  	[smem:$0x3FB2] =	sst s10  }
0x35: {  	s10 =	sld [smem:$0x3FB1];
	_ =	sdelay $0x3  }
0x36: {  	p1 =	seq.s32 s10, $0x1;
	s10 =	sld [smem:$0x3FB2];
	_ =	sdelay $0x3  }
0x37: {  	[smem:$0x3FB2] =	sst s10  }
0x38: {  	s10 =	sld [smem:$0x3FB3]  }
0x39: {  	_ = 	snop;
	(pc) =	sbr.ind lr, $3  }
0x3a: {  	_ = 	snop  }
0x3b: {  	_ = 	snop  }
0x3c: {  	p2 =	seq.s32 s10, $0x1;
	s10 =	sld [smem:$0x3FB2]  }
0x3d: {  	_ =	shalt  }
0x3e: {  	_ =	shalt  }
0x3f: {  	_ =	shalt  }
0x40: {  	_ =	shalt  }
0x41: {  	_ =	shalt  }
0x42: {  	_ =	shalt  }
0x43: {  	_ =	shalt  }
0x44: {  	_ =	shalt  }
0x45: {  	_ =	shalt  }
0x46: {  	_ =	shalt  }
0x47: {  	_ =	shalt  }
0x48: {  	_ =	shalt  }
0x49: {  	_ =	shalt  }
0x4a: {  	_ =	shalt  }
0x4b: {  	_ =	shalt  }
0x4c: {  	_ =	shalt  }
0x4d: {  	_ =	shalt  }
0x4e: {  	_ =	shalt  }
0x4f: {  	_ =	shalt  }
0x50: {  	_ =	shalt  }
0x51: {  	_ =	shalt  }
0x52: {  	_ =	shalt  }
0x53: {  	_ =	shalt  }
0x54: {  	_ =	shalt  }
0x55: {  	_ =	shalt  }
0x56: {  	_ =	shalt  }
0x57: {  	_ =	shalt  }
0x58: {  	_ =	shalt  }
0x59: {  	_ =	shalt  }
0x5a: {  	_ =	shalt  }
0x5b: {  	_ =	shalt  }
0x5c: {  	_ =	shalt  }
0x5d: {  	_ =	shalt  }
0x5e: {  	_ =	shalt  }
0x5f: {  	_ =	shalt  }
0x60: {  	_ =	shalt  }
0x61: {  	_ =	shalt  }
0x62: {  	_ =	shalt  }
0x63: {  	_ =	shalt  }
0x64: {  	_ =	shalt  }
0x65: {  	_ =	shalt  }
0x66: {  	_ =	shalt  }
0x67: {  	_ =	shalt  }
0x68: {  	_ =	shalt  }
0x69: {  	_ =	shalt  }
0x6a: {  	_ =	shalt  }
0x6b: {  	_ =	shalt  }
0x6c: {  	_ =	shalt  }
0x6d: {  	_ =	shalt  }
0x6e: {  	_ =	shalt  }
0x6f: {  	_ =	shalt  }
0x70: {  	_ =	shalt  }
0x71: {  	_ =	shalt  }
0x72: {  	_ =	shalt  }
0x73: {  	_ =	shalt  }
0x74: {  	_ =	shalt  }
0x75: {  	_ =	shalt  }
0x76: {  	_ =	shalt  }
0x77: {  	_ =	shalt  }
0x78: {  	_ =	shalt  }
0x79: {  	_ =	shalt  }
0x7a: {  	_ =	shalt  }
0x7b: {  	_ =	shalt  }
0x7c: {  	_ =	shalt  }
0x7d: {  	_ =	shalt  }
0x7e: {  	_ =	shalt  }
0x7f: {  	_ =	shalt  }
0x80: {  	_ =	shalt  }
0x81: {  	_ =	shalt  }
0x82: {  	_ =	shalt  }
0x83: {  	_ =	shalt  }
0x84: {  	_ =	shalt  }
0x85: {  	_ =	shalt  }
0x86: {  	_ =	shalt  }
0x87: {  	_ =	shalt  }
.Lfunc_end0:
.L_simem_size_0:
called_computation_lowered:
.L_overlay_start_0:
0x88: {  	s2 =	sld [smem:$0x3FD9]  }
0x89: {  	s3 =	sld [smem:$0x3FFE];
	_ =	sdelay $0x1  }
0x8a: {  	s1 =	srdreg.scid  }
0x8b: {  	s0 =	sand.u32 $0x1, s1  }
0x8c: {  	s17 =	sshll.u32 s0, $0xA;
	s2 =	sadd.s32 s3, s2  }
0x8d: {  	s2 =	sadd.s32 s2, s17  }
0x8e: {  	[smem:$0x3FBE] =	sst s2  }
0x8f: {  	_ = 	snop  }
0x90: {  	s2 =	sld [smem:$0x3FD0];
	(tm) =	ssettm $0x1  }
0x91: {  	s18 =	sld [smem:$0x3FFB];
	_ =	sdelay $0x3  }
0x92: {  	_ =	strace s18  }
0x93: {  	s3 =	sld [smem:$0x3FFC];
	_ =	sdelay $0x3  }
0x94: {  	_ =	strace s3  }
0x95: {  	s3 =	sld [smem:$0x3FFD];
	_ =	sdelay $0x3  }
0x96: {  	_ =	strace s3  }
0x97: {  	_ =	strace $0x8FFFFFFF  }
0x98: {  	s19 =	sld [smem:$0x3FDB];
	_ =	sdelay $0x1  }
0x99: {  	s4 =	simm.s32 $_scs_section_size  }
0x9a: {  	s5 =	simm.s32 $_size__tile_overlayer_lowered;
	s6 =	simm.s32 $_tile_overlayer_lowered  }
0x9b: {  	s22 =	simm.s32 $0x1BFF;
	s21 =	sshll.u32 s6, $0x1;
	s3 =	sadd.s32 s4, s19  }
0x9c: {  	s7 =	simm.s32 $0x0;
	s20 =	sshll.u32 s5, $0x1;
	s5 =	sadd.s32 s21, s3  }
0x9d: {  	[timem:s7], [sflag:s22] =	dma.local [hbm:s5], s20  }
0x9e: {  	_ =	swait.ge [sflag:s22], s20  }
0x9f: {  	s4 =	ssub.s32 $0x0, s20;
	[sflag:s22] =	ssyncset.done $0x0  }
0xa0: {  	[sflag:s22] =	ssyncadd.s32 s4;
	_ =	sdelay $0x1  }
0xa1: {  	s23 =	simm.s32 $0x1B8B  }
0xa2: {  	_ =	swait.ge [sflag:s23], $0x1  }
0xa3: {  	[sflag:s23] =	ssyncset.done $0x0  }
0xa4: {  	s25 =	simm.s32 $0x1B8E;
	s24 =	sld [smem:$0x3FFE];
	[sflag:s23] =	ssyncadd.s32 $0xFFFFFFFF  }
0xa5: {  	s26 =	simm.s32 $execute0_lowered;
	[smem:$0x3FD2] =	sst s25  }
0xa6: {  	s5 =	sshll.u32 s26, $0x1;
	_ =	strace $0x80000046;
	[dreg:$0x1] =	wrdreg $0xFFFFFFFF  }
0xa7: {  	s28 =	simm.s32 $_size_execute0_lowered;
	s3 =	sadd.s32 s3, s5;
	[dreg:$0x0] =	wrdreg $0x0  }
0xa8: {  	s5 =	sshll.u32 s28, $0x1;
	[dreg:$0x2] =	wrdreg s3  }
0xa9: {  	[dreg:$0x3] =	wrdreg s5  }
0xaa: {  	[dreg:$0x4] =	wrdreg $0xC0  }
0xab: {  	_ =	task [dreg:s7], $0x5FFFF  }
0xac: {  	[dreg:$0x1] =	wrdreg $0xFFFFFFFF  }
0xad: {  	[dreg:$0x0] =	wrdreg $0x60  }
0xae: {  	[dreg:$0x2] =	wrdreg s24  }
0xaf: {  	[dreg:$0x3] =	wrdreg s2  }
0xb0: {  	[dreg:$0x4] =	wrdreg $0x9  }
0xb1: {  	_ =	task.clear_ibuf [dreg:s7], $0x5FFFF;
	_ =	strace $0x90000046  }
0xb2: {  	s29 =	simm.s32 $0x9;
	_ =	strace $0x80000048  }
0xb3: {  	_ =	swait.ge [sflag:s29], $0x1  }
0xb4: {  	[sflag:s29] =	ssyncadd.s32 $0xFFFFFFFF  }
0xb5: {  	_ =	strace $0x90000048  }
0xb6: {  	_ =	sfence  }
0xb7: {  	s30 =	sld [smem:$0x0];
	_ =	sdelay $0x2  }
0xb8: {  	s31 =	sshll.u32 s1, $0xD;
	s1 =	sshrl.u32 s1, $0x2  }
0xb9: {  	s3 =	sand.u32 $0x4000, s31;
	s1 =	sadd.s32 s1, s30  }
0xba: {  	s0 =	sor.u32 s3, s0;
	s1 =	sshll.u32 s1, $0x11  }
0xbb: {  	s0 =	sor.u32 s1, s0  }
0xbc: {  	s0 =	sadd.s32 $0x8F2B, s0  }
0xbd: {  	[sflag:s0] =	ssyncadd.remote.s32 $0x1  }
0xbe: {  	_ =	sfence.sel $0xFFFF  }
0xbf: {  	[dreg:$0x0] =	wrdreg $0xFFFFFFFF;
	(pc) =	sbr.abs _section_cstart, $3  }
0xc0: {  	[dreg:$0x1] =	wrdreg $0xFFFFFFFF  }
0xc1: {  	_ =	task.clear_ibuf [dreg:s7], $0x2FFFF;
	_ =	strace $0x9FFFFFFF  }
0xc2: {  	(tm) =	ssettm $0x7FFFFFFF  }
0xc3: {  	_ =	shalt  }
tec
execute0_lowered:
.L_overlay_start_1:
0x0: {  	(tag) =	ssettag $0x1  }
0x1: {  	s0 =	rddreg [dreg:$0x0]  }
0x2: {  	s2 =	rddreg [dreg:$0x1]  }
0x3: {  	s1 =	srdreg.scid;
	s4 =	stileid.u32  }
0x4: {  	s3 =	simm.s32 $0x0;
	s26 =	simm.s32 $0x200;
	s28 =	simm.s32 $0x80  }
0x5: {  	s29 =	simm.s32 $0x280;
	s30 =	simm.s32 $0x100;
	[smem:$0x7FF] =	sst s3  }
0x6: {  	s10 =	simm.s32 $0x300;
	_ =	strace $0x80000047;
	[dreg:$0xb] =	wrdreg s26  }
0x7: {  	s11 =	simm.s32 $0x180;
	s31 =	simm.s32 $0x380;
	[dreg:$0xc] =	wrdreg s28  }
0x8: {  	s12 =	simm.s32 $0x5;
	s1 =	sand.u32 $0x1, s1;
	[dreg:$0xd] =	wrdreg s29  }
0x9: {  	s4 =	sshll.u32 s4, $0x5;
	s6 =	sadd.s32 $0x11600, s0;
	[dreg:$0xe] =	wrdreg s30  }
0xa: {  	s7 =	sadd.s32 $0x1200, s0;
	s5 =	sshll.u32 s1, $0x4;
	[dreg:$0xf] =	wrdreg s10  }
0xb: {  	s1 =	ssub.s32 $0x2, s1;
	[dreg:$0x10] =	wrdreg s11;
	s5 =	sor.u32 s5, s4  }
0xc: {  	s10 =	sadd.s32 $0x11B00, s0;
	[dreg:$0x11] =	wrdreg s31;
	s4 =	sadd.s32 s6, s5  }
0xd: {  	s21 =	sadd.s32 s7, s5;
	s8 =	sor.u32 $0x4, s5;
	[dreg:$0x3] =	wrdreg s4  }
0xe: {  	s25 =	sshrl.u32 s1, $0x1;
	[dreg:$0x4] =	wrdreg s21;
	s22 =	sadd.s32 s6, s8  }
0xf: {  	s9 =	sor.u32 $0x8, s5;
	s8 =	sadd.s32 s7, s8;
	[dreg:$0x5] =	wrdreg s22  }
0x10: {  	s5 =	sor.u32 $0xC, s5;
	s23 =	sadd.s32 s6, s9;
	[dreg:$0x6] =	wrdreg s8  }
0x11: {  	s1 =	ssub.s32 s1, s25;
	s24 =	sadd.s32 s7, s9;
	[dreg:$0x7] =	wrdreg s23  }
0x12: {  	s4 =	sadd.s32 $0x11800, s0;
	s6 =	sadd.s32 s6, s5;
	[dreg:$0x8] =	wrdreg s24  }
0x13: {  	v2 =	vlaneseq.u32;
	s5 =	sadd.s32 s7, s5;
	s7 =	sadd.s32 $0x300, s2;
	[dreg:$0x9] =	wrdreg s6  }
0x14: {  	vm0 =	vmmov $0xffff;
	v1 =	vshrl.u32 v2, $0x3;
	s9 =	sadd.s32 $0x11A00, s0;
	[dreg:$0xa] =	wrdreg s5;
	s5 =	sadd.s32 $0x100, s2  }
0x15: {  	v0 =	vand.u32 $0x7, v2;
	v2 =	vor.u32 $0x8, v2;
	v1 =	vmul.u32 $0x8, v1;
	s6 =	sadd.s32 $0x200, s2;
	s8 =	sadd.s32 $0x11900, s0;
	s23 =	smax.u32 s1, $0x1  }
.LBB2_1:
0x16: {  	s31 =	rddreg [dreg:$0x3]  }
0x17: {  	[tilespmem:s3], [sflag:$0x5] =	stream.linear.gather [hbm4b:s31+s3], $0x20, $0x38;
	[tilespmem:$0x10400] =	vst v63  }
0x18: {  	_ =	swait.ge [sflag:s12], $0x20  }
0x19: {  	s29 =	rddreg [dreg:$0x4];
	[sflag:s12] =	ssyncset.done $0x0  }
0x1a: {  	s0 =	rddreg [dreg:$0xb];
	[sflag:s12] =	ssyncadd.s32 $0xFFFFFFE0  }
0x1b: {  	[tilespmem:s0], [sflag:$0x5] =	stream.linear.gather [hbm4b:s29+s3], $0x20, $0x38;
	[tilespmem:$0x10400] =	vst v63  }
0x1c: {  	_ =	swait.ge [sflag:s12], $0x20  }
0x1d: {  	s30 =	rddreg [dreg:$0x5];
	[sflag:s12] =	ssyncset.done $0x0  }
0x1e: {  	s1 =	rddreg [dreg:$0xc];
	[sflag:s12] =	ssyncadd.s32 $0xFFFFFFE0  }
0x1f: {  	[tilespmem:s1], [sflag:$0x5] =	stream.linear.gather [hbm4b:s30+s3], $0x20, $0x38;
	[tilespmem:$0x10400] =	vst v63  }
0x20: {  	_ =	swait.ge [sflag:s12], $0x20  }
0x21: {  	s11 =	rddreg [dreg:$0x6];
	[sflag:s12] =	ssyncset.done $0x0  }
0x22: {  	s13 =	rddreg [dreg:$0xd];
	[sflag:s12] =	ssyncadd.s32 $0xFFFFFFE0  }
0x23: {  	[tilespmem:s13], [sflag:$0x5] =	stream.linear.gather [hbm4b:s11+s3], $0x20, $0x38;
	[tilespmem:$0x10400] =	vst v63  }
0x24: {  	_ =	swait.ge [sflag:s12], $0x20  }
0x25: {  	s14 =	rddreg [dreg:$0x7];
	[sflag:s12] =	ssyncset.done $0x0  }
0x26: {  	s15 =	rddreg [dreg:$0xe];
	[sflag:s12] =	ssyncadd.s32 $0xFFFFFFE0  }
0x27: {  	[tilespmem:s15], [sflag:$0x5] =	stream.linear.gather [hbm4b:s14+s3], $0x20, $0x38;
	[tilespmem:$0x10400] =	vst v63  }
0x28: {  	_ =	swait.ge [sflag:s12], $0x20  }
0x29: {  	s16 =	rddreg [dreg:$0x8];
	[sflag:s12] =	ssyncset.done $0x0  }
0x2a: {  	s17 =	rddreg [dreg:$0xf];
	[sflag:s12] =	ssyncadd.s32 $0xFFFFFFE0  }
0x2b: {  	[tilespmem:s17], [sflag:$0x5] =	stream.linear.gather [hbm4b:s16+s3], $0x20, $0x38;
	[tilespmem:$0x10400] =	vst v63  }
0x2c: {  	_ =	swait.ge [sflag:s12], $0x20  }
0x2d: {  	s18 =	rddreg [dreg:$0x9];
	[sflag:s12] =	ssyncset.done $0x0  }
0x2e: {  	s19 =	rddreg [dreg:$0x10];
	[sflag:s12] =	ssyncadd.s32 $0xFFFFFFE0  }
0x2f: {  	[tilespmem:s19], [sflag:$0x5] =	stream.linear.gather [hbm4b:s18+s3], $0x20, $0x38;
	[tilespmem:$0x10400] =	vst v63  }
0x30: {  	_ =	swait.ge [sflag:s12], $0x20  }
0x31: {  	s20 =	rddreg [dreg:$0xa];
	[sflag:s12] =	ssyncset.done $0x0  }
0x32: {  	s21 =	rddreg [dreg:$0x11];
	[sflag:s12] =	ssyncadd.s32 $0xFFFFFFE0  }
0x33: {  	[tilespmem:s21], [sflag:$0x5] =	stream.linear.gather [hbm4b:s20+s3], $0x20, $0x38;
	[tilespmem:$0x10400] =	vst v63  }
0x34: {  	_ =	swait.ge [sflag:s12], $0x20  }
0x35: {  	[sflag:s12] =	ssyncset.done $0x0  }
0x36: {  	[sflag:s12] =	ssyncadd.s32 $0xFFFFFFE0  }
0x37: {  	v3 =	vld [tilespmem:$0x200];
	_ =	sdelay $0x4  }
0x38: {  	v4 =	vshll.u32 v3, $0x3  }
0x39: {  	v3 =	vand.u32 $0x7, v3;
	v4 =	vand.u32 $0xFFFFFFC0, v4  }
0x3a: {  	v3 =	vor.u32 v3, v4  }
0x3b: {  	v4 =	vperm.xlane v3, v0;
	_ =	sdelay $0x1  }
0x3c: {  	v4 =	vadd.s32 v1, v4;
	_ =	sdelay $0x3  }
0x3d: {  	s22 =	simm.s32 $0x400  }
0x3e: {  	[tilespmem:s22], [sflag:$0x1] =	stream.indirect_vreg.gather [hbm4b:s2+s3], $0x80, v4, vm0, $0xb8;
	[tilespmem:$0x10400] =	vst v63  }
0x3f: {  	s31 =	simm.s32 $0xC00;
	v3 =	vperm.xlane v3, v2  }
0x40: {  	[tilespmem:s31], [sflag:$0x1] =	stream.indirect_vreg.gather [hbm4b:s5+s3], $0x80, v4, vm0, $0xb8;
	[tilespmem:$0x10400] =	vst v63  }
0x41: {  	s24 =	simm.s32 $0x1400;
	v3 =	vadd.s32 v1, v3  }
0x42: {  	[tilespmem:s24], [sflag:$0x1] =	stream.indirect_vreg.gather [hbm4b:s6+s3], $0x80, v4, vm0, $0xb8;
	[tilespmem:$0x10400] =	vst v63  }
0x43: {  	s30 =	simm.s32 $0x1C00  }
0x44: {  	[tilespmem:s30], [sflag:$0x1] =	stream.indirect_vreg.gather [hbm4b:s7+s3], $0x80, v4, vm0, $0xb8;
	[tilespmem:$0x10400] =	vst v63  }
0x45: {  	s25 =	simm.s32 $0x2400  }
0x46: {  	[tilespmem:s25], [sflag:$0x1] =	stream.indirect_vreg.gather [hbm4b:s2+s3], $0x80, v3, vm0, $0xb8;
	[tilespmem:$0x10400] =	vst v63  }
0x47: {  	s26 =	simm.s32 $0x2C00  }
0x48: {  	[tilespmem:s26], [sflag:$0x1] =	stream.indirect_vreg.gather [hbm4b:s5+s3], $0x80, v3, vm0, $0xb8;
	[tilespmem:$0x10400] =	vst v63  }
0x49: {  	s28 =	simm.s32 $0x3400  }
0x4a: {  	[tilespmem:s28], [sflag:$0x1] =	stream.indirect_vreg.gather [hbm4b:s6+s3], $0x80, v3, vm0, $0xb8;
	[tilespmem:$0x10400] =	vst v63  }
0x4b: {  	s29 =	simm.s32 $0x3C00  }
0x4c: {  	[tilespmem:s29], [sflag:$0x1] =	stream.indirect_vreg.gather [hbm4b:s7+s3], $0x80, v3, vm0, $0xb8;
	[tilespmem:$0x10400] =	vst v63  }
0x4d: {  	v3 =	vld [tilespmem:$0x210];
	_ =	sdelay $0x4  }
0x4e: {  	v49 =	vshll.u32 v3, $0x3  }
0x4f: {  	v3 =	vand.u32 $0x7, v3;
	v4 =	vand.u32 $0xFFFFFFC0, v49  }
0x50: {  	v3 =	vor.u32 v3, v4  }
0x51: {  	v4 =	vperm.xlane v3, v0;
	_ =	sdelay $0x1  }
0x52: {  	v4 =	vadd.s32 v1, v4;
	_ =	sdelay $0x3  }
0x53: {  	s11 =	simm.s32 $0x4400  }
0x54: {  	[tilespmem:s11], [sflag:$0x1] =	stream.indirect_vreg.gather [hbm4b:s2+s3], $0x80, v4, vm0, $0xb8;
	[tilespmem:$0x10400] =	vst v63  }
0x55: {  	s14 =	simm.s32 $0x4C00;
	v3 =	vperm.xlane v3, v2  }
0x56: {  	[tilespmem:s14], [sflag:$0x1] =	stream.indirect_vreg.gather [hbm4b:s5+s3], $0x80, v4, vm0, $0xb8;
	[tilespmem:$0x10400] =	vst v63  }
0x57: {  	s17 =	simm.s32 $0x5400;
	v3 =	vadd.s32 v1, v3  }
0x58: {  	[tilespmem:s17], [sflag:$0x1] =	stream.indirect_vreg.gather [hbm4b:s6+s3], $0x80, v4, vm0, $0xb8;
	[tilespmem:$0x10400] =	vst v63  }
0x59: {  	s18 =	simm.s32 $0x5C00  }
0x5a: {  	[tilespmem:s18], [sflag:$0x1] =	stream.indirect_vreg.gather [hbm4b:s7+s3], $0x80, v4, vm0, $0xb8;
	[tilespmem:$0x10400] =	vst v63  }
0x5b: {  	s19 =	simm.s32 $0x6400  }
0x5c: {  	[tilespmem:s19], [sflag:$0x1] =	stream.indirect_vreg.gather [hbm4b:s2+s3], $0x80, v3, vm0, $0xb8;
	[tilespmem:$0x10400] =	vst v63  }
0x5d: {  	s25 =	simm.s32 $0x6C00  }
0x5e: {  	[tilespmem:s25], [sflag:$0x1] =	stream.indirect_vreg.gather [hbm4b:s5+s3], $0x80, v3, vm0, $0xb8;
	[tilespmem:$0x10400] =	vst v63  }
0x5f: {  	s26 =	simm.s32 $0x7400  }
0x60: {  	[tilespmem:s26], [sflag:$0x1] =	stream.indirect_vreg.gather [hbm4b:s6+s3], $0x80, v3, vm0, $0xb8;
	[tilespmem:$0x10400] =	vst v63  }
0x61: {  	s28 =	simm.s32 $0x7C00;
	s26 =	simm.s32 $0x1  }
0x62: {  	[tilespmem:s28], [sflag:$0x1] =	stream.indirect_vreg.gather [hbm4b:s7+s3], $0x80, v3, vm0, $0xb8;
	[tilespmem:$0x10400] =	vst v63  }
0x63: {  	_ =	swait.ge [sflag:s26], $0x8000  }
0x64: {  	[sflag:s26] =	ssyncset.done $0x0  }
0x65: {  	[sflag:s26] =	ssyncadd.s32 $0xFFFF8000  }
0x66: {  	v3 =	vld [tilespmem:$0x0];
	_ =	sdelay $0x4  }
0x67: {  	v50 =	vshll.u32 v3, $0x3  }
0x68: {  	v3 =	vand.u32 $0x7, v3;
	v4 =	vand.u32 $0xFFFFFFC0, v50  }
0x69: {  	v3 =	vor.u32 v3, v4  }
0x6a: {  	v4 =	vperm.xlane v3, v0;
	_ =	sdelay $0x1  }
0x6b: {  	v4 =	vadd.s32 v1, v4;
	_ =	sdelay $0x3  }
0x6c: {  	s16 =	simm.s32 $0x400  }
0x6d: {  	[hbm4b:s4+s3] =	stream.indirect_vreg.scatter [tilespmem:s16], [sflag:$0x3], $0x80, v4, vm0, $0xb8;
	[tilespmem:$0x10400] =	vst v63  }
0x6e: {  	v3 =	vperm.xlane v3, v2  }
0x6f: {  	[hbm4b:s8+s3] =	stream.indirect_vreg.scatter [tilespmem:s31], [sflag:$0x3], $0x80, v4, vm0, $0xb8;
	[tilespmem:$0x10400] =	vst v63  }
0x70: {  	s1 =	simm.s32 $0x1400;
	v3 =	vadd.s32 v1, v3  }
0x71: {  	[hbm4b:s9+s3] =	stream.indirect_vreg.scatter [tilespmem:s1], [sflag:$0x3], $0x80, v4, vm0, $0xb8;
	[tilespmem:$0x10400] =	vst v63  }
0x72: {  	_ = 	snop  }
0x73: {  	[hbm4b:s10+s3] =	stream.indirect_vreg.scatter [tilespmem:s30], [sflag:$0x3], $0x80, v4, vm0, $0xb8;
	[tilespmem:$0x10400] =	vst v63  }
0x74: {  	s13 =	simm.s32 $0x2400  }
0x75: {  	[hbm4b:s4+s3] =	stream.indirect_vreg.scatter [tilespmem:s13], [sflag:$0x3], $0x80, v3, vm0, $0xb8;
	[tilespmem:$0x10400] =	vst v63  }
0x76: {  	s20 =	simm.s32 $0x2C00  }
0x77: {  	[hbm4b:s8+s3] =	stream.indirect_vreg.scatter [tilespmem:s20], [sflag:$0x3], $0x80, v3, vm0, $0xb8;
	[tilespmem:$0x10400] =	vst v63  }
0x78: {  	s15 =	simm.s32 $0x3400  }
0x79: {  	[hbm4b:s9+s3] =	stream.indirect_vreg.scatter [tilespmem:s15], [sflag:$0x3], $0x80, v3, vm0, $0xb8;
	[tilespmem:$0x10400] =	vst v63  }
0x7a: {  	s22 =	simm.s32 $0x3C00  }
0x7b: {  	[hbm4b:s10+s3] =	stream.indirect_vreg.scatter [tilespmem:s22], [sflag:$0x3], $0x80, v3, vm0, $0xb8;
	[tilespmem:$0x10400] =	vst v63  }
0x7c: {  	v3 =	vld [tilespmem:$0x10];
	_ =	sdelay $0x4  }
0x7d: {  	v51 =	vshll.u32 v3, $0x3  }
0x7e: {  	v3 =	vand.u32 $0x7, v3;
	v4 =	vand.u32 $0xFFFFFFC0, v51  }
0x7f: {  	v3 =	vor.u32 v3, v4  }
0x80: {  	v4 =	vperm.xlane v3, v0;
	_ =	sdelay $0x1  }
0x81: {  	v4 =	vadd.s32 v1, v4;
	_ =	sdelay $0x3  }
0x82: {  	s21 =	simm.s32 $0x4400  }
0x83: {  	[hbm4b:s4+s3] =	stream.indirect_vreg.scatter [tilespmem:s21], [sflag:$0x3], $0x80, v4, vm0, $0xb8;
	[tilespmem:$0x10400] =	vst v63  }
0x84: {  	s24 =	simm.s32 $0x4C00;
	v3 =	vperm.xlane v3, v2  }
0x85: {  	[hbm4b:s8+s3] =	stream.indirect_vreg.scatter [tilespmem:s24], [sflag:$0x3], $0x80, v4, vm0, $0xb8;
	[tilespmem:$0x10400] =	vst v63  }
0x86: {  	s14 =	simm.s32 $0x5400;
	v3 =	vadd.s32 v1, v3  }
0x87: {  	[hbm4b:s9+s3] =	stream.indirect_vreg.scatter [tilespmem:s14], [sflag:$0x3], $0x80, v4, vm0, $0xb8;
	[tilespmem:$0x10400] =	vst v63  }
0x88: {  	s11 =	simm.s32 $0x5C00  }
0x89: {  	[hbm4b:s10+s3] =	stream.indirect_vreg.scatter [tilespmem:s11], [sflag:$0x3], $0x80, v4, vm0, $0xb8;
	[tilespmem:$0x10400] =	vst v63  }
0x8a: {  	s17 =	simm.s32 $0x6400  }
0x8b: {  	[hbm4b:s4+s3] =	stream.indirect_vreg.scatter [tilespmem:s17], [sflag:$0x3], $0x80, v3, vm0, $0xb8;
	[tilespmem:$0x10400] =	vst v63  }
0x8c: {  	s18 =	simm.s32 $0x6C00  }
0x8d: {  	[hbm4b:s8+s3] =	stream.indirect_vreg.scatter [tilespmem:s18], [sflag:$0x3], $0x80, v3, vm0, $0xb8;
	[tilespmem:$0x10400] =	vst v63  }
0x8e: {  	s19 =	simm.s32 $0x7400  }
0x8f: {  	[hbm4b:s9+s3] =	stream.indirect_vreg.scatter [tilespmem:s19], [sflag:$0x3], $0x80, v3, vm0, $0xb8;
	[tilespmem:$0x10400] =	vst v63  }
0x90: {  	s29 =	simm.s32 $0x7C00  }
0x91: {  	[hbm4b:s10+s3] =	stream.indirect_vreg.scatter [tilespmem:s29], [sflag:$0x3], $0x80, v3, vm0, $0xb8;
	[tilespmem:$0x10400] =	vst v63  }
0x92: {  	v3 =	vld [tilespmem:$0x280];
	_ =	sdelay $0x4  }
0x93: {  	v52 =	vshll.u32 v3, $0x3  }
0x94: {  	v3 =	vand.u32 $0x7, v3;
	v4 =	vand.u32 $0xFFFFFFC0, v52  }
0x95: {  	v3 =	vor.u32 v3, v4  }
0x96: {  	v4 =	vperm.xlane v3, v0;
	_ =	sdelay $0x1  }
0x97: {  	v4 =	vadd.s32 v1, v4;
	_ =	sdelay $0x3  }
0x98: {  	s21 =	simm.s32 $0x8400  }
0x99: {  	[tilespmem:s21], [sflag:$0x2] =	stream.indirect_vreg.gather [hbm4b:s2+s3], $0x80, v4, vm0, $0xb8;
	[tilespmem:$0x10400] =	vst v63  }
0x9a: {  	s22 =	simm.s32 $0x8C00;
	v3 =	vperm.xlane v3, v2  }
0x9b: {  	[tilespmem:s22], [sflag:$0x2] =	stream.indirect_vreg.gather [hbm4b:s5+s3], $0x80, v4, vm0, $0xb8;
	[tilespmem:$0x10400] =	vst v63  }
0x9c: {  	s24 =	simm.s32 $0x9400;
	v3 =	vadd.s32 v1, v3  }
0x9d: {  	[tilespmem:s24], [sflag:$0x2] =	stream.indirect_vreg.gather [hbm4b:s6+s3], $0x80, v4, vm0, $0xb8;
	[tilespmem:$0x10400] =	vst v63  }
0x9e: {  	s25 =	simm.s32 $0x9C00  }
0x9f: {  	[tilespmem:s25], [sflag:$0x2] =	stream.indirect_vreg.gather [hbm4b:s7+s3], $0x80, v4, vm0, $0xb8;
	[tilespmem:$0x10400] =	vst v63  }
0xa0: {  	s28 =	simm.s32 $0xA400  }
0xa1: {  	[tilespmem:s28], [sflag:$0x2] =	stream.indirect_vreg.gather [hbm4b:s2+s3], $0x80, v3, vm0, $0xb8;
	[tilespmem:$0x10400] =	vst v63  }
0xa2: {  	s29 =	simm.s32 $0xAC00  }
0xa3: {  	[tilespmem:s29], [sflag:$0x2] =	stream.indirect_vreg.gather [hbm4b:s5+s3], $0x80, v3, vm0, $0xb8;
	[tilespmem:$0x10400] =	vst v63  }
0xa4: {  	s11 =	simm.s32 $0xB400  }
0xa5: {  	[tilespmem:s11], [sflag:$0x2] =	stream.indirect_vreg.gather [hbm4b:s6+s3], $0x80, v3, vm0, $0xb8;
	[tilespmem:$0x10400] =	vst v63  }
0xa6: {  	s13 =	simm.s32 $0xBC00  }
0xa7: {  	[tilespmem:s13], [sflag:$0x2] =	stream.indirect_vreg.gather [hbm4b:s7+s3], $0x80, v3, vm0, $0xb8;
	[tilespmem:$0x10400] =	vst v63  }
0xa8: {  	v3 =	vld [tilespmem:$0x290];
	_ =	sdelay $0x4  }
0xa9: {  	v53 =	vshll.u32 v3, $0x3  }
0xaa: {  	v3 =	vand.u32 $0x7, v3;
	v4 =	vand.u32 $0xFFFFFFC0, v53  }
0xab: {  	v3 =	vor.u32 v3, v4  }
0xac: {  	v4 =	vperm.xlane v3, v0;
	_ =	sdelay $0x1  }
0xad: {  	v4 =	vadd.s32 v1, v4;
	_ =	sdelay $0x3  }
0xae: {  	s15 =	simm.s32 $0xC400  }
0xaf: {  	[tilespmem:s15], [sflag:$0x2] =	stream.indirect_vreg.gather [hbm4b:s2+s3], $0x80, v4, vm0, $0xb8;
	[tilespmem:$0x10400] =	vst v63  }
0xb0: {  	s16 =	simm.s32 $0xCC00;
	v3 =	vperm.xlane v3, v2  }
0xb1: {  	[tilespmem:s16], [sflag:$0x2] =	stream.indirect_vreg.gather [hbm4b:s5+s3], $0x80, v4, vm0, $0xb8;
	[tilespmem:$0x10400] =	vst v63  }
0xb2: {  	s17 =	simm.s32 $0xD400;
	v3 =	vadd.s32 v1, v3  }
0xb3: {  	[tilespmem:s17], [sflag:$0x2] =	stream.indirect_vreg.gather [hbm4b:s6+s3], $0x80, v4, vm0, $0xb8;
	[tilespmem:$0x10400] =	vst v63  }
0xb4: {  	s18 =	simm.s32 $0xDC00  }
0xb5: {  	[tilespmem:s18], [sflag:$0x2] =	stream.indirect_vreg.gather [hbm4b:s7+s3], $0x80, v4, vm0, $0xb8;
	[tilespmem:$0x10400] =	vst v63  }
0xb6: {  	s19 =	simm.s32 $0xE400  }
0xb7: {  	[tilespmem:s19], [sflag:$0x2] =	stream.indirect_vreg.gather [hbm4b:s2+s3], $0x80, v3, vm0, $0xb8;
	[tilespmem:$0x10400] =	vst v63  }
0xb8: {  	s22 =	simm.s32 $0xEC00  }
0xb9: {  	[tilespmem:s22], [sflag:$0x2] =	stream.indirect_vreg.gather [hbm4b:s5+s3], $0x80, v3, vm0, $0xb8;
	[tilespmem:$0x10400] =	vst v63  }
0xba: {  	s16 =	simm.s32 $0xF400  }
0xbb: {  	[tilespmem:s16], [sflag:$0x2] =	stream.indirect_vreg.gather [hbm4b:s6+s3], $0x80, v3, vm0, $0xb8;
	[tilespmem:$0x10400] =	vst v63  }
0xbc: {  	s0 =	simm.s32 $0x2;
	s22 =	simm.s32 $0xFC00  }
0xbd: {  	[tilespmem:s22], [sflag:$0x2] =	stream.indirect_vreg.gather [hbm4b:s7+s3], $0x80, v3, vm0, $0xb8;
	[tilespmem:$0x10400] =	vst v63  }
0xbe: {  	_ =	swait.ge [sflag:s0], $0x8000  }
0xbf: {  	[sflag:s0] =	ssyncset.done $0x0  }
0xc0: {  	[sflag:s0] =	ssyncadd.s32 $0xFFFF8000  }
0xc1: {  	v3 =	vld [tilespmem:$0x80];
	_ =	sdelay $0x4  }
0xc2: {  	v54 =	vshll.u32 v3, $0x3  }
0xc3: {  	v3 =	vand.u32 $0x7, v3;
	v4 =	vand.u32 $0xFFFFFFC0, v54  }
0xc4: {  	v3 =	vor.u32 v3, v4  }
0xc5: {  	v4 =	vperm.xlane v3, v0;
	_ =	sdelay $0x1  }
0xc6: {  	v4 =	vadd.s32 v1, v4;
	_ =	sdelay $0x3  }
0xc7: {  	s14 =	simm.s32 $0x8400  }
0xc8: {  	[hbm4b:s4+s3] =	stream.indirect_vreg.scatter [tilespmem:s14], [sflag:$0x4], $0x80, v4, vm0, $0xb8;
	[tilespmem:$0x10400] =	vst v63  }
0xc9: {  	s1 =	simm.s32 $0x8C00;
	v3 =	vperm.xlane v3, v2  }
0xca: {  	[hbm4b:s8+s3] =	stream.indirect_vreg.scatter [tilespmem:s1], [sflag:$0x4], $0x80, v4, vm0, $0xb8;
	[tilespmem:$0x10400] =	vst v63  }
0xcb: {  	s21 =	simm.s32 $0x9400;
	v3 =	vadd.s32 v1, v3  }
0xcc: {  	[hbm4b:s9+s3] =	stream.indirect_vreg.scatter [tilespmem:s21], [sflag:$0x4], $0x80, v4, vm0, $0xb8;
	[tilespmem:$0x10400] =	vst v63  }
0xcd: {  	s24 =	simm.s32 $0x9C00  }
0xce: {  	[hbm4b:s10+s3] =	stream.indirect_vreg.scatter [tilespmem:s24], [sflag:$0x4], $0x80, v4, vm0, $0xb8;
	[tilespmem:$0x10400] =	vst v63  }
0xcf: {  	s20 =	simm.s32 $0xA400  }
0xd0: {  	[hbm4b:s4+s3] =	stream.indirect_vreg.scatter [tilespmem:s20], [sflag:$0x4], $0x80, v3, vm0, $0xb8;
	[tilespmem:$0x10400] =	vst v63  }
0xd1: {  	s25 =	simm.s32 $0xAC00  }
0xd2: {  	[hbm4b:s8+s3] =	stream.indirect_vreg.scatter [tilespmem:s25], [sflag:$0x4], $0x80, v3, vm0, $0xb8;
	[tilespmem:$0x10400] =	vst v63  }
0xd3: {  	s29 =	simm.s32 $0xB400  }
0xd4: {  	[hbm4b:s9+s3] =	stream.indirect_vreg.scatter [tilespmem:s29], [sflag:$0x4], $0x80, v3, vm0, $0xb8;
	[tilespmem:$0x10400] =	vst v63  }
0xd5: {  	s13 =	simm.s32 $0xBC00  }
0xd6: {  	[hbm4b:s10+s3] =	stream.indirect_vreg.scatter [tilespmem:s13], [sflag:$0x4], $0x80, v3, vm0, $0xb8;
	[tilespmem:$0x10400] =	vst v63  }
0xd7: {  	v3 =	vld [tilespmem:$0x90];
	_ =	sdelay $0x4  }
0xd8: {  	v55 =	vshll.u32 v3, $0x3  }
0xd9: {  	v3 =	vand.u32 $0x7, v3;
	v4 =	vand.u32 $0xFFFFFFC0, v55  }
0xda: {  	v3 =	vor.u32 v3, v4  }
0xdb: {  	v4 =	vperm.xlane v3, v0;
	_ =	sdelay $0x1  }
0xdc: {  	v4 =	vadd.s32 v1, v4;
	_ =	sdelay $0x3  }
0xdd: {  	s28 =	simm.s32 $0xC400  }
0xde: {  	[hbm4b:s4+s3] =	stream.indirect_vreg.scatter [tilespmem:s28], [sflag:$0x4], $0x80, v4, vm0, $0xb8;
	[tilespmem:$0x10400] =	vst v63  }
0xdf: {  	s15 =	simm.s32 $0xCC00;
	v3 =	vperm.xlane v3, v2  }
0xe0: {  	[hbm4b:s8+s3] =	stream.indirect_vreg.scatter [tilespmem:s15], [sflag:$0x4], $0x80, v4, vm0, $0xb8;
	[tilespmem:$0x10400] =	vst v63  }
0xe1: {  	s11 =	simm.s32 $0xD400;
	v3 =	vadd.s32 v1, v3  }
0xe2: {  	[hbm4b:s9+s3] =	stream.indirect_vreg.scatter [tilespmem:s11], [sflag:$0x4], $0x80, v4, vm0, $0xb8;
	[tilespmem:$0x10400] =	vst v63  }
0xe3: {  	s17 =	simm.s32 $0xDC00  }
0xe4: {  	[hbm4b:s10+s3] =	stream.indirect_vreg.scatter [tilespmem:s17], [sflag:$0x4], $0x80, v4, vm0, $0xb8;
	[tilespmem:$0x10400] =	vst v63  }
0xe5: {  	s18 =	simm.s32 $0xE400  }
0xe6: {  	[hbm4b:s4+s3] =	stream.indirect_vreg.scatter [tilespmem:s18], [sflag:$0x4], $0x80, v3, vm0, $0xb8;
	[tilespmem:$0x10400] =	vst v63  }
0xe7: {  	s19 =	simm.s32 $0xEC00  }
0xe8: {  	[hbm4b:s8+s3] =	stream.indirect_vreg.scatter [tilespmem:s19], [sflag:$0x4], $0x80, v3, vm0, $0xb8;
	[tilespmem:$0x10400] =	vst v63  }
0xe9: {  	s16 =	simm.s32 $0xF400  }
0xea: {  	[hbm4b:s9+s3] =	stream.indirect_vreg.scatter [tilespmem:s16], [sflag:$0x4], $0x80, v3, vm0, $0xb8;
	[tilespmem:$0x10400] =	vst v63  }
0xeb: {  	s22 =	simm.s32 $0xFC00;
	s1 =	simm.s32 $0x3  }
0xec: {  	[hbm4b:s10+s3] =	stream.indirect_vreg.scatter [tilespmem:s22], [sflag:$0x4], $0x80, v3, vm0, $0xb8;
	[tilespmem:$0x10400] =	vst v63  }
0xed: {  	_ =	swait.ge [sflag:s1], $0x8000  }
0xee: {  	[sflag:s1] =	ssyncset.done $0x0  }
0xef: {  	[sflag:s1] =	ssyncadd.s32 $0xFFFF8000  }
0xf0: {  	v3 =	vld [tilespmem:$0x300];
	_ =	sdelay $0x4  }
0xf1: {  	v56 =	vshll.u32 v3, $0x3  }
0xf2: {  	v3 =	vand.u32 $0x7, v3;
	v4 =	vand.u32 $0xFFFFFFC0, v56  }
0xf3: {  	v3 =	vor.u32 v3, v4  }
0xf4: {  	v4 =	vperm.xlane v3, v0;
	_ =	sdelay $0x1  }
0xf5: {  	v4 =	vadd.s32 v1, v4;
	_ =	sdelay $0x3  }
0xf6: {  	s28 =	simm.s32 $0x400  }
0xf7: {  	[tilespmem:s28], [sflag:$0x1] =	stream.indirect_vreg.gather [hbm4b:s2+s3], $0x80, v4, vm0, $0xb8;
	[tilespmem:$0x10400] =	vst v63  }
0xf8: {  	v3 =	vperm.xlane v3, v2  }
0xf9: {  	[tilespmem:s31], [sflag:$0x1] =	stream.indirect_vreg.gather [hbm4b:s5+s3], $0x80, v4, vm0, $0xb8;
	[tilespmem:$0x10400] =	vst v63  }
0xfa: {  	s13 =	simm.s32 $0x1400;
	v3 =	vadd.s32 v1, v3  }
0xfb: {  	[tilespmem:s13], [sflag:$0x1] =	stream.indirect_vreg.gather [hbm4b:s6+s3], $0x80, v4, vm0, $0xb8;
	[tilespmem:$0x10400] =	vst v63  }
0xfc: {  	_ = 	snop  }
0xfd: {  	[tilespmem:s30], [sflag:$0x1] =	stream.indirect_vreg.gather [hbm4b:s7+s3], $0x80, v4, vm0, $0xb8;
	[tilespmem:$0x10400] =	vst v63  }
0xfe: {  	s15 =	simm.s32 $0x2400  }
0xff: {  	[tilespmem:s15], [sflag:$0x1] =	stream.indirect_vreg.gather [hbm4b:s2+s3], $0x80, v3, vm0, $0xb8;
	[tilespmem:$0x10400] =	vst v63  }
0x100: {  	s22 =	simm.s32 $0x2C00  }
0x101: {  	[tilespmem:s22], [sflag:$0x1] =	stream.indirect_vreg.gather [hbm4b:s5+s3], $0x80, v3, vm0, $0xb8;
	[tilespmem:$0x10400] =	vst v63  }
0x102: {  	s29 =	simm.s32 $0x3400  }
0x103: {  	[tilespmem:s29], [sflag:$0x1] =	stream.indirect_vreg.gather [hbm4b:s6+s3], $0x80, v3, vm0, $0xb8;
	[tilespmem:$0x10400] =	vst v63  }
0x104: {  	s14 =	simm.s32 $0x3C00  }
0x105: {  	[tilespmem:s14], [sflag:$0x1] =	stream.indirect_vreg.gather [hbm4b:s7+s3], $0x80, v3, vm0, $0xb8;
	[tilespmem:$0x10400] =	vst v63  }
0x106: {  	v3 =	vld [tilespmem:$0x310];
	_ =	sdelay $0x4  }
0x107: {  	v57 =	vshll.u32 v3, $0x3  }
0x108: {  	v3 =	vand.u32 $0x7, v3;
	v4 =	vand.u32 $0xFFFFFFC0, v57  }
0x109: {  	v3 =	vor.u32 v3, v4  }
0x10a: {  	v4 =	vperm.xlane v3, v0;
	_ =	sdelay $0x1  }
0x10b: {  	v4 =	vadd.s32 v1, v4;
	_ =	sdelay $0x3  }
0x10c: {  	s16 =	simm.s32 $0x4400  }
0x10d: {  	[tilespmem:s16], [sflag:$0x1] =	stream.indirect_vreg.gather [hbm4b:s2+s3], $0x80, v4, vm0, $0xb8;
	[tilespmem:$0x10400] =	vst v63  }
0x10e: {  	s21 =	simm.s32 $0x4C00;
	v3 =	vperm.xlane v3, v2  }
0x10f: {  	[tilespmem:s21], [sflag:$0x1] =	stream.indirect_vreg.gather [hbm4b:s5+s3], $0x80, v4, vm0, $0xb8;
	[tilespmem:$0x10400] =	vst v63  }
0x110: {  	s11 =	simm.s32 $0x5400;
	v3 =	vadd.s32 v1, v3  }
0x111: {  	[tilespmem:s11], [sflag:$0x1] =	stream.indirect_vreg.gather [hbm4b:s6+s3], $0x80, v4, vm0, $0xb8;
	[tilespmem:$0x10400] =	vst v63  }
0x112: {  	s17 =	simm.s32 $0x5C00  }
0x113: {  	[tilespmem:s17], [sflag:$0x1] =	stream.indirect_vreg.gather [hbm4b:s7+s3], $0x80, v4, vm0, $0xb8;
	[tilespmem:$0x10400] =	vst v63  }
0x114: {  	s18 =	simm.s32 $0x6400  }
0x115: {  	[tilespmem:s18], [sflag:$0x1] =	stream.indirect_vreg.gather [hbm4b:s2+s3], $0x80, v3, vm0, $0xb8;
	[tilespmem:$0x10400] =	vst v63  }
0x116: {  	s19 =	simm.s32 $0x6C00  }
0x117: {  	[tilespmem:s19], [sflag:$0x1] =	stream.indirect_vreg.gather [hbm4b:s5+s3], $0x80, v3, vm0, $0xb8;
	[tilespmem:$0x10400] =	vst v63  }
0x118: {  	s20 =	simm.s32 $0x7400  }
0x119: {  	[tilespmem:s20], [sflag:$0x1] =	stream.indirect_vreg.gather [hbm4b:s6+s3], $0x80, v3, vm0, $0xb8;
	[tilespmem:$0x10400] =	vst v63  }
0x11a: {  	s25 =	simm.s32 $0x7C00  }
0x11b: {  	[tilespmem:s25], [sflag:$0x1] =	stream.indirect_vreg.gather [hbm4b:s7+s3], $0x80, v3, vm0, $0xb8;
	[tilespmem:$0x10400] =	vst v63  }
0x11c: {  	_ =	swait.ge [sflag:s26], $0x8000  }
0x11d: {  	[sflag:s26] =	ssyncset.done $0x0  }
0x11e: {  	[sflag:s26] =	ssyncadd.s32 $0xFFFF8000  }
0x11f: {  	v3 =	vld [tilespmem:$0x100];
	_ =	sdelay $0x4  }
0x120: {  	v58 =	vshll.u32 v3, $0x3  }
0x121: {  	v3 =	vand.u32 $0x7, v3;
	v4 =	vand.u32 $0xFFFFFFC0, v58  }
0x122: {  	v3 =	vor.u32 v3, v4  }
0x123: {  	v4 =	vperm.xlane v3, v0;
	_ =	sdelay $0x1  }
0x124: {  	v4 =	vadd.s32 v1, v4;
	_ =	sdelay $0x4  }
0x125: {  	[hbm4b:s4+s3] =	stream.indirect_vreg.scatter [tilespmem:s28], [sflag:$0x3], $0x80, v4, vm0, $0xb8;
	[tilespmem:$0x10400] =	vst v63  }
0x126: {  	v3 =	vperm.xlane v3, v2  }
0x127: {  	[hbm4b:s8+s3] =	stream.indirect_vreg.scatter [tilespmem:s31], [sflag:$0x3], $0x80, v4, vm0, $0xb8;
	[tilespmem:$0x10400] =	vst v63  }
0x128: {  	v3 =	vadd.s32 v1, v3  }
0x129: {  	[hbm4b:s9+s3] =	stream.indirect_vreg.scatter [tilespmem:s13], [sflag:$0x3], $0x80, v4, vm0, $0xb8;
	[tilespmem:$0x10400] =	vst v63  }
0x12a: {  	_ = 	snop  }
0x12b: {  	[hbm4b:s10+s3] =	stream.indirect_vreg.scatter [tilespmem:s30], [sflag:$0x3], $0x80, v4, vm0, $0xb8;
	[tilespmem:$0x10400] =	vst v63  }
0x12c: {  	_ = 	snop  }
0x12d: {  	[hbm4b:s4+s3] =	stream.indirect_vreg.scatter [tilespmem:s15], [sflag:$0x3], $0x80, v3, vm0, $0xb8;
	[tilespmem:$0x10400] =	vst v63  }
0x12e: {  	_ = 	snop  }
0x12f: {  	[hbm4b:s8+s3] =	stream.indirect_vreg.scatter [tilespmem:s22], [sflag:$0x3], $0x80, v3, vm0, $0xb8;
	[tilespmem:$0x10400] =	vst v63  }
0x130: {  	_ = 	snop  }
0x131: {  	[hbm4b:s9+s3] =	stream.indirect_vreg.scatter [tilespmem:s29], [sflag:$0x3], $0x80, v3, vm0, $0xb8;
	[tilespmem:$0x10400] =	vst v63  }
0x132: {  	_ = 	snop  }
0x133: {  	[hbm4b:s10+s3] =	stream.indirect_vreg.scatter [tilespmem:s14], [sflag:$0x3], $0x80, v3, vm0, $0xb8;
	[tilespmem:$0x10400] =	vst v63  }
0x134: {  	v3 =	vld [tilespmem:$0x110];
	_ =	sdelay $0x4  }
0x135: {  	v59 =	vshll.u32 v3, $0x3  }
0x136: {  	v3 =	vand.u32 $0x7, v3;
	v4 =	vand.u32 $0xFFFFFFC0, v59  }
0x137: {  	v3 =	vor.u32 v3, v4  }
0x138: {  	v4 =	vperm.xlane v3, v0;
	_ =	sdelay $0x1  }
0x139: {  	v4 =	vadd.s32 v1, v4;
	_ =	sdelay $0x4  }
0x13a: {  	[hbm4b:s4+s3] =	stream.indirect_vreg.scatter [tilespmem:s16], [sflag:$0x3], $0x80, v4, vm0, $0xb8;
	[tilespmem:$0x10400] =	vst v63  }
0x13b: {  	v3 =	vperm.xlane v3, v2  }
0x13c: {  	[hbm4b:s8+s3] =	stream.indirect_vreg.scatter [tilespmem:s21], [sflag:$0x3], $0x80, v4, vm0, $0xb8;
	[tilespmem:$0x10400] =	vst v63  }
0x13d: {  	v3 =	vadd.s32 v1, v3  }
0x13e: {  	[hbm4b:s9+s3] =	stream.indirect_vreg.scatter [tilespmem:s11], [sflag:$0x3], $0x80, v4, vm0, $0xb8;
	[tilespmem:$0x10400] =	vst v63  }
0x13f: {  	_ = 	snop  }
0x140: {  	[hbm4b:s10+s3] =	stream.indirect_vreg.scatter [tilespmem:s17], [sflag:$0x3], $0x80, v4, vm0, $0xb8;
	[tilespmem:$0x10400] =	vst v63  }
0x141: {  	_ = 	snop  }
0x142: {  	[hbm4b:s4+s3] =	stream.indirect_vreg.scatter [tilespmem:s18], [sflag:$0x3], $0x80, v3, vm0, $0xb8;
	[tilespmem:$0x10400] =	vst v63  }
0x143: {  	_ = 	snop  }
0x144: {  	[hbm4b:s8+s3] =	stream.indirect_vreg.scatter [tilespmem:s19], [sflag:$0x3], $0x80, v3, vm0, $0xb8;
	[tilespmem:$0x10400] =	vst v63  }
0x145: {  	_ = 	snop  }
0x146: {  	[hbm4b:s9+s3] =	stream.indirect_vreg.scatter [tilespmem:s20], [sflag:$0x3], $0x80, v3, vm0, $0xb8;
	[tilespmem:$0x10400] =	vst v63  }
0x147: {  	s13 =	simm.s32 $0x4  }
0x148: {  	[hbm4b:s10+s3] =	stream.indirect_vreg.scatter [tilespmem:s25], [sflag:$0x3], $0x80, v3, vm0, $0xb8;
	[tilespmem:$0x10400] =	vst v63  }
0x149: {  	_ =	swait.ge [sflag:s13], $0x8000  }
0x14a: {  	[sflag:s13] =	ssyncset.done $0x0  }
0x14b: {  	[sflag:s13] =	ssyncadd.s32 $0xFFFF8000  }
0x14c: {  	v3 =	vld [tilespmem:$0x380];
	_ =	sdelay $0x4  }
0x14d: {  	v60 =	vshll.u32 v3, $0x3  }
0x14e: {  	v3 =	vand.u32 $0x7, v3;
	v4 =	vand.u32 $0xFFFFFFC0, v60  }
0x14f: {  	v3 =	vor.u32 v3, v4  }
0x150: {  	v4 =	vperm.xlane v3, v0;
	_ =	sdelay $0x1  }
0x151: {  	v4 =	vadd.s32 v1, v4;
	_ =	sdelay $0x3  }
0x152: {  	s30 =	simm.s32 $0x8400  }
0x153: {  	[tilespmem:s30], [sflag:$0x2] =	stream.indirect_vreg.gather [hbm4b:s2+s3], $0x80, v4, vm0, $0xb8;
	[tilespmem:$0x10400] =	vst v63  }
0x154: {  	s29 =	simm.s32 $0x8C00;
	v3 =	vperm.xlane v3, v2  }
0x155: {  	[tilespmem:s29], [sflag:$0x2] =	stream.indirect_vreg.gather [hbm4b:s5+s3], $0x80, v4, vm0, $0xb8;
	[tilespmem:$0x10400] =	vst v63  }
0x156: {  	s15 =	simm.s32 $0x9400;
	v3 =	vadd.s32 v1, v3  }
0x157: {  	[tilespmem:s15], [sflag:$0x2] =	stream.indirect_vreg.gather [hbm4b:s6+s3], $0x80, v4, vm0, $0xb8;
	[tilespmem:$0x10400] =	vst v63  }
0x158: {  	s22 =	simm.s32 $0x9C00  }
0x159: {  	[tilespmem:s22], [sflag:$0x2] =	stream.indirect_vreg.gather [hbm4b:s7+s3], $0x80, v4, vm0, $0xb8;
	[tilespmem:$0x10400] =	vst v63  }
0x15a: {  	s26 =	simm.s32 $0xA400  }
0x15b: {  	[tilespmem:s26], [sflag:$0x2] =	stream.indirect_vreg.gather [hbm4b:s2+s3], $0x80, v3, vm0, $0xb8;
	[tilespmem:$0x10400] =	vst v63  }
0x15c: {  	s25 =	simm.s32 $0xAC00  }
0x15d: {  	[tilespmem:s25], [sflag:$0x2] =	stream.indirect_vreg.gather [hbm4b:s5+s3], $0x80, v3, vm0, $0xb8;
	[tilespmem:$0x10400] =	vst v63  }
0x15e: {  	s20 =	simm.s32 $0xB400  }
0x15f: {  	[tilespmem:s20], [sflag:$0x2] =	stream.indirect_vreg.gather [hbm4b:s6+s3], $0x80, v3, vm0, $0xb8;
	[tilespmem:$0x10400] =	vst v63  }
0x160: {  	s21 =	simm.s32 $0xBC00  }
0x161: {  	[tilespmem:s21], [sflag:$0x2] =	stream.indirect_vreg.gather [hbm4b:s7+s3], $0x80, v3, vm0, $0xb8;
	[tilespmem:$0x10400] =	vst v63  }
0x162: {  	v3 =	vld [tilespmem:$0x390];
	_ =	sdelay $0x4  }
0x163: {  	v61 =	vshll.u32 v3, $0x3  }
0x164: {  	v3 =	vand.u32 $0x7, v3;
	v4 =	vand.u32 $0xFFFFFFC0, v61  }
0x165: {  	v3 =	vor.u32 v3, v4  }
0x166: {  	v4 =	vperm.xlane v3, v0;
	_ =	sdelay $0x1  }
0x167: {  	v4 =	vadd.s32 v1, v4;
	_ =	sdelay $0x3  }
0x168: {  	s24 =	simm.s32 $0xC400  }
0x169: {  	[tilespmem:s24], [sflag:$0x2] =	stream.indirect_vreg.gather [hbm4b:s2+s3], $0x80, v4, vm0, $0xb8;
	[tilespmem:$0x10400] =	vst v63  }
0x16a: {  	s14 =	simm.s32 $0xCC00;
	v3 =	vperm.xlane v3, v2  }
0x16b: {  	[tilespmem:s14], [sflag:$0x2] =	stream.indirect_vreg.gather [hbm4b:s5+s3], $0x80, v4, vm0, $0xb8;
	[tilespmem:$0x10400] =	vst v63  }
0x16c: {  	s11 =	simm.s32 $0xD400;
	v3 =	vadd.s32 v1, v3  }
0x16d: {  	[tilespmem:s11], [sflag:$0x2] =	stream.indirect_vreg.gather [hbm4b:s6+s3], $0x80, v4, vm0, $0xb8;
	[tilespmem:$0x10400] =	vst v63  }
0x16e: {  	s17 =	simm.s32 $0xDC00  }
0x16f: {  	[tilespmem:s17], [sflag:$0x2] =	stream.indirect_vreg.gather [hbm4b:s7+s3], $0x80, v4, vm0, $0xb8;
	[tilespmem:$0x10400] =	vst v63  }
0x170: {  	s18 =	simm.s32 $0xE400  }
0x171: {  	[tilespmem:s18], [sflag:$0x2] =	stream.indirect_vreg.gather [hbm4b:s2+s3], $0x80, v3, vm0, $0xb8;
	[tilespmem:$0x10400] =	vst v63  }
0x172: {  	s16 =	simm.s32 $0xEC00  }
0x173: {  	[tilespmem:s16], [sflag:$0x2] =	stream.indirect_vreg.gather [hbm4b:s5+s3], $0x80, v3, vm0, $0xb8;
	[tilespmem:$0x10400] =	vst v63  }
0x174: {  	s19 =	simm.s32 $0xF400  }
0x175: {  	[tilespmem:s19], [sflag:$0x2] =	stream.indirect_vreg.gather [hbm4b:s6+s3], $0x80, v3, vm0, $0xb8;
	[tilespmem:$0x10400] =	vst v63  }
0x176: {  	s31 =	simm.s32 $0xFC00  }
0x177: {  	[tilespmem:s31], [sflag:$0x2] =	stream.indirect_vreg.gather [hbm4b:s7+s3], $0x80, v3, vm0, $0xb8;
	[tilespmem:$0x10400] =	vst v63  }
0x178: {  	_ =	swait.ge [sflag:s0], $0x8000  }
0x179: {  	[sflag:s0] =	ssyncset.done $0x0  }
0x17a: {  	[sflag:s0] =	ssyncadd.s32 $0xFFFF8000  }
0x17b: {  	v3 =	vld [tilespmem:$0x180];
	_ =	sdelay $0x4  }
0x17c: {  	v62 =	vshll.u32 v3, $0x3  }
0x17d: {  	v3 =	vand.u32 $0x7, v3;
	v4 =	vand.u32 $0xFFFFFFC0, v62  }
0x17e: {  	v3 =	vor.u32 v3, v4  }
0x17f: {  	v4 =	vperm.xlane v3, v0;
	_ =	sdelay $0x1  }
0x180: {  	v4 =	vadd.s32 v1, v4;
	_ =	sdelay $0x4  }
0x181: {  	[hbm4b:s4+s3] =	stream.indirect_vreg.scatter [tilespmem:s30], [sflag:$0x4], $0x80, v4, vm0, $0xb8;
	[tilespmem:$0x10400] =	vst v63  }
0x182: {  	v3 =	vperm.xlane v3, v2  }
0x183: {  	[hbm4b:s8+s3] =	stream.indirect_vreg.scatter [tilespmem:s29], [sflag:$0x4], $0x80, v4, vm0, $0xb8;
	[tilespmem:$0x10400] =	vst v63  }
0x184: {  	v3 =	vadd.s32 v1, v3  }
0x185: {  	[hbm4b:s9+s3] =	stream.indirect_vreg.scatter [tilespmem:s15], [sflag:$0x4], $0x80, v4, vm0, $0xb8;
	[tilespmem:$0x10400] =	vst v63  }
0x186: {  	_ = 	snop  }
0x187: {  	[hbm4b:s10+s3] =	stream.indirect_vreg.scatter [tilespmem:s22], [sflag:$0x4], $0x80, v4, vm0, $0xb8;
	[tilespmem:$0x10400] =	vst v63  }
0x188: {  	_ = 	snop  }
0x189: {  	[hbm4b:s4+s3] =	stream.indirect_vreg.scatter [tilespmem:s26], [sflag:$0x4], $0x80, v3, vm0, $0xb8;
	[tilespmem:$0x10400] =	vst v63  }
0x18a: {  	_ = 	snop  }
0x18b: {  	[hbm4b:s8+s3] =	stream.indirect_vreg.scatter [tilespmem:s25], [sflag:$0x4], $0x80, v3, vm0, $0xb8;
	[tilespmem:$0x10400] =	vst v63  }
0x18c: {  	_ = 	snop  }
0x18d: {  	[hbm4b:s9+s3] =	stream.indirect_vreg.scatter [tilespmem:s20], [sflag:$0x4], $0x80, v3, vm0, $0xb8;
	[tilespmem:$0x10400] =	vst v63  }
0x18e: {  	_ = 	snop  }
0x18f: {  	[hbm4b:s10+s3] =	stream.indirect_vreg.scatter [tilespmem:s21], [sflag:$0x4], $0x80, v3, vm0, $0xb8;
	[tilespmem:$0x10400] =	vst v63  }
0x190: {  	v3 =	vld [tilespmem:$0x190];
	_ =	sdelay $0x4  }
0x191: {  	v63 =	vshll.u32 v3, $0x3  }
0x192: {  	v3 =	vand.u32 $0x7, v3;
	v4 =	vand.u32 $0xFFFFFFC0, v63  }
0x193: {  	v3 =	vor.u32 v3, v4  }
0x194: {  	v4 =	vperm.xlane v3, v0;
	_ =	sdelay $0x1  }
0x195: {  	v4 =	vadd.s32 v1, v4;
	_ =	sdelay $0x4  }
0x196: {  	[hbm4b:s4+s3] =	stream.indirect_vreg.scatter [tilespmem:s24], [sflag:$0x4], $0x80, v4, vm0, $0xb8;
	[tilespmem:$0x10400] =	vst v63  }
0x197: {  	v3 =	vperm.xlane v3, v2  }
0x198: {  	[hbm4b:s8+s3] =	stream.indirect_vreg.scatter [tilespmem:s14], [sflag:$0x4], $0x80, v4, vm0, $0xb8;
	[tilespmem:$0x10400] =	vst v63  }
0x199: {  	v3 =	vadd.s32 v1, v3  }
0x19a: {  	[hbm4b:s9+s3] =	stream.indirect_vreg.scatter [tilespmem:s11], [sflag:$0x4], $0x80, v4, vm0, $0xb8;
	[tilespmem:$0x10400] =	vst v63  }
0x19b: {  	_ = 	snop  }
0x19c: {  	[hbm4b:s10+s3] =	stream.indirect_vreg.scatter [tilespmem:s17], [sflag:$0x4], $0x80, v4, vm0, $0xb8;
	[tilespmem:$0x10400] =	vst v63  }
0x19d: {  	_ = 	snop  }
0x19e: {  	[hbm4b:s4+s3] =	stream.indirect_vreg.scatter [tilespmem:s18], [sflag:$0x4], $0x80, v3, vm0, $0xb8;
	[tilespmem:$0x10400] =	vst v63  }
0x19f: {  	_ = 	snop  }
0x1a0: {  	[hbm4b:s8+s3] =	stream.indirect_vreg.scatter [tilespmem:s16], [sflag:$0x4], $0x80, v3, vm0, $0xb8;
	[tilespmem:$0x10400] =	vst v63  }
0x1a1: {  	_ = 	snop  }
0x1a2: {  	[hbm4b:s9+s3] =	stream.indirect_vreg.scatter [tilespmem:s19], [sflag:$0x4], $0x80, v3, vm0, $0xb8;
	[tilespmem:$0x10400] =	vst v63  }
0x1a3: {  	_ = 	snop  }
0x1a4: {  	[hbm4b:s10+s3] =	stream.indirect_vreg.scatter [tilespmem:s31], [sflag:$0x4], $0x80, v3, vm0, $0xb8;
	[tilespmem:$0x10400] =	vst v63  }
0x1a5: {  	p0 =	sne.s32 s23, $0x1;
	_ =	swait.ge [sflag:s1], $0x8000  }
.Ltmp0:
0x1a6: {  	[sflag:s1] =	ssyncset.done $0x0;
	(pc) =	sbr.rel @p0 .LBB2_1-.Ltmp0, $4  }
0x1a7: {  	[sflag:s1] =	ssyncadd.s32 $0xFFFF8000  }
0x1a8: {  	_ =	swait.ge [sflag:s13], $0x8000  }
0x1a9: {  	[sflag:s13] =	ssyncset.done $0x0  }
0x1aa: {  	s23 =	sadd.s32 $0xFFFFFFFF, s23;
	[sflag:s13] =	ssyncadd.s32 $0xFFFF8000  }
0x1ab: {  	_ =	sfence.sel $0x180000  }
0x1ac: {  	[bflag:$0x0] =	sbarrier.arrive $0xFFFF  }
0x1ad: {  	_ =	strace $0x90000047  }
0x1ae: {  	s0 =	stileid.u32;
	[bflag:$0x2] =	sbarrier.arrive $0xFFFF  }
0x1af: {  	p0 =	sne.s32 s0, $0x0;
	s0 =	rddreg [dreg:$0x2]  }
0x1b0: {  	s0 =	sadd.s32 @!p0 $0x100000, s0  }
0x1b1: {  	[sflag:s0] =	ssyncadd.tile.s32 @!p0 $0x1;
	_ =	shalt  }
.Lfunc_end2:
_tile_overlayer_lowered:
.L_overlay_start_2:
0x1b2: {  	(tag) =	ssettag $0x2  }
0x1b3: {  	s0 =	rddreg [dreg:$0x0];
	s2 =	stileid.u32  }
0x1b4: {  	s1 =	rddreg [dreg:$0x1];
	p0 =	sne.s32 s2, $0x0  }
0x1b5: {  	s3 =	rddreg [dreg:$0x2];
	[bflag:$0x3] =	sbarrier.arrive $0xFFFF;
	s2 =	simm.s32 @!p0 $0x1C05  }
0x1b6: {  	[timem:s3], [sflag:s2] =	dma.local @!p0 [hbm:s0], s1  }
0x1b7: {  	s0 =	simm.s32 @!p0 $0x5  }
0x1b8: {  	_ =	swait.ge @!p0 [sflag:s0], s1  }
0x1b9: {  	s1 =	ssub.s32 @!p0 $0x0, s1;
	[sflag:s0] =	ssyncset.done @!p0 $0x0  }
0x1ba: {  	[sflag:s0] =	ssyncadd.s32 @!p0 s1  }
0x1bb: {  	[bflag:$0x3] =	sbarrier.arrive $0xFFFF  }
0x1bc: {  	_ =	shalt  }

// kernel: kernel.9.cloned.1.call-start
scs
__scs_entry_jumppad:
0x0: {  	(pc) =	sbr.rel $0x88, $3  }
0x1: {  	(tag) =	ssettag $0x0;
	lr =	simm.s32 $0x1  }
0x2: {  	[smem:$0x3F97] =	sst lr;
	_ =	strace $0xD0000000  }
0x3: {  	_ = 	snop  }
0x4: {  	_ = 	snop  }
0x5: {  	_ = 	snop  }
0x6: {  	_ = 	snop  }
0x7: {  	_ = 	snop  }
__scs_overlays_trampoline_lowered:
0x8: {  	[smem:$0x3FA6] =	sst s0  }
0x9: {  	[smem:$0x3FA7] =	sst s1  }
0xa: {  	[smem:$0x3FA8] =	sst s2  }
0xb: {  	[smem:$0x3FA9] =	sst s3  }
0xc: {  	[smem:$0x3FAA] =	sst s4  }
0xd: {  	[smem:$0x3FAB] =	sst s5  }
0xe: {  	[smem:$0x3FAC] =	sst s6  }
0xf: {  	[smem:$0x3FAD] =	sst s7  }
0x10: {  	[smem:$0x3FAE] =	sst s8  }
0x11: {  	[smem:$0x3FAF] =	sst s9;
	s0 =	simm.s32 @!p0 $0x0  }
0x12: {  	s1 =	sld [smem:$0x3F95];
	s0 =	simm.s32 @p0 $0x1  }
0x13: {  	[smem:$0x3FB0] =	sst s0;
	s0 =	simm.s32 @!p1 $0x0  }
0x14: {  	s2 =	sld [smem:$0x3F94];
	s0 =	simm.s32 @p1 $0x1  }
0x15: {  	[smem:$0x3FB1] =	sst s0;
	s0 =	simm.s32 @!p2 $0x0  }
0x16: {  	s3 =	sld [smem:$0x3FDB];
	s0 =	simm.s32 @p2 $0x1  }
0x17: {  	s4 =	simm.s32 $0x1BF5;
	[smem:$0x3FB3] =	sst s0  }
0x18: {  	s0 =	sld [smem:$0x3F96];
	_ =	swait.ge [sflag:s4], $0x0  }
0x19: {  	s7 =	sld [smem:$0x3F97]  }
0x1a: {  	s8 =	sadd.s32 $0xFFFFE003, lr  }
0x1b: {  	s9 =	sadd.s32 $0xFFFFFEF7, lr;
	s5 =	simm.s32 $0xFFFFFFFF;
	p2 =	slt.u32 s8, $0xFFFFF086  }
0x1c: {  	p1 =	slt.u32 s9, $0xF7A;
	s5 =	simm.s32 @!p2 $0x0  }
0x1d: {  	s5 =	simm.s32 @p1 $0x1;
	p0 =	seq.s32 s7, s2  }
0x1e: {  	s7 =	smul.u32 @!p0 $0xF7A, s2;
	p2 =	seq.s32 @!p0 s5, $0x0  }
0x1f: {  	s9 =	smul.u32 $0xF7A, s1;
	s8 =	simm.s32 @!p0 $0x1BF5;
	p2 =	por !p2, p0  }
0x20: {  	[sflag:s8] =	ssyncset.s32 @!p0 $0xFFFFF086;
	s6 =	sadd.s32 @!p0 s3, s7;
	s7 =	simm.s32 @!p0 $0x108  }
0x21: {  	s3 =	sadd.s32 s3, s9;
	s6 =	sadd.s32 @!p0 $0x88, s6;
	s7 =	simm.s32 @p2 $0x1082  }
0x22: {  	[simem:s7], [sflag:s8] =	dma.local @!p0 [hbm:s6], $0xF7A  }
0x23: {  	s9 =	sor.u32 $0xD0000000, s2;
	s6 =	simm.s32 $0x108;
	_ =	swait.ge @!p0 [sflag:s8], $0x0  }
0x24: {  	s3 =	sadd.s32 $0x88, s3;
	s6 =	simm.s32 @!p1 $0x1082;
	[sflag:s4] =	ssyncset.s32 $0xFFFFF086  }
0x25: {  	[simem:s6], [sflag:s4] =	dma.local [hbm:s3], $0xF7A  }
0x26: {  	[smem:$0x3F97] =	sst s1;
	(tag) =	ssettag s2;
	_ =	strace s9  }
0x27: {  	s1 =	sld [smem:$0x3FA7]  }
0x28: {  	s2 =	sld [smem:$0x3FA8]  }
0x29: {  	s4 =	sld [smem:$0x3FAA]  }
0x2a: {  	p0 =	seq.s32 s5, $0x0;
	s5 =	sld [smem:$0x3FAB]  }
0x2b: {  	s6 =	sld [smem:$0x3FAC]  }
0x2c: {  	s7 =	sld [smem:$0x3FAD]  }
0x2d: {  	s3 =	simm.s32 $0x108;
	s8 =	sld [smem:$0x3FAE]  }
0x2e: {  	s3 =	simm.s32 @!p0 $0x1082;
	s9 =	sld [smem:$0x3FAF]  }
0x2f: {  	lr =	sadd.s32 s0, s3;
	s0 =	sld [smem:$0x3FA6]  }
0x30: {  	s3 =	sld [smem:$0x3FA9]  }
0x31: {  	[smem:$0x3FB2] =	sst s10  }
0x32: {  	s10 =	sld [smem:$0x3FB0];
	_ =	sdelay $0x3  }
0x33: {  	p0 =	seq.s32 s10, $0x1;
	s10 =	sld [smem:$0x3FB2];
	_ =	sdelay $0x3  }
0x34: {  	[smem:$0x3FB2] =	sst s10  }
0x35: {  	s10 =	sld [smem:$0x3FB1];
	_ =	sdelay $0x3  }
0x36: {  	p1 =	seq.s32 s10, $0x1;
	s10 =	sld [smem:$0x3FB2];
	_ =	sdelay $0x3  }
0x37: {  	[smem:$0x3FB2] =	sst s10  }
0x38: {  	s10 =	sld [smem:$0x3FB3]  }
0x39: {  	_ = 	snop;
	(pc) =	sbr.ind lr, $3  }
0x3a: {  	_ = 	snop  }
0x3b: {  	_ = 	snop  }
0x3c: {  	p2 =	seq.s32 s10, $0x1;
	s10 =	sld [smem:$0x3FB2]  }
0x3d: {  	_ =	shalt  }
0x3e: {  	_ =	shalt  }
0x3f: {  	_ =	shalt  }
0x40: {  	_ =	shalt  }
0x41: {  	_ =	shalt  }
0x42: {  	_ =	shalt  }
0x43: {  	_ =	shalt  }
0x44: {  	_ =	shalt  }
0x45: {  	_ =	shalt  }
0x46: {  	_ =	shalt  }
0x47: {  	_ =	shalt  }
0x48: {  	_ =	shalt  }
0x49: {  	_ =	shalt  }
0x4a: {  	_ =	shalt  }
0x4b: {  	_ =	shalt  }
0x4c: {  	_ =	shalt  }
0x4d: {  	_ =	shalt  }
0x4e: {  	_ =	shalt  }
0x4f: {  	_ =	shalt  }
0x50: {  	_ =	shalt  }
0x51: {  	_ =	shalt  }
0x52: {  	_ =	shalt  }
0x53: {  	_ =	shalt  }
0x54: {  	_ =	shalt  }
0x55: {  	_ =	shalt  }
0x56: {  	_ =	shalt  }
0x57: {  	_ =	shalt  }
0x58: {  	_ =	shalt  }
0x59: {  	_ =	shalt  }
0x5a: {  	_ =	shalt  }
0x5b: {  	_ =	shalt  }
0x5c: {  	_ =	shalt  }
0x5d: {  	_ =	shalt  }
0x5e: {  	_ =	shalt  }
0x5f: {  	_ =	shalt  }
0x60: {  	_ =	shalt  }
0x61: {  	_ =	shalt  }
0x62: {  	_ =	shalt  }
0x63: {  	_ =	shalt  }
0x64: {  	_ =	shalt  }
0x65: {  	_ =	shalt  }
0x66: {  	_ =	shalt  }
0x67: {  	_ =	shalt  }
0x68: {  	_ =	shalt  }
0x69: {  	_ =	shalt  }
0x6a: {  	_ =	shalt  }
0x6b: {  	_ =	shalt  }
0x6c: {  	_ =	shalt  }
0x6d: {  	_ =	shalt  }
0x6e: {  	_ =	shalt  }
0x6f: {  	_ =	shalt  }
0x70: {  	_ =	shalt  }
0x71: {  	_ =	shalt  }
0x72: {  	_ =	shalt  }
0x73: {  	_ =	shalt  }
0x74: {  	_ =	shalt  }
0x75: {  	_ =	shalt  }
0x76: {  	_ =	shalt  }
0x77: {  	_ =	shalt  }
0x78: {  	_ =	shalt  }
0x79: {  	_ =	shalt  }
0x7a: {  	_ =	shalt  }
0x7b: {  	_ =	shalt  }
0x7c: {  	_ =	shalt  }
0x7d: {  	_ =	shalt  }
0x7e: {  	_ =	shalt  }
0x7f: {  	_ =	shalt  }
0x80: {  	_ =	shalt  }
0x81: {  	_ =	shalt  }
0x82: {  	_ =	shalt  }
0x83: {  	_ =	shalt  }
0x84: {  	_ =	shalt  }
0x85: {  	_ =	shalt  }
0x86: {  	_ =	shalt  }
0x87: {  	_ =	shalt  }
.Lfunc_end0:
.L_simem_size_0:
called_computation.1_lowered:
.L_overlay_start_0:
0x88: {  	s2 =	sld [smem:$0x3FD9]  }
0x89: {  	s3 =	sld [smem:$0x3FFE];
	_ =	sdelay $0x1  }
0x8a: {  	s1 =	srdreg.scid  }
0x8b: {  	s0 =	sand.u32 $0x1, s1  }
0x8c: {  	s17 =	sshll.u32 s0, $0xA;
	s2 =	sadd.s32 s3, s2  }
0x8d: {  	s2 =	sadd.s32 s2, s17  }
0x8e: {  	[smem:$0x3FBE] =	sst s2  }
0x8f: {  	_ = 	snop  }
0x90: {  	s2 =	sld [smem:$0x3FD0];
	(tm) =	ssettm $0x1  }
0x91: {  	s18 =	sld [smem:$0x3FFB];
	_ =	sdelay $0x3  }
0x92: {  	_ =	strace s18  }
0x93: {  	s3 =	sld [smem:$0x3FFC];
	_ =	sdelay $0x3  }
0x94: {  	_ =	strace s3  }
0x95: {  	s3 =	sld [smem:$0x3FFD];
	_ =	sdelay $0x3  }
0x96: {  	_ =	strace s3  }
0x97: {  	_ =	strace $0x8FFFFFFF  }
0x98: {  	s19 =	sld [smem:$0x3FDB];
	_ =	sdelay $0x1  }
0x99: {  	s4 =	simm.s32 $_scs_section_size  }
0x9a: {  	s5 =	simm.s32 $_size__tile_overlayer_lowered;
	s6 =	simm.s32 $_tile_overlayer_lowered  }
0x9b: {  	s22 =	simm.s32 $0x1BFF;
	s21 =	sshll.u32 s6, $0x1;
	s3 =	sadd.s32 s4, s19  }
0x9c: {  	s7 =	simm.s32 $0x0;
	s20 =	sshll.u32 s5, $0x1;
	s5 =	sadd.s32 s21, s3  }
0x9d: {  	[timem:s7], [sflag:s22] =	dma.local [hbm:s5], s20  }
0x9e: {  	_ =	swait.ge [sflag:s22], s20  }
0x9f: {  	s4 =	ssub.s32 $0x0, s20;
	[sflag:s22] =	ssyncset.done $0x0  }
0xa0: {  	[sflag:s22] =	ssyncadd.s32 s4;
	_ =	sdelay $0x1  }
0xa1: {  	s23 =	simm.s32 $0x1B8B  }
0xa2: {  	_ =	swait.ge [sflag:s23], $0x1  }
0xa3: {  	[sflag:s23] =	ssyncset.done $0x0  }
0xa4: {  	s25 =	simm.s32 $0x1B8E;
	s24 =	sld [smem:$0x3FFE];
	[sflag:s23] =	ssyncadd.s32 $0xFFFFFFFF  }
0xa5: {  	s26 =	simm.s32 $execute0_lowered;
	[smem:$0x3FD2] =	sst s25  }
0xa6: {  	s5 =	sshll.u32 s26, $0x1;
	_ =	strace $0x80000049;
	[dreg:$0x1] =	wrdreg $0xFFFFFFFF  }
0xa7: {  	s28 =	simm.s32 $_size_execute0_lowered;
	s3 =	sadd.s32 s3, s5;
	[dreg:$0x0] =	wrdreg $0x0  }
0xa8: {  	s5 =	sshll.u32 s28, $0x1;
	[dreg:$0x2] =	wrdreg s3  }
0xa9: {  	[dreg:$0x3] =	wrdreg s5  }
0xaa: {  	[dreg:$0x4] =	wrdreg $0xC0  }
0xab: {  	_ =	task [dreg:s7], $0x5FFFF  }
0xac: {  	[dreg:$0x1] =	wrdreg $0xFFFFFFFF  }
0xad: {  	[dreg:$0x0] =	wrdreg $0x60  }
0xae: {  	[dreg:$0x2] =	wrdreg s24  }
0xaf: {  	[dreg:$0x3] =	wrdreg s2  }
0xb0: {  	[dreg:$0x4] =	wrdreg $0x9  }
0xb1: {  	_ =	task.clear_ibuf [dreg:s7], $0x5FFFF;
	_ =	strace $0x90000049  }
0xb2: {  	s29 =	simm.s32 $0x9;
	_ =	strace $0x8000004B  }
0xb3: {  	_ =	swait.ge [sflag:s29], $0x1  }
0xb4: {  	[sflag:s29] =	ssyncadd.s32 $0xFFFFFFFF  }
0xb5: {  	_ =	strace $0x9000004B  }
0xb6: {  	_ =	sfence  }
0xb7: {  	s30 =	sld [smem:$0x0];
	_ =	sdelay $0x2  }
0xb8: {  	s31 =	sshll.u32 s1, $0xD;
	s1 =	sshrl.u32 s1, $0x2  }
0xb9: {  	s3 =	sand.u32 $0x4000, s31;
	s1 =	sadd.s32 s1, s30  }
0xba: {  	s0 =	sor.u32 s3, s0;
	s1 =	sshll.u32 s1, $0x11  }
0xbb: {  	s0 =	sor.u32 s1, s0  }
0xbc: {  	s0 =	sadd.s32 $0x8F2B, s0  }
0xbd: {  	[sflag:s0] =	ssyncadd.remote.s32 $0x1  }
0xbe: {  	_ =	sfence.sel $0xFFFF  }
0xbf: {  	[dreg:$0x0] =	wrdreg $0xFFFFFFFF;
	(pc) =	sbr.abs _section_cstart, $3  }
0xc0: {  	[dreg:$0x1] =	wrdreg $0xFFFFFFFF  }
0xc1: {  	_ =	task.clear_ibuf [dreg:s7], $0x2FFFF;
	_ =	strace $0x9FFFFFFF  }
0xc2: {  	(tm) =	ssettm $0x7FFFFFFF  }
0xc3: {  	_ =	shalt  }
tec
execute0_lowered:
.L_overlay_start_1:
0x0: {  	(tag) =	ssettag $0x1  }
0x1: {  	s0 =	rddreg [dreg:$0x0]  }
0x2: {  	s1 =	srdreg.scid;
	s2 =	stileid.u32  }
0x3: {  	s4 =	rddreg [dreg:$0x1];
	s17 =	simm.s32 $0x3;
	s28 =	simm.s32 $0xAA80  }
0x4: {  	s29 =	simm.s32 $0xBA80;
	s30 =	simm.s32 $0xCA80;
	s8 =	simm.s32 $0xD280  }
0x5: {  	s31 =	simm.s32 $0xDA80;
	s1 =	sand.u32 $0x1, s1;
	s3 =	sshll.u32 s2, $0x1  }
0x6: {  	s18 =	simm.s32 $0xF280;
	s13 =	simm.s32 $0x2;
	s5 =	sor.u32 s1, s3  }
0x7: {  	s2 =	simm.s32 $0x0;
	s9 =	sadd.s32 $0x121900, s0;
	s3 =	sshll.u32 s5, $0x4  }
0x8: {  	s10 =	sadd.s32 $0x121A00, s0;
	s11 =	sadd.s32 $0x121B00, s0;
	s6 =	sadd.s32 s3, s0  }
0x9: {  	[smem:$0x7FF] =	sst s2;
	s1 =	ssub.s32 $0x2, s1;
	s19 =	sadd.s32 $0x11600, s6  }
0xa: {  	_ =	strace $0x8000004A;
	s20 =	sadd.s32 $0x11604, s6;
	[dreg:$0x3] =	wrdreg s19  }
0xb: {  	s7 =	sshrl.u32 s1, $0x1;
	s21 =	sadd.s32 $0x11608, s6;
	[dreg:$0x4] =	wrdreg s20  }
0xc: {  	s5 =	sshll.u32 s5, $0xD;
	s22 =	sadd.s32 $0x1160C, s6;
	[dreg:$0x5] =	wrdreg s21  }
0xd: {  	s12 =	sadd.s32 s4, s5;
	s6 =	sadd.s32 $0x2800, s6;
	[dreg:$0x6] =	wrdreg s22  }
0xe: {  	s3 =	sadd.s32 $0x121800, s0;
	s23 =	sadd.s32 $0x800, s12;
	[dreg:$0x7] =	wrdreg s6  }
0xf: {  	s1 =	ssub.s32 s1, s7;
	s24 =	sadd.s32 $0x1000, s12;
	[dreg:$0x8] =	wrdreg s23  }
0x10: {  	s5 =	simm.s32 $0xA280;
	s25 =	sadd.s32 $0x1800, s12;
	[dreg:$0x9] =	wrdreg s24  }
0x11: {  	s7 =	simm.s32 $0xC280;
	s26 =	smax.u32 s1, $0x1;
	[dreg:$0xa] =	wrdreg s25  }
0x12: {  	v2 =	vlaneseq.u32;
	s0 =	simm.s32 $0xEA80;
	s1 =	simm.s32 $0xE280;
	[dreg:$0xb] =	wrdreg s26  }
0x13: {  	vm0 =	vmmov $0xffff;
	v1 =	vshrl.u32 v2, $0x3;
	s23 =	simm.s32 $0x1;
	s26 =	simm.s32 $0x9A80;
	s6 =	simm.s32 $0xB280  }
0x14: {  	v0 =	vand.u32 $0x7, v2;
	v2 =	vor.u32 $0x8, v2;
	v1 =	vmul.u32 $0x8, v1;
	s19 =	simm.s32 $0xFA80;
	s20 =	simm.s32 $0x10280;
	s21 =	simm.s32 $0x0  }
.LBB2_1:
0x15: {  	s4 =	rddreg [dreg:$0x3]  }
0x16: {  	[tilespmem:s2], [sflag:$0x3] =	stream.linear.gather [hbm4b:s4+s2], $0x20, $0x38;
	[tilespmem:$0x14280] =	vst v63  }
0x17: {  	_ =	swait.ge [sflag:s17], $0x20  }
0x18: {  	[sflag:s17] =	ssyncset.done $0x0  }
0x19: {  	s14 =	simm.s32 $0x80;
	s15 =	rddreg [dreg:$0x4];
	[sflag:s17] =	ssyncadd.s32 $0xFFFFFFE0  }
0x1a: {  	[tilespmem:s14], [sflag:$0x3] =	stream.linear.gather [hbm4b:s15+s2], $0x20, $0x38;
	[tilespmem:$0x14280] =	vst v63  }
0x1b: {  	_ =	swait.ge [sflag:s17], $0x20  }
0x1c: {  	[sflag:s17] =	ssyncset.done $0x0  }
0x1d: {  	s22 =	simm.s32 $0x100;
	s16 =	rddreg [dreg:$0x5];
	[sflag:s17] =	ssyncadd.s32 $0xFFFFFFE0  }
0x1e: {  	[tilespmem:s22], [sflag:$0x3] =	stream.linear.gather [hbm4b:s16+s2], $0x20, $0x38;
	[tilespmem:$0x14280] =	vst v63  }
0x1f: {  	_ =	swait.ge [sflag:s17], $0x20  }
0x20: {  	[sflag:s17] =	ssyncset.done $0x0  }
0x21: {  	s25 =	simm.s32 $0x180;
	s24 =	rddreg [dreg:$0x6];
	[sflag:s17] =	ssyncadd.s32 $0xFFFFFFE0  }
0x22: {  	[tilespmem:s25], [sflag:$0x3] =	stream.linear.gather [hbm4b:s24+s2], $0x20, $0x38;
	[tilespmem:$0x14280] =	vst v63  }
0x23: {  	_ =	swait.ge [sflag:s17], $0x20  }
0x24: {  	[sflag:s17] =	ssyncset.done $0x0  }
0x25: {  	s16 =	simm.s32 $0x200;
	s15 =	rddreg [dreg:$0x7];
	[sflag:s17] =	ssyncadd.s32 $0xFFFFFFE0  }
0x26: {  	[tilespmem:s16], [sflag:$0x3] =	stream.linear.gather [hbm4b:s15+s2], $0x80, $0x38;
	[tilespmem:$0x14280] =	vst v63  }
0x27: {  	_ =	swait.ge [sflag:s17], $0x80  }
0x28: {  	[sflag:s17] =	ssyncset.done $0x0  }
0x29: {  	[sflag:s17] =	ssyncadd.s32 $0xFFFFFF80  }
0x2a: {  	v3 =	vld [tilespmem:$0x0];
	_ =	sdelay $0x4  }
0x2b: {  	v4 =	vshll.u32 v3, $0x3  }
0x2c: {  	v3 =	vand.u32 $0x7, v3;
	v4 =	vand.u32 $0xFFFFFFC0, v4  }
0x2d: {  	v3 =	vor.u32 v3, v4  }
0x2e: {  	v4 =	vperm.xlane v3, v0;
	_ =	sdelay $0x1  }
0x2f: {  	v4 =	vadd.s32 v1, v4;
	_ =	sdelay $0x3  }
0x30: {  	s22 =	simm.s32 $0x280  }
0x31: {  	[tilespmem:s22], [sflag:$0x1] =	stream.indirect_vreg.gather [hbm4b:s3+s2], $0x80, v4, vm0, $0xb8;
	[tilespmem:$0x14280] =	vst v63  }
0x32: {  	s24 =	simm.s32 $0xA80;
	v3 =	vperm.xlane v3, v2  }
0x33: {  	[tilespmem:s24], [sflag:$0x1] =	stream.indirect_vreg.gather [hbm4b:s9+s2], $0x80, v4, vm0, $0xb8;
	[tilespmem:$0x14280] =	vst v63  }
0x34: {  	s25 =	simm.s32 $0x1280;
	v3 =	vadd.s32 v1, v3  }
0x35: {  	[tilespmem:s25], [sflag:$0x1] =	stream.indirect_vreg.gather [hbm4b:s10+s2], $0x80, v4, vm0, $0xb8;
	[tilespmem:$0x14280] =	vst v63  }
0x36: {  	s14 =	simm.s32 $0x1A80  }
0x37: {  	[tilespmem:s14], [sflag:$0x1] =	stream.indirect_vreg.gather [hbm4b:s11+s2], $0x80, v4, vm0, $0xb8;
	[tilespmem:$0x14280] =	vst v63  }
0x38: {  	s15 =	simm.s32 $0x2280  }
0x39: {  	[tilespmem:s15], [sflag:$0x1] =	stream.indirect_vreg.gather [hbm4b:s3+s2], $0x80, v3, vm0, $0xb8;
	[tilespmem:$0x14280] =	vst v63  }
0x3a: {  	s16 =	simm.s32 $0x2A80  }
0x3b: {  	[tilespmem:s16], [sflag:$0x1] =	stream.indirect_vreg.gather [hbm4b:s9+s2], $0x80, v3, vm0, $0xb8;
	[tilespmem:$0x14280] =	vst v63  }
0x3c: {  	s22 =	simm.s32 $0x3280  }
0x3d: {  	[tilespmem:s22], [sflag:$0x1] =	stream.indirect_vreg.gather [hbm4b:s10+s2], $0x80, v3, vm0, $0xb8;
	[tilespmem:$0x14280] =	vst v63  }
0x3e: {  	s24 =	simm.s32 $0x3A80  }
0x3f: {  	[tilespmem:s24], [sflag:$0x1] =	stream.indirect_vreg.gather [hbm4b:s11+s2], $0x80, v3, vm0, $0xb8;
	[tilespmem:$0x14280] =	vst v63  }
0x40: {  	v3 =	vld [tilespmem:$0x10];
	_ =	sdelay $0x4  }
0x41: {  	v4 =	vshll.u32 v3, $0x3  }
0x42: {  	v3 =	vand.u32 $0x7, v3;
	v4 =	vand.u32 $0xFFFFFFC0, v4  }
0x43: {  	v3 =	vor.u32 v3, v4  }
0x44: {  	v4 =	vperm.xlane v3, v0;
	_ =	sdelay $0x1  }
0x45: {  	v4 =	vadd.s32 v1, v4;
	_ =	sdelay $0x3  }
0x46: {  	s25 =	simm.s32 $0x4280  }
0x47: {  	[tilespmem:s25], [sflag:$0x1] =	stream.indirect_vreg.gather [hbm4b:s3+s2], $0x80, v4, vm0, $0xb8;
	[tilespmem:$0x14280] =	vst v63  }
0x48: {  	s14 =	simm.s32 $0x4A80;
	v3 =	vperm.xlane v3, v2  }
0x49: {  	[tilespmem:s14], [sflag:$0x1] =	stream.indirect_vreg.gather [hbm4b:s9+s2], $0x80, v4, vm0, $0xb8;
	[tilespmem:$0x14280] =	vst v63  }
0x4a: {  	s15 =	simm.s32 $0x5280;
	v3 =	vadd.s32 v1, v3  }
0x4b: {  	[tilespmem:s15], [sflag:$0x1] =	stream.indirect_vreg.gather [hbm4b:s10+s2], $0x80, v4, vm0, $0xb8;
	[tilespmem:$0x14280] =	vst v63  }
0x4c: {  	s16 =	simm.s32 $0x5A80  }
0x4d: {  	[tilespmem:s16], [sflag:$0x1] =	stream.indirect_vreg.gather [hbm4b:s11+s2], $0x80, v4, vm0, $0xb8;
	[tilespmem:$0x14280] =	vst v63  }
0x4e: {  	s22 =	simm.s32 $0x6280  }
0x4f: {  	[tilespmem:s22], [sflag:$0x1] =	stream.indirect_vreg.gather [hbm4b:s3+s2], $0x80, v3, vm0, $0xb8;
	[tilespmem:$0x14280] =	vst v63  }
0x50: {  	s24 =	simm.s32 $0x6A80  }
0x51: {  	[tilespmem:s24], [sflag:$0x1] =	stream.indirect_vreg.gather [hbm4b:s9+s2], $0x80, v3, vm0, $0xb8;
	[tilespmem:$0x14280] =	vst v63  }
0x52: {  	s25 =	simm.s32 $0x7280  }
0x53: {  	[tilespmem:s25], [sflag:$0x1] =	stream.indirect_vreg.gather [hbm4b:s10+s2], $0x80, v3, vm0, $0xb8;
	[tilespmem:$0x14280] =	vst v63  }
0x54: {  	s14 =	simm.s32 $0x7A80  }
0x55: {  	[tilespmem:s14], [sflag:$0x1] =	stream.indirect_vreg.gather [hbm4b:s11+s2], $0x80, v3, vm0, $0xb8;
	[tilespmem:$0x14280] =	vst v63  }
0x56: {  	_ =	swait.ge [sflag:s23], $0x8000  }
0x57: {  	[sflag:s23] =	ssyncset.done $0x0  }
0x58: {  	[sflag:s23] =	ssyncadd.s32 $0xFFFF8000  }
0x59: {  	v3 =	vld [tilespmem:$0x80];
	_ =	sdelay $0x4  }
0x5a: {  	v4 =	vshll.u32 v3, $0x3  }
0x5b: {  	v3 =	vand.u32 $0x7, v3;
	v4 =	vand.u32 $0xFFFFFFC0, v4  }
0x5c: {  	v3 =	vor.u32 v3, v4  }
0x5d: {  	v4 =	vperm.xlane v3, v0;
	_ =	sdelay $0x1  }
0x5e: {  	v4 =	vadd.s32 v1, v4;
	_ =	sdelay $0x3  }
0x5f: {  	s15 =	simm.s32 $0x8280  }
0x60: {  	[tilespmem:s15], [sflag:$0x2] =	stream.indirect_vreg.gather [hbm4b:s3+s2], $0x80, v4, vm0, $0xb8;
	[tilespmem:$0x14280] =	vst v63  }
0x61: {  	s16 =	simm.s32 $0x8A80;
	v3 =	vperm.xlane v3, v2  }
0x62: {  	[tilespmem:s16], [sflag:$0x2] =	stream.indirect_vreg.gather [hbm4b:s9+s2], $0x80, v4, vm0, $0xb8;
	[tilespmem:$0x14280] =	vst v63  }
0x63: {  	s22 =	simm.s32 $0x9280;
	v3 =	vadd.s32 v1, v3  }
0x64: {  	[tilespmem:s22], [sflag:$0x2] =	stream.indirect_vreg.gather [hbm4b:s10+s2], $0x80, v4, vm0, $0xb8;
	[tilespmem:$0x14280] =	vst v63  }
0x65: {  	_ = 	snop  }
0x66: {  	[tilespmem:s26], [sflag:$0x2] =	stream.indirect_vreg.gather [hbm4b:s11+s2], $0x80, v4, vm0, $0xb8;
	[tilespmem:$0x14280] =	vst v63  }
0x67: {  	_ = 	snop  }
0x68: {  	[tilespmem:s5], [sflag:$0x2] =	stream.indirect_vreg.gather [hbm4b:s3+s2], $0x80, v3, vm0, $0xb8;
	[tilespmem:$0x14280] =	vst v63  }
0x69: {  	_ = 	snop  }
0x6a: {  	[tilespmem:s28], [sflag:$0x2] =	stream.indirect_vreg.gather [hbm4b:s9+s2], $0x80, v3, vm0, $0xb8;
	[tilespmem:$0x14280] =	vst v63  }
0x6b: {  	_ = 	snop  }
0x6c: {  	[tilespmem:s6], [sflag:$0x2] =	stream.indirect_vreg.gather [hbm4b:s10+s2], $0x80, v3, vm0, $0xb8;
	[tilespmem:$0x14280] =	vst v63  }
0x6d: {  	_ = 	snop  }
0x6e: {  	[tilespmem:s29], [sflag:$0x2] =	stream.indirect_vreg.gather [hbm4b:s11+s2], $0x80, v3, vm0, $0xb8;
	[tilespmem:$0x14280] =	vst v63  }
0x6f: {  	v3 =	vld [tilespmem:$0x90];
	_ =	sdelay $0x4  }
0x70: {  	v4 =	vshll.u32 v3, $0x3  }
0x71: {  	v3 =	vand.u32 $0x7, v3;
	v4 =	vand.u32 $0xFFFFFFC0, v4  }
0x72: {  	v3 =	vor.u32 v3, v4  }
0x73: {  	v4 =	vperm.xlane v3, v0;
	_ =	sdelay $0x1  }
0x74: {  	v4 =	vadd.s32 v1, v4;
	_ =	sdelay $0x4  }
0x75: {  	[tilespmem:s7], [sflag:$0x2] =	stream.indirect_vreg.gather [hbm4b:s3+s2], $0x80, v4, vm0, $0xb8;
	[tilespmem:$0x14280] =	vst v63  }
0x76: {  	v3 =	vperm.xlane v3, v2  }
0x77: {  	[tilespmem:s30], [sflag:$0x2] =	stream.indirect_vreg.gather [hbm4b:s9+s2], $0x80, v4, vm0, $0xb8;
	[tilespmem:$0x14280] =	vst v63  }
0x78: {  	v3 =	vadd.s32 v1, v3  }
0x79: {  	[tilespmem:s8], [sflag:$0x2] =	stream.indirect_vreg.gather [hbm4b:s10+s2], $0x80, v4, vm0, $0xb8;
	[tilespmem:$0x14280] =	vst v63  }
0x7a: {  	_ = 	snop  }
0x7b: {  	[tilespmem:s31], [sflag:$0x2] =	stream.indirect_vreg.gather [hbm4b:s11+s2], $0x80, v4, vm0, $0xb8;
	[tilespmem:$0x14280] =	vst v63  }
0x7c: {  	_ = 	snop  }
0x7d: {  	[tilespmem:s1], [sflag:$0x2] =	stream.indirect_vreg.gather [hbm4b:s3+s2], $0x80, v3, vm0, $0xb8;
	[tilespmem:$0x14280] =	vst v63  }
0x7e: {  	_ = 	snop  }
0x7f: {  	[tilespmem:s0], [sflag:$0x2] =	stream.indirect_vreg.gather [hbm4b:s9+s2], $0x80, v3, vm0, $0xb8;
	[tilespmem:$0x14280] =	vst v63  }
0x80: {  	_ = 	snop  }
0x81: {  	[tilespmem:s18], [sflag:$0x2] =	stream.indirect_vreg.gather [hbm4b:s10+s2], $0x80, v3, vm0, $0xb8;
	[tilespmem:$0x14280] =	vst v63  }
0x82: {  	s24 =	sand.u32 $0x70, s2;
	s15 =	sand.u32 $0x1C00, s2  }
0x83: {  	[tilespmem:s19], [sflag:$0x2] =	stream.indirect_vreg.gather [hbm4b:s11+s2], $0x80, v3, vm0, $0xb8;
	[tilespmem:$0x14280] =	vst v63  }
0x84: {  	s14 =	sor.u32 s24, s15;
	v13 =	vld [tilespmem:$0x200]  }
0x85: {  	v7 =	vld [tilespmem:s14+$0x480]  }
0x86: {  	v8 =	vld [tilespmem:s14+$0x500]  }
0x87: {  	v9 =	vld [tilespmem:s14+$0x400]  }
0x88: {  	v10 =	vld [tilespmem:s14+$0x380]  }
0x89: {  	v11 =	vld [tilespmem:s14+$0x300]  }
0x8a: {  	v12 =	vld [tilespmem:s14+$0x280];
	v3 =	vbroadcast v13, $0x4;
	v4 =	vbroadcast v13, $0x5  }
0x8b: {  	v5 =	vbroadcast v13, $0x2;
	v6 =	vbroadcast v13, $0x3  }
0x8c: {  	v24 =	vld [tilespmem:s14+$0x2400];
	v15 =	vmul.f32 v7, v3;
	v16 =	vmul.f32 v8, v4  }
0x8d: {  	v25 =	vld [tilespmem:s14+$0x2380];
	v7 =	vbroadcast v13, $0x0;
	v8 =	vbroadcast v13, $0x1  }
0x8e: {  	v22 =	vld [tilespmem:$0x210];
	v10 =	vmul.f32 v10, v5;
	v9 =	vmul.f32 v9, v6  }
0x8f: {  	v14 =	vld [tilespmem:s14+$0x2280];
	v15 =	vadd.f32 v16, v15;
	v12 =	vmul.f32 v12, v7;
	v11 =	vmul.f32 v11, v8  }
0x90: {  	v20 =	vld [tilespmem:s14+$0x2300];
	v18 =	vbroadcast v13, $0xA;
	v19 =	vbroadcast v13, $0xB;
	v9 =	vadd.f32 v9, v10  }
0x91: {  	v21 =	vld [tilespmem:s14+$0x2500];
	[tilespmem:s14+$0x10380] =	vst v15;
	v15 =	vadd.f32 v11, v12  }
0x92: {  	s25 =	sor.u32 s2, s2;
	v23 =	vld [tilespmem:s14+$0x2480];
	v24 =	vmul.f32 v24, v19;
	v25 =	vmul.f32 v25, v18;
	[tilespmem:s14+$0x10300] =	vst v9  }
0x93: {  	s16 =	sor.u32 $0x380, s25;
	v17 =	vld [tilespmem:s14+$0x580];
	v10 =	vbroadcast v13, $0x7;
	v16 =	vbroadcast v13, $0xD;
	[tilespmem:s14+$0x10280] =	vst v15  }
0x94: {  	v9 =	vbroadcast v13, $0x6;
	v11 =	vbroadcast v13, $0x8;
	v26 =	vld [tilespmem:s16+$0x280]  }
0x95: {  	v12 =	vbroadcast v13, $0x9;
	v15 =	vbroadcast v13, $0xC  }
0x96: {  	v21 =	vmul.f32 v21, v16;
	v14 =	vmul.f32 v14, v11  }
0x97: {  	v20 =	vmul.f32 v20, v12;
	v23 =	vmul.f32 v23, v15  }
0x98: {  	v24 =	vadd.f32 v24, v25;
	v17 =	vmul.f32 v17, v9  }
0x99: {  	v14 =	vadd.f32 v20, v14;
	v21 =	vadd.f32 v21, v23;
	v23 =	vmul.f32 v26, v10  }
0x9a: {  	[tilespmem:s14+$0x10500] =	vst v24  }
0x9b: {  	[tilespmem:s14+$0x10480] =	vst v14;
	v17 =	vadd.f32 v23, v17  }
0x9c: {  	[tilespmem:s14+$0x10580] =	vst v21  }
0x9d: {  	s15 =	sor.u32 $0x2380, s25;
	v14 =	vld [tilespmem:s14+$0x2580];
	[tilespmem:s14+$0x10400] =	vst v17  }
0x9e: {  	v17 =	vld [tilespmem:s15+$0x280];
	_ =	sdelay $0x2  }
0x9f: {  	v29 =	vbroadcast v13, $0xE;
	v32 =	vbroadcast v13, $0xF;
	_ =	sdelay $0x1  }
0xa0: {  	v20 =	vmul.f32 v14, v29;
	v17 =	vmul.f32 v17, v32  }
0xa1: {  	v30 =	vbroadcast v22, $0x0;
	v31 =	vbroadcast v22, $0x1  }
0xa2: {  	v33 =	vbroadcast v22, $0xA;
	v34 =	vbroadcast v22, $0xB;
	v24 =	vadd.f32 v17, v20  }
0xa3: {  	v27 =	vbroadcast v22, $0xC;
	v28 =	vbroadcast v22, $0xD  }
0xa4: {  	v25 =	vbroadcast v22, $0x8;
	v13 =	vbroadcast v22, $0x2;
	[tilespmem:s16+$0x10280] =	vst v24  }
0xa5: {  	v21 =	vbroadcast v22, $0x6;
	v26 =	vbroadcast v22, $0x9;
	v37 =	vld [tilespmem:s14+$0x4280]  }
0xa6: {  	v23 =	vbroadcast v22, $0x7;
	v14 =	vbroadcast v22, $0x3;
	v38 =	vld [tilespmem:s14+$0x4300]  }
0xa7: {  	v17 =	vbroadcast v22, $0x4;
	v20 =	vbroadcast v22, $0x5;
	v36 =	vld [tilespmem:s14+$0x6400]  }
0xa8: {  	s22 =	simm.s32 $0x10;
	v24 =	vbroadcast v22, $0xE;
	v22 =	vbroadcast v22, $0xF;
	s16 =	simm.s32 $0x0;
	v35 =	vld [tilespmem:s14+$0x4400]  }
.LBB2_2:
0xa9: {  	p0 =	sne.s32 s22, $0x3F0  }
0xaa: {  	v39 =	vld [tilespmem:s14+$0x6480];
	s16 =	sadd.s32 $0x80, s16;
	s24 =	smov.u32 s22;
	s22 =	sadd.s32 $0x10, s22  }
0xab: {  	v40 =	vld [tilespmem:s14+$0x6380]  }
0xac: {  	v37 =	vmul.f32 v37, v30;
	v38 =	vmul.f32 v38, v31;
	v41 =	vld [tilespmem:s14+$0x6500]  }
0xad: {  	v42 =	vld [tilespmem:s14+$0x4600]  }
0xae: {  	v37 =	vadd.f32 v38, v37;
	v35 =	vmul.f32 v35, v14;
	v38 =	vld [tilespmem:s14+$0x6300]  }
0xaf: {  	v43 =	vld [tilespmem:s14+$0x6280]  }
0xb0: {  	v36 =	vmul.f32 v36, v34;
	[tilespmem:s14+$0x12280] =	vst v37;
	v37 =	vld [tilespmem:s14+$0x4580]  }
0xb1: {  	v40 =	vmul.f32 v40, v33;
	v44 =	vld [tilespmem:s14+$0x4380]  }
0xb2: {  	v45 =	vld [tilespmem:s14+$0x4500];
	v42 =	vmul.f32 v42, v23  }
0xb3: {  	v36 =	vadd.f32 v36, v40;
	v46 =	vld [tilespmem:s14+$0x4480]  }
0xb4: {  	v38 =	vmul.f32 v38, v26;
	v40 =	vmul.f32 v43, v25;
	v43 =	vld [tilespmem:s14+$0x6580]  }
0xb5: {  	[tilespmem:s14+$0x12500] =	vst v36;
	v36 =	vmul.f32 v39, v27;
	v39 =	vmul.f32 v41, v28;
	v41 =	vld [tilespmem:s14+$0x6600]  }
0xb6: {  	v37 =	vmul.f32 v37, v21;
	v44 =	vmul.f32 v44, v13;
	v38 =	vadd.f32 v38, v40  }
0xb7: {  	v40 =	vmul.f32 v45, v20;
	v36 =	vadd.f32 v39, v36  }
0xb8: {  	v37 =	vadd.f32 v42, v37;
	v35 =	vadd.f32 v35, v44;
	v39 =	vmul.f32 v46, v17;
	[tilespmem:s14+$0x12480] =	vst v38  }
0xb9: {  	[tilespmem:s14+$0x12580] =	vst v36;
	v36 =	vmul.f32 v43, v24  }
0xba: {  	v38 =	vadd.f32 v40, v39;
	[tilespmem:s14+$0x12400] =	vst v37;
	v37 =	vmul.f32 v41, v22;
	_ =	sdelay $0x1  }
0xbb: {  	[tilespmem:s14+$0x12380] =	vst v38;
	v36 =	vadd.f32 v37, v36  }
0xbc: {  	s25 =	sand.u32 $0x70, s24;
	s4 =	sand.u32 $0x1C00, s16;
	[tilespmem:s14+$0x12300] =	vst v35  }
0xbd: {  	s14 =	sor.u32 s25, s4;
	[tilespmem:s15+$0x10280] =	vst v36  }
0xbe: {  	v35 =	vld [tilespmem:s14+$0x480]  }
0xbf: {  	v36 =	vld [tilespmem:s14+$0x2280]  }
0xc0: {  	v37 =	vld [tilespmem:s14+$0x300]  }
0xc1: {  	v38 =	vld [tilespmem:s14+$0x400]  }
0xc2: {  	v39 =	vld [tilespmem:s14+$0x500]  }
0xc3: {  	v40 =	vld [tilespmem:s14+$0x380];
	v35 =	vmul.f32 v35, v3  }
0xc4: {  	v41 =	vld [tilespmem:s14+$0x280]  }
0xc5: {  	v42 =	vld [tilespmem:s14+$0x580]  }
0xc6: {  	v43 =	vld [tilespmem:s14+$0x2300]  }
0xc7: {  	v36 =	vmul.f32 v36, v11;
	v39 =	vmul.f32 v39, v4  }
0xc8: {  	v38 =	vmul.f32 v38, v6;
	v40 =	vmul.f32 v40, v5  }
0xc9: {  	v37 =	vmul.f32 v37, v8;
	v41 =	vmul.f32 v41, v7;
	v35 =	vadd.f32 v39, v35;
	v39 =	vld [tilespmem:s14+$0x2500]  }
0xca: {  	v38 =	vadd.f32 v38, v40;
	v40 =	vld [tilespmem:s14+$0x2480]  }
0xcb: {  	v37 =	vadd.f32 v37, v41;
	[tilespmem:s14+$0x10380] =	vst v35;
	v35 =	vld [tilespmem:s14+$0x2400]  }
0xcc: {  	s4 =	sor.u32 s24, s16;
	[tilespmem:s14+$0x10300] =	vst v38;
	v38 =	vld [tilespmem:s14+$0x2380]  }
0xcd: {  	s24 =	sor.u32 $0x380, s4;
	[tilespmem:s14+$0x10280] =	vst v37  }
0xce: {  	v37 =	vld [tilespmem:s24+$0x280]  }
0xcf: {  	v39 =	vmul.f32 v39, v16;
	v40 =	vmul.f32 v40, v15  }
0xd0: {  	v35 =	vmul.f32 v35, v19  }
0xd1: {  	v38 =	vmul.f32 v38, v18;
	v39 =	vadd.f32 v39, v40  }
0xd2: {  	v40 =	vmul.f32 v43, v12  }
0xd3: {  	v41 =	vmul.f32 v42, v9;
	v37 =	vmul.f32 v37, v10;
	v35 =	vadd.f32 v35, v38;
	[tilespmem:s14+$0x10580] =	vst v39  }
0xd4: {  	v36 =	vadd.f32 v40, v36  }
0xd5: {  	v37 =	vadd.f32 v37, v41;
	[tilespmem:s14+$0x10500] =	vst v35  }
0xd6: {  	[tilespmem:s14+$0x10480] =	vst v36  }
0xd7: {  	s15 =	sor.u32 $0x2380, s4;
	[tilespmem:s14+$0x10400] =	vst v37;
	v35 =	vld [tilespmem:s14+$0x2580]  }
0xd8: {  	v36 =	vld [tilespmem:s15+$0x280];
	_ =	sdelay $0x4  }
0xd9: {  	v35 =	vmul.f32 v35, v29;
	v36 =	vmul.f32 v36, v32;
	_ =	sdelay $0x1  }
0xda: {  	v35 =	vadd.f32 v36, v35;
	_ =	sdelay $0x1  }
.Ltmp0:
0xdb: {  	[tilespmem:s24+$0x10280] =	vst v35;
	(pc) =	sbr.rel @p0 .LBB2_2-.Ltmp0, $4  }
0xdc: {  	v37 =	vld [tilespmem:s14+$0x4280]  }
0xdd: {  	v38 =	vld [tilespmem:s14+$0x4300]  }
0xde: {  	v36 =	vld [tilespmem:s14+$0x6400]  }
0xdf: {  	v35 =	vld [tilespmem:s14+$0x4400]  }
0xe0: {  	v3 =	vld [tilespmem:s14+$0x6480]  }
0xe1: {  	v4 =	vld [tilespmem:s14+$0x6380]  }
0xe2: {  	v7 =	vld [tilespmem:s14+$0x6500]  }
0xe3: {  	v8 =	vld [tilespmem:s14+$0x4600]  }
0xe4: {  	v9 =	vld [tilespmem:s14+$0x6280];
	v5 =	vmul.f32 v37, v30;
	v6 =	vmul.f32 v38, v31  }
0xe5: {  	v11 =	vld [tilespmem:s14+$0x4380]  }
0xe6: {  	v12 =	vld [tilespmem:s14+$0x4500];
	v5 =	vadd.f32 v6, v5  }
0xe7: {  	v10 =	vmul.f32 v36, v34;
	v6 =	vld [tilespmem:s14+$0x6300];
	v4 =	vmul.f32 v4, v33  }
0xe8: {  	[tilespmem:s14+$0x12280] =	vst v5;
	v5 =	vld [tilespmem:s14+$0x4580]  }
0xe9: {  	v15 =	vld [tilespmem:s14+$0x4480];
	v4 =	vadd.f32 v10, v4  }
0xea: {  	v3 =	vmul.f32 v3, v27;
	v10 =	vld [tilespmem:s14+$0x6580]  }
0xeb: {  	v7 =	vmul.f32 v7, v28;
	[tilespmem:s14+$0x12500] =	vst v4;
	v4 =	vmul.f32 v9, v25;
	v9 =	vld [tilespmem:s14+$0x6600]  }
0xec: {  	v6 =	vmul.f32 v6, v26  }
0xed: {  	v8 =	vmul.f32 v8, v23;
	v3 =	vadd.f32 v7, v3;
	v5 =	vmul.f32 v5, v21  }
0xee: {  	v7 =	vmul.f32 v15, v17;
	v4 =	vadd.f32 v6, v4;
	v6 =	vmul.f32 v12, v20  }
0xef: {  	v11 =	vmul.f32 v11, v13;
	[tilespmem:s14+$0x12580] =	vst v3;
	v12 =	vmul.f32 v35, v14;
	v5 =	vadd.f32 v8, v5  }
0xf0: {  	v3 =	vmul.f32 v10, v24;
	[tilespmem:s14+$0x12480] =	vst v4;
	v4 =	vadd.f32 v6, v7;
	v6 =	vmul.f32 v9, v22  }
0xf1: {  	v7 =	vadd.f32 v12, v11;
	[tilespmem:s14+$0x12400] =	vst v5  }
0xf2: {  	[tilespmem:s14+$0x12380] =	vst v4;
	v3 =	vadd.f32 v6, v3  }
0xf3: {  	[tilespmem:s14+$0x12300] =	vst v7  }
0xf4: {  	s14 =	simm.s32 $0x0;
	[tilespmem:s15+$0x10280] =	vst v3  }
0xf5: {  	[hbm4b:s12+s14] =	stream.linear.scatter [tilespmem:s20], [sflag:$0x3], $0x4000, $0x38;
	[tilespmem:$0x14280] =	vst v63  }
0xf6: {  	_ =	swait.ge [sflag:s17], $0x4000  }
0xf7: {  	[sflag:s17] =	ssyncset.done $0x0  }
0xf8: {  	[sflag:s17] =	ssyncadd.s32 $0xFFFFC000  }
0xf9: {  	_ =	swait.ge [sflag:s13], $0x8000  }
0xfa: {  	[sflag:s13] =	ssyncset.done $0x0  }
0xfb: {  	[sflag:s13] =	ssyncadd.s32 $0xFFFF8000  }
0xfc: {  	v3 =	vld [tilespmem:$0x100];
	_ =	sdelay $0x4  }
0xfd: {  	v4 =	vshll.u32 v3, $0x3  }
0xfe: {  	v3 =	vand.u32 $0x7, v3;
	v4 =	vand.u32 $0xFFFFFFC0, v4  }
0xff: {  	v3 =	vor.u32 v3, v4  }
0x100: {  	v4 =	vperm.xlane v3, v0;
	_ =	sdelay $0x1  }
0x101: {  	v4 =	vadd.s32 v1, v4;
	_ =	sdelay $0x3  }
0x102: {  	s4 =	simm.s32 $0x280  }
0x103: {  	[tilespmem:s4], [sflag:$0x1] =	stream.indirect_vreg.gather [hbm4b:s3+s14], $0x80, v4, vm0, $0xb8;
	[tilespmem:$0x14280] =	vst v63  }
0x104: {  	s16 =	simm.s32 $0xA80;
	v3 =	vperm.xlane v3, v2  }
0x105: {  	[tilespmem:s16], [sflag:$0x1] =	stream.indirect_vreg.gather [hbm4b:s9+s14], $0x80, v4, vm0, $0xb8;
	[tilespmem:$0x14280] =	vst v63  }
0x106: {  	s22 =	simm.s32 $0x1280;
	v3 =	vadd.s32 v1, v3  }
0x107: {  	[tilespmem:s22], [sflag:$0x1] =	stream.indirect_vreg.gather [hbm4b:s10+s14], $0x80, v4, vm0, $0xb8;
	[tilespmem:$0x14280] =	vst v63  }
0x108: {  	s24 =	simm.s32 $0x1A80  }
0x109: {  	[tilespmem:s24], [sflag:$0x1] =	stream.indirect_vreg.gather [hbm4b:s11+s14], $0x80, v4, vm0, $0xb8;
	[tilespmem:$0x14280] =	vst v63  }
0x10a: {  	s25 =	simm.s32 $0x2280  }
0x10b: {  	[tilespmem:s25], [sflag:$0x1] =	stream.indirect_vreg.gather [hbm4b:s3+s14], $0x80, v3, vm0, $0xb8;
	[tilespmem:$0x14280] =	vst v63  }
0x10c: {  	s15 =	simm.s32 $0x2A80  }
0x10d: {  	[tilespmem:s15], [sflag:$0x1] =	stream.indirect_vreg.gather [hbm4b:s9+s14], $0x80, v3, vm0, $0xb8;
	[tilespmem:$0x14280] =	vst v63  }
0x10e: {  	s16 =	simm.s32 $0x3280  }
0x10f: {  	[tilespmem:s16], [sflag:$0x1] =	stream.indirect_vreg.gather [hbm4b:s10+s14], $0x80, v3, vm0, $0xb8;
	[tilespmem:$0x14280] =	vst v63  }
0x110: {  	s22 =	simm.s32 $0x3A80  }
0x111: {  	[tilespmem:s22], [sflag:$0x1] =	stream.indirect_vreg.gather [hbm4b:s11+s14], $0x80, v3, vm0, $0xb8;
	[tilespmem:$0x14280] =	vst v63  }
0x112: {  	v3 =	vld [tilespmem:$0x110];
	_ =	sdelay $0x4  }
0x113: {  	v4 =	vshll.u32 v3, $0x3  }
0x114: {  	v3 =	vand.u32 $0x7, v3;
	v4 =	vand.u32 $0xFFFFFFC0, v4  }
0x115: {  	v3 =	vor.u32 v3, v4  }
0x116: {  	v4 =	vperm.xlane v3, v0;
	_ =	sdelay $0x1  }
0x117: {  	v4 =	vadd.s32 v1, v4;
	_ =	sdelay $0x3  }
0x118: {  	s24 =	simm.s32 $0x4280  }
0x119: {  	[tilespmem:s24], [sflag:$0x1] =	stream.indirect_vreg.gather [hbm4b:s3+s14], $0x80, v4, vm0, $0xb8;
	[tilespmem:$0x14280] =	vst v63  }
0x11a: {  	s25 =	simm.s32 $0x4A80;
	v3 =	vperm.xlane v3, v2  }
0x11b: {  	[tilespmem:s25], [sflag:$0x1] =	stream.indirect_vreg.gather [hbm4b:s9+s14], $0x80, v4, vm0, $0xb8;
	[tilespmem:$0x14280] =	vst v63  }
0x11c: {  	s15 =	simm.s32 $0x5280;
	v3 =	vadd.s32 v1, v3  }
0x11d: {  	[tilespmem:s15], [sflag:$0x1] =	stream.indirect_vreg.gather [hbm4b:s10+s14], $0x80, v4, vm0, $0xb8;
	[tilespmem:$0x14280] =	vst v63  }
0x11e: {  	s16 =	simm.s32 $0x5A80  }
0x11f: {  	[tilespmem:s16], [sflag:$0x1] =	stream.indirect_vreg.gather [hbm4b:s11+s14], $0x80, v4, vm0, $0xb8;
	[tilespmem:$0x14280] =	vst v63  }
0x120: {  	s22 =	simm.s32 $0x6280  }
0x121: {  	[tilespmem:s22], [sflag:$0x1] =	stream.indirect_vreg.gather [hbm4b:s3+s14], $0x80, v3, vm0, $0xb8;
	[tilespmem:$0x14280] =	vst v63  }
0x122: {  	s24 =	simm.s32 $0x6A80  }
0x123: {  	[tilespmem:s24], [sflag:$0x1] =	stream.indirect_vreg.gather [hbm4b:s9+s14], $0x80, v3, vm0, $0xb8;
	[tilespmem:$0x14280] =	vst v63  }
0x124: {  	s25 =	simm.s32 $0x7280  }
0x125: {  	[tilespmem:s25], [sflag:$0x1] =	stream.indirect_vreg.gather [hbm4b:s10+s14], $0x80, v3, vm0, $0xb8;
	[tilespmem:$0x14280] =	vst v63  }
0x126: {  	s15 =	simm.s32 $0x7A80;
	s16 =	sand.u32 $0x70, s14;
	s22 =	sand.u32 $0x1C00, s14  }
0x127: {  	[tilespmem:s15], [sflag:$0x1] =	stream.indirect_vreg.gather [hbm4b:s11+s14], $0x80, v3, vm0, $0xb8;
	[tilespmem:$0x14280] =	vst v63  }
0x128: {  	s22 =	sor.u32 s16, s22;
	v13 =	vld [tilespmem:$0x220]  }
0x129: {  	v7 =	vld [tilespmem:s22+$0x8480]  }
0x12a: {  	v8 =	vld [tilespmem:s22+$0x8500]  }
0x12b: {  	v9 =	vld [tilespmem:s22+$0x8400]  }
0x12c: {  	v10 =	vld [tilespmem:s22+$0x8380]  }
0x12d: {  	v11 =	vld [tilespmem:s22+$0x8300]  }
0x12e: {  	v12 =	vld [tilespmem:s22+$0x8280];
	v3 =	vbroadcast v13, $0x4;
	v4 =	vbroadcast v13, $0x5  }
0x12f: {  	v5 =	vbroadcast v13, $0x2;
	v6 =	vbroadcast v13, $0x3  }
0x130: {  	v24 =	vld [tilespmem:s22+$0xA400];
	v15 =	vmul.f32 v7, v3;
	v16 =	vmul.f32 v8, v4  }
0x131: {  	v25 =	vld [tilespmem:s22+$0xA380];
	v7 =	vbroadcast v13, $0x0;
	v8 =	vbroadcast v13, $0x1  }
0x132: {  	v22 =	vld [tilespmem:$0x230];
	v10 =	vmul.f32 v10, v5;
	v9 =	vmul.f32 v9, v6  }
0x133: {  	v14 =	vld [tilespmem:s22+$0xA280];
	v15 =	vadd.f32 v16, v15;
	v12 =	vmul.f32 v12, v7;
	v11 =	vmul.f32 v11, v8  }
0x134: {  	v20 =	vld [tilespmem:s22+$0xA300];
	v18 =	vbroadcast v13, $0xA;
	v19 =	vbroadcast v13, $0xB;
	v9 =	vadd.f32 v9, v10  }
0x135: {  	v21 =	vld [tilespmem:s22+$0xA500];
	[tilespmem:s22+$0x10380] =	vst v15;
	v15 =	vadd.f32 v11, v12  }
0x136: {  	s24 =	sor.u32 s14, s14;
	v23 =	vld [tilespmem:s22+$0xA480];
	v24 =	vmul.f32 v24, v19;
	v25 =	vmul.f32 v25, v18;
	[tilespmem:s22+$0x10300] =	vst v9  }
0x137: {  	s25 =	sor.u32 $0x380, s24;
	v17 =	vld [tilespmem:s22+$0x8580];
	v10 =	vbroadcast v13, $0x7;
	v16 =	vbroadcast v13, $0xD;
	[tilespmem:s22+$0x10280] =	vst v15  }
0x138: {  	v9 =	vbroadcast v13, $0x6;
	v11 =	vbroadcast v13, $0x8;
	v26 =	vld [tilespmem:s25+$0x8280]  }
0x139: {  	v12 =	vbroadcast v13, $0x9;
	v15 =	vbroadcast v13, $0xC  }
0x13a: {  	v21 =	vmul.f32 v21, v16;
	v14 =	vmul.f32 v14, v11  }
0x13b: {  	v20 =	vmul.f32 v20, v12;
	v23 =	vmul.f32 v23, v15  }
0x13c: {  	v24 =	vadd.f32 v24, v25;
	v17 =	vmul.f32 v17, v9  }
0x13d: {  	v14 =	vadd.f32 v20, v14;
	v21 =	vadd.f32 v21, v23;
	v23 =	vmul.f32 v26, v10  }
0x13e: {  	[tilespmem:s22+$0x10500] =	vst v24  }
0x13f: {  	[tilespmem:s22+$0x10480] =	vst v14;
	v17 =	vadd.f32 v23, v17  }
0x140: {  	[tilespmem:s22+$0x10580] =	vst v21  }
0x141: {  	s16 =	sor.u32 $0x2380, s24;
	v14 =	vld [tilespmem:s22+$0xA580];
	[tilespmem:s22+$0x10400] =	vst v17  }
0x142: {  	v17 =	vld [tilespmem:s16+$0x8280];
	_ =	sdelay $0x2  }
0x143: {  	v29 =	vbroadcast v13, $0xE;
	v32 =	vbroadcast v13, $0xF;
	_ =	sdelay $0x1  }
0x144: {  	v20 =	vmul.f32 v14, v29;
	v17 =	vmul.f32 v17, v32  }
0x145: {  	v30 =	vbroadcast v22, $0x0;
	v31 =	vbroadcast v22, $0x1  }
0x146: {  	v33 =	vbroadcast v22, $0xA;
	v34 =	vbroadcast v22, $0xB;
	v24 =	vadd.f32 v17, v20  }
0x147: {  	v27 =	vbroadcast v22, $0xC;
	v28 =	vbroadcast v22, $0xD  }
0x148: {  	v25 =	vbroadcast v22, $0x8;
	v13 =	vbroadcast v22, $0x2;
	[tilespmem:s25+$0x10280] =	vst v24  }
0x149: {  	v21 =	vbroadcast v22, $0x6;
	v26 =	vbroadcast v22, $0x9;
	v37 =	vld [tilespmem:s22+$0xC280]  }
0x14a: {  	v23 =	vbroadcast v22, $0x7;
	v14 =	vbroadcast v22, $0x3;
	v38 =	vld [tilespmem:s22+$0xC300]  }
0x14b: {  	v17 =	vbroadcast v22, $0x4;
	v20 =	vbroadcast v22, $0x5;
	v36 =	vld [tilespmem:s22+$0xE400]  }
0x14c: {  	s15 =	simm.s32 $0x10;
	v24 =	vbroadcast v22, $0xE;
	v22 =	vbroadcast v22, $0xF;
	v35 =	vld [tilespmem:s22+$0xC400]  }
.LBB2_4:
0x14d: {  	p0 =	sne.s32 s15, $0x3F0  }
0x14e: {  	v39 =	vld [tilespmem:s22+$0xE480];
	s14 =	sadd.s32 $0x80, s14;
	s24 =	smov.u32 s15;
	s15 =	sadd.s32 $0x10, s15  }
0x14f: {  	v40 =	vld [tilespmem:s22+$0xE380]  }
0x150: {  	v37 =	vmul.f32 v37, v30;
	v38 =	vmul.f32 v38, v31;
	v41 =	vld [tilespmem:s22+$0xE500]  }
0x151: {  	v42 =	vld [tilespmem:s22+$0xC600]  }
0x152: {  	v37 =	vadd.f32 v38, v37;
	v35 =	vmul.f32 v35, v14;
	v38 =	vld [tilespmem:s22+$0xE300]  }
0x153: {  	v43 =	vld [tilespmem:s22+$0xE280]  }
0x154: {  	v36 =	vmul.f32 v36, v34;
	[tilespmem:s22+$0x12280] =	vst v37;
	v37 =	vld [tilespmem:s22+$0xC580]  }
0x155: {  	v40 =	vmul.f32 v40, v33;
	v44 =	vld [tilespmem:s22+$0xC380]  }
0x156: {  	v45 =	vld [tilespmem:s22+$0xC500];
	v42 =	vmul.f32 v42, v23  }
0x157: {  	v36 =	vadd.f32 v36, v40;
	v46 =	vld [tilespmem:s22+$0xC480]  }
0x158: {  	v38 =	vmul.f32 v38, v26;
	v40 =	vmul.f32 v43, v25;
	v43 =	vld [tilespmem:s22+$0xE580]  }
0x159: {  	[tilespmem:s22+$0x12500] =	vst v36;
	v36 =	vmul.f32 v39, v27;
	v39 =	vmul.f32 v41, v28;
	v41 =	vld [tilespmem:s22+$0xE600]  }
0x15a: {  	v37 =	vmul.f32 v37, v21;
	v44 =	vmul.f32 v44, v13;
	v38 =	vadd.f32 v38, v40  }
0x15b: {  	v40 =	vmul.f32 v45, v20;
	v36 =	vadd.f32 v39, v36  }
0x15c: {  	v37 =	vadd.f32 v42, v37;
	v35 =	vadd.f32 v35, v44;
	v39 =	vmul.f32 v46, v17;
	[tilespmem:s22+$0x12480] =	vst v38  }
0x15d: {  	[tilespmem:s22+$0x12580] =	vst v36;
	v36 =	vmul.f32 v43, v24  }
0x15e: {  	v38 =	vadd.f32 v40, v39;
	[tilespmem:s22+$0x12400] =	vst v37;
	v37 =	vmul.f32 v41, v22;
	_ =	sdelay $0x1  }
0x15f: {  	[tilespmem:s22+$0x12380] =	vst v38;
	v36 =	vadd.f32 v37, v36  }
0x160: {  	s4 =	sand.u32 $0x70, s24;
	s25 =	sand.u32 $0x1C00, s14;
	[tilespmem:s22+$0x12300] =	vst v35  }
0x161: {  	s22 =	sor.u32 s4, s25;
	[tilespmem:s16+$0x10280] =	vst v36  }
0x162: {  	v35 =	vld [tilespmem:s22+$0x8480]  }
0x163: {  	v36 =	vld [tilespmem:s22+$0xA280]  }
0x164: {  	v37 =	vld [tilespmem:s22+$0x8300]  }
0x165: {  	v38 =	vld [tilespmem:s22+$0x8400]  }
0x166: {  	v39 =	vld [tilespmem:s22+$0x8500]  }
0x167: {  	v40 =	vld [tilespmem:s22+$0x8380];
	v35 =	vmul.f32 v35, v3  }
0x168: {  	v41 =	vld [tilespmem:s22+$0x8280]  }
0x169: {  	v42 =	vld [tilespmem:s22+$0x8580]  }
0x16a: {  	v43 =	vld [tilespmem:s22+$0xA300]  }
0x16b: {  	v36 =	vmul.f32 v36, v11;
	v39 =	vmul.f32 v39, v4  }
0x16c: {  	v38 =	vmul.f32 v38, v6;
	v40 =	vmul.f32 v40, v5  }
0x16d: {  	v37 =	vmul.f32 v37, v8;
	v41 =	vmul.f32 v41, v7;
	v35 =	vadd.f32 v39, v35;
	v39 =	vld [tilespmem:s22+$0xA500]  }
0x16e: {  	v38 =	vadd.f32 v38, v40;
	v40 =	vld [tilespmem:s22+$0xA480]  }
0x16f: {  	v37 =	vadd.f32 v37, v41;
	[tilespmem:s22+$0x10380] =	vst v35;
	v35 =	vld [tilespmem:s22+$0xA400]  }
0x170: {  	s4 =	sor.u32 s24, s14;
	[tilespmem:s22+$0x10300] =	vst v38;
	v38 =	vld [tilespmem:s22+$0xA380]  }
0x171: {  	s24 =	sor.u32 $0x380, s4;
	[tilespmem:s22+$0x10280] =	vst v37  }
0x172: {  	v37 =	vld [tilespmem:s24+$0x8280]  }
0x173: {  	v39 =	vmul.f32 v39, v16;
	v40 =	vmul.f32 v40, v15  }
0x174: {  	v35 =	vmul.f32 v35, v19  }
0x175: {  	v38 =	vmul.f32 v38, v18;
	v39 =	vadd.f32 v39, v40  }
0x176: {  	v40 =	vmul.f32 v43, v12  }
0x177: {  	v41 =	vmul.f32 v42, v9;
	v37 =	vmul.f32 v37, v10;
	v35 =	vadd.f32 v35, v38;
	[tilespmem:s22+$0x10580] =	vst v39  }
0x178: {  	v36 =	vadd.f32 v40, v36  }
0x179: {  	v37 =	vadd.f32 v37, v41;
	[tilespmem:s22+$0x10500] =	vst v35  }
0x17a: {  	[tilespmem:s22+$0x10480] =	vst v36  }
0x17b: {  	s16 =	sor.u32 $0x2380, s4;
	[tilespmem:s22+$0x10400] =	vst v37;
	v35 =	vld [tilespmem:s22+$0xA580]  }
0x17c: {  	v36 =	vld [tilespmem:s16+$0x8280];
	_ =	sdelay $0x4  }
0x17d: {  	v35 =	vmul.f32 v35, v29;
	v36 =	vmul.f32 v36, v32;
	_ =	sdelay $0x1  }
0x17e: {  	v35 =	vadd.f32 v36, v35;
	_ =	sdelay $0x1  }
.Ltmp1:
0x17f: {  	[tilespmem:s24+$0x10280] =	vst v35;
	(pc) =	sbr.rel @p0 .LBB2_4-.Ltmp1, $4  }
0x180: {  	v37 =	vld [tilespmem:s22+$0xC280]  }
0x181: {  	v38 =	vld [tilespmem:s22+$0xC300]  }
0x182: {  	v36 =	vld [tilespmem:s22+$0xE400]  }
0x183: {  	v35 =	vld [tilespmem:s22+$0xC400]  }
0x184: {  	v3 =	vld [tilespmem:s22+$0xE480]  }
0x185: {  	v4 =	vld [tilespmem:s22+$0xE380]  }
0x186: {  	v7 =	vld [tilespmem:s22+$0xE500]  }
0x187: {  	v8 =	vld [tilespmem:s22+$0xC600]  }
0x188: {  	v9 =	vld [tilespmem:s22+$0xE280];
	v5 =	vmul.f32 v37, v30;
	v6 =	vmul.f32 v38, v31  }
0x189: {  	v11 =	vld [tilespmem:s22+$0xC380]  }
0x18a: {  	v12 =	vld [tilespmem:s22+$0xC500];
	v5 =	vadd.f32 v6, v5  }
0x18b: {  	v10 =	vmul.f32 v36, v34;
	v6 =	vld [tilespmem:s22+$0xE300];
	v4 =	vmul.f32 v4, v33  }
0x18c: {  	[tilespmem:s22+$0x12280] =	vst v5;
	v5 =	vld [tilespmem:s22+$0xC580]  }
0x18d: {  	v15 =	vld [tilespmem:s22+$0xC480];
	v4 =	vadd.f32 v10, v4  }
0x18e: {  	v3 =	vmul.f32 v3, v27;
	v10 =	vld [tilespmem:s22+$0xE580]  }
0x18f: {  	v7 =	vmul.f32 v7, v28;
	[tilespmem:s22+$0x12500] =	vst v4;
	v4 =	vmul.f32 v9, v25;
	v9 =	vld [tilespmem:s22+$0xE600]  }
0x190: {  	v6 =	vmul.f32 v6, v26  }
0x191: {  	v8 =	vmul.f32 v8, v23;
	v3 =	vadd.f32 v7, v3;
	v5 =	vmul.f32 v5, v21  }
0x192: {  	v7 =	vmul.f32 v15, v17;
	v4 =	vadd.f32 v6, v4;
	v6 =	vmul.f32 v12, v20  }
0x193: {  	v11 =	vmul.f32 v11, v13;
	[tilespmem:s22+$0x12580] =	vst v3;
	v12 =	vmul.f32 v35, v14;
	v5 =	vadd.f32 v8, v5  }
0x194: {  	v3 =	vmul.f32 v10, v24;
	[tilespmem:s22+$0x12480] =	vst v4;
	v4 =	vadd.f32 v6, v7;
	v6 =	vmul.f32 v9, v22  }
0x195: {  	v7 =	vadd.f32 v12, v11;
	[tilespmem:s22+$0x12400] =	vst v5  }
0x196: {  	[tilespmem:s22+$0x12380] =	vst v4;
	v3 =	vadd.f32 v6, v3  }
0x197: {  	[tilespmem:s22+$0x12300] =	vst v7  }
0x198: {  	s14 =	simm.s32 $0x0;
	s4 =	rddreg [dreg:$0x8];
	[tilespmem:s16+$0x10280] =	vst v3  }
0x199: {  	[hbm4b:s4+s14] =	stream.linear.scatter [tilespmem:s20], [sflag:$0x3], $0x4000, $0x38;
	[tilespmem:$0x14280] =	vst v63  }
0x19a: {  	_ =	swait.ge [sflag:s17], $0x4000  }
0x19b: {  	[sflag:s17] =	ssyncset.done $0x0  }
0x19c: {  	[sflag:s17] =	ssyncadd.s32 $0xFFFFC000  }
0x19d: {  	_ =	swait.ge [sflag:s23], $0x8000  }
0x19e: {  	[sflag:s23] =	ssyncset.done $0x0  }
0x19f: {  	[sflag:s23] =	ssyncadd.s32 $0xFFFF8000  }
0x1a0: {  	v3 =	vld [tilespmem:$0x180];
	_ =	sdelay $0x4  }
0x1a1: {  	v4 =	vshll.u32 v3, $0x3  }
0x1a2: {  	v3 =	vand.u32 $0x7, v3;
	v4 =	vand.u32 $0xFFFFFFC0, v4  }
0x1a3: {  	v3 =	vor.u32 v3, v4  }
0x1a4: {  	v4 =	vperm.xlane v3, v0;
	_ =	sdelay $0x1  }
0x1a5: {  	v4 =	vadd.s32 v1, v4;
	_ =	sdelay $0x3  }
0x1a6: {  	s25 =	simm.s32 $0x8280  }
0x1a7: {  	[tilespmem:s25], [sflag:$0x2] =	stream.indirect_vreg.gather [hbm4b:s3+s14], $0x80, v4, vm0, $0xb8;
	[tilespmem:$0x14280] =	vst v63  }
0x1a8: {  	s15 =	simm.s32 $0x8A80;
	v3 =	vperm.xlane v3, v2  }
0x1a9: {  	[tilespmem:s15], [sflag:$0x2] =	stream.indirect_vreg.gather [hbm4b:s9+s14], $0x80, v4, vm0, $0xb8;
	[tilespmem:$0x14280] =	vst v63  }
0x1aa: {  	s16 =	simm.s32 $0x9280;
	v3 =	vadd.s32 v1, v3  }
0x1ab: {  	[tilespmem:s16], [sflag:$0x2] =	stream.indirect_vreg.gather [hbm4b:s10+s14], $0x80, v4, vm0, $0xb8;
	[tilespmem:$0x14280] =	vst v63  }
0x1ac: {  	_ = 	snop  }
0x1ad: {  	[tilespmem:s26], [sflag:$0x2] =	stream.indirect_vreg.gather [hbm4b:s11+s14], $0x80, v4, vm0, $0xb8;
	[tilespmem:$0x14280] =	vst v63  }
0x1ae: {  	_ = 	snop  }
0x1af: {  	[tilespmem:s5], [sflag:$0x2] =	stream.indirect_vreg.gather [hbm4b:s3+s14], $0x80, v3, vm0, $0xb8;
	[tilespmem:$0x14280] =	vst v63  }
0x1b0: {  	_ = 	snop  }
0x1b1: {  	[tilespmem:s28], [sflag:$0x2] =	stream.indirect_vreg.gather [hbm4b:s9+s14], $0x80, v3, vm0, $0xb8;
	[tilespmem:$0x14280] =	vst v63  }
0x1b2: {  	_ = 	snop  }
0x1b3: {  	[tilespmem:s6], [sflag:$0x2] =	stream.indirect_vreg.gather [hbm4b:s10+s14], $0x80, v3, vm0, $0xb8;
	[tilespmem:$0x14280] =	vst v63  }
0x1b4: {  	_ = 	snop  }
0x1b5: {  	[tilespmem:s29], [sflag:$0x2] =	stream.indirect_vreg.gather [hbm4b:s11+s14], $0x80, v3, vm0, $0xb8;
	[tilespmem:$0x14280] =	vst v63  }
0x1b6: {  	v3 =	vld [tilespmem:$0x190];
	_ =	sdelay $0x4  }
0x1b7: {  	v4 =	vshll.u32 v3, $0x3  }
0x1b8: {  	v3 =	vand.u32 $0x7, v3;
	v4 =	vand.u32 $0xFFFFFFC0, v4  }
0x1b9: {  	v3 =	vor.u32 v3, v4  }
0x1ba: {  	v4 =	vperm.xlane v3, v0;
	_ =	sdelay $0x1  }
0x1bb: {  	v4 =	vadd.s32 v1, v4;
	_ =	sdelay $0x4  }
0x1bc: {  	[tilespmem:s7], [sflag:$0x2] =	stream.indirect_vreg.gather [hbm4b:s3+s14], $0x80, v4, vm0, $0xb8;
	[tilespmem:$0x14280] =	vst v63  }
0x1bd: {  	v3 =	vperm.xlane v3, v2  }
0x1be: {  	[tilespmem:s30], [sflag:$0x2] =	stream.indirect_vreg.gather [hbm4b:s9+s14], $0x80, v4, vm0, $0xb8;
	[tilespmem:$0x14280] =	vst v63  }
0x1bf: {  	v3 =	vadd.s32 v1, v3  }
0x1c0: {  	[tilespmem:s8], [sflag:$0x2] =	stream.indirect_vreg.gather [hbm4b:s10+s14], $0x80, v4, vm0, $0xb8;
	[tilespmem:$0x14280] =	vst v63  }
0x1c1: {  	_ = 	snop  }
0x1c2: {  	[tilespmem:s31], [sflag:$0x2] =	stream.indirect_vreg.gather [hbm4b:s11+s14], $0x80, v4, vm0, $0xb8;
	[tilespmem:$0x14280] =	vst v63  }
0x1c3: {  	_ = 	snop  }
0x1c4: {  	[tilespmem:s1], [sflag:$0x2] =	stream.indirect_vreg.gather [hbm4b:s3+s14], $0x80, v3, vm0, $0xb8;
	[tilespmem:$0x14280] =	vst v63  }
0x1c5: {  	_ = 	snop  }
0x1c6: {  	[tilespmem:s0], [sflag:$0x2] =	stream.indirect_vreg.gather [hbm4b:s9+s14], $0x80, v3, vm0, $0xb8;
	[tilespmem:$0x14280] =	vst v63  }
0x1c7: {  	_ = 	snop  }
0x1c8: {  	[tilespmem:s18], [sflag:$0x2] =	stream.indirect_vreg.gather [hbm4b:s10+s14], $0x80, v3, vm0, $0xb8;
	[tilespmem:$0x14280] =	vst v63  }
0x1c9: {  	s22 =	sand.u32 $0x70, s14;
	s15 =	sand.u32 $0x1C00, s14  }
0x1ca: {  	[tilespmem:s19], [sflag:$0x2] =	stream.indirect_vreg.gather [hbm4b:s11+s14], $0x80, v3, vm0, $0xb8;
	[tilespmem:$0x14280] =	vst v63  }
0x1cb: {  	s22 =	sor.u32 s22, s15;
	v13 =	vld [tilespmem:$0x240]  }
0x1cc: {  	v7 =	vld [tilespmem:s22+$0x480]  }
0x1cd: {  	v8 =	vld [tilespmem:s22+$0x500]  }
0x1ce: {  	v9 =	vld [tilespmem:s22+$0x400]  }
0x1cf: {  	v10 =	vld [tilespmem:s22+$0x380]  }
0x1d0: {  	v11 =	vld [tilespmem:s22+$0x300]  }
0x1d1: {  	v12 =	vld [tilespmem:s22+$0x280];
	v3 =	vbroadcast v13, $0x4;
	v4 =	vbroadcast v13, $0x5  }
0x1d2: {  	v5 =	vbroadcast v13, $0x2;
	v6 =	vbroadcast v13, $0x3  }
0x1d3: {  	v24 =	vld [tilespmem:s22+$0x2400];
	v15 =	vmul.f32 v7, v3;
	v16 =	vmul.f32 v8, v4  }
0x1d4: {  	v25 =	vld [tilespmem:s22+$0x2380];
	v7 =	vbroadcast v13, $0x0;
	v8 =	vbroadcast v13, $0x1  }
0x1d5: {  	v22 =	vld [tilespmem:$0x250];
	v10 =	vmul.f32 v10, v5;
	v9 =	vmul.f32 v9, v6  }
0x1d6: {  	v14 =	vld [tilespmem:s22+$0x2280];
	v15 =	vadd.f32 v16, v15;
	v12 =	vmul.f32 v12, v7;
	v11 =	vmul.f32 v11, v8  }
0x1d7: {  	v20 =	vld [tilespmem:s22+$0x2300];
	v18 =	vbroadcast v13, $0xA;
	v19 =	vbroadcast v13, $0xB;
	v9 =	vadd.f32 v9, v10  }
0x1d8: {  	v21 =	vld [tilespmem:s22+$0x2500];
	[tilespmem:s22+$0x10380] =	vst v15;
	v15 =	vadd.f32 v11, v12  }
0x1d9: {  	s24 =	sor.u32 s14, s14;
	v23 =	vld [tilespmem:s22+$0x2480];
	v24 =	vmul.f32 v24, v19;
	v25 =	vmul.f32 v25, v18;
	[tilespmem:s22+$0x10300] =	vst v9  }
0x1da: {  	s25 =	sor.u32 $0x380, s24;
	v17 =	vld [tilespmem:s22+$0x580];
	v10 =	vbroadcast v13, $0x7;
	v16 =	vbroadcast v13, $0xD;
	[tilespmem:s22+$0x10280] =	vst v15  }
0x1db: {  	v9 =	vbroadcast v13, $0x6;
	v11 =	vbroadcast v13, $0x8;
	v26 =	vld [tilespmem:s25+$0x280]  }
0x1dc: {  	v12 =	vbroadcast v13, $0x9;
	v15 =	vbroadcast v13, $0xC  }
0x1dd: {  	v21 =	vmul.f32 v21, v16;
	v14 =	vmul.f32 v14, v11  }
0x1de: {  	v20 =	vmul.f32 v20, v12;
	v23 =	vmul.f32 v23, v15  }
0x1df: {  	v24 =	vadd.f32 v24, v25;
	v17 =	vmul.f32 v17, v9  }
0x1e0: {  	v14 =	vadd.f32 v20, v14;
	v21 =	vadd.f32 v21, v23;
	v23 =	vmul.f32 v26, v10  }
0x1e1: {  	[tilespmem:s22+$0x10500] =	vst v24  }
0x1e2: {  	[tilespmem:s22+$0x10480] =	vst v14;
	v17 =	vadd.f32 v23, v17  }
0x1e3: {  	[tilespmem:s22+$0x10580] =	vst v21  }
0x1e4: {  	s16 =	sor.u32 $0x2380, s24;
	v14 =	vld [tilespmem:s22+$0x2580];
	[tilespmem:s22+$0x10400] =	vst v17  }
0x1e5: {  	v17 =	vld [tilespmem:s16+$0x280];
	_ =	sdelay $0x2  }
0x1e6: {  	v29 =	vbroadcast v13, $0xE;
	v32 =	vbroadcast v13, $0xF;
	_ =	sdelay $0x1  }
0x1e7: {  	v20 =	vmul.f32 v14, v29;
	v17 =	vmul.f32 v17, v32  }
0x1e8: {  	v30 =	vbroadcast v22, $0x0;
	v31 =	vbroadcast v22, $0x1  }
0x1e9: {  	v33 =	vbroadcast v22, $0xA;
	v34 =	vbroadcast v22, $0xB;
	v24 =	vadd.f32 v17, v20  }
0x1ea: {  	v27 =	vbroadcast v22, $0xC;
	v28 =	vbroadcast v22, $0xD  }
0x1eb: {  	v25 =	vbroadcast v22, $0x8;
	v13 =	vbroadcast v22, $0x2;
	[tilespmem:s25+$0x10280] =	vst v24  }
0x1ec: {  	v21 =	vbroadcast v22, $0x6;
	v26 =	vbroadcast v22, $0x9;
	v37 =	vld [tilespmem:s22+$0x4280]  }
0x1ed: {  	v23 =	vbroadcast v22, $0x7;
	v14 =	vbroadcast v22, $0x3;
	v38 =	vld [tilespmem:s22+$0x4300]  }
0x1ee: {  	v17 =	vbroadcast v22, $0x4;
	v20 =	vbroadcast v22, $0x5;
	v36 =	vld [tilespmem:s22+$0x6400]  }
0x1ef: {  	s15 =	simm.s32 $0x10;
	v24 =	vbroadcast v22, $0xE;
	v22 =	vbroadcast v22, $0xF;
	v35 =	vld [tilespmem:s22+$0x4400]  }
.LBB2_6:
0x1f0: {  	p0 =	sne.s32 s15, $0x3F0  }
0x1f1: {  	v39 =	vld [tilespmem:s22+$0x6480];
	s14 =	sadd.s32 $0x80, s14;
	s24 =	smov.u32 s15;
	s15 =	sadd.s32 $0x10, s15  }
0x1f2: {  	v40 =	vld [tilespmem:s22+$0x6380]  }
0x1f3: {  	v37 =	vmul.f32 v37, v30;
	v38 =	vmul.f32 v38, v31;
	v41 =	vld [tilespmem:s22+$0x6500]  }
0x1f4: {  	v42 =	vld [tilespmem:s22+$0x4600]  }
0x1f5: {  	v37 =	vadd.f32 v38, v37;
	v35 =	vmul.f32 v35, v14;
	v38 =	vld [tilespmem:s22+$0x6300]  }
0x1f6: {  	v43 =	vld [tilespmem:s22+$0x6280]  }
0x1f7: {  	v36 =	vmul.f32 v36, v34;
	[tilespmem:s22+$0x12280] =	vst v37;
	v37 =	vld [tilespmem:s22+$0x4580]  }
0x1f8: {  	v40 =	vmul.f32 v40, v33;
	v44 =	vld [tilespmem:s22+$0x4380]  }
0x1f9: {  	v45 =	vld [tilespmem:s22+$0x4500];
	v42 =	vmul.f32 v42, v23  }
0x1fa: {  	v36 =	vadd.f32 v36, v40;
	v46 =	vld [tilespmem:s22+$0x4480]  }
0x1fb: {  	v38 =	vmul.f32 v38, v26;
	v40 =	vmul.f32 v43, v25;
	v43 =	vld [tilespmem:s22+$0x6580]  }
0x1fc: {  	[tilespmem:s22+$0x12500] =	vst v36;
	v36 =	vmul.f32 v39, v27;
	v39 =	vmul.f32 v41, v28;
	v41 =	vld [tilespmem:s22+$0x6600]  }
0x1fd: {  	v37 =	vmul.f32 v37, v21;
	v44 =	vmul.f32 v44, v13;
	v38 =	vadd.f32 v38, v40  }
0x1fe: {  	v40 =	vmul.f32 v45, v20;
	v36 =	vadd.f32 v39, v36  }
0x1ff: {  	v37 =	vadd.f32 v42, v37;
	v35 =	vadd.f32 v35, v44;
	v39 =	vmul.f32 v46, v17;
	[tilespmem:s22+$0x12480] =	vst v38  }
0x200: {  	[tilespmem:s22+$0x12580] =	vst v36;
	v36 =	vmul.f32 v43, v24  }
0x201: {  	v38 =	vadd.f32 v40, v39;
	[tilespmem:s22+$0x12400] =	vst v37;
	v37 =	vmul.f32 v41, v22;
	_ =	sdelay $0x1  }
0x202: {  	[tilespmem:s22+$0x12380] =	vst v38;
	v36 =	vadd.f32 v37, v36  }
0x203: {  	s4 =	sand.u32 $0x70, s24;
	s25 =	sand.u32 $0x1C00, s14;
	[tilespmem:s22+$0x12300] =	vst v35  }
0x204: {  	s22 =	sor.u32 s4, s25;
	[tilespmem:s16+$0x10280] =	vst v36  }
0x205: {  	v35 =	vld [tilespmem:s22+$0x480]  }
0x206: {  	v36 =	vld [tilespmem:s22+$0x2280]  }
0x207: {  	v37 =	vld [tilespmem:s22+$0x300]  }
0x208: {  	v38 =	vld [tilespmem:s22+$0x400]  }
0x209: {  	v39 =	vld [tilespmem:s22+$0x500]  }
0x20a: {  	v40 =	vld [tilespmem:s22+$0x380];
	v35 =	vmul.f32 v35, v3  }
0x20b: {  	v41 =	vld [tilespmem:s22+$0x280]  }
0x20c: {  	v42 =	vld [tilespmem:s22+$0x580]  }
0x20d: {  	v43 =	vld [tilespmem:s22+$0x2300]  }
0x20e: {  	v36 =	vmul.f32 v36, v11;
	v39 =	vmul.f32 v39, v4  }
0x20f: {  	v38 =	vmul.f32 v38, v6;
	v40 =	vmul.f32 v40, v5  }
0x210: {  	v37 =	vmul.f32 v37, v8;
	v41 =	vmul.f32 v41, v7;
	v35 =	vadd.f32 v39, v35;
	v39 =	vld [tilespmem:s22+$0x2500]  }
0x211: {  	v38 =	vadd.f32 v38, v40;
	v40 =	vld [tilespmem:s22+$0x2480]  }
0x212: {  	v37 =	vadd.f32 v37, v41;
	[tilespmem:s22+$0x10380] =	vst v35;
	v35 =	vld [tilespmem:s22+$0x2400]  }
0x213: {  	s4 =	sor.u32 s24, s14;
	[tilespmem:s22+$0x10300] =	vst v38;
	v38 =	vld [tilespmem:s22+$0x2380]  }
0x214: {  	s24 =	sor.u32 $0x380, s4;
	[tilespmem:s22+$0x10280] =	vst v37  }
0x215: {  	v37 =	vld [tilespmem:s24+$0x280]  }
0x216: {  	v39 =	vmul.f32 v39, v16;
	v40 =	vmul.f32 v40, v15  }
0x217: {  	v35 =	vmul.f32 v35, v19  }
0x218: {  	v38 =	vmul.f32 v38, v18;
	v39 =	vadd.f32 v39, v40  }
0x219: {  	v40 =	vmul.f32 v43, v12  }
0x21a: {  	v41 =	vmul.f32 v42, v9;
	v37 =	vmul.f32 v37, v10;
	v35 =	vadd.f32 v35, v38;
	[tilespmem:s22+$0x10580] =	vst v39  }
0x21b: {  	v36 =	vadd.f32 v40, v36  }
0x21c: {  	v37 =	vadd.f32 v37, v41;
	[tilespmem:s22+$0x10500] =	vst v35  }
0x21d: {  	[tilespmem:s22+$0x10480] =	vst v36  }
0x21e: {  	s16 =	sor.u32 $0x2380, s4;
	[tilespmem:s22+$0x10400] =	vst v37;
	v35 =	vld [tilespmem:s22+$0x2580]  }
0x21f: {  	v36 =	vld [tilespmem:s16+$0x280];
	_ =	sdelay $0x4  }
0x220: {  	v35 =	vmul.f32 v35, v29;
	v36 =	vmul.f32 v36, v32;
	_ =	sdelay $0x1  }
0x221: {  	v35 =	vadd.f32 v36, v35;
	_ =	sdelay $0x1  }
.Ltmp2:
0x222: {  	[tilespmem:s24+$0x10280] =	vst v35;
	(pc) =	sbr.rel @p0 .LBB2_6-.Ltmp2, $4  }
0x223: {  	v37 =	vld [tilespmem:s22+$0x4280]  }
0x224: {  	v38 =	vld [tilespmem:s22+$0x4300]  }
0x225: {  	v36 =	vld [tilespmem:s22+$0x6400]  }
0x226: {  	v35 =	vld [tilespmem:s22+$0x4400]  }
0x227: {  	v3 =	vld [tilespmem:s22+$0x6480]  }
0x228: {  	v4 =	vld [tilespmem:s22+$0x6380]  }
0x229: {  	v7 =	vld [tilespmem:s22+$0x6500]  }
0x22a: {  	v8 =	vld [tilespmem:s22+$0x4600]  }
0x22b: {  	v9 =	vld [tilespmem:s22+$0x6280];
	v5 =	vmul.f32 v37, v30;
	v6 =	vmul.f32 v38, v31  }
0x22c: {  	v11 =	vld [tilespmem:s22+$0x4380]  }
0x22d: {  	v12 =	vld [tilespmem:s22+$0x4500];
	v5 =	vadd.f32 v6, v5  }
0x22e: {  	v10 =	vmul.f32 v36, v34;
	v6 =	vld [tilespmem:s22+$0x6300];
	v4 =	vmul.f32 v4, v33  }
0x22f: {  	[tilespmem:s22+$0x12280] =	vst v5;
	v5 =	vld [tilespmem:s22+$0x4580]  }
0x230: {  	v15 =	vld [tilespmem:s22+$0x4480];
	v4 =	vadd.f32 v10, v4  }
0x231: {  	v3 =	vmul.f32 v3, v27;
	v10 =	vld [tilespmem:s22+$0x6580]  }
0x232: {  	v7 =	vmul.f32 v7, v28;
	[tilespmem:s22+$0x12500] =	vst v4;
	v4 =	vmul.f32 v9, v25;
	v9 =	vld [tilespmem:s22+$0x6600]  }
0x233: {  	v6 =	vmul.f32 v6, v26  }
0x234: {  	v8 =	vmul.f32 v8, v23;
	v3 =	vadd.f32 v7, v3;
	v5 =	vmul.f32 v5, v21  }
0x235: {  	v7 =	vmul.f32 v15, v17;
	v4 =	vadd.f32 v6, v4;
	v6 =	vmul.f32 v12, v20  }
0x236: {  	v11 =	vmul.f32 v11, v13;
	[tilespmem:s22+$0x12580] =	vst v3;
	v12 =	vmul.f32 v35, v14;
	v5 =	vadd.f32 v8, v5  }
0x237: {  	v3 =	vmul.f32 v10, v24;
	[tilespmem:s22+$0x12480] =	vst v4;
	v4 =	vadd.f32 v6, v7;
	v6 =	vmul.f32 v9, v22  }
0x238: {  	v7 =	vadd.f32 v12, v11;
	[tilespmem:s22+$0x12400] =	vst v5  }
0x239: {  	[tilespmem:s22+$0x12380] =	vst v4;
	v3 =	vadd.f32 v6, v3  }
0x23a: {  	[tilespmem:s22+$0x12300] =	vst v7  }
0x23b: {  	s4 =	rddreg [dreg:$0x9];
	s22 =	simm.s32 $0x0;
	[tilespmem:s16+$0x10280] =	vst v3  }
0x23c: {  	[hbm4b:s4+s22] =	stream.linear.scatter [tilespmem:s20], [sflag:$0x3], $0x4000, $0x38;
	[tilespmem:$0x14280] =	vst v63  }
0x23d: {  	_ =	swait.ge [sflag:s17], $0x4000  }
0x23e: {  	[sflag:s17] =	ssyncset.done $0x0  }
0x23f: {  	[sflag:s17] =	ssyncadd.s32 $0xFFFFC000  }
0x240: {  	_ =	swait.ge [sflag:s13], $0x8000  }
0x241: {  	[sflag:s13] =	ssyncset.done $0x0  }
0x242: {  	s24 =	sand.u32 $0x70, s22;
	s14 =	sand.u32 $0x1C00, s22;
	[sflag:s13] =	ssyncadd.s32 $0xFFFF8000  }
0x243: {  	s14 =	sor.u32 s24, s14;
	v13 =	vld [tilespmem:$0x260]  }
0x244: {  	v7 =	vld [tilespmem:s14+$0x8480]  }
0x245: {  	v8 =	vld [tilespmem:s14+$0x8500]  }
0x246: {  	v9 =	vld [tilespmem:s14+$0x8400]  }
0x247: {  	v10 =	vld [tilespmem:s14+$0x8380]  }
0x248: {  	v11 =	vld [tilespmem:s14+$0x8300]  }
0x249: {  	v12 =	vld [tilespmem:s14+$0x8280];
	v3 =	vbroadcast v13, $0x4;
	v4 =	vbroadcast v13, $0x5  }
0x24a: {  	v5 =	vbroadcast v13, $0x2;
	v6 =	vbroadcast v13, $0x3  }
0x24b: {  	v24 =	vld [tilespmem:s14+$0xA400];
	v15 =	vmul.f32 v7, v3;
	v16 =	vmul.f32 v8, v4  }
0x24c: {  	v25 =	vld [tilespmem:s14+$0xA380];
	v7 =	vbroadcast v13, $0x0;
	v8 =	vbroadcast v13, $0x1  }
0x24d: {  	v22 =	vld [tilespmem:$0x270];
	v10 =	vmul.f32 v10, v5;
	v9 =	vmul.f32 v9, v6  }
0x24e: {  	v14 =	vld [tilespmem:s14+$0xA280];
	v15 =	vadd.f32 v16, v15;
	v12 =	vmul.f32 v12, v7;
	v11 =	vmul.f32 v11, v8  }
0x24f: {  	v20 =	vld [tilespmem:s14+$0xA300];
	v18 =	vbroadcast v13, $0xA;
	v19 =	vbroadcast v13, $0xB;
	v9 =	vadd.f32 v9, v10  }
0x250: {  	v21 =	vld [tilespmem:s14+$0xA500];
	[tilespmem:s14+$0x10380] =	vst v15;
	v15 =	vadd.f32 v11, v12  }
0x251: {  	s25 =	sor.u32 s22, s22;
	v23 =	vld [tilespmem:s14+$0xA480];
	v24 =	vmul.f32 v24, v19;
	v25 =	vmul.f32 v25, v18;
	[tilespmem:s14+$0x10300] =	vst v9  }
0x252: {  	s15 =	sor.u32 $0x380, s25;
	v17 =	vld [tilespmem:s14+$0x8580];
	v10 =	vbroadcast v13, $0x7;
	v16 =	vbroadcast v13, $0xD;
	[tilespmem:s14+$0x10280] =	vst v15  }
0x253: {  	v9 =	vbroadcast v13, $0x6;
	v11 =	vbroadcast v13, $0x8;
	v26 =	vld [tilespmem:s15+$0x8280]  }
0x254: {  	v12 =	vbroadcast v13, $0x9;
	v15 =	vbroadcast v13, $0xC  }
0x255: {  	v21 =	vmul.f32 v21, v16;
	v14 =	vmul.f32 v14, v11  }
0x256: {  	v20 =	vmul.f32 v20, v12;
	v23 =	vmul.f32 v23, v15  }
0x257: {  	v24 =	vadd.f32 v24, v25;
	v17 =	vmul.f32 v17, v9  }
0x258: {  	v14 =	vadd.f32 v20, v14;
	v21 =	vadd.f32 v21, v23;
	v23 =	vmul.f32 v26, v10  }
0x259: {  	[tilespmem:s14+$0x10500] =	vst v24  }
0x25a: {  	[tilespmem:s14+$0x10480] =	vst v14;
	v17 =	vadd.f32 v23, v17  }
0x25b: {  	[tilespmem:s14+$0x10580] =	vst v21  }
0x25c: {  	s16 =	sor.u32 $0x2380, s25;
	v14 =	vld [tilespmem:s14+$0xA580];
	[tilespmem:s14+$0x10400] =	vst v17  }
0x25d: {  	v17 =	vld [tilespmem:s16+$0x8280];
	_ =	sdelay $0x2  }
0x25e: {  	v29 =	vbroadcast v13, $0xE;
	v32 =	vbroadcast v13, $0xF;
	_ =	sdelay $0x1  }
0x25f: {  	v20 =	vmul.f32 v14, v29;
	v17 =	vmul.f32 v17, v32  }
0x260: {  	v30 =	vbroadcast v22, $0x0;
	v31 =	vbroadcast v22, $0x1  }
0x261: {  	v33 =	vbroadcast v22, $0xA;
	v34 =	vbroadcast v22, $0xB;
	v24 =	vadd.f32 v17, v20  }
0x262: {  	v27 =	vbroadcast v22, $0xC;
	v28 =	vbroadcast v22, $0xD  }
0x263: {  	v25 =	vbroadcast v22, $0x8;
	v13 =	vbroadcast v22, $0x2;
	[tilespmem:s15+$0x10280] =	vst v24  }
0x264: {  	v21 =	vbroadcast v22, $0x6;
	v26 =	vbroadcast v22, $0x9;
	v37 =	vld [tilespmem:s14+$0xC280]  }
0x265: {  	v23 =	vbroadcast v22, $0x7;
	v14 =	vbroadcast v22, $0x3;
	v38 =	vld [tilespmem:s14+$0xC300]  }
0x266: {  	v17 =	vbroadcast v22, $0x4;
	v20 =	vbroadcast v22, $0x5;
	v36 =	vld [tilespmem:s14+$0xE400]  }
0x267: {  	v24 =	vbroadcast v22, $0xE;
	v22 =	vbroadcast v22, $0xF;
	s15 =	simm.s32 $0x10;
	v35 =	vld [tilespmem:s14+$0xC400]  }
.LBB2_8:
0x268: {  	p0 =	sne.s32 s15, $0x3F0  }
0x269: {  	v39 =	vld [tilespmem:s14+$0xE480];
	s22 =	sadd.s32 $0x80, s22;
	s24 =	smov.u32 s15;
	s15 =	sadd.s32 $0x10, s15  }
0x26a: {  	v40 =	vld [tilespmem:s14+$0xE380]  }
0x26b: {  	v37 =	vmul.f32 v37, v30;
	v38 =	vmul.f32 v38, v31;
	v41 =	vld [tilespmem:s14+$0xE500]  }
0x26c: {  	v42 =	vld [tilespmem:s14+$0xC600]  }
0x26d: {  	v37 =	vadd.f32 v38, v37;
	v35 =	vmul.f32 v35, v14;
	v38 =	vld [tilespmem:s14+$0xE300]  }
0x26e: {  	v43 =	vld [tilespmem:s14+$0xE280]  }
0x26f: {  	v36 =	vmul.f32 v36, v34;
	[tilespmem:s14+$0x12280] =	vst v37;
	v37 =	vld [tilespmem:s14+$0xC580]  }
0x270: {  	v40 =	vmul.f32 v40, v33;
	v44 =	vld [tilespmem:s14+$0xC380]  }
0x271: {  	v45 =	vld [tilespmem:s14+$0xC500];
	v42 =	vmul.f32 v42, v23  }
0x272: {  	v36 =	vadd.f32 v36, v40;
	v46 =	vld [tilespmem:s14+$0xC480]  }
0x273: {  	v38 =	vmul.f32 v38, v26;
	v40 =	vmul.f32 v43, v25;
	v43 =	vld [tilespmem:s14+$0xE580]  }
0x274: {  	[tilespmem:s14+$0x12500] =	vst v36;
	v36 =	vmul.f32 v39, v27;
	v39 =	vmul.f32 v41, v28;
	v41 =	vld [tilespmem:s14+$0xE600]  }
0x275: {  	v37 =	vmul.f32 v37, v21;
	v44 =	vmul.f32 v44, v13;
	v38 =	vadd.f32 v38, v40  }
0x276: {  	v40 =	vmul.f32 v45, v20;
	v36 =	vadd.f32 v39, v36  }
0x277: {  	v37 =	vadd.f32 v42, v37;
	v35 =	vadd.f32 v35, v44;
	v39 =	vmul.f32 v46, v17;
	[tilespmem:s14+$0x12480] =	vst v38  }
0x278: {  	[tilespmem:s14+$0x12580] =	vst v36;
	v36 =	vmul.f32 v43, v24  }
0x279: {  	v38 =	vadd.f32 v40, v39;
	[tilespmem:s14+$0x12400] =	vst v37;
	v37 =	vmul.f32 v41, v22;
	_ =	sdelay $0x1  }
0x27a: {  	[tilespmem:s14+$0x12380] =	vst v38;
	v36 =	vadd.f32 v37, v36  }
0x27b: {  	s4 =	sand.u32 $0x70, s24;
	s25 =	sand.u32 $0x1C00, s22;
	[tilespmem:s14+$0x12300] =	vst v35  }
0x27c: {  	s14 =	sor.u32 s4, s25;
	[tilespmem:s16+$0x10280] =	vst v36  }
0x27d: {  	v35 =	vld [tilespmem:s14+$0x8480]  }
0x27e: {  	v36 =	vld [tilespmem:s14+$0xA280]  }
0x27f: {  	v37 =	vld [tilespmem:s14+$0x8300]  }
0x280: {  	v38 =	vld [tilespmem:s14+$0x8400]  }
0x281: {  	v39 =	vld [tilespmem:s14+$0x8500]  }
0x282: {  	v40 =	vld [tilespmem:s14+$0x8380];
	v35 =	vmul.f32 v35, v3  }
0x283: {  	v41 =	vld [tilespmem:s14+$0x8280]  }
0x284: {  	v42 =	vld [tilespmem:s14+$0x8580]  }
0x285: {  	v43 =	vld [tilespmem:s14+$0xA300]  }
0x286: {  	v36 =	vmul.f32 v36, v11;
	v39 =	vmul.f32 v39, v4  }
0x287: {  	v38 =	vmul.f32 v38, v6;
	v40 =	vmul.f32 v40, v5  }
0x288: {  	v37 =	vmul.f32 v37, v8;
	v41 =	vmul.f32 v41, v7;
	v35 =	vadd.f32 v39, v35;
	v39 =	vld [tilespmem:s14+$0xA500]  }
0x289: {  	v38 =	vadd.f32 v38, v40;
	v40 =	vld [tilespmem:s14+$0xA480]  }
0x28a: {  	v37 =	vadd.f32 v37, v41;
	[tilespmem:s14+$0x10380] =	vst v35;
	v35 =	vld [tilespmem:s14+$0xA400]  }
0x28b: {  	s4 =	sor.u32 s24, s22;
	[tilespmem:s14+$0x10300] =	vst v38;
	v38 =	vld [tilespmem:s14+$0xA380]  }
0x28c: {  	s24 =	sor.u32 $0x380, s4;
	[tilespmem:s14+$0x10280] =	vst v37  }
0x28d: {  	v37 =	vld [tilespmem:s24+$0x8280]  }
0x28e: {  	v39 =	vmul.f32 v39, v16;
	v40 =	vmul.f32 v40, v15  }
0x28f: {  	v35 =	vmul.f32 v35, v19  }
0x290: {  	v38 =	vmul.f32 v38, v18;
	v39 =	vadd.f32 v39, v40  }
0x291: {  	v40 =	vmul.f32 v43, v12  }
0x292: {  	v41 =	vmul.f32 v42, v9;
	v37 =	vmul.f32 v37, v10;
	v35 =	vadd.f32 v35, v38;
	[tilespmem:s14+$0x10580] =	vst v39  }
0x293: {  	v36 =	vadd.f32 v40, v36  }
0x294: {  	v37 =	vadd.f32 v37, v41;
	[tilespmem:s14+$0x10500] =	vst v35  }
0x295: {  	[tilespmem:s14+$0x10480] =	vst v36  }
0x296: {  	s16 =	sor.u32 $0x2380, s4;
	[tilespmem:s14+$0x10400] =	vst v37;
	v35 =	vld [tilespmem:s14+$0xA580]  }
0x297: {  	v36 =	vld [tilespmem:s16+$0x8280];
	_ =	sdelay $0x4  }
0x298: {  	v35 =	vmul.f32 v35, v29;
	v36 =	vmul.f32 v36, v32;
	_ =	sdelay $0x1  }
0x299: {  	v35 =	vadd.f32 v36, v35;
	_ =	sdelay $0x1  }
.Ltmp3:
0x29a: {  	[tilespmem:s24+$0x10280] =	vst v35;
	(pc) =	sbr.rel @p0 .LBB2_8-.Ltmp3, $4  }
0x29b: {  	v37 =	vld [tilespmem:s14+$0xC280]  }
0x29c: {  	v38 =	vld [tilespmem:s14+$0xC300]  }
0x29d: {  	v36 =	vld [tilespmem:s14+$0xE400]  }
0x29e: {  	v35 =	vld [tilespmem:s14+$0xC400]  }
0x29f: {  	v3 =	vld [tilespmem:s14+$0xE480]  }
0x2a0: {  	v4 =	vld [tilespmem:s14+$0xE380]  }
0x2a1: {  	v7 =	vld [tilespmem:s14+$0xE500]  }
0x2a2: {  	v8 =	vld [tilespmem:s14+$0xC600]  }
0x2a3: {  	v53 =	vld [tilespmem:s14+$0xE300]  }
0x2a4: {  	v9 =	vld [tilespmem:s14+$0xE280]  }
0x2a5: {  	v12 =	vld [tilespmem:s14+$0xC500]  }
0x2a6: {  	v15 =	vld [tilespmem:s14+$0xC480]  }
0x2a7: {  	v11 =	vld [tilespmem:s14+$0xC380]  }
0x2a8: {  	v54 =	vld [tilespmem:s14+$0xC580];
	v5 =	vmul.f32 v37, v30;
	v6 =	vmul.f32 v38, v31  }
0x2a9: {  	v55 =	vld [tilespmem:s14+$0xE580];
	v10 =	vmul.f32 v36, v34;
	v4 =	vmul.f32 v4, v33  }
0x2aa: {  	v57 =	vld [tilespmem:s14+$0xE600];
	v5 =	vadd.f32 v6, v5;
	v3 =	vmul.f32 v3, v27;
	v7 =	vmul.f32 v7, v28  }
0x2ab: {  	v58 =	vmul.f32 v12, v20;
	v59 =	vmul.f32 v15, v17;
	v4 =	vadd.f32 v10, v4  }
0x2ac: {  	v60 =	vmul.f32 v35, v14;
	v11 =	vmul.f32 v11, v13;
	[tilespmem:s14+$0x12280] =	vst v5;
	v3 =	vadd.f32 v7, v3  }
0x2ad: {  	v8 =	vmul.f32 v8, v23;
	v5 =	vmul.f32 v54, v21;
	v61 =	vadd.f32 v58, v59;
	[tilespmem:s14+$0x12500] =	vst v4  }
0x2ae: {  	v56 =	vmul.f32 v9, v25;
	v6 =	vmul.f32 v53, v26;
	v63 =	vadd.f32 v60, v11;
	[tilespmem:s14+$0x12580] =	vst v3  }
0x2af: {  	v62 =	vmul.f32 v57, v22;
	v5 =	vadd.f32 v8, v5;
	v3 =	vmul.f32 v55, v24;
	[tilespmem:s14+$0x12380] =	vst v61  }
0x2b0: {  	v4 =	vadd.f32 v6, v56;
	[tilespmem:s14+$0x12300] =	vst v63  }
0x2b1: {  	[tilespmem:s14+$0x12400] =	vst v5;
	v3 =	vadd.f32 v62, v3  }
0x2b2: {  	[tilespmem:s14+$0x12480] =	vst v4  }
0x2b3: {  	s4 =	rddreg [dreg:$0xa];
	[tilespmem:s16+$0x10280] =	vst v3  }
0x2b4: {  	[hbm4b:s4+s2] =	stream.linear.scatter [tilespmem:s20], [sflag:$0x3], $0x4000, $0x38;
	[tilespmem:$0x14280] =	vst v63  }
0x2b5: {  	_ =	swait.ge [sflag:s17], $0x4000  }
0x2b6: {  	s21 =	sadd.s32 $0x1, s21;
	s25 =	rddreg [dreg:$0xb]  }
0x2b7: {  	p0 =	sne.s32 s21, s25  }
.Ltmp4:
0x2b8: {  	_ = 	snop;
	(pc) =	sbr.rel @p0 .LBB2_1-.Ltmp4, $3  }
0x2b9: {  	_ =	sdelay $0x1  }
0x2ba: {  	[sflag:s17] =	ssyncset.done $0x0  }
0x2bb: {  	[sflag:s17] =	ssyncadd.s32 $0xFFFFC000  }
0x2bc: {  	_ =	sfence.sel $0x180000  }
0x2bd: {  	[bflag:$0x0] =	sbarrier.arrive $0xFFFF  }
0x2be: {  	_ =	strace $0x9000004A  }
0x2bf: {  	s0 =	stileid.u32;
	[bflag:$0x2] =	sbarrier.arrive $0xFFFF  }
0x2c0: {  	p0 =	sne.s32 s0, $0x0;
	s0 =	rddreg [dreg:$0x2]  }
0x2c1: {  	s0 =	sadd.s32 @!p0 $0x100000, s0  }
0x2c2: {  	[sflag:s0] =	ssyncadd.tile.s32 @!p0 $0x1;
	_ =	shalt  }
.Lfunc_end2:
_tile_overlayer_lowered:
.L_overlay_start_2:
0x2c3: {  	(tag) =	ssettag $0x2  }
0x2c4: {  	s0 =	rddreg [dreg:$0x0];
	s2 =	stileid.u32  }
0x2c5: {  	s1 =	rddreg [dreg:$0x1];
	p0 =	sne.s32 s2, $0x0  }
0x2c6: {  	s3 =	rddreg [dreg:$0x2];
	[bflag:$0x3] =	sbarrier.arrive $0xFFFF;
	s2 =	simm.s32 @!p0 $0x1C03  }
0x2c7: {  	[timem:s3], [sflag:s2] =	dma.local @!p0 [hbm:s0], s1  }
0x2c8: {  	s0 =	simm.s32 @!p0 $0x3  }
0x2c9: {  	_ =	swait.ge @!p0 [sflag:s0], s1  }
0x2ca: {  	s1 =	ssub.s32 @!p0 $0x0, s1;
	[sflag:s0] =	ssyncset.done @!p0 $0x0  }
0x2cb: {  	[sflag:s0] =	ssyncadd.s32 @!p0 s1  }
0x2cc: {  	[bflag:$0x3] =	sbarrier.arrive $0xFFFF  }
0x2cd: {  	_ =	shalt  }

</sc_bundles>
